<compile_context>
chip_gen: v7x
topology: tpu7x:2x2x1
jax: 0.10.2.dev20260603
libtpu: 0.0.44.dev20260713+nightly
codegen_flags: <defaults>
</compile_context>

<pallas_src>
import jax
import jax.numpy as jnp
from jax import lax
from jax.experimental import pallas as pl
from jax.experimental.pallas import tpu as pltpu
from jax.experimental.pallas import tpu_sc as plsc

N_NODES = 10000
N_EDGES = 320000
D = 128

NUM_CORES = 2
NUM_SUBCORES = 16
NUM_TILES = NUM_CORES * NUM_SUBCORES
CHUNK = 128
K_CHUNKS = -(-N_EDGES // (NUM_TILES * CHUNK))
E_PAD = NUM_TILES * CHUNK * K_CHUNKS
N_PAD = 10240
ROWS_PER_SUBCORE = N_PAD // NUM_SUBCORES
LANES = 16


def _spmm_body(x_hbm, src_hbm, dst_hbm, w_hbm, out_hbm,
               src_v, dst_v, w_v, rows_v, acc_sh, gsem):
  c = lax.axis_index("c")
  s = lax.axis_index("s")
  tid = c * NUM_SUBCORES + s

  pltpu.sync_copy(src_hbm.at[tid], src_v)
  pltpu.sync_copy(dst_hbm.at[tid], dst_v)
  pltpu.sync_copy(w_hbm.at[tid], w_v)

  zero = jnp.zeros((LANES,), jnp.float32)

  def _zero_row(r, carry):
    for j in range(D // LANES):
      rows_v[r, pl.ds(j * LANES, LANES)] = zero
    return carry

  lax.fori_loop(0, CHUNK, _zero_row, 0)
  row0 = s * ROWS_PER_SUBCORE
  for i in range(ROWS_PER_SUBCORE // CHUNK):
    pltpu.sync_copy(rows_v, acc_sh.at[pl.ds(row0 + i * CHUNK, CHUNK)])
  plsc.subcore_barrier()

  off = (tid * K_CHUNKS) // NUM_TILES

  def _chunk(k0, carry):
    k = lax.rem(k0 + off, K_CHUNKS)
    pltpu.async_copy(x_hbm.at[src_v.at[k]], rows_v, gsem).wait()

    def _scale_group(g, inner):
      wvec = w_v[pl.ds(k * CHUNK + g * LANES, LANES)]
      for r in range(LANES):
        wb = jnp.full((LANES,), wvec[r])
        row = g * LANES + r
        for j in range(D // LANES):
          sl = pl.ds(j * LANES, LANES)
          rows_v[row, sl] = rows_v[row, sl] * wb
      return inner

    lax.fori_loop(0, CHUNK // LANES, _scale_group, 0)
    pltpu.sync_copy(rows_v, acc_sh.at[dst_v.at[k]], add=True)
    return carry

  lax.fori_loop(0, K_CHUNKS, _chunk, 0)
  plsc.subcore_barrier()

  pltpu.sync_copy(acc_sh.at[pl.ds(row0, ROWS_PER_SUBCORE)],
                  out_hbm.at[c].at[pl.ds(row0, ROWS_PER_SUBCORE)])


_spmm_sc = pl.kernel(
    _spmm_body,
    out_type=jax.ShapeDtypeStruct((NUM_CORES, N_PAD, D), jnp.float32),
    mesh=plsc.VectorSubcoreMesh(core_axis_name="c", subcore_axis_name="s"),
    scratch_types=[
        pltpu.VMEM((K_CHUNKS, CHUNK), jnp.int32),
        pltpu.VMEM((K_CHUNKS, CHUNK), jnp.int32),
        pltpu.VMEM((K_CHUNKS * CHUNK,), jnp.float32),
        pltpu.VMEM((CHUNK, D), jnp.float32),
        pltpu.VMEM_SHARED((N_PAD, D), jnp.float32),
        pltpu.SemaphoreType.DMA,
    ],
    name="spmm_sc",
)


def _proj_body(p_ref, w_ref, o_ref):
  h = p_ref[0] + p_ref[1]
  o_ref[...] = jnp.dot(h, w_ref[...], preferred_element_type=jnp.float32)


def _relu_body(p_ref, o_ref):
  o_ref[...] = jnp.maximum(p_ref[0] + p_ref[1], 0.0)


_BM = 1024


def _proj_tc(p, W):
  return pl.pallas_call(
      _proj_body,
      out_shape=jax.ShapeDtypeStruct((N_PAD, D), jnp.float32),
      grid=(N_PAD // _BM,),
      in_specs=[
          pl.BlockSpec((NUM_CORES, _BM, D), lambda i: (0, i, 0)),
          pl.BlockSpec((D, D), lambda i: (0, 0)),
      ],
      out_specs=pl.BlockSpec((_BM, D), lambda i: (i, 0)),
  )(p, W)


def _relu_tc(p):
  return pl.pallas_call(
      _relu_body,
      out_shape=jax.ShapeDtypeStruct((N_PAD, D), jnp.float32),
      grid=(N_PAD // _BM,),
      in_specs=[pl.BlockSpec((NUM_CORES, _BM, D), lambda i: (0, i, 0))],
      out_specs=pl.BlockSpec((_BM, D), lambda i: (i, 0)),
  )(p)


def kernel(x, edge_index, edge_weight, W):
  src = edge_index[1].astype(jnp.int32)
  dst = edge_index[0].astype(jnp.int32)
  w = edge_weight.astype(jnp.float32)
  pad = E_PAD - N_EDGES
  src = jnp.pad(src, (0, pad)).reshape(NUM_TILES, K_CHUNKS, CHUNK)
  dst = jnp.pad(dst, (0, pad)).reshape(NUM_TILES, K_CHUNKS, CHUNK)
  w = jnp.pad(w, (0, pad)).reshape(NUM_TILES, K_CHUNKS * CHUNK)

  p1 = _spmm_sc(x.astype(jnp.float32), src, dst, w)
  y = _proj_tc(p1, W.astype(jnp.float32))
  p2 = _spmm_sc(y[:N_NODES], src, dst, w)
  return _relu_tc(p2)[:N_NODES]

# --- scband reference (transcript-rebuilt; emitter-appended) ---
"""Pipeline reference for scband-graph-convolution-sparse-28905129902424 (READ-ONLY COPY).

The authoritative reference and input builder live on the scoring server;
editing this copy changes nothing except your own understanding.
"""

import jax, jax.numpy as jnp
import numpy as np

N_NODES = 10000
N_EDGES = 320000
D_IN = 128
D_OUT = 128


def _spmm(edge_index, edge_weight, x, n_nodes):
    # adj is [N, N] sparse in COO: row=edge_index[0] (dst), col=edge_index[1] (src)
    src = edge_index[1]
    dst = edge_index[0]
    msgs = jnp.take(x, src, axis=0) * edge_weight[:, None]
    return jax.ops.segment_sum(msgs, dst, num_segments=n_nodes)


def setup_inputs(seed: int = 0) -> dict:
    key = jax.random.key(seed)
    k1, k2, k3, k4 = jax.random.split(key, 4)
    x = jax.random.normal(k1, (N_NODES, D_IN), dtype=jnp.float32)
    edge_index = jax.random.randint(k2, (2, N_EDGES), 0, N_NODES, dtype=jnp.int64)
    edge_weight = jax.random.uniform(k3, (N_EDGES,), dtype=jnp.float32)
    init_range = np.sqrt(6.0 / (D_IN + D_OUT))
    W = jax.random.uniform(k4, (D_IN, D_OUT), dtype=jnp.float32, minval=-init_range, maxval=init_range)
    return {"x": x, "edge_index": edge_index, "edge_weight": edge_weight, "W": W}


def reference(x, edge_index, edge_weight, W):
    # dropout p=0.0 (and eval mode) -> identity
    h = _spmm(edge_index, edge_weight, x, N_NODES)          # x = spmm(adj, x)
    h = _spmm(edge_index, edge_weight, h @ W, N_NODES)      # x = spmm(adj, x @ weight)
    return jax.nn.relu(h)

if __name__ == "__main__":
    import jax
    _d = setup_inputs()
    print(jax.jit(kernel)(*tuple(_d.values())))

</pallas_src>

<mosaic_0001>
#map = affine_map<(d0, d1) -> (0, 0)>
#map1 = affine_map<(d0, d1) -> (0, 0, 0)>
module attributes {stable_mosaic.version = 14 : i64} {
  func.func @spmm_sc(%arg0: i32, %arg1: i32, %arg2: memref<10000x128xf32, #tpu.memory_space<hbm>>, %arg3: memref<32x79x128xi32, #tpu.memory_space<hbm>>, %arg4: memref<32x79x128xi32, #tpu.memory_space<hbm>>, %arg5: memref<32x10112xf32, #tpu.memory_space<hbm>>, %arg6: memref<2x10240x128xf32, #tpu.memory_space<hbm>>, %arg7: memref<79x128xi32, #tpu.memory_space<vmem>>, %arg8: memref<79x128xi32, #tpu.memory_space<vmem>>, %arg9: memref<10112xf32, #tpu.memory_space<vmem>>, %arg10: memref<128x128xf32, #tpu.memory_space<vmem>>, %arg11: memref<10240x128xf32, #tpu.memory_space<vmem_shared>>, %arg12: memref<!tpu.dma_semaphore, #tpu.memory_space<semaphore_mem>>) attributes {dimension_semantics = [#tpu.dimension_semantics<core_parallel>, #tpu.dimension_semantics<subcore_parallel>], iteration_bounds = array<i64: 2, 16>, scalar_prefetch = 0 : i64, scratch_operands = 6 : i64, tpu.core_type = #tpu.core_type<sc_vector_subcore>, window_params = [{transform_indices = #map}, {transform_indices = #map1}, {transform_indices = #map1}, {transform_indices = #map}, {transform_indices = #map1}]} {
    %mul3A = arith.constant 16 : i32
    %mul3A_0 = arith.muli %arg0, %mul3A : i32
    %add3A = arith.addi %mul3A_0, %arg1 : i32
    "tpu.region"() ({
      %run_scoped3A = tpu.sem_alloc : memref<!tpu.dma_semaphore, #tpu.memory_space<semaphore_mem>>
      %dma_start3A = arith.constant 0 : i32
      %dma_start3A_44 = arith.constant 0 : i32
      %dma_start3A_45 = tpu.memref_slice %arg3[%add3A, %dma_start3A, %dma_start3A_44] : memref<32x79x128xi32, #tpu.memory_space<hbm>> -> memref<1x79x128xi32, #tpu.memory_space<hbm>>
      %dma_start3A_46 = tpu.memref_squeeze %dma_start3A_45 : memref<1x79x128xi32, #tpu.memory_space<hbm>> -> memref<79x128xi32, #tpu.memory_space<hbm>>
      %dma_start3A_47 = arith.constant 0 : i32
      %dma_start3A_48 = arith.constant 0 : i32
      %dma_start3A_49 = tpu.memref_slice %arg3[%add3A, %dma_start3A_47, %dma_start3A_48] : memref<32x79x128xi32, #tpu.memory_space<hbm>> -> memref<1x79x128xi32, #tpu.memory_space<hbm>>
      %dma_start3A_50 = tpu.memref_squeeze %dma_start3A_49 : memref<1x79x128xi32, #tpu.memory_space<hbm>> -> memref<79x128xi32, #tpu.memory_space<hbm>>
      tpu.enqueue_dma source(%dma_start3A_50 : memref<79x128xi32, #tpu.memory_space<hbm>>) target(%arg7 : memref<79x128xi32, #tpu.memory_space<vmem>>) target_semaphore(%run_scoped3A : memref<!tpu.dma_semaphore, #tpu.memory_space<semaphore_mem>>)
      %dma_wait3A = arith.constant 0 : i32
      %dma_wait3A_51 = arith.constant 0 : i32
      %dma_wait3A_52 = tpu.memref_slice %arg3[%add3A, %dma_wait3A, %dma_wait3A_51] : memref<32x79x128xi32, #tpu.memory_space<hbm>> -> memref<1x79x128xi32, #tpu.memory_space<hbm>>
      %dma_wait3A_53 = tpu.memref_squeeze %dma_wait3A_52 : memref<1x79x128xi32, #tpu.memory_space<hbm>> -> memref<79x128xi32, #tpu.memory_space<hbm>>
      %dma_wait3A_54 = arith.constant 0 : i32
      %dma_wait3A_55 = arith.constant 0 : i32
      %dma_wait3A_56 = tpu.memref_slice %arg3[%add3A, %dma_wait3A_54, %dma_wait3A_55] : memref<32x79x128xi32, #tpu.memory_space<hbm>> -> memref<1x79x128xi32, #tpu.memory_space<hbm>>
      %dma_wait3A_57 = tpu.memref_squeeze %dma_wait3A_56 : memref<1x79x128xi32, #tpu.memory_space<hbm>> -> memref<79x128xi32, #tpu.memory_space<hbm>>
      tpu.wait_dma2 semaphore(%run_scoped3A : memref<!tpu.dma_semaphore, #tpu.memory_space<semaphore_mem>>) src(%dma_wait3A_57 : memref<79x128xi32, #tpu.memory_space<hbm>>) dst(%arg7 : memref<79x128xi32, #tpu.memory_space<vmem>>)
      tpu.yield
    }) : () -> ()
    "tpu.region"() ({
      %run_scoped3A = tpu.sem_alloc : memref<!tpu.dma_semaphore, #tpu.memory_space<semaphore_mem>>
      %dma_start3A = arith.constant 0 : i32
      %dma_start3A_44 = arith.constant 0 : i32
      %dma_start3A_45 = tpu.memref_slice %arg4[%add3A, %dma_start3A, %dma_start3A_44] : memref<32x79x128xi32, #tpu.memory_space<hbm>> -> memref<1x79x128xi32, #tpu.memory_space<hbm>>
      %dma_start3A_46 = tpu.memref_squeeze %dma_start3A_45 : memref<1x79x128xi32, #tpu.memory_space<hbm>> -> memref<79x128xi32, #tpu.memory_space<hbm>>
      %dma_start3A_47 = arith.constant 0 : i32
      %dma_start3A_48 = arith.constant 0 : i32
      %dma_start3A_49 = tpu.memref_slice %arg4[%add3A, %dma_start3A_47, %dma_start3A_48] : memref<32x79x128xi32, #tpu.memory_space<hbm>> -> memref<1x79x128xi32, #tpu.memory_space<hbm>>
      %dma_start3A_50 = tpu.memref_squeeze %dma_start3A_49 : memref<1x79x128xi32, #tpu.memory_space<hbm>> -> memref<79x128xi32, #tpu.memory_space<hbm>>
      tpu.enqueue_dma source(%dma_start3A_50 : memref<79x128xi32, #tpu.memory_space<hbm>>) target(%arg8 : memref<79x128xi32, #tpu.memory_space<vmem>>) target_semaphore(%run_scoped3A : memref<!tpu.dma_semaphore, #tpu.memory_space<semaphore_mem>>)
      %dma_wait3A = arith.constant 0 : i32
      %dma_wait3A_51 = arith.constant 0 : i32
      %dma_wait3A_52 = tpu.memref_slice %arg4[%add3A, %dma_wait3A, %dma_wait3A_51] : memref<32x79x128xi32, #tpu.memory_space<hbm>> -> memref<1x79x128xi32, #tpu.memory_space<hbm>>
      %dma_wait3A_53 = tpu.memref_squeeze %dma_wait3A_52 : memref<1x79x128xi32, #tpu.memory_space<hbm>> -> memref<79x128xi32, #tpu.memory_space<hbm>>
      %dma_wait3A_54 = arith.constant 0 : i32
      %dma_wait3A_55 = arith.constant 0 : i32
      %dma_wait3A_56 = tpu.memref_slice %arg4[%add3A, %dma_wait3A_54, %dma_wait3A_55] : memref<32x79x128xi32, #tpu.memory_space<hbm>> -> memref<1x79x128xi32, #tpu.memory_space<hbm>>
      %dma_wait3A_57 = tpu.memref_squeeze %dma_wait3A_56 : memref<1x79x128xi32, #tpu.memory_space<hbm>> -> memref<79x128xi32, #tpu.memory_space<hbm>>
      tpu.wait_dma2 semaphore(%run_scoped3A : memref<!tpu.dma_semaphore, #tpu.memory_space<semaphore_mem>>) src(%dma_wait3A_57 : memref<79x128xi32, #tpu.memory_space<hbm>>) dst(%arg8 : memref<79x128xi32, #tpu.memory_space<vmem>>)
      tpu.yield
    }) : () -> ()
    "tpu.region"() ({
      %run_scoped3A = tpu.sem_alloc : memref<!tpu.dma_semaphore, #tpu.memory_space<semaphore_mem>>
      %dma_start3A = arith.constant 0 : i32
      %dma_start3A_44 = tpu.memref_slice %arg5[%add3A, %dma_start3A] : memref<32x10112xf32, #tpu.memory_space<hbm>> -> memref<1x10112xf32, #tpu.memory_space<hbm>>
      %dma_start3A_45 = tpu.memref_squeeze %dma_start3A_44 : memref<1x10112xf32, #tpu.memory_space<hbm>> -> memref<10112xf32, #tpu.memory_space<hbm>>
      %dma_start3A_46 = arith.constant 0 : i32
      %dma_start3A_47 = tpu.memref_slice %arg5[%add3A, %dma_start3A_46] : memref<32x10112xf32, #tpu.memory_space<hbm>> -> memref<1x10112xf32, #tpu.memory_space<hbm>>
      %dma_start3A_48 = tpu.memref_squeeze %dma_start3A_47 : memref<1x10112xf32, #tpu.memory_space<hbm>> -> memref<10112xf32, #tpu.memory_space<hbm>>
      tpu.enqueue_dma source(%dma_start3A_48 : memref<10112xf32, #tpu.memory_space<hbm>>) target(%arg9 : memref<10112xf32, #tpu.memory_space<vmem>>) target_semaphore(%run_scoped3A : memref<!tpu.dma_semaphore, #tpu.memory_space<semaphore_mem>>)
      %dma_wait3A = arith.constant 0 : i32
      %dma_wait3A_49 = tpu.memref_slice %arg5[%add3A, %dma_wait3A] : memref<32x10112xf32, #tpu.memory_space<hbm>> -> memref<1x10112xf32, #tpu.memory_space<hbm>>
      %dma_wait3A_50 = tpu.memref_squeeze %dma_wait3A_49 : memref<1x10112xf32, #tpu.memory_space<hbm>> -> memref<10112xf32, #tpu.memory_space<hbm>>
      %dma_wait3A_51 = arith.constant 0 : i32
      %dma_wait3A_52 = tpu.memref_slice %arg5[%add3A, %dma_wait3A_51] : memref<32x10112xf32, #tpu.memory_space<hbm>> -> memref<1x10112xf32, #tpu.memory_space<hbm>>
      %dma_wait3A_53 = tpu.memref_squeeze %dma_wait3A_52 : memref<1x10112xf32, #tpu.memory_space<hbm>> -> memref<10112xf32, #tpu.memory_space<hbm>>
      tpu.wait_dma2 semaphore(%run_scoped3A : memref<!tpu.dma_semaphore, #tpu.memory_space<semaphore_mem>>) src(%dma_wait3A_53 : memref<10112xf32, #tpu.memory_space<hbm>>) dst(%arg9 : memref<10112xf32, #tpu.memory_space<vmem>>)
      tpu.yield
    }) : () -> ()
    %broadcast_in_dim3A = arith.constant 0.000000e+00 : f32
    %broadcast_in_dim3A_1 = vector.broadcast %broadcast_in_dim3A : f32 to vector<16xf32>
    %scan3A = arith.constant 0 : i32
    %scan3A_2 = arith.constant 0 : i32
    %scan3A_3 = arith.constant 128 : i32
    %scan3A_4 = arith.addi %scan3A_2, %scan3A_3 : i32
    %scan3A_5 = arith.constant 1 : i32
    scf.for %scan3A_44 = %scan3A_2 to %scan3A_4 step %scan3A_5  : i32 {
      %swap3A = arith.index_cast %scan3A_44 : i32 to index
      %swap3A_45 = arith.constant 0 : index
      %swap3A_46 = tpu.vector_load %arg10[%swap3A, %swap3A_45] {strides = array<i32>} : memref<128x128xf32, #tpu.memory_space<vmem>>, vector<1x16xf32>,
      %swap3A_47 = vector.shape_cast %swap3A_46 : vector<1x16xf32> to vector<16xf32>
      %swap3A_48 = vector.shape_cast %broadcast_in_dim3A_1 : vector<16xf32> to vector<1x16xf32>
      tpu.vector_store %arg10[%swap3A, %swap3A_45], %swap3A_48 {strides = array<i32>} : memref<128x128xf32, #tpu.memory_space<vmem>>, vector<1x16xf32>,
      %swap3A_49 = arith.index_cast %scan3A_44 : i32 to index
      %swap3A_50 = arith.constant 16 : index
      %swap3A_51 = tpu.vector_load %arg10[%swap3A_49, %swap3A_50] {strides = array<i32>} : memref<128x128xf32, #tpu.memory_space<vmem>>, vector<1x16xf32>,
      %swap3A_52 = vector.shape_cast %swap3A_51 : vector<1x16xf32> to vector<16xf32>
      %swap3A_53 = vector.shape_cast %broadcast_in_dim3A_1 : vector<16xf32> to vector<1x16xf32>
      tpu.vector_store %arg10[%swap3A_49, %swap3A_50], %swap3A_53 {strides = array<i32>} : memref<128x128xf32, #tpu.memory_space<vmem>>, vector<1x16xf32>,
      %swap3A_54 = arith.index_cast %scan3A_44 : i32 to index
      %swap3A_55 = arith.constant 32 : index
      %swap3A_56 = tpu.vector_load %arg10[%swap3A_54, %swap3A_55] {strides = array<i32>} : memref<128x128xf32, #tpu.memory_space<vmem>>, vector<1x16xf32>,
      %swap3A_57 = vector.shape_cast %swap3A_56 : vector<1x16xf32> to vector<16xf32>
      %swap3A_58 = vector.shape_cast %broadcast_in_dim3A_1 : vector<16xf32> to vector<1x16xf32>
      tpu.vector_store %arg10[%swap3A_54, %swap3A_55], %swap3A_58 {strides = array<i32>} : memref<128x128xf32, #tpu.memory_space<vmem>>, vector<1x16xf32>,
      %swap3A_59 = arith.index_cast %scan3A_44 : i32 to index
      %swap3A_60 = arith.constant 48 : index
      %swap3A_61 = tpu.vector_load %arg10[%swap3A_59, %swap3A_60] {strides = array<i32>} : memref<128x128xf32, #tpu.memory_space<vmem>>, vector<1x16xf32>,
      %swap3A_62 = vector.shape_cast %swap3A_61 : vector<1x16xf32> to vector<16xf32>
      %swap3A_63 = vector.shape_cast %broadcast_in_dim3A_1 : vector<16xf32> to vector<1x16xf32>
      tpu.vector_store %arg10[%swap3A_59, %swap3A_60], %swap3A_63 {strides = array<i32>} : memref<128x128xf32, #tpu.memory_space<vmem>>, vector<1x16xf32>,
      %swap3A_64 = arith.index_cast %scan3A_44 : i32 to index
      %swap3A_65 = arith.constant 64 : index
      %swap3A_66 = tpu.vector_load %arg10[%swap3A_64, %swap3A_65] {strides = array<i32>} : memref<128x128xf32, #tpu.memory_space<vmem>>, vector<1x16xf32>,
      %swap3A_67 = vector.shape_cast %swap3A_66 : vector<1x16xf32> to vector<16xf32>
      %swap3A_68 = vector.shape_cast %broadcast_in_dim3A_1 : vector<16xf32> to vector<1x16xf32>
      tpu.vector_store %arg10[%swap3A_64, %swap3A_65], %swap3A_68 {strides = array<i32>} : memref<128x128xf32, #tpu.memory_space<vmem>>, vector<1x16xf32>,
      %swap3A_69 = arith.index_cast %scan3A_44 : i32 to index
      %swap3A_70 = arith.constant 80 : index
      %swap3A_71 = tpu.vector_load %arg10[%swap3A_69, %swap3A_70] {strides = array<i32>} : memref<128x128xf32, #tpu.memory_space<vmem>>, vector<1x16xf32>,
      %swap3A_72 = vector.shape_cast %swap3A_71 : vector<1x16xf32> to vector<16xf32>
      %swap3A_73 = vector.shape_cast %broadcast_in_dim3A_1 : vector<16xf32> to vector<1x16xf32>
      tpu.vector_store %arg10[%swap3A_69, %swap3A_70], %swap3A_73 {strides = array<i32>} : memref<128x128xf32, #tpu.memory_space<vmem>>, vector<1x16xf32>,
      %swap3A_74 = arith.index_cast %scan3A_44 : i32 to index
      %swap3A_75 = arith.constant 96 : index
      %swap3A_76 = tpu.vector_load %arg10[%swap3A_74, %swap3A_75] {strides = array<i32>} : memref<128x128xf32, #tpu.memory_space<vmem>>, vector<1x16xf32>,
      %swap3A_77 = vector.shape_cast %swap3A_76 : vector<1x16xf32> to vector<16xf32>
      %swap3A_78 = vector.shape_cast %broadcast_in_dim3A_1 : vector<16xf32> to vector<1x16xf32>
      tpu.vector_store %arg10[%swap3A_74, %swap3A_75], %swap3A_78 {strides = array<i32>} : memref<128x128xf32, #tpu.memory_space<vmem>>, vector<1x16xf32>,
      %swap3A_79 = arith.index_cast %scan3A_44 : i32 to index
      %swap3A_80 = arith.constant 112 : index
      %swap3A_81 = tpu.vector_load %arg10[%swap3A_79, %swap3A_80] {strides = array<i32>} : memref<128x128xf32, #tpu.memory_space<vmem>>, vector<1x16xf32>,
      %swap3A_82 = vector.shape_cast %swap3A_81 : vector<1x16xf32> to vector<16xf32>
      %swap3A_83 = vector.shape_cast %broadcast_in_dim3A_1 : vector<16xf32> to vector<1x16xf32>
      tpu.vector_store %arg10[%swap3A_79, %swap3A_80], %swap3A_83 {strides = array<i32>} : memref<128x128xf32, #tpu.memory_space<vmem>>, vector<1x16xf32>,
    }
    %scan3A_6 = arith.constant 128 : i32
    %mul3A_7 = arith.constant 640 : i32
    %mul3A_8 = arith.muli %arg1, %mul3A_7 : i32
    %add3A_9 = arith.constant 0 : i32
    %add3A_10 = arith.addi %mul3A_8, %add3A_9 : i32
    "tpu.region"() ({
      %run_scoped3A = tpu.sem_alloc : memref<!tpu.dma_semaphore, #tpu.memory_space<semaphore_mem>>
      %dma_start3A = arith.constant 0 : i32
      %dma_start3A_44 = tpu.memref_slice %arg11[%add3A_10, %dma_start3A] : memref<10240x128xf32, #tpu.memory_space<vmem_shared>> -> memref<128x128xf32, #tpu.memory_space<vmem_shared>>
      %dma_start3A_45 = arith.constant 0 : i32
      %dma_start3A_46 = tpu.memref_slice %arg11[%add3A_10, %dma_start3A_45] : memref<10240x128xf32, #tpu.memory_space<vmem_shared>> -> memref<128x128xf32, #tpu.memory_space<vmem_shared>>
      tpu.enqueue_dma source(%arg10 : memref<128x128xf32, #tpu.memory_space<vmem>>) target(%dma_start3A_46 : memref<128x128xf32, #tpu.memory_space<vmem_shared>>) target_semaphore(%run_scoped3A : memref<!tpu.dma_semaphore, #tpu.memory_space<semaphore_mem>>)
      %dma_wait3A = arith.constant 0 : i32
      %dma_wait3A_47 = tpu.memref_slice %arg11[%add3A_10, %dma_wait3A] : memref<10240x128xf32, #tpu.memory_space<vmem_shared>> -> memref<128x128xf32, #tpu.memory_space<vmem_shared>>
      %dma_wait3A_48 = arith.constant 0 : i32
      %dma_wait3A_49 = tpu.memref_slice %arg11[%add3A_10, %dma_wait3A_48] : memref<10240x128xf32, #tpu.memory_space<vmem_shared>> -> memref<128x128xf32, #tpu.memory_space<vmem_shared>>
      tpu.wait_dma2 semaphore(%run_scoped3A : memref<!tpu.dma_semaphore, #tpu.memory_space<semaphore_mem>>) src(%arg10 : memref<128x128xf32, #tpu.memory_space<vmem>>) dst(%dma_wait3A_49 : memref<128x128xf32, #tpu.memory_space<vmem_shared>>)
      tpu.yield
    }) : () -> ()
    %add3A_11 = arith.constant 128 : i32
    %add3A_12 = arith.addi %mul3A_8, %add3A_11 : i32
    "tpu.region"() ({
      %run_scoped3A = tpu.sem_alloc : memref<!tpu.dma_semaphore, #tpu.memory_space<semaphore_mem>>
      %dma_start3A = arith.constant 0 : i32
      %dma_start3A_44 = tpu.memref_slice %arg11[%add3A_12, %dma_start3A] : memref<10240x128xf32, #tpu.memory_space<vmem_shared>> -> memref<128x128xf32, #tpu.memory_space<vmem_shared>>
      %dma_start3A_45 = arith.constant 0 : i32
      %dma_start3A_46 = tpu.memref_slice %arg11[%add3A_12, %dma_start3A_45] : memref<10240x128xf32, #tpu.memory_space<vmem_shared>> -> memref<128x128xf32, #tpu.memory_space<vmem_shared>>
      tpu.enqueue_dma source(%arg10 : memref<128x128xf32, #tpu.memory_space<vmem>>) target(%dma_start3A_46 : memref<128x128xf32, #tpu.memory_space<vmem_shared>>) target_semaphore(%run_scoped3A : memref<!tpu.dma_semaphore, #tpu.memory_space<semaphore_mem>>)
      %dma_wait3A = arith.constant 0 : i32
      %dma_wait3A_47 = tpu.memref_slice %arg11[%add3A_12, %dma_wait3A] : memref<10240x128xf32, #tpu.memory_space<vmem_shared>> -> memref<128x128xf32, #tpu.memory_space<vmem_shared>>
      %dma_wait3A_48 = arith.constant 0 : i32
      %dma_wait3A_49 = tpu.memref_slice %arg11[%add3A_12, %dma_wait3A_48] : memref<10240x128xf32, #tpu.memory_space<vmem_shared>> -> memref<128x128xf32, #tpu.memory_space<vmem_shared>>
      tpu.wait_dma2 semaphore(%run_scoped3A : memref<!tpu.dma_semaphore, #tpu.memory_space<semaphore_mem>>) src(%arg10 : memref<128x128xf32, #tpu.memory_space<vmem>>) dst(%dma_wait3A_49 : memref<128x128xf32, #tpu.memory_space<vmem_shared>>)
      tpu.yield
    }) : () -> ()
    %add3A_13 = arith.constant 256 : i32
    %add3A_14 = arith.addi %mul3A_8, %add3A_13 : i32
    "tpu.region"() ({
      %run_scoped3A = tpu.sem_alloc : memref<!tpu.dma_semaphore, #tpu.memory_space<semaphore_mem>>
      %dma_start3A = arith.constant 0 : i32
      %dma_start3A_44 = tpu.memref_slice %arg11[%add3A_14, %dma_start3A] : memref<10240x128xf32, #tpu.memory_space<vmem_shared>> -> memref<128x128xf32, #tpu.memory_space<vmem_shared>>
      %dma_start3A_45 = arith.constant 0 : i32
      %dma_start3A_46 = tpu.memref_slice %arg11[%add3A_14, %dma_start3A_45] : memref<10240x128xf32, #tpu.memory_space<vmem_shared>> -> memref<128x128xf32, #tpu.memory_space<vmem_shared>>
      tpu.enqueue_dma source(%arg10 : memref<128x128xf32, #tpu.memory_space<vmem>>) target(%dma_start3A_46 : memref<128x128xf32, #tpu.memory_space<vmem_shared>>) target_semaphore(%run_scoped3A : memref<!tpu.dma_semaphore, #tpu.memory_space<semaphore_mem>>)
      %dma_wait3A = arith.constant 0 : i32
      %dma_wait3A_47 = tpu.memref_slice %arg11[%add3A_14, %dma_wait3A] : memref<10240x128xf32, #tpu.memory_space<vmem_shared>> -> memref<128x128xf32, #tpu.memory_space<vmem_shared>>
      %dma_wait3A_48 = arith.constant 0 : i32
      %dma_wait3A_49 = tpu.memref_slice %arg11[%add3A_14, %dma_wait3A_48] : memref<10240x128xf32, #tpu.memory_space<vmem_shared>> -> memref<128x128xf32, #tpu.memory_space<vmem_shared>>
      tpu.wait_dma2 semaphore(%run_scoped3A : memref<!tpu.dma_semaphore, #tpu.memory_space<semaphore_mem>>) src(%arg10 : memref<128x128xf32, #tpu.memory_space<vmem>>) dst(%dma_wait3A_49 : memref<128x128xf32, #tpu.memory_space<vmem_shared>>)
      tpu.yield
    }) : () -> ()
    %add3A_15 = arith.constant 384 : i32
    %add3A_16 = arith.addi %mul3A_8, %add3A_15 : i32
    "tpu.region"() ({
      %run_scoped3A = tpu.sem_alloc : memref<!tpu.dma_semaphore, #tpu.memory_space<semaphore_mem>>
      %dma_start3A = arith.constant 0 : i32
      %dma_start3A_44 = tpu.memref_slice %arg11[%add3A_16, %dma_start3A] : memref<10240x128xf32, #tpu.memory_space<vmem_shared>> -> memref<128x128xf32, #tpu.memory_space<vmem_shared>>
      %dma_start3A_45 = arith.constant 0 : i32
      %dma_start3A_46 = tpu.memref_slice %arg11[%add3A_16, %dma_start3A_45] : memref<10240x128xf32, #tpu.memory_space<vmem_shared>> -> memref<128x128xf32, #tpu.memory_space<vmem_shared>>
      tpu.enqueue_dma source(%arg10 : memref<128x128xf32, #tpu.memory_space<vmem>>) target(%dma_start3A_46 : memref<128x128xf32, #tpu.memory_space<vmem_shared>>) target_semaphore(%run_scoped3A : memref<!tpu.dma_semaphore, #tpu.memory_space<semaphore_mem>>)
      %dma_wait3A = arith.constant 0 : i32
      %dma_wait3A_47 = tpu.memref_slice %arg11[%add3A_16, %dma_wait3A] : memref<10240x128xf32, #tpu.memory_space<vmem_shared>> -> memref<128x128xf32, #tpu.memory_space<vmem_shared>>
      %dma_wait3A_48 = arith.constant 0 : i32
      %dma_wait3A_49 = tpu.memref_slice %arg11[%add3A_16, %dma_wait3A_48] : memref<10240x128xf32, #tpu.memory_space<vmem_shared>> -> memref<128x128xf32, #tpu.memory_space<vmem_shared>>
      tpu.wait_dma2 semaphore(%run_scoped3A : memref<!tpu.dma_semaphore, #tpu.memory_space<semaphore_mem>>) src(%arg10 : memref<128x128xf32, #tpu.memory_space<vmem>>) dst(%dma_wait3A_49 : memref<128x128xf32, #tpu.memory_space<vmem_shared>>)
      tpu.yield
    }) : () -> ()
    %add3A_17 = arith.constant 512 : i32
    %add3A_18 = arith.addi %mul3A_8, %add3A_17 : i32
    "tpu.region"() ({
      %run_scoped3A = tpu.sem_alloc : memref<!tpu.dma_semaphore, #tpu.memory_space<semaphore_mem>>
      %dma_start3A = arith.constant 0 : i32
      %dma_start3A_44 = tpu.memref_slice %arg11[%add3A_18, %dma_start3A] : memref<10240x128xf32, #tpu.memory_space<vmem_shared>> -> memref<128x128xf32, #tpu.memory_space<vmem_shared>>
      %dma_start3A_45 = arith.constant 0 : i32
      %dma_start3A_46 = tpu.memref_slice %arg11[%add3A_18, %dma_start3A_45] : memref<10240x128xf32, #tpu.memory_space<vmem_shared>> -> memref<128x128xf32, #tpu.memory_space<vmem_shared>>
      tpu.enqueue_dma source(%arg10 : memref<128x128xf32, #tpu.memory_space<vmem>>) target(%dma_start3A_46 : memref<128x128xf32, #tpu.memory_space<vmem_shared>>) target_semaphore(%run_scoped3A : memref<!tpu.dma_semaphore, #tpu.memory_space<semaphore_mem>>)
      %dma_wait3A = arith.constant 0 : i32
      %dma_wait3A_47 = tpu.memref_slice %arg11[%add3A_18, %dma_wait3A] : memref<10240x128xf32, #tpu.memory_space<vmem_shared>> -> memref<128x128xf32, #tpu.memory_space<vmem_shared>>
      %dma_wait3A_48 = arith.constant 0 : i32
      %dma_wait3A_49 = tpu.memref_slice %arg11[%add3A_18, %dma_wait3A_48] : memref<10240x128xf32, #tpu.memory_space<vmem_shared>> -> memref<128x128xf32, #tpu.memory_space<vmem_shared>>
      tpu.wait_dma2 semaphore(%run_scoped3A : memref<!tpu.dma_semaphore, #tpu.memory_space<semaphore_mem>>) src(%arg10 : memref<128x128xf32, #tpu.memory_space<vmem>>) dst(%dma_wait3A_49 : memref<128x128xf32, #tpu.memory_space<vmem_shared>>)
      tpu.yield
    }) : () -> ()
    %barrier3A = arith.constant 0 : index
    tpu.barrier barrier_id(%barrier3A)
    %mul3A_19 = arith.constant 79 : i32
    %mul3A_20 = arith.muli %add3A, %mul3A_19 : i32
    %jit3A = arith.constant 32 : i32
    %div3A = arith.divsi %mul3A_20, %jit3A : i32
    %sign3A = arith.constant 0 : i32
    %sign3A_21 = arith.cmpi sgt, %mul3A_20, %sign3A : i32
    %sign3A_22 = arith.extui %sign3A_21 : i1 to i32
    %sign3A_23 = arith.constant 0 : i32
    %sign3A_24 = arith.cmpi slt, %mul3A_20, %sign3A_23 : i32
    %sign3A_25 = arith.extui %sign3A_24 : i1 to i32
    %sign3A_26 = arith.subi %sign3A_22, %sign3A_25 : i32
    %sign3A_27 = arith.constant 0 : i32
    %sign3A_28 = arith.cmpi sgt, %jit3A, %sign3A_27 : i32
    %sign3A_29 = arith.extui %sign3A_28 : i1 to i32
    %sign3A_30 = arith.constant 0 : i32
    %sign3A_31 = arith.cmpi slt, %jit3A, %sign3A_30 : i32
    %sign3A_32 = arith.extui %sign3A_31 : i1 to i32
    %sign3A_33 = arith.subi %sign3A_29, %sign3A_32 : i32
    %ne3A = arith.cmpi ne, %sign3A_26, %sign3A_33 : i32
    %rem3A = arith.remsi %mul3A_20, %jit3A : i32
    %ne3A_34 = arith.constant 0 : i32
    %ne3A_35 = arith.cmpi ne, %rem3A, %ne3A_34 : i32
    %and3A = arith.andi %ne3A, %ne3A_35 : i1
    %sub3A = arith.constant 1 : i32
    %sub3A_36 = arith.subi %div3A, %sub3A : i32
    %select_n3A = arith.select %and3A, %sub3A_36, %div3A : i32
    %scan3A_37 = arith.constant 0 : i32
    %scan3A_38 = arith.constant 0 : i32
    %scan3A_39 = arith.constant 79 : i32
    %scan3A_40 = arith.addi %scan3A_38, %scan3A_39 : i32
    %scan3A_41 = arith.constant 1 : i32
    scf.for %scan3A_44 = %scan3A_38 to %scan3A_40 step %scan3A_41  : i32 {
      %add3A_45 = arith.addi %scan3A_44, %select_n3A : i32
      %rem3A_46 = arith.constant 79 : i32
      %rem3A_47 = arith.remsi %add3A_45, %rem3A_46 : i32
      %dma_start3A = arith.constant 0 : i32
      %dma_start3A_48 = tpu.memref_slice %arg7[%rem3A_47, %dma_start3A] : memref<79x128xi32, #tpu.memory_space<vmem>> -> memref<1x128xi32, #tpu.memory_space<vmem>>
      %dma_start3A_49 = tpu.memref_squeeze %dma_start3A_48 : memref<1x128xi32, #tpu.memory_space<vmem>> -> memref<128xi32, #tpu.memory_space<vmem>>
      %dma_start3A_50 = arith.constant 0 : i32
      %dma_start3A_51 = arith.constant 0 : i32
      %dma_start3A_52 = tpu.memref_slice %arg2[%dma_start3A_50, %dma_start3A_51] : memref<10000x128xf32, #tpu.memory_space<hbm>> -> memref<10000x128xf32, #tpu.memory_space<hbm>>
      tpu.enqueue_indirect_dma source(%dma_start3A_52 : memref<10000x128xf32, #tpu.memory_space<hbm>>) target(%arg10 : memref<128x128xf32, #tpu.memory_space<vmem>>) offsets(%dma_start3A_49 : memref<128xi32, #tpu.memory_space<vmem>>) semaphore(%arg12 : memref<!tpu.dma_semaphore, #tpu.memory_space<semaphore_mem>>)
      %dma_wait3A = arith.constant 0 : i32
      %dma_wait3A_53 = tpu.memref_slice %arg7[%rem3A_47, %dma_wait3A] : memref<79x128xi32, #tpu.memory_space<vmem>> -> memref<1x128xi32, #tpu.memory_space<vmem>>
      %dma_wait3A_54 = tpu.memref_squeeze %dma_wait3A_53 : memref<1x128xi32, #tpu.memory_space<vmem>> -> memref<128xi32, #tpu.memory_space<vmem>>
      %dma_wait3A_55 = arith.constant 0 : i32
      %dma_wait3A_56 = arith.constant 0 : i32
      %dma_wait3A_57 = tpu.memref_slice %arg2[%dma_wait3A_55, %dma_wait3A_56] : memref<10000x128xf32, #tpu.memory_space<hbm>> -> memref<10000x128xf32, #tpu.memory_space<hbm>>
      tpu.wait_indirect_dma semaphore(%arg12 : memref<!tpu.dma_semaphore, #tpu.memory_space<semaphore_mem>>) src(%dma_wait3A_57 : memref<10000x128xf32, #tpu.memory_space<hbm>>) dst(%arg10 : memref<128x128xf32, #tpu.memory_space<vmem>>)
      %scan3A_58 = arith.constant 0 : i32
      %scan3A_59 = arith.constant 0 : i32
      %scan3A_60 = arith.constant 8 : i32
      %scan3A_61 = arith.addi %scan3A_59, %scan3A_60 : i32
      %scan3A_62 = arith.constant 1 : i32
      scf.for %scan3A_64 = %scan3A_59 to %scan3A_61 step %scan3A_62  : i32 {
        %mul3A_65 = arith.constant 128 : i32
        %mul3A_66 = arith.muli %rem3A_47, %mul3A_65 : i32
        %mul3A_67 = arith.constant 16 : i32
        %mul3A_68 = arith.muli %scan3A_64, %mul3A_67 : i32
        %add3A_69 = arith.addi %mul3A_66, %mul3A_68 : i32
        %get3A = arith.index_cast %add3A_69 : i32 to index
        %get3A_70 = tpu.vector_load %arg9[%get3A] {strides = array<i32>} : memref<10112xf32, #tpu.memory_space<vmem>>, vector<16xf32>,
        %get3A_71 = vector.shape_cast %get3A_70 : vector<16xf32> to vector<16xf32>
        %slice3A = vector.extract_strided_slice %get3A_71 {offsets = [0], sizes = [1], strides = [1]} : vector<16xf32> to vector<1xf32>
        %squeeze3A = vector.extract %slice3A[0] : f32 from vector<1xf32>
        %broadcast_in_dim3A_72 = vector.broadcast %squeeze3A : f32 to vector<16xf32>
        %mul3A_73 = arith.constant 16 : i32
        %mul3A_74 = arith.muli %scan3A_64, %mul3A_73 : i32
        %add3A_75 = arith.constant 0 : i32
        %add3A_76 = arith.addi %mul3A_74, %add3A_75 : i32
        %get3A_77 = arith.index_cast %add3A_76 : i32 to index
        %get3A_78 = arith.constant 0 : index
        %get3A_79 = tpu.vector_load %arg10[%get3A_77, %get3A_78] {strides = array<i32>} : memref<128x128xf32, #tpu.memory_space<vmem>>, vector<1x16xf32>,
        %get3A_80 = vector.shape_cast %get3A_79 : vector<1x16xf32> to vector<16xf32>
        %mul3A_81 = arith.mulf %get3A_80, %broadcast_in_dim3A_72 : vector<16xf32>
        %swap3A = arith.index_cast %add3A_76 : i32 to index
        %swap3A_82 = arith.constant 0 : index
        %swap3A_83 = tpu.vector_load %arg10[%swap3A, %swap3A_82] {strides = array<i32>} : memref<128x128xf32, #tpu.memory_space<vmem>>, vector<1x16xf32>,
        %swap3A_84 = vector.shape_cast %swap3A_83 : vector<1x16xf32> to vector<16xf32>
        %swap3A_85 = vector.shape_cast %mul3A_81 : vector<16xf32> to vector<1x16xf32>
        tpu.vector_store %arg10[%swap3A, %swap3A_82], %swap3A_85 {strides = array<i32>} : memref<128x128xf32, #tpu.memory_space<vmem>>, vector<1x16xf32>,
        %get3A_86 = arith.index_cast %add3A_76 : i32 to index
        %get3A_87 = arith.constant 16 : index
        %get3A_88 = tpu.vector_load %arg10[%get3A_86, %get3A_87] {strides = array<i32>} : memref<128x128xf32, #tpu.memory_space<vmem>>, vector<1x16xf32>,
        %get3A_89 = vector.shape_cast %get3A_88 : vector<1x16xf32> to vector<16xf32>
        %mul3A_90 = arith.mulf %get3A_89, %broadcast_in_dim3A_72 : vector<16xf32>
        %swap3A_91 = arith.index_cast %add3A_76 : i32 to index
        %swap3A_92 = arith.constant 16 : index
        %swap3A_93 = tpu.vector_load %arg10[%swap3A_91, %swap3A_92] {strides = array<i32>} : memref<128x128xf32, #tpu.memory_space<vmem>>, vector<1x16xf32>,
        %swap3A_94 = vector.shape_cast %swap3A_93 : vector<1x16xf32> to vector<16xf32>
        %swap3A_95 = vector.shape_cast %mul3A_90 : vector<16xf32> to vector<1x16xf32>
        tpu.vector_store %arg10[%swap3A_91, %swap3A_92], %swap3A_95 {strides = array<i32>} : memref<128x128xf32, #tpu.memory_space<vmem>>, vector<1x16xf32>,
        %get3A_96 = arith.index_cast %add3A_76 : i32 to index
        %get3A_97 = arith.constant 32 : index
        %get3A_98 = tpu.vector_load %arg10[%get3A_96, %get3A_97] {strides = array<i32>} : memref<128x128xf32, #tpu.memory_space<vmem>>, vector<1x16xf32>,
        %get3A_99 = vector.shape_cast %get3A_98 : vector<1x16xf32> to vector<16xf32>
        %mul3A_100 = arith.mulf %get3A_99, %broadcast_in_dim3A_72 : vector<16xf32>
        %swap3A_101 = arith.index_cast %add3A_76 : i32 to index
        %swap3A_102 = arith.constant 32 : index
        %swap3A_103 = tpu.vector_load %arg10[%swap3A_101, %swap3A_102] {strides = array<i32>} : memref<128x128xf32, #tpu.memory_space<vmem>>, vector<1x16xf32>,
        %swap3A_104 = vector.shape_cast %swap3A_103 : vector<1x16xf32> to vector<16xf32>
        %swap3A_105 = vector.shape_cast %mul3A_100 : vector<16xf32> to vector<1x16xf32>
        tpu.vector_store %arg10[%swap3A_101, %swap3A_102], %swap3A_105 {strides = array<i32>} : memref<128x128xf32, #tpu.memory_space<vmem>>, vector<1x16xf32>,
        %get3A_106 = arith.index_cast %add3A_76 : i32 to index
        %get3A_107 = arith.constant 48 : index
        %get3A_108 = tpu.vector_load %arg10[%get3A_106, %get3A_107] {strides = array<i32>} : memref<128x128xf32, #tpu.memory_space<vmem>>, vector<1x16xf32>,
        %get3A_109 = vector.shape_cast %get3A_108 : vector<1x16xf32> to vector<16xf32>
        %mul3A_110 = arith.mulf %get3A_109, %broadcast_in_dim3A_72 : vector<16xf32>
        %swap3A_111 = arith.index_cast %add3A_76 : i32 to index
        %swap3A_112 = arith.constant 48 : index
        %swap3A_113 = tpu.vector_load %arg10[%swap3A_111, %swap3A_112] {strides = array<i32>} : memref<128x128xf32, #tpu.memory_space<vmem>>, vector<1x16xf32>,
        %swap3A_114 = vector.shape_cast %swap3A_113 : vector<1x16xf32> to vector<16xf32>
        %swap3A_115 = vector.shape_cast %mul3A_110 : vector<16xf32> to vector<1x16xf32>
        tpu.vector_store %arg10[%swap3A_111, %swap3A_112], %swap3A_115 {strides = array<i32>} : memref<128x128xf32, #tpu.memory_space<vmem>>, vector<1x16xf32>,
        %get3A_116 = arith.index_cast %add3A_76 : i32 to index
        %get3A_117 = arith.constant 64 : index
        %get3A_118 = tpu.vector_load %arg10[%get3A_116, %get3A_117] {strides = array<i32>} : memref<128x128xf32, #tpu.memory_space<vmem>>, vector<1x16xf32>,
        %get3A_119 = vector.shape_cast %get3A_118 : vector<1x16xf32> to vector<16xf32>
        %mul3A_120 = arith.mulf %get3A_119, %broadcast_in_dim3A_72 : vector<16xf32>
        %swap3A_121 = arith.index_cast %add3A_76 : i32 to index
        %swap3A_122 = arith.constant 64 : index
        %swap3A_123 = tpu.vector_load %arg10[%swap3A_121, %swap3A_122] {strides = array<i32>} : memref<128x128xf32, #tpu.memory_space<vmem>>, vector<1x16xf32>,
        %swap3A_124 = vector.shape_cast %swap3A_123 : vector<1x16xf32> to vector<16xf32>
        %swap3A_125 = vector.shape_cast %mul3A_120 : vector<16xf32> to vector<1x16xf32>
        tpu.vector_store %arg10[%swap3A_121, %swap3A_122], %swap3A_125 {strides = array<i32>} : memref<128x128xf32, #tpu.memory_space<vmem>>, vector<1x16xf32>,
        %get3A_126 = arith.index_cast %add3A_76 : i32 to index
        %get3A_127 = arith.constant 80 : index
        %get3A_128 = tpu.vector_load %arg10[%get3A_126, %get3A_127] {strides = array<i32>} : memref<128x128xf32, #tpu.memory_space<vmem>>, vector<1x16xf32>,
        %get3A_129 = vector.shape_cast %get3A_128 : vector<1x16xf32> to vector<16xf32>
        %mul3A_130 = arith.mulf %get3A_129, %broadcast_in_dim3A_72 : vector<16xf32>
        %swap3A_131 = arith.index_cast %add3A_76 : i32 to index
        %swap3A_132 = arith.constant 80 : index
        %swap3A_133 = tpu.vector_load %arg10[%swap3A_131, %swap3A_132] {strides = array<i32>} : memref<128x128xf32, #tpu.memory_space<vmem>>, vector<1x16xf32>,
        %swap3A_134 = vector.shape_cast %swap3A_133 : vector<1x16xf32> to vector<16xf32>
        %swap3A_135 = vector.shape_cast %mul3A_130 : vector<16xf32> to vector<1x16xf32>
        tpu.vector_store %arg10[%swap3A_131, %swap3A_132], %swap3A_135 {strides = array<i32>} : memref<128x128xf32, #tpu.memory_space<vmem>>, vector<1x16xf32>,
        %get3A_136 = arith.index_cast %add3A_76 : i32 to index
        %get3A_137 = arith.constant 96 : index
        %get3A_138 = tpu.vector_load %arg10[%get3A_136, %get3A_137] {strides = array<i32>} : memref<128x128xf32, #tpu.memory_space<vmem>>, vector<1x16xf32>,
        %get3A_139 = vector.shape_cast %get3A_138 : vector<1x16xf32> to vector<16xf32>
        %mul3A_140 = arith.mulf %get3A_139, %broadcast_in_dim3A_72 : vector<16xf32>
        %swap3A_141 = arith.index_cast %add3A_76 : i32 to index
        %swap3A_142 = arith.constant 96 : index
        %swap3A_143 = tpu.vector_load %arg10[%swap3A_141, %swap3A_142] {strides = array<i32>} : memref<128x128xf32, #tpu.memory_space<vmem>>, vector<1x16xf32>,
        %swap3A_144 = vector.shape_cast %swap3A_143 : vector<1x16xf32> to vector<16xf32>
        %swap3A_145 = vector.shape_cast %mul3A_140 : vector<16xf32> to vector<1x16xf32>
        tpu.vector_store %arg10[%swap3A_141, %swap3A_142], %swap3A_145 {strides = array<i32>} : memref<128x128xf32, #tpu.memory_space<vmem>>, vector<1x16xf32>,
        %get3A_146 = arith.index_cast %add3A_76 : i32 to index
        %get3A_147 = arith.constant 112 : index
        %get3A_148 = tpu.vector_load %arg10[%get3A_146, %get3A_147] {strides = array<i32>} : memref<128x128xf32, #tpu.memory_space<vmem>>, vector<1x16xf32>,
        %get3A_149 = vector.shape_cast %get3A_148 : vector<1x16xf32> to vector<16xf32>
        %mul3A_150 = arith.mulf %get3A_149, %broadcast_in_dim3A_72 : vector<16xf32>
        %swap3A_151 = arith.index_cast %add3A_76 : i32 to index
        %swap3A_152 = arith.constant 112 : index
        %swap3A_153 = tpu.vector_load %arg10[%swap3A_151, %swap3A_152] {strides = array<i32>} : memref<128x128xf32, #tpu.memory_space<vmem>>, vector<1x16xf32>,
        %swap3A_154 = vector.shape_cast %swap3A_153 : vector<1x16xf32> to vector<16xf32>
        %swap3A_155 = vector.shape_cast %mul3A_150 : vector<16xf32> to vector<1x16xf32>
        tpu.vector_store %arg10[%swap3A_151, %swap3A_152], %swap3A_155 {strides = array<i32>} : memref<128x128xf32, #tpu.memory_space<vmem>>, vector<1x16xf32>,
        %slice3A_156 = vector.extract_strided_slice %get3A_71 {offsets = [1], sizes = [1], strides = [1]} : vector<16xf32> to vector<1xf32>
        %squeeze3A_157 = vector.extract %slice3A_156[0] : f32 from vector<1xf32>
        %broadcast_in_dim3A_158 = vector.broadcast %squeeze3A_157 : f32 to vector<16xf32>
        %mul3A_159 = arith.constant 16 : i32
        %mul3A_160 = arith.muli %scan3A_64, %mul3A_159 : i32
        %add3A_161 = arith.constant 1 : i32
        %add3A_162 = arith.addi %mul3A_160, %add3A_161 : i32
        %get3A_163 = arith.index_cast %add3A_162 : i32 to index
        %get3A_164 = arith.constant 0 : index
        %get3A_165 = tpu.vector_load %arg10[%get3A_163, %get3A_164] {strides = array<i32>} : memref<128x128xf32, #tpu.memory_space<vmem>>, vector<1x16xf32>,
        %get3A_166 = vector.shape_cast %get3A_165 : vector<1x16xf32> to vector<16xf32>
        %mul3A_167 = arith.mulf %get3A_166, %broadcast_in_dim3A_158 : vector<16xf32>
        %swap3A_168 = arith.index_cast %add3A_162 : i32 to index
        %swap3A_169 = arith.constant 0 : index
        %swap3A_170 = tpu.vector_load %arg10[%swap3A_168, %swap3A_169] {strides = array<i32>} : memref<128x128xf32, #tpu.memory_space<vmem>>, vector<1x16xf32>,
        %swap3A_171 = vector.shape_cast %swap3A_170 : vector<1x16xf32> to vector<16xf32>
        %swap3A_172 = vector.shape_cast %mul3A_167 : vector<16xf32> to vector<1x16xf32>
        tpu.vector_store %arg10[%swap3A_168, %swap3A_169], %swap3A_172 {strides = array<i32>} : memref<128x128xf32, #tpu.memory_space<vmem>>, vector<1x16xf32>,
        %get3A_173 = arith.index_cast %add3A_162 : i32 to index
        %get3A_174 = arith.constant 16 : index
        %get3A_175 = tpu.vector_load %arg10[%get3A_173, %get3A_174] {strides = array<i32>} : memref<128x128xf32, #tpu.memory_space<vmem>>, vector<1x16xf32>,
        %get3A_176 = vector.shape_cast %get3A_175 : vector<1x16xf32> to vector<16xf32>
        %mul3A_177 = arith.mulf %get3A_176, %broadcast_in_dim3A_158 : vector<16xf32>
        %swap3A_178 = arith.index_cast %add3A_162 : i32 to index
        %swap3A_179 = arith.constant 16 : index
        %swap3A_180 = tpu.vector_load %arg10[%swap3A_178, %swap3A_179] {strides = array<i32>} : memref<128x128xf32, #tpu.memory_space<vmem>>, vector<1x16xf32>,
        %swap3A_181 = vector.shape_cast %swap3A_180 : vector<1x16xf32> to vector<16xf32>
        %swap3A_182 = vector.shape_cast %mul3A_177 : vector<16xf32> to vector<1x16xf32>
        tpu.vector_store %arg10[%swap3A_178, %swap3A_179], %swap3A_182 {strides = array<i32>} : memref<128x128xf32, #tpu.memory_space<vmem>>, vector<1x16xf32>,
        %get3A_183 = arith.index_cast %add3A_162 : i32 to index
        %get3A_184 = arith.constant 32 : index
        %get3A_185 = tpu.vector_load %arg10[%get3A_183, %get3A_184] {strides = array<i32>} : memref<128x128xf32, #tpu.memory_space<vmem>>, vector<1x16xf32>,
        %get3A_186 = vector.shape_cast %get3A_185 : vector<1x16xf32> to vector<16xf32>
        %mul3A_187 = arith.mulf %get3A_186, %broadcast_in_dim3A_158 : vector<16xf32>
        %swap3A_188 = arith.index_cast %add3A_162 : i32 to index
        %swap3A_189 = arith.constant 32 : index
        %swap3A_190 = tpu.vector_load %arg10[%swap3A_188, %swap3A_189] {strides = array<i32>} : memref<128x128xf32, #tpu.memory_space<vmem>>, vector<1x16xf32>,
        %swap3A_191 = vector.shape_cast %swap3A_190 : vector<1x16xf32> to vector<16xf32>
        %swap3A_192 = vector.shape_cast %mul3A_187 : vector<16xf32> to vector<1x16xf32>
        tpu.vector_store %arg10[%swap3A_188, %swap3A_189], %swap3A_192 {strides = array<i32>} : memref<128x128xf32, #tpu.memory_space<vmem>>, vector<1x16xf32>,
        %get3A_193 = arith.index_cast %add3A_162 : i32 to index
        %get3A_194 = arith.constant 48 : index
        %get3A_195 = tpu.vector_load %arg10[%get3A_193, %get3A_194] {strides = array<i32>} : memref<128x128xf32, #tpu.memory_space<vmem>>, vector<1x16xf32>,
        %get3A_196 = vector.shape_cast %get3A_195 : vector<1x16xf32> to vector<16xf32>
        %mul3A_197 = arith.mulf %get3A_196, %broadcast_in_dim3A_158 : vector<16xf32>
        %swap3A_198 = arith.index_cast %add3A_162 : i32 to index
        %swap3A_199 = arith.constant 48 : index
        %swap3A_200 = tpu.vector_load %arg10[%swap3A_198, %swap3A_199] {strides = array<i32>} : memref<128x128xf32, #tpu.memory_space<vmem>>, vector<1x16xf32>,
        %swap3A_201 = vector.shape_cast %swap3A_200 : vector<1x16xf32> to vector<16xf32>
        %swap3A_202 = vector.shape_cast %mul3A_197 : vector<16xf32> to vector<1x16xf32>
        tpu.vector_store %arg10[%swap3A_198, %swap3A_199], %swap3A_202 {strides = array<i32>} : memref<128x128xf32, #tpu.memory_space<vmem>>, vector<1x16xf32>,
        %get3A_203 = arith.index_cast %add3A_162 : i32 to index
        %get3A_204 = arith.constant 64 : index
        %get3A_205 = tpu.vector_load %arg10[%get3A_203, %get3A_204] {strides = array<i32>} : memref<128x128xf32, #tpu.memory_space<vmem>>, vector<1x16xf32>,
        %get3A_206 = vector.shape_cast %get3A_205 : vector<1x16xf32> to vector<16xf32>
        %mul3A_207 = arith.mulf %get3A_206, %broadcast_in_dim3A_158 : vector<16xf32>
        %swap3A_208 = arith.index_cast %add3A_162 : i32 to index
        %swap3A_209 = arith.constant 64 : index
        %swap3A_210 = tpu.vector_load %arg10[%swap3A_208, %swap3A_209] {strides = array<i32>} : memref<128x128xf32, #tpu.memory_space<vmem>>, vector<1x16xf32>,
        %swap3A_211 = vector.shape_cast %swap3A_210 : vector<1x16xf32> to vector<16xf32>
        %swap3A_212 = vector.shape_cast %mul3A_207 : vector<16xf32> to vector<1x16xf32>
        tpu.vector_store %arg10[%swap3A_208, %swap3A_209], %swap3A_212 {strides = array<i32>} : memref<128x128xf32, #tpu.memory_space<vmem>>, vector<1x16xf32>,
        %get3A_213 = arith.index_cast %add3A_162 : i32 to index
        %get3A_214 = arith.constant 80 : index
        %get3A_215 = tpu.vector_load %arg10[%get3A_213, %get3A_214] {strides = array<i32>} : memref<128x128xf32, #tpu.memory_space<vmem>>, vector<1x16xf32>,
        %get3A_216 = vector.shape_cast %get3A_215 : vector<1x16xf32> to vector<16xf32>
        %mul3A_217 = arith.mulf %get3A_216, %broadcast_in_dim3A_158 : vector<16xf32>
        %swap3A_218 = arith.index_cast %add3A_162 : i32 to index
        %swap3A_219 = arith.constant 80 : index
        %swap3A_220 = tpu.vector_load %arg10[%swap3A_218, %swap3A_219] {strides = array<i32>} : memref<128x128xf32, #tpu.memory_space<vmem>>, vector<1x16xf32>,
        %swap3A_221 = vector.shape_cast %swap3A_220 : vector<1x16xf32> to vector<16xf32>
        %swap3A_222 = vector.shape_cast %mul3A_217 : vector<16xf32> to vector<1x16xf32>
        tpu.vector_store %arg10[%swap3A_218, %swap3A_219], %swap3A_222 {strides = array<i32>} : memref<128x128xf32, #tpu.memory_space<vmem>>, vector<1x16xf32>,
        %get3A_223 = arith.index_cast %add3A_162 : i32 to index
        %get3A_224 = arith.constant 96 : index
        %get3A_225 = tpu.vector_load %arg10[%get3A_223, %get3A_224] {strides = array<i32>} : memref<128x128xf32, #tpu.memory_space<vmem>>, vector<1x16xf32>,
        %get3A_226 = vector.shape_cast %get3A_225 : vector<1x16xf32> to vector<16xf32>
        %mul3A_227 = arith.mulf %get3A_226, %broadcast_in_dim3A_158 : vector<16xf32>
        %swap3A_228 = arith.index_cast %add3A_162 : i32 to index
        %swap3A_229 = arith.constant 96 : index
        %swap3A_230 = tpu.vector_load %arg10[%swap3A_228, %swap3A_229] {strides = array<i32>} : memref<128x128xf32, #tpu.memory_space<vmem>>, vector<1x16xf32>,
        %swap3A_231 = vector.shape_cast %swap3A_230 : vector<1x16xf32> to vector<16xf32>
        %swap3A_232 = vector.shape_cast %mul3A_227 : vector<16xf32> to vector<1x16xf32>
        tpu.vector_store %arg10[%swap3A_228, %swap3A_229], %swap3A_232 {strides = array<i32>} : memref<128x128xf32, #tpu.memory_space<vmem>>, vector<1x16xf32>,
        %get3A_233 = arith.index_cast %add3A_162 : i32 to index
        %get3A_234 = arith.constant 112 : index
        %get3A_235 = tpu.vector_load %arg10[%get3A_233, %get3A_234] {strides = array<i32>} : memref<128x128xf32, #tpu.memory_space<vmem>>, vector<1x16xf32>,
        %get3A_236 = vector.shape_cast %get3A_235 : vector<1x16xf32> to vector<16xf32>
        %mul3A_237 = arith.mulf %get3A_236, %broadcast_in_dim3A_158 : vector<16xf32>
        %swap3A_238 = arith.index_cast %add3A_162 : i32 to index
        %swap3A_239 = arith.constant 112 : index
        %swap3A_240 = tpu.vector_load %arg10[%swap3A_238, %swap3A_239] {strides = array<i32>} : memref<128x128xf32, #tpu.memory_space<vmem>>, vector<1x16xf32>,
        %swap3A_241 = vector.shape_cast %swap3A_240 : vector<1x16xf32> to vector<16xf32>
        %swap3A_242 = vector.shape_cast %mul3A_237 : vector<16xf32> to vector<1x16xf32>
        tpu.vector_store %arg10[%swap3A_238, %swap3A_239], %swap3A_242 {strides = array<i32>} : memref<128x128xf32, #tpu.memory_space<vmem>>, vector<1x16xf32>,
        %slice3A_243 = vector.extract_strided_slice %get3A_71 {offsets = [2], sizes = [1], strides = [1]} : vector<16xf32> to vector<1xf32>
        %squeeze3A_244 = vector.extract %slice3A_243[0] : f32 from vector<1xf32>
        %broadcast_in_dim3A_245 = vector.broadcast %squeeze3A_244 : f32 to vector<16xf32>
        %mul3A_246 = arith.constant 16 : i32
        %mul3A_247 = arith.muli %scan3A_64, %mul3A_246 : i32
        %add3A_248 = arith.constant 2 : i32
        %add3A_249 = arith.addi %mul3A_247, %add3A_248 : i32
        %get3A_250 = arith.index_cast %add3A_249 : i32 to index
        %get3A_251 = arith.constant 0 : index
        %get3A_252 = tpu.vector_load %arg10[%get3A_250, %get3A_251] {strides = array<i32>} : memref<128x128xf32, #tpu.memory_space<vmem>>, vector<1x16xf32>,
        %get3A_253 = vector.shape_cast %get3A_252 : vector<1x16xf32> to vector<16xf32>
        %mul3A_254 = arith.mulf %get3A_253, %broadcast_in_dim3A_245 : vector<16xf32>
        %swap3A_255 = arith.index_cast %add3A_249 : i32 to index
        %swap3A_256 = arith.constant 0 : index
        %swap3A_257 = tpu.vector_load %arg10[%swap3A_255, %swap3A_256] {strides = array<i32>} : memref<128x128xf32, #tpu.memory_space<vmem>>, vector<1x16xf32>,
        %swap3A_258 = vector.shape_cast %swap3A_257 : vector<1x16xf32> to vector<16xf32>
        %swap3A_259 = vector.shape_cast %mul3A_254 : vector<16xf32> to vector<1x16xf32>
        tpu.vector_store %arg10[%swap3A_255, %swap3A_256], %swap3A_259 {strides = array<i32>} : memref<128x128xf32, #tpu.memory_space<vmem>>, vector<1x16xf32>,
        %get3A_260 = arith.index_cast %add3A_249 : i32 to index
        %get3A_261 = arith.constant 16 : index
        %get3A_262 = tpu.vector_load %arg10[%get3A_260, %get3A_261] {strides = array<i32>} : memref<128x128xf32, #tpu.memory_space<vmem>>, vector<1x16xf32>,
        %get3A_263 = vector.shape_cast %get3A_262 : vector<1x16xf32> to vector<16xf32>
        %mul3A_264 = arith.mulf %get3A_263, %broadcast_in_dim3A_245 : vector<16xf32>
        %swap3A_265 = arith.index_cast %add3A_249 : i32 to index
        %swap3A_266 = arith.constant 16 : index
        %swap3A_267 = tpu.vector_load %arg10[%swap3A_265, %swap3A_266] {strides = array<i32>} : memref<128x128xf32, #tpu.memory_space<vmem>>, vector<1x16xf32>,
        %swap3A_268 = vector.shape_cast %swap3A_267 : vector<1x16xf32> to vector<16xf32>
        %swap3A_269 = vector.shape_cast %mul3A_264 : vector<16xf32> to vector<1x16xf32>
        tpu.vector_store %arg10[%swap3A_265, %swap3A_266], %swap3A_269 {strides = array<i32>} : memref<128x128xf32, #tpu.memory_space<vmem>>, vector<1x16xf32>,
        %get3A_270 = arith.index_cast %add3A_249 : i32 to index
        %get3A_271 = arith.constant 32 : index
        %get3A_272 = tpu.vector_load %arg10[%get3A_270, %get3A_271] {strides = array<i32>} : memref<128x128xf32, #tpu.memory_space<vmem>>, vector<1x16xf32>,
        %get3A_273 = vector.shape_cast %get3A_272 : vector<1x16xf32> to vector<16xf32>
        %mul3A_274 = arith.mulf %get3A_273, %broadcast_in_dim3A_245 : vector<16xf32>
        %swap3A_275 = arith.index_cast %add3A_249 : i32 to index
        %swap3A_276 = arith.constant 32 : index
        %swap3A_277 = tpu.vector_load %arg10[%swap3A_275, %swap3A_276] {strides = array<i32>} : memref<128x128xf32, #tpu.memory_space<vmem>>, vector<1x16xf32>,
        %swap3A_278 = vector.shape_cast %swap3A_277 : vector<1x16xf32> to vector<16xf32>
        %swap3A_279 = vector.shape_cast %mul3A_274 : vector<16xf32> to vector<1x16xf32>
        tpu.vector_store %arg10[%swap3A_275, %swap3A_276], %swap3A_279 {strides = array<i32>} : memref<128x128xf32, #tpu.memory_space<vmem>>, vector<1x16xf32>,
        %get3A_280 = arith.index_cast %add3A_249 : i32 to index
        %get3A_281 = arith.constant 48 : index
        %get3A_282 = tpu.vector_load %arg10[%get3A_280, %get3A_281] {strides = array<i32>} : memref<128x128xf32, #tpu.memory_space<vmem>>, vector<1x16xf32>,
        %get3A_283 = vector.shape_cast %get3A_282 : vector<1x16xf32> to vector<16xf32>
        %mul3A_284 = arith.mulf %get3A_283, %broadcast_in_dim3A_245 : vector<16xf32>
        %swap3A_285 = arith.index_cast %add3A_249 : i32 to index
        %swap3A_286 = arith.constant 48 : index
        %swap3A_287 = tpu.vector_load %arg10[%swap3A_285, %swap3A_286] {strides = array<i32>} : memref<128x128xf32, #tpu.memory_space<vmem>>, vector<1x16xf32>,
        %swap3A_288 = vector.shape_cast %swap3A_287 : vector<1x16xf32> to vector<16xf32>
        %swap3A_289 = vector.shape_cast %mul3A_284 : vector<16xf32> to vector<1x16xf32>
        tpu.vector_store %arg10[%swap3A_285, %swap3A_286], %swap3A_289 {strides = array<i32>} : memref<128x128xf32, #tpu.memory_space<vmem>>, vector<1x16xf32>,
        %get3A_290 = arith.index_cast %add3A_249 : i32 to index
        %get3A_291 = arith.constant 64 : index
        %get3A_292 = tpu.vector_load %arg10[%get3A_290, %get3A_291] {strides = array<i32>} : memref<128x128xf32, #tpu.memory_space<vmem>>, vector<1x16xf32>,
        %get3A_293 = vector.shape_cast %get3A_292 : vector<1x16xf32> to vector<16xf32>
        %mul3A_294 = arith.mulf %get3A_293, %broadcast_in_dim3A_245 : vector<16xf32>
        %swap3A_295 = arith.index_cast %add3A_249 : i32 to index
        %swap3A_296 = arith.constant 64 : index
        %swap3A_297 = tpu.vector_load %arg10[%swap3A_295, %swap3A_296] {strides = array<i32>} : memref<128x128xf32, #tpu.memory_space<vmem>>, vector<1x16xf32>,
        %swap3A_298 = vector.shape_cast %swap3A_297 : vector<1x16xf32> to vector<16xf32>
        %swap3A_299 = vector.shape_cast %mul3A_294 : vector<16xf32> to vector<1x16xf32>
        tpu.vector_store %arg10[%swap3A_295, %swap3A_296], %swap3A_299 {strides = array<i32>} : memref<128x128xf32, #tpu.memory_space<vmem>>, vector<1x16xf32>,
        %get3A_300 = arith.index_cast %add3A_249 : i32 to index
        %get3A_301 = arith.constant 80 : index
        %get3A_302 = tpu.vector_load %arg10[%get3A_300, %get3A_301] {strides = array<i32>} : memref<128x128xf32, #tpu.memory_space<vmem>>, vector<1x16xf32>,
        %get3A_303 = vector.shape_cast %get3A_302 : vector<1x16xf32> to vector<16xf32>
        %mul3A_304 = arith.mulf %get3A_303, %broadcast_in_dim3A_245 : vector<16xf32>
        %swap3A_305 = arith.index_cast %add3A_249 : i32 to index
        %swap3A_306 = arith.constant 80 : index
        %swap3A_307 = tpu.vector_load %arg10[%swap3A_305, %swap3A_306] {strides = array<i32>} : memref<128x128xf32, #tpu.memory_space<vmem>>, vector<1x16xf32>,
        %swap3A_308 = vector.shape_cast %swap3A_307 : vector<1x16xf32> to vector<16xf32>
        %swap3A_309 = vector.shape_cast %mul3A_304 : vector<16xf32> to vector<1x16xf32>
        tpu.vector_store %arg10[%swap3A_305, %swap3A_306], %swap3A_309 {strides = array<i32>} : memref<128x128xf32, #tpu.memory_space<vmem>>, vector<1x16xf32>,
        %get3A_310 = arith.index_cast %add3A_249 : i32 to index
        %get3A_311 = arith.constant 96 : index
        %get3A_312 = tpu.vector_load %arg10[%get3A_310, %get3A_311] {strides = array<i32>} : memref<128x128xf32, #tpu.memory_space<vmem>>, vector<1x16xf32>,
        %get3A_313 = vector.shape_cast %get3A_312 : vector<1x16xf32> to vector<16xf32>
        %mul3A_314 = arith.mulf %get3A_313, %broadcast_in_dim3A_245 : vector<16xf32>
        %swap3A_315 = arith.index_cast %add3A_249 : i32 to index
        %swap3A_316 = arith.constant 96 : index
        %swap3A_317 = tpu.vector_load %arg10[%swap3A_315, %swap3A_316] {strides = array<i32>} : memref<128x128xf32, #tpu.memory_space<vmem>>, vector<1x16xf32>,
        %swap3A_318 = vector.shape_cast %swap3A_317 : vector<1x16xf32> to vector<16xf32>
        %swap3A_319 = vector.shape_cast %mul3A_314 : vector<16xf32> to vector<1x16xf32>
        tpu.vector_store %arg10[%swap3A_315, %swap3A_316], %swap3A_319 {strides = array<i32>} : memref<128x128xf32, #tpu.memory_space<vmem>>, vector<1x16xf32>,
        %get3A_320 = arith.index_cast %add3A_249 : i32 to index
        %get3A_321 = arith.constant 112 : index
        %get3A_322 = tpu.vector_load %arg10[%get3A_320, %get3A_321] {strides = array<i32>} : memref<128x128xf32, #tpu.memory_space<vmem>>, vector<1x16xf32>,
        %get3A_323 = vector.shape_cast %get3A_322 : vector<1x16xf32> to vector<16xf32>
        %mul3A_324 = arith.mulf %get3A_323, %broadcast_in_dim3A_245 : vector<16xf32>
        %swap3A_325 = arith.index_cast %add3A_249 : i32 to index
        %swap3A_326 = arith.constant 112 : index
        %swap3A_327 = tpu.vector_load %arg10[%swap3A_325, %swap3A_326] {strides = array<i32>} : memref<128x128xf32, #tpu.memory_space<vmem>>, vector<1x16xf32>,
        %swap3A_328 = vector.shape_cast %swap3A_327 : vector<1x16xf32> to vector<16xf32>
        %swap3A_329 = vector.shape_cast %mul3A_324 : vector<16xf32> to vector<1x16xf32>
        tpu.vector_store %arg10[%swap3A_325, %swap3A_326], %swap3A_329 {strides = array<i32>} : memref<128x128xf32, #tpu.memory_space<vmem>>, vector<1x16xf32>,
        %slice3A_330 = vector.extract_strided_slice %get3A_71 {offsets = [3], sizes = [1], strides = [1]} : vector<16xf32> to vector<1xf32>
        %squeeze3A_331 = vector.extract %slice3A_330[0] : f32 from vector<1xf32>
        %broadcast_in_dim3A_332 = vector.broadcast %squeeze3A_331 : f32 to vector<16xf32>
        %mul3A_333 = arith.constant 16 : i32
        %mul3A_334 = arith.muli %scan3A_64, %mul3A_333 : i32
        %add3A_335 = arith.constant 3 : i32
        %add3A_336 = arith.addi %mul3A_334, %add3A_335 : i32
        %get3A_337 = arith.index_cast %add3A_336 : i32 to index
        %get3A_338 = arith.constant 0 : index
        %get3A_339 = tpu.vector_load %arg10[%get3A_337, %get3A_338] {strides = array<i32>} : memref<128x128xf32, #tpu.memory_space<vmem>>, vector<1x16xf32>,
        %get3A_340 = vector.shape_cast %get3A_339 : vector<1x16xf32> to vector<16xf32>
        %mul3A_341 = arith.mulf %get3A_340, %broadcast_in_dim3A_332 : vector<16xf32>
        %swap3A_342 = arith.index_cast %add3A_336 : i32 to index
        %swap3A_343 = arith.constant 0 : index
        %swap3A_344 = tpu.vector_load %arg10[%swap3A_342, %swap3A_343] {strides = array<i32>} : memref<128x128xf32, #tpu.memory_space<vmem>>, vector<1x16xf32>,
        %swap3A_345 = vector.shape_cast %swap3A_344 : vector<1x16xf32> to vector<16xf32>
        %swap3A_346 = vector.shape_cast %mul3A_341 : vector<16xf32> to vector<1x16xf32>
        tpu.vector_store %arg10[%swap3A_342, %swap3A_343], %swap3A_346 {strides = array<i32>} : memref<128x128xf32, #tpu.memory_space<vmem>>, vector<1x16xf32>,
        %get3A_347 = arith.index_cast %add3A_336 : i32 to index
        %get3A_348 = arith.constant 16 : index
        %get3A_349 = tpu.vector_load %arg10[%get3A_347, %get3A_348] {strides = array<i32>} : memref<128x128xf32, #tpu.memory_space<vmem>>, vector<1x16xf32>,
        %get3A_350 = vector.shape_cast %get3A_349 : vector<1x16xf32> to vector<16xf32>
        %mul3A_351 = arith.mulf %get3A_350, %broadcast_in_dim3A_332 : vector<16xf32>
        %swap3A_352 = arith.index_cast %add3A_336 : i32 to index
        %swap3A_353 = arith.constant 16 : index
        %swap3A_354 = tpu.vector_load %arg10[%swap3A_352, %swap3A_353] {strides = array<i32>} : memref<128x128xf32, #tpu.memory_space<vmem>>, vector<1x16xf32>,
        %swap3A_355 = vector.shape_cast %swap3A_354 : vector<1x16xf32> to vector<16xf32>
        %swap3A_356 = vector.shape_cast %mul3A_351 : vector<16xf32> to vector<1x16xf32>
        tpu.vector_store %arg10[%swap3A_352, %swap3A_353], %swap3A_356 {strides = array<i32>} : memref<128x128xf32, #tpu.memory_space<vmem>>, vector<1x16xf32>,
        %get3A_357 = arith.index_cast %add3A_336 : i32 to index
        %get3A_358 = arith.constant 32 : index
        %get3A_359 = tpu.vector_load %arg10[%get3A_357, %get3A_358] {strides = array<i32>} : memref<128x128xf32, #tpu.memory_space<vmem>>, vector<1x16xf32>,
        %get3A_360 = vector.shape_cast %get3A_359 : vector<1x16xf32> to vector<16xf32>
        %mul3A_361 = arith.mulf %get3A_360, %broadcast_in_dim3A_332 : vector<16xf32>
        %swap3A_362 = arith.index_cast %add3A_336 : i32 to index
        %swap3A_363 = arith.constant 32 : index
        %swap3A_364 = tpu.vector_load %arg10[%swap3A_362, %swap3A_363] {strides = array<i32>} : memref<128x128xf32, #tpu.memory_space<vmem>>, vector<1x16xf32>,
        %swap3A_365 = vector.shape_cast %swap3A_364 : vector<1x16xf32> to vector<16xf32>
        %swap3A_366 = vector.shape_cast %mul3A_361 : vector<16xf32> to vector<1x16xf32>
        tpu.vector_store %arg10[%swap3A_362, %swap3A_363], %swap3A_366 {strides = array<i32>} : memref<128x128xf32, #tpu.memory_space<vmem>>, vector<1x16xf32>,
        %get3A_367 = arith.index_cast %add3A_336 : i32 to index
        %get3A_368 = arith.constant 48 : index
        %get3A_369 = tpu.vector_load %arg10[%get3A_367, %get3A_368] {strides = array<i32>} : memref<128x128xf32, #tpu.memory_space<vmem>>, vector<1x16xf32>,
        %get3A_370 = vector.shape_cast %get3A_369 : vector<1x16xf32> to vector<16xf32>
        %mul3A_371 = arith.mulf %get3A_370, %broadcast_in_dim3A_332 : vector<16xf32>
        %swap3A_372 = arith.index_cast %add3A_336 : i32 to index
        %swap3A_373 = arith.constant 48 : index
        %swap3A_374 = tpu.vector_load %arg10[%swap3A_372, %swap3A_373] {strides = array<i32>} : memref<128x128xf32, #tpu.memory_space<vmem>>, vector<1x16xf32>,
        %swap3A_375 = vector.shape_cast %swap3A_374 : vector<1x16xf32> to vector<16xf32>
        %swap3A_376 = vector.shape_cast %mul3A_371 : vector<16xf32> to vector<1x16xf32>
        tpu.vector_store %arg10[%swap3A_372, %swap3A_373], %swap3A_376 {strides = array<i32>} : memref<128x128xf32, #tpu.memory_space<vmem>>, vector<1x16xf32>,
        %get3A_377 = arith.index_cast %add3A_336 : i32 to index
        %get3A_378 = arith.constant 64 : index
        %get3A_379 = tpu.vector_load %arg10[%get3A_377, %get3A_378] {strides = array<i32>} : memref<128x128xf32, #tpu.memory_space<vmem>>, vector<1x16xf32>,
        %get3A_380 = vector.shape_cast %get3A_379 : vector<1x16xf32> to vector<16xf32>
        %mul3A_381 = arith.mulf %get3A_380, %broadcast_in_dim3A_332 : vector<16xf32>
        %swap3A_382 = arith.index_cast %add3A_336 : i32 to index
        %swap3A_383 = arith.constant 64 : index
        %swap3A_384 = tpu.vector_load %arg10[%swap3A_382, %swap3A_383] {strides = array<i32>} : memref<128x128xf32, #tpu.memory_space<vmem>>, vector<1x16xf32>,
        %swap3A_385 = vector.shape_cast %swap3A_384 : vector<1x16xf32> to vector<16xf32>
        %swap3A_386 = vector.shape_cast %mul3A_381 : vector<16xf32> to vector<1x16xf32>
        tpu.vector_store %arg10[%swap3A_382, %swap3A_383], %swap3A_386 {strides = array<i32>} : memref<128x128xf32, #tpu.memory_space<vmem>>, vector<1x16xf32>,
        %get3A_387 = arith.index_cast %add3A_336 : i32 to index
        %get3A_388 = arith.constant 80 : index
        %get3A_389 = tpu.vector_load %arg10[%get3A_387, %get3A_388] {strides = array<i32>} : memref<128x128xf32, #tpu.memory_space<vmem>>, vector<1x16xf32>,
        %get3A_390 = vector.shape_cast %get3A_389 : vector<1x16xf32> to vector<16xf32>
        %mul3A_391 = arith.mulf %get3A_390, %broadcast_in_dim3A_332 : vector<16xf32>
        %swap3A_392 = arith.index_cast %add3A_336 : i32 to index
        %swap3A_393 = arith.constant 80 : index
        %swap3A_394 = tpu.vector_load %arg10[%swap3A_392, %swap3A_393] {strides = array<i32>} : memref<128x128xf32, #tpu.memory_space<vmem>>, vector<1x16xf32>,
        %swap3A_395 = vector.shape_cast %swap3A_394 : vector<1x16xf32> to vector<16xf32>
        %swap3A_396 = vector.shape_cast %mul3A_391 : vector<16xf32> to vector<1x16xf32>
        tpu.vector_store %arg10[%swap3A_392, %swap3A_393], %swap3A_396 {strides = array<i32>} : memref<128x128xf32, #tpu.memory_space<vmem>>, vector<1x16xf32>,
        %get3A_397 = arith.index_cast %add3A_336 : i32 to index
        %get3A_398 = arith.constant 96 : index
        %get3A_399 = tpu.vector_load %arg10[%get3A_397, %get3A_398] {strides = array<i32>} : memref<128x128xf32, #tpu.memory_space<vmem>>, vector<1x16xf32>,
        %get3A_400 = vector.shape_cast %get3A_399 : vector<1x16xf32> to vector<16xf32>
        %mul3A_401 = arith.mulf %get3A_400, %broadcast_in_dim3A_332 : vector<16xf32>
        %swap3A_402 = arith.index_cast %add3A_336 : i32 to index
        %swap3A_403 = arith.constant 96 : index
        %swap3A_404 = tpu.vector_load %arg10[%swap3A_402, %swap3A_403] {strides = array<i32>} : memref<128x128xf32, #tpu.memory_space<vmem>>, vector<1x16xf32>,
        %swap3A_405 = vector.shape_cast %swap3A_404 : vector<1x16xf32> to vector<16xf32>
        %swap3A_406 = vector.shape_cast %mul3A_401 : vector<16xf32> to vector<1x16xf32>
        tpu.vector_store %arg10[%swap3A_402, %swap3A_403], %swap3A_406 {strides = array<i32>} : memref<128x128xf32, #tpu.memory_space<vmem>>, vector<1x16xf32>,
        %get3A_407 = arith.index_cast %add3A_336 : i32 to index
        %get3A_408 = arith.constant 112 : index
        %get3A_409 = tpu.vector_load %arg10[%get3A_407, %get3A_408] {strides = array<i32>} : memref<128x128xf32, #tpu.memory_space<vmem>>, vector<1x16xf32>,
        %get3A_410 = vector.shape_cast %get3A_409 : vector<1x16xf32> to vector<16xf32>
        %mul3A_411 = arith.mulf %get3A_410, %broadcast_in_dim3A_332 : vector<16xf32>
        %swap3A_412 = arith.index_cast %add3A_336 : i32 to index
        %swap3A_413 = arith.constant 112 : index
        %swap3A_414 = tpu.vector_load %arg10[%swap3A_412, %swap3A_413] {strides = array<i32>} : memref<128x128xf32, #tpu.memory_space<vmem>>, vector<1x16xf32>,
        %swap3A_415 = vector.shape_cast %swap3A_414 : vector<1x16xf32> to vector<16xf32>
        %swap3A_416 = vector.shape_cast %mul3A_411 : vector<16xf32> to vector<1x16xf32>
        tpu.vector_store %arg10[%swap3A_412, %swap3A_413], %swap3A_416 {strides = array<i32>} : memref<128x128xf32, #tpu.memory_space<vmem>>, vector<1x16xf32>,
        %slice3A_417 = vector.extract_strided_slice %get3A_71 {offsets = [4], sizes = [1], strides = [1]} : vector<16xf32> to vector<1xf32>
        %squeeze3A_418 = vector.extract %slice3A_417[0] : f32 from vector<1xf32>
        %broadcast_in_dim3A_419 = vector.broadcast %squeeze3A_418 : f32 to vector<16xf32>
        %mul3A_420 = arith.constant 16 : i32
        %mul3A_421 = arith.muli %scan3A_64, %mul3A_420 : i32
        %add3A_422 = arith.constant 4 : i32
        %add3A_423 = arith.addi %mul3A_421, %add3A_422 : i32
        %get3A_424 = arith.index_cast %add3A_423 : i32 to index
        %get3A_425 = arith.constant 0 : index
        %get3A_426 = tpu.vector_load %arg10[%get3A_424, %get3A_425] {strides = array<i32>} : memref<128x128xf32, #tpu.memory_space<vmem>>, vector<1x16xf32>,
        %get3A_427 = vector.shape_cast %get3A_426 : vector<1x16xf32> to vector<16xf32>
        %mul3A_428 = arith.mulf %get3A_427, %broadcast_in_dim3A_419 : vector<16xf32>
        %swap3A_429 = arith.index_cast %add3A_423 : i32 to index
        %swap3A_430 = arith.constant 0 : index
        %swap3A_431 = tpu.vector_load %arg10[%swap3A_429, %swap3A_430] {strides = array<i32>} : memref<128x128xf32, #tpu.memory_space<vmem>>, vector<1x16xf32>,
        %swap3A_432 = vector.shape_cast %swap3A_431 : vector<1x16xf32> to vector<16xf32>
        %swap3A_433 = vector.shape_cast %mul3A_428 : vector<16xf32> to vector<1x16xf32>
        tpu.vector_store %arg10[%swap3A_429, %swap3A_430], %swap3A_433 {strides = array<i32>} : memref<128x128xf32, #tpu.memory_space<vmem>>, vector<1x16xf32>,
        %get3A_434 = arith.index_cast %add3A_423 : i32 to index
        %get3A_435 = arith.constant 16 : index
        %get3A_436 = tpu.vector_load %arg10[%get3A_434, %get3A_435] {strides = array<i32>} : memref<128x128xf32, #tpu.memory_space<vmem>>, vector<1x16xf32>,
        %get3A_437 = vector.shape_cast %get3A_436 : vector<1x16xf32> to vector<16xf32>
        %mul3A_438 = arith.mulf %get3A_437, %broadcast_in_dim3A_419 : vector<16xf32>
        %swap3A_439 = arith.index_cast %add3A_423 : i32 to index
        %swap3A_440 = arith.constant 16 : index
        %swap3A_441 = tpu.vector_load %arg10[%swap3A_439, %swap3A_440] {strides = array<i32>} : memref<128x128xf32, #tpu.memory_space<vmem>>, vector<1x16xf32>,
        %swap3A_442 = vector.shape_cast %swap3A_441 : vector<1x16xf32> to vector<16xf32>
        %swap3A_443 = vector.shape_cast %mul3A_438 : vector<16xf32> to vector<1x16xf32>
        tpu.vector_store %arg10[%swap3A_439, %swap3A_440], %swap3A_443 {strides = array<i32>} : memref<128x128xf32, #tpu.memory_space<vmem>>, vector<1x16xf32>,
        %get3A_444 = arith.index_cast %add3A_423 : i32 to index
        %get3A_445 = arith.constant 32 : index
        %get3A_446 = tpu.vector_load %arg10[%get3A_444, %get3A_445] {strides = array<i32>} : memref<128x128xf32, #tpu.memory_space<vmem>>, vector<1x16xf32>,
        %get3A_447 = vector.shape_cast %get3A_446 : vector<1x16xf32> to vector<16xf32>
        %mul3A_448 = arith.mulf %get3A_447, %broadcast_in_dim3A_419 : vector<16xf32>
        %swap3A_449 = arith.index_cast %add3A_423 : i32 to index
        %swap3A_450 = arith.constant 32 : index
        %swap3A_451 = tpu.vector_load %arg10[%swap3A_449, %swap3A_450] {strides = array<i32>} : memref<128x128xf32, #tpu.memory_space<vmem>>, vector<1x16xf32>,
        %swap3A_452 = vector.shape_cast %swap3A_451 : vector<1x16xf32> to vector<16xf32>
        %swap3A_453 = vector.shape_cast %mul3A_448 : vector<16xf32> to vector<1x16xf32>
        tpu.vector_store %arg10[%swap3A_449, %swap3A_450], %swap3A_453 {strides = array<i32>} : memref<128x128xf32, #tpu.memory_space<vmem>>, vector<1x16xf32>,
        %get3A_454 = arith.index_cast %add3A_423 : i32 to index
        %get3A_455 = arith.constant 48 : index
        %get3A_456 = tpu.vector_load %arg10[%get3A_454, %get3A_455] {strides = array<i32>} : memref<128x128xf32, #tpu.memory_space<vmem>>, vector<1x16xf32>,
        %get3A_457 = vector.shape_cast %get3A_456 : vector<1x16xf32> to vector<16xf32>
        %mul3A_458 = arith.mulf %get3A_457, %broadcast_in_dim3A_419 : vector<16xf32>
        %swap3A_459 = arith.index_cast %add3A_423 : i32 to index
        %swap3A_460 = arith.constant 48 : index
        %swap3A_461 = tpu.vector_load %arg10[%swap3A_459, %swap3A_460] {strides = array<i32>} : memref<128x128xf32, #tpu.memory_space<vmem>>, vector<1x16xf32>,
        %swap3A_462 = vector.shape_cast %swap3A_461 : vector<1x16xf32> to vector<16xf32>
        %swap3A_463 = vector.shape_cast %mul3A_458 : vector<16xf32> to vector<1x16xf32>
        tpu.vector_store %arg10[%swap3A_459, %swap3A_460], %swap3A_463 {strides = array<i32>} : memref<128x128xf32, #tpu.memory_space<vmem>>, vector<1x16xf32>,
        %get3A_464 = arith.index_cast %add3A_423 : i32 to index
        %get3A_465 = arith.constant 64 : index
        %get3A_466 = tpu.vector_load %arg10[%get3A_464, %get3A_465] {strides = array<i32>} : memref<128x128xf32, #tpu.memory_space<vmem>>, vector<1x16xf32>,
        %get3A_467 = vector.shape_cast %get3A_466 : vector<1x16xf32> to vector<16xf32>
        %mul3A_468 = arith.mulf %get3A_467, %broadcast_in_dim3A_419 : vector<16xf32>
        %swap3A_469 = arith.index_cast %add3A_423 : i32 to index
        %swap3A_470 = arith.constant 64 : index
        %swap3A_471 = tpu.vector_load %arg10[%swap3A_469, %swap3A_470] {strides = array<i32>} : memref<128x128xf32, #tpu.memory_space<vmem>>, vector<1x16xf32>,
        %swap3A_472 = vector.shape_cast %swap3A_471 : vector<1x16xf32> to vector<16xf32>
        %swap3A_473 = vector.shape_cast %mul3A_468 : vector<16xf32> to vector<1x16xf32>
        tpu.vector_store %arg10[%swap3A_469, %swap3A_470], %swap3A_473 {strides = array<i32>} : memref<128x128xf32, #tpu.memory_space<vmem>>, vector<1x16xf32>,
        %get3A_474 = arith.index_cast %add3A_423 : i32 to index
        %get3A_475 = arith.constant 80 : index
        %get3A_476 = tpu.vector_load %arg10[%get3A_474, %get3A_475] {strides = array<i32>} : memref<128x128xf32, #tpu.memory_space<vmem>>, vector<1x16xf32>,
        %get3A_477 = vector.shape_cast %get3A_476 : vector<1x16xf32> to vector<16xf32>
        %mul3A_478 = arith.mulf %get3A_477, %broadcast_in_dim3A_419 : vector<16xf32>
        %swap3A_479 = arith.index_cast %add3A_423 : i32 to index
        %swap3A_480 = arith.constant 80 : index
        %swap3A_481 = tpu.vector_load %arg10[%swap3A_479, %swap3A_480] {strides = array<i32>} : memref<128x128xf32, #tpu.memory_space<vmem>>, vector<1x16xf32>,
        %swap3A_482 = vector.shape_cast %swap3A_481 : vector<1x16xf32> to vector<16xf32>
        %swap3A_483 = vector.shape_cast %mul3A_478 : vector<16xf32> to vector<1x16xf32>
        tpu.vector_store %arg10[%swap3A_479, %swap3A_480], %swap3A_483 {strides = array<i32>} : memref<128x128xf32, #tpu.memory_space<vmem>>, vector<1x16xf32>,
        %get3A_484 = arith.index_cast %add3A_423 : i32 to index
        %get3A_485 = arith.constant 96 : index
        %get3A_486 = tpu.vector_load %arg10[%get3A_484, %get3A_485] {strides = array<i32>} : memref<128x128xf32, #tpu.memory_space<vmem>>, vector<1x16xf32>,
        %get3A_487 = vector.shape_cast %get3A_486 : vector<1x16xf32> to vector<16xf32>
        %mul3A_488 = arith.mulf %get3A_487, %broadcast_in_dim3A_419 : vector<16xf32>
        %swap3A_489 = arith.index_cast %add3A_423 : i32 to index
        %swap3A_490 = arith.constant 96 : index
        %swap3A_491 = tpu.vector_load %arg10[%swap3A_489, %swap3A_490] {strides = array<i32>} : memref<128x128xf32, #tpu.memory_space<vmem>>, vector<1x16xf32>,
        %swap3A_492 = vector.shape_cast %swap3A_491 : vector<1x16xf32> to vector<16xf32>
        %swap3A_493 = vector.shape_cast %mul3A_488 : vector<16xf32> to vector<1x16xf32>
        tpu.vector_store %arg10[%swap3A_489, %swap3A_490], %swap3A_493 {strides = array<i32>} : memref<128x128xf32, #tpu.memory_space<vmem>>, vector<1x16xf32>,
        %get3A_494 = arith.index_cast %add3A_423 : i32 to index
        %get3A_495 = arith.constant 112 : index
        %get3A_496 = tpu.vector_load %arg10[%get3A_494, %get3A_495] {strides = array<i32>} : memref<128x128xf32, #tpu.memory_space<vmem>>, vector<1x16xf32>,
        %get3A_497 = vector.shape_cast %get3A_496 : vector<1x16xf32> to vector<16xf32>
        %mul3A_498 = arith.mulf %get3A_497, %broadcast_in_dim3A_419 : vector<16xf32>
        %swap3A_499 = arith.index_cast %add3A_423 : i32 to index
        %swap3A_500 = arith.constant 112 : index
        %swap3A_501 = tpu.vector_load %arg10[%swap3A_499, %swap3A_500] {strides = array<i32>} : memref<128x128xf32, #tpu.memory_space<vmem>>, vector<1x16xf32>,
        %swap3A_502 = vector.shape_cast %swap3A_501 : vector<1x16xf32> to vector<16xf32>
        %swap3A_503 = vector.shape_cast %mul3A_498 : vector<16xf32> to vector<1x16xf32>
        tpu.vector_store %arg10[%swap3A_499, %swap3A_500], %swap3A_503 {strides = array<i32>} : memref<128x128xf32, #tpu.memory_space<vmem>>, vector<1x16xf32>,
        %slice3A_504 = vector.extract_strided_slice %get3A_71 {offsets = [5], sizes = [1], strides = [1]} : vector<16xf32> to vector<1xf32>
        %squeeze3A_505 = vector.extract %slice3A_504[0] : f32 from vector<1xf32>
        %broadcast_in_dim3A_506 = vector.broadcast %squeeze3A_505 : f32 to vector<16xf32>
        %mul3A_507 = arith.constant 16 : i32
        %mul3A_508 = arith.muli %scan3A_64, %mul3A_507 : i32
        %add3A_509 = arith.constant 5 : i32
        %add3A_510 = arith.addi %mul3A_508, %add3A_509 : i32
        %get3A_511 = arith.index_cast %add3A_510 : i32 to index
        %get3A_512 = arith.constant 0 : index
        %get3A_513 = tpu.vector_load %arg10[%get3A_511, %get3A_512] {strides = array<i32>} : memref<128x128xf32, #tpu.memory_space<vmem>>, vector<1x16xf32>,
        %get3A_514 = vector.shape_cast %get3A_513 : vector<1x16xf32> to vector<16xf32>
        %mul3A_515 = arith.mulf %get3A_514, %broadcast_in_dim3A_506 : vector<16xf32>
        %swap3A_516 = arith.index_cast %add3A_510 : i32 to index
        %swap3A_517 = arith.constant 0 : index
        %swap3A_518 = tpu.vector_load %arg10[%swap3A_516, %swap3A_517] {strides = array<i32>} : memref<128x128xf32, #tpu.memory_space<vmem>>, vector<1x16xf32>,
        %swap3A_519 = vector.shape_cast %swap3A_518 : vector<1x16xf32> to vector<16xf32>
        %swap3A_520 = vector.shape_cast %mul3A_515 : vector<16xf32> to vector<1x16xf32>
        tpu.vector_store %arg10[%swap3A_516, %swap3A_517], %swap3A_520 {strides = array<i32>} : memref<128x128xf32, #tpu.memory_space<vmem>>, vector<1x16xf32>,
        %get3A_521 = arith.index_cast %add3A_510 : i32 to index
        %get3A_522 = arith.constant 16 : index
        %get3A_523 = tpu.vector_load %arg10[%get3A_521, %get3A_522] {strides = array<i32>} : memref<128x128xf32, #tpu.memory_space<vmem>>, vector<1x16xf32>,
        %get3A_524 = vector.shape_cast %get3A_523 : vector<1x16xf32> to vector<16xf32>
        %mul3A_525 = arith.mulf %get3A_524, %broadcast_in_dim3A_506 : vector<16xf32>
        %swap3A_526 = arith.index_cast %add3A_510 : i32 to index
        %swap3A_527 = arith.constant 16 : index
        %swap3A_528 = tpu.vector_load %arg10[%swap3A_526, %swap3A_527] {strides = array<i32>} : memref<128x128xf32, #tpu.memory_space<vmem>>, vector<1x16xf32>,
        %swap3A_529 = vector.shape_cast %swap3A_528 : vector<1x16xf32> to vector<16xf32>
        %swap3A_530 = vector.shape_cast %mul3A_525 : vector<16xf32> to vector<1x16xf32>
        tpu.vector_store %arg10[%swap3A_526, %swap3A_527], %swap3A_530 {strides = array<i32>} : memref<128x128xf32, #tpu.memory_space<vmem>>, vector<1x16xf32>,
        %get3A_531 = arith.index_cast %add3A_510 : i32 to index
        %get3A_532 = arith.constant 32 : index
        %get3A_533 = tpu.vector_load %arg10[%get3A_531, %get3A_532] {strides = array<i32>} : memref<128x128xf32, #tpu.memory_space<vmem>>, vector<1x16xf32>,
        %get3A_534 = vector.shape_cast %get3A_533 : vector<1x16xf32> to vector<16xf32>
        %mul3A_535 = arith.mulf %get3A_534, %broadcast_in_dim3A_506 : vector<16xf32>
        %swap3A_536 = arith.index_cast %add3A_510 : i32 to index
        %swap3A_537 = arith.constant 32 : index
        %swap3A_538 = tpu.vector_load %arg10[%swap3A_536, %swap3A_537] {strides = array<i32>} : memref<128x128xf32, #tpu.memory_space<vmem>>, vector<1x16xf32>,
        %swap3A_539 = vector.shape_cast %swap3A_538 : vector<1x16xf32> to vector<16xf32>
        %swap3A_540 = vector.shape_cast %mul3A_535 : vector<16xf32> to vector<1x16xf32>
        tpu.vector_store %arg10[%swap3A_536, %swap3A_537], %swap3A_540 {strides = array<i32>} : memref<128x128xf32, #tpu.memory_space<vmem>>, vector<1x16xf32>,
        %get3A_541 = arith.index_cast %add3A_510 : i32 to index
        %get3A_542 = arith.constant 48 : index
        %get3A_543 = tpu.vector_load %arg10[%get3A_541, %get3A_542] {strides = array<i32>} : memref<128x128xf32, #tpu.memory_space<vmem>>, vector<1x16xf32>,
        %get3A_544 = vector.shape_cast %get3A_543 : vector<1x16xf32> to vector<16xf32>
        %mul3A_545 = arith.mulf %get3A_544, %broadcast_in_dim3A_506 : vector<16xf32>
        %swap3A_546 = arith.index_cast %add3A_510 : i32 to index
        %swap3A_547 = arith.constant 48 : index
        %swap3A_548 = tpu.vector_load %arg10[%swap3A_546, %swap3A_547] {strides = array<i32>} : memref<128x128xf32, #tpu.memory_space<vmem>>, vector<1x16xf32>,
        %swap3A_549 = vector.shape_cast %swap3A_548 : vector<1x16xf32> to vector<16xf32>
        %swap3A_550 = vector.shape_cast %mul3A_545 : vector<16xf32> to vector<1x16xf32>
        tpu.vector_store %arg10[%swap3A_546, %swap3A_547], %swap3A_550 {strides = array<i32>} : memref<128x128xf32, #tpu.memory_space<vmem>>, vector<1x16xf32>,
        %get3A_551 = arith.index_cast %add3A_510 : i32 to index
        %get3A_552 = arith.constant 64 : index
        %get3A_553 = tpu.vector_load %arg10[%get3A_551, %get3A_552] {strides = array<i32>} : memref<128x128xf32, #tpu.memory_space<vmem>>, vector<1x16xf32>,
        %get3A_554 = vector.shape_cast %get3A_553 : vector<1x16xf32> to vector<16xf32>
        %mul3A_555 = arith.mulf %get3A_554, %broadcast_in_dim3A_506 : vector<16xf32>
        %swap3A_556 = arith.index_cast %add3A_510 : i32 to index
        %swap3A_557 = arith.constant 64 : index
        %swap3A_558 = tpu.vector_load %arg10[%swap3A_556, %swap3A_557] {strides = array<i32>} : memref<128x128xf32, #tpu.memory_space<vmem>>, vector<1x16xf32>,
        %swap3A_559 = vector.shape_cast %swap3A_558 : vector<1x16xf32> to vector<16xf32>
        %swap3A_560 = vector.shape_cast %mul3A_555 : vector<16xf32> to vector<1x16xf32>
        tpu.vector_store %arg10[%swap3A_556, %swap3A_557], %swap3A_560 {strides = array<i32>} : memref<128x128xf32, #tpu.memory_space<vmem>>, vector<1x16xf32>,
        %get3A_561 = arith.index_cast %add3A_510 : i32 to index
        %get3A_562 = arith.constant 80 : index
        %get3A_563 = tpu.vector_load %arg10[%get3A_561, %get3A_562] {strides = array<i32>} : memref<128x128xf32, #tpu.memory_space<vmem>>, vector<1x16xf32>,
        %get3A_564 = vector.shape_cast %get3A_563 : vector<1x16xf32> to vector<16xf32>
        %mul3A_565 = arith.mulf %get3A_564, %broadcast_in_dim3A_506 : vector<16xf32>
        %swap3A_566 = arith.index_cast %add3A_510 : i32 to index
        %swap3A_567 = arith.constant 80 : index
        %swap3A_568 = tpu.vector_load %arg10[%swap3A_566, %swap3A_567] {strides = array<i32>} : memref<128x128xf32, #tpu.memory_space<vmem>>, vector<1x16xf32>,
        %swap3A_569 = vector.shape_cast %swap3A_568 : vector<1x16xf32> to vector<16xf32>
        %swap3A_570 = vector.shape_cast %mul3A_565 : vector<16xf32> to vector<1x16xf32>
        tpu.vector_store %arg10[%swap3A_566, %swap3A_567], %swap3A_570 {strides = array<i32>} : memref<128x128xf32, #tpu.memory_space<vmem>>, vector<1x16xf32>,
        %get3A_571 = arith.index_cast %add3A_510 : i32 to index
        %get3A_572 = arith.constant 96 : index
        %get3A_573 = tpu.vector_load %arg10[%get3A_571, %get3A_572] {strides = array<i32>} : memref<128x128xf32, #tpu.memory_space<vmem>>, vector<1x16xf32>,
        %get3A_574 = vector.shape_cast %get3A_573 : vector<1x16xf32> to vector<16xf32>
        %mul3A_575 = arith.mulf %get3A_574, %broadcast_in_dim3A_506 : vector<16xf32>
        %swap3A_576 = arith.index_cast %add3A_510 : i32 to index
        %swap3A_577 = arith.constant 96 : index
        %swap3A_578 = tpu.vector_load %arg10[%swap3A_576, %swap3A_577] {strides = array<i32>} : memref<128x128xf32, #tpu.memory_space<vmem>>, vector<1x16xf32>,
        %swap3A_579 = vector.shape_cast %swap3A_578 : vector<1x16xf32> to vector<16xf32>
        %swap3A_580 = vector.shape_cast %mul3A_575 : vector<16xf32> to vector<1x16xf32>
        tpu.vector_store %arg10[%swap3A_576, %swap3A_577], %swap3A_580 {strides = array<i32>} : memref<128x128xf32, #tpu.memory_space<vmem>>, vector<1x16xf32>,
        %get3A_581 = arith.index_cast %add3A_510 : i32 to index
        %get3A_582 = arith.constant 112 : index
        %get3A_583 = tpu.vector_load %arg10[%get3A_581, %get3A_582] {strides = array<i32>} : memref<128x128xf32, #tpu.memory_space<vmem>>, vector<1x16xf32>,
        %get3A_584 = vector.shape_cast %get3A_583 : vector<1x16xf32> to vector<16xf32>
        %mul3A_585 = arith.mulf %get3A_584, %broadcast_in_dim3A_506 : vector<16xf32>
        %swap3A_586 = arith.index_cast %add3A_510 : i32 to index
        %swap3A_587 = arith.constant 112 : index
        %swap3A_588 = tpu.vector_load %arg10[%swap3A_586, %swap3A_587] {strides = array<i32>} : memref<128x128xf32, #tpu.memory_space<vmem>>, vector<1x16xf32>,
        %swap3A_589 = vector.shape_cast %swap3A_588 : vector<1x16xf32> to vector<16xf32>
        %swap3A_590 = vector.shape_cast %mul3A_585 : vector<16xf32> to vector<1x16xf32>
        tpu.vector_store %arg10[%swap3A_586, %swap3A_587], %swap3A_590 {strides = array<i32>} : memref<128x128xf32, #tpu.memory_space<vmem>>, vector<1x16xf32>,
        %slice3A_591 = vector.extract_strided_slice %get3A_71 {offsets = [6], sizes = [1], strides = [1]} : vector<16xf32> to vector<1xf32>
        %squeeze3A_592 = vector.extract %slice3A_591[0] : f32 from vector<1xf32>
        %broadcast_in_dim3A_593 = vector.broadcast %squeeze3A_592 : f32 to vector<16xf32>
        %mul3A_594 = arith.constant 16 : i32
        %mul3A_595 = arith.muli %scan3A_64, %mul3A_594 : i32
        %add3A_596 = arith.constant 6 : i32
        %add3A_597 = arith.addi %mul3A_595, %add3A_596 : i32
        %get3A_598 = arith.index_cast %add3A_597 : i32 to index
        %get3A_599 = arith.constant 0 : index
        %get3A_600 = tpu.vector_load %arg10[%get3A_598, %get3A_599] {strides = array<i32>} : memref<128x128xf32, #tpu.memory_space<vmem>>, vector<1x16xf32>,
        %get3A_601 = vector.shape_cast %get3A_600 : vector<1x16xf32> to vector<16xf32>
        %mul3A_602 = arith.mulf %get3A_601, %broadcast_in_dim3A_593 : vector<16xf32>
        %swap3A_603 = arith.index_cast %add3A_597 : i32 to index
        %swap3A_604 = arith.constant 0 : index
        %swap3A_605 = tpu.vector_load %arg10[%swap3A_603, %swap3A_604] {strides = array<i32>} : memref<128x128xf32, #tpu.memory_space<vmem>>, vector<1x16xf32>,
        %swap3A_606 = vector.shape_cast %swap3A_605 : vector<1x16xf32> to vector<16xf32>
        %swap3A_607 = vector.shape_cast %mul3A_602 : vector<16xf32> to vector<1x16xf32>
        tpu.vector_store %arg10[%swap3A_603, %swap3A_604], %swap3A_607 {strides = array<i32>} : memref<128x128xf32, #tpu.memory_space<vmem>>, vector<1x16xf32>,
        %get3A_608 = arith.index_cast %add3A_597 : i32 to index
        %get3A_609 = arith.constant 16 : index
        %get3A_610 = tpu.vector_load %arg10[%get3A_608, %get3A_609] {strides = array<i32>} : memref<128x128xf32, #tpu.memory_space<vmem>>, vector<1x16xf32>,
        %get3A_611 = vector.shape_cast %get3A_610 : vector<1x16xf32> to vector<16xf32>
        %mul3A_612 = arith.mulf %get3A_611, %broadcast_in_dim3A_593 : vector<16xf32>
        %swap3A_613 = arith.index_cast %add3A_597 : i32 to index
        %swap3A_614 = arith.constant 16 : index
        %swap3A_615 = tpu.vector_load %arg10[%swap3A_613, %swap3A_614] {strides = array<i32>} : memref<128x128xf32, #tpu.memory_space<vmem>>, vector<1x16xf32>,
        %swap3A_616 = vector.shape_cast %swap3A_615 : vector<1x16xf32> to vector<16xf32>
        %swap3A_617 = vector.shape_cast %mul3A_612 : vector<16xf32> to vector<1x16xf32>
        tpu.vector_store %arg10[%swap3A_613, %swap3A_614], %swap3A_617 {strides = array<i32>} : memref<128x128xf32, #tpu.memory_space<vmem>>, vector<1x16xf32>,
        %get3A_618 = arith.index_cast %add3A_597 : i32 to index
        %get3A_619 = arith.constant 32 : index
        %get3A_620 = tpu.vector_load %arg10[%get3A_618, %get3A_619] {strides = array<i32>} : memref<128x128xf32, #tpu.memory_space<vmem>>, vector<1x16xf32>,
        %get3A_621 = vector.shape_cast %get3A_620 : vector<1x16xf32> to vector<16xf32>
        %mul3A_622 = arith.mulf %get3A_621, %broadcast_in_dim3A_593 : vector<16xf32>
        %swap3A_623 = arith.index_cast %add3A_597 : i32 to index
        %swap3A_624 = arith.constant 32 : index
        %swap3A_625 = tpu.vector_load %arg10[%swap3A_623, %swap3A_624] {strides = array<i32>} : memref<128x128xf32, #tpu.memory_space<vmem>>, vector<1x16xf32>,
        %swap3A_626 = vector.shape_cast %swap3A_625 : vector<1x16xf32> to vector<16xf32>
        %swap3A_627 = vector.shape_cast %mul3A_622 : vector<16xf32> to vector<1x16xf32>
        tpu.vector_store %arg10[%swap3A_623, %swap3A_624], %swap3A_627 {strides = array<i32>} : memref<128x128xf32, #tpu.memory_space<vmem>>, vector<1x16xf32>,
        %get3A_628 = arith.index_cast %add3A_597 : i32 to index
        %get3A_629 = arith.constant 48 : index
        %get3A_630 = tpu.vector_load %arg10[%get3A_628, %get3A_629] {strides = array<i32>} : memref<128x128xf32, #tpu.memory_space<vmem>>, vector<1x16xf32>,
        %get3A_631 = vector.shape_cast %get3A_630 : vector<1x16xf32> to vector<16xf32>
        %mul3A_632 = arith.mulf %get3A_631, %broadcast_in_dim3A_593 : vector<16xf32>
        %swap3A_633 = arith.index_cast %add3A_597 : i32 to index
        %swap3A_634 = arith.constant 48 : index
        %swap3A_635 = tpu.vector_load %arg10[%swap3A_633, %swap3A_634] {strides = array<i32>} : memref<128x128xf32, #tpu.memory_space<vmem>>, vector<1x16xf32>,
        %swap3A_636 = vector.shape_cast %swap3A_635 : vector<1x16xf32> to vector<16xf32>
        %swap3A_637 = vector.shape_cast %mul3A_632 : vector<16xf32> to vector<1x16xf32>
        tpu.vector_store %arg10[%swap3A_633, %swap3A_634], %swap3A_637 {strides = array<i32>} : memref<128x128xf32, #tpu.memory_space<vmem>>, vector<1x16xf32>,
        %get3A_638 = arith.index_cast %add3A_597 : i32 to index
        %get3A_639 = arith.constant 64 : index
        %get3A_640 = tpu.vector_load %arg10[%get3A_638, %get3A_639] {strides = array<i32>} : memref<128x128xf32, #tpu.memory_space<vmem>>, vector<1x16xf32>,
        %get3A_641 = vector.shape_cast %get3A_640 : vector<1x16xf32> to vector<16xf32>
        %mul3A_642 = arith.mulf %get3A_641, %broadcast_in_dim3A_593 : vector<16xf32>
        %swap3A_643 = arith.index_cast %add3A_597 : i32 to index
        %swap3A_644 = arith.constant 64 : index
        %swap3A_645 = tpu.vector_load %arg10[%swap3A_643, %swap3A_644] {strides = array<i32>} : memref<128x128xf32, #tpu.memory_space<vmem>>, vector<1x16xf32>,
        %swap3A_646 = vector.shape_cast %swap3A_645 : vector<1x16xf32> to vector<16xf32>
        %swap3A_647 = vector.shape_cast %mul3A_642 : vector<16xf32> to vector<1x16xf32>
        tpu.vector_store %arg10[%swap3A_643, %swap3A_644], %swap3A_647 {strides = array<i32>} : memref<128x128xf32, #tpu.memory_space<vmem>>, vector<1x16xf32>,
        %get3A_648 = arith.index_cast %add3A_597 : i32 to index
        %get3A_649 = arith.constant 80 : index
        %get3A_650 = tpu.vector_load %arg10[%get3A_648, %get3A_649] {strides = array<i32>} : memref<128x128xf32, #tpu.memory_space<vmem>>, vector<1x16xf32>,
        %get3A_651 = vector.shape_cast %get3A_650 : vector<1x16xf32> to vector<16xf32>
        %mul3A_652 = arith.mulf %get3A_651, %broadcast_in_dim3A_593 : vector<16xf32>
        %swap3A_653 = arith.index_cast %add3A_597 : i32 to index
        %swap3A_654 = arith.constant 80 : index
        %swap3A_655 = tpu.vector_load %arg10[%swap3A_653, %swap3A_654] {strides = array<i32>} : memref<128x128xf32, #tpu.memory_space<vmem>>, vector<1x16xf32>,
        %swap3A_656 = vector.shape_cast %swap3A_655 : vector<1x16xf32> to vector<16xf32>
        %swap3A_657 = vector.shape_cast %mul3A_652 : vector<16xf32> to vector<1x16xf32>
        tpu.vector_store %arg10[%swap3A_653, %swap3A_654], %swap3A_657 {strides = array<i32>} : memref<128x128xf32, #tpu.memory_space<vmem>>, vector<1x16xf32>,
        %get3A_658 = arith.index_cast %add3A_597 : i32 to index
        %get3A_659 = arith.constant 96 : index
        %get3A_660 = tpu.vector_load %arg10[%get3A_658, %get3A_659] {strides = array<i32>} : memref<128x128xf32, #tpu.memory_space<vmem>>, vector<1x16xf32>,
        %get3A_661 = vector.shape_cast %get3A_660 : vector<1x16xf32> to vector<16xf32>
        %mul3A_662 = arith.mulf %get3A_661, %broadcast_in_dim3A_593 : vector<16xf32>
        %swap3A_663 = arith.index_cast %add3A_597 : i32 to index
        %swap3A_664 = arith.constant 96 : index
        %swap3A_665 = tpu.vector_load %arg10[%swap3A_663, %swap3A_664] {strides = array<i32>} : memref<128x128xf32, #tpu.memory_space<vmem>>, vector<1x16xf32>,
        %swap3A_666 = vector.shape_cast %swap3A_665 : vector<1x16xf32> to vector<16xf32>
        %swap3A_667 = vector.shape_cast %mul3A_662 : vector<16xf32> to vector<1x16xf32>
        tpu.vector_store %arg10[%swap3A_663, %swap3A_664], %swap3A_667 {strides = array<i32>} : memref<128x128xf32, #tpu.memory_space<vmem>>, vector<1x16xf32>,
        %get3A_668 = arith.index_cast %add3A_597 : i32 to index
        %get3A_669 = arith.constant 112 : index
        %get3A_670 = tpu.vector_load %arg10[%get3A_668, %get3A_669] {strides = array<i32>} : memref<128x128xf32, #tpu.memory_space<vmem>>, vector<1x16xf32>,
        %get3A_671 = vector.shape_cast %get3A_670 : vector<1x16xf32> to vector<16xf32>
        %mul3A_672 = arith.mulf %get3A_671, %broadcast_in_dim3A_593 : vector<16xf32>
        %swap3A_673 = arith.index_cast %add3A_597 : i32 to index
        %swap3A_674 = arith.constant 112 : index
        %swap3A_675 = tpu.vector_load %arg10[%swap3A_673, %swap3A_674] {strides = array<i32>} : memref<128x128xf32, #tpu.memory_space<vmem>>, vector<1x16xf32>,
        %swap3A_676 = vector.shape_cast %swap3A_675 : vector<1x16xf32> to vector<16xf32>
        %swap3A_677 = vector.shape_cast %mul3A_672 : vector<16xf32> to vector<1x16xf32>
        tpu.vector_store %arg10[%swap3A_673, %swap3A_674], %swap3A_677 {strides = array<i32>} : memref<128x128xf32, #tpu.memory_space<vmem>>, vector<1x16xf32>,
        %slice3A_678 = vector.extract_strided_slice %get3A_71 {offsets = [7], sizes = [1], strides = [1]} : vector<16xf32> to vector<1xf32>
        %squeeze3A_679 = vector.extract %slice3A_678[0] : f32 from vector<1xf32>
        %broadcast_in_dim3A_680 = vector.broadcast %squeeze3A_679 : f32 to vector<16xf32>
        %mul3A_681 = arith.constant 16 : i32
        %mul3A_682 = arith.muli %scan3A_64, %mul3A_681 : i32
        %add3A_683 = arith.constant 7 : i32
        %add3A_684 = arith.addi %mul3A_682, %add3A_683 : i32
        %get3A_685 = arith.index_cast %add3A_684 : i32 to index
        %get3A_686 = arith.constant 0 : index
        %get3A_687 = tpu.vector_load %arg10[%get3A_685, %get3A_686] {strides = array<i32>} : memref<128x128xf32, #tpu.memory_space<vmem>>, vector<1x16xf32>,
        %get3A_688 = vector.shape_cast %get3A_687 : vector<1x16xf32> to vector<16xf32>
        %mul3A_689 = arith.mulf %get3A_688, %broadcast_in_dim3A_680 : vector<16xf32>
        %swap3A_690 = arith.index_cast %add3A_684 : i32 to index
        %swap3A_691 = arith.constant 0 : index
        %swap3A_692 = tpu.vector_load %arg10[%swap3A_690, %swap3A_691] {strides = array<i32>} : memref<128x128xf32, #tpu.memory_space<vmem>>, vector<1x16xf32>,
        %swap3A_693 = vector.shape_cast %swap3A_692 : vector<1x16xf32> to vector<16xf32>
        %swap3A_694 = vector.shape_cast %mul3A_689 : vector<16xf32> to vector<1x16xf32>
        tpu.vector_store %arg10[%swap3A_690, %swap3A_691], %swap3A_694 {strides = array<i32>} : memref<128x128xf32, #tpu.memory_space<vmem>>, vector<1x16xf32>,
        %get3A_695 = arith.index_cast %add3A_684 : i32 to index
        %get3A_696 = arith.constant 16 : index
        %get3A_697 = tpu.vector_load %arg10[%get3A_695, %get3A_696] {strides = array<i32>} : memref<128x128xf32, #tpu.memory_space<vmem>>, vector<1x16xf32>,
        %get3A_698 = vector.shape_cast %get3A_697 : vector<1x16xf32> to vector<16xf32>
        %mul3A_699 = arith.mulf %get3A_698, %broadcast_in_dim3A_680 : vector<16xf32>
        %swap3A_700 = arith.index_cast %add3A_684 : i32 to index
        %swap3A_701 = arith.constant 16 : index
        %swap3A_702 = tpu.vector_load %arg10[%swap3A_700, %swap3A_701] {strides = array<i32>} : memref<128x128xf32, #tpu.memory_space<vmem>>, vector<1x16xf32>,
        %swap3A_703 = vector.shape_cast %swap3A_702 : vector<1x16xf32> to vector<16xf32>
        %swap3A_704 = vector.shape_cast %mul3A_699 : vector<16xf32> to vector<1x16xf32>
        tpu.vector_store %arg10[%swap3A_700, %swap3A_701], %swap3A_704 {strides = array<i32>} : memref<128x128xf32, #tpu.memory_space<vmem>>, vector<1x16xf32>,
        %get3A_705 = arith.index_cast %add3A_684 : i32 to index
        %get3A_706 = arith.constant 32 : index
        %get3A_707 = tpu.vector_load %arg10[%get3A_705, %get3A_706] {strides = array<i32>} : memref<128x128xf32, #tpu.memory_space<vmem>>, vector<1x16xf32>,
        %get3A_708 = vector.shape_cast %get3A_707 : vector<1x16xf32> to vector<16xf32>
        %mul3A_709 = arith.mulf %get3A_708, %broadcast_in_dim3A_680 : vector<16xf32>
        %swap3A_710 = arith.index_cast %add3A_684 : i32 to index
        %swap3A_711 = arith.constant 32 : index
        %swap3A_712 = tpu.vector_load %arg10[%swap3A_710, %swap3A_711] {strides = array<i32>} : memref<128x128xf32, #tpu.memory_space<vmem>>, vector<1x16xf32>,
        %swap3A_713 = vector.shape_cast %swap3A_712 : vector<1x16xf32> to vector<16xf32>
        %swap3A_714 = vector.shape_cast %mul3A_709 : vector<16xf32> to vector<1x16xf32>
        tpu.vector_store %arg10[%swap3A_710, %swap3A_711], %swap3A_714 {strides = array<i32>} : memref<128x128xf32, #tpu.memory_space<vmem>>, vector<1x16xf32>,
        %get3A_715 = arith.index_cast %add3A_684 : i32 to index
        %get3A_716 = arith.constant 48 : index
        %get3A_717 = tpu.vector_load %arg10[%get3A_715, %get3A_716] {strides = array<i32>} : memref<128x128xf32, #tpu.memory_space<vmem>>, vector<1x16xf32>,
        %get3A_718 = vector.shape_cast %get3A_717 : vector<1x16xf32> to vector<16xf32>
        %mul3A_719 = arith.mulf %get3A_718, %broadcast_in_dim3A_680 : vector<16xf32>
        %swap3A_720 = arith.index_cast %add3A_684 : i32 to index
        %swap3A_721 = arith.constant 48 : index
        %swap3A_722 = tpu.vector_load %arg10[%swap3A_720, %swap3A_721] {strides = array<i32>} : memref<128x128xf32, #tpu.memory_space<vmem>>, vector<1x16xf32>,
        %swap3A_723 = vector.shape_cast %swap3A_722 : vector<1x16xf32> to vector<16xf32>
        %swap3A_724 = vector.shape_cast %mul3A_719 : vector<16xf32> to vector<1x16xf32>
        tpu.vector_store %arg10[%swap3A_720, %swap3A_721], %swap3A_724 {strides = array<i32>} : memref<128x128xf32, #tpu.memory_space<vmem>>, vector<1x16xf32>,
        %get3A_725 = arith.index_cast %add3A_684 : i32 to index
        %get3A_726 = arith.constant 64 : index
        %get3A_727 = tpu.vector_load %arg10[%get3A_725, %get3A_726] {strides = array<i32>} : memref<128x128xf32, #tpu.memory_space<vmem>>, vector<1x16xf32>,
        %get3A_728 = vector.shape_cast %get3A_727 : vector<1x16xf32> to vector<16xf32>
        %mul3A_729 = arith.mulf %get3A_728, %broadcast_in_dim3A_680 : vector<16xf32>
        %swap3A_730 = arith.index_cast %add3A_684 : i32 to index
        %swap3A_731 = arith.constant 64 : index
        %swap3A_732 = tpu.vector_load %arg10[%swap3A_730, %swap3A_731] {strides = array<i32>} : memref<128x128xf32, #tpu.memory_space<vmem>>, vector<1x16xf32>,
        %swap3A_733 = vector.shape_cast %swap3A_732 : vector<1x16xf32> to vector<16xf32>
        %swap3A_734 = vector.shape_cast %mul3A_729 : vector<16xf32> to vector<1x16xf32>
        tpu.vector_store %arg10[%swap3A_730, %swap3A_731], %swap3A_734 {strides = array<i32>} : memref<128x128xf32, #tpu.memory_space<vmem>>, vector<1x16xf32>,
        %get3A_735 = arith.index_cast %add3A_684 : i32 to index
        %get3A_736 = arith.constant 80 : index
        %get3A_737 = tpu.vector_load %arg10[%get3A_735, %get3A_736] {strides = array<i32>} : memref<128x128xf32, #tpu.memory_space<vmem>>, vector<1x16xf32>,
        %get3A_738 = vector.shape_cast %get3A_737 : vector<1x16xf32> to vector<16xf32>
        %mul3A_739 = arith.mulf %get3A_738, %broadcast_in_dim3A_680 : vector<16xf32>
        %swap3A_740 = arith.index_cast %add3A_684 : i32 to index
        %swap3A_741 = arith.constant 80 : index
        %swap3A_742 = tpu.vector_load %arg10[%swap3A_740, %swap3A_741] {strides = array<i32>} : memref<128x128xf32, #tpu.memory_space<vmem>>, vector<1x16xf32>,
        %swap3A_743 = vector.shape_cast %swap3A_742 : vector<1x16xf32> to vector<16xf32>
        %swap3A_744 = vector.shape_cast %mul3A_739 : vector<16xf32> to vector<1x16xf32>
        tpu.vector_store %arg10[%swap3A_740, %swap3A_741], %swap3A_744 {strides = array<i32>} : memref<128x128xf32, #tpu.memory_space<vmem>>, vector<1x16xf32>,
        %get3A_745 = arith.index_cast %add3A_684 : i32 to index
        %get3A_746 = arith.constant 96 : index
        %get3A_747 = tpu.vector_load %arg10[%get3A_745, %get3A_746] {strides = array<i32>} : memref<128x128xf32, #tpu.memory_space<vmem>>, vector<1x16xf32>,
        %get3A_748 = vector.shape_cast %get3A_747 : vector<1x16xf32> to vector<16xf32>
        %mul3A_749 = arith.mulf %get3A_748, %broadcast_in_dim3A_680 : vector<16xf32>
        %swap3A_750 = arith.index_cast %add3A_684 : i32 to index
        %swap3A_751 = arith.constant 96 : index
        %swap3A_752 = tpu.vector_load %arg10[%swap3A_750, %swap3A_751] {strides = array<i32>} : memref<128x128xf32, #tpu.memory_space<vmem>>, vector<1x16xf32>,
        %swap3A_753 = vector.shape_cast %swap3A_752 : vector<1x16xf32> to vector<16xf32>
        %swap3A_754 = vector.shape_cast %mul3A_749 : vector<16xf32> to vector<1x16xf32>
        tpu.vector_store %arg10[%swap3A_750, %swap3A_751], %swap3A_754 {strides = array<i32>} : memref<128x128xf32, #tpu.memory_space<vmem>>, vector<1x16xf32>,
        %get3A_755 = arith.index_cast %add3A_684 : i32 to index
        %get3A_756 = arith.constant 112 : index
        %get3A_757 = tpu.vector_load %arg10[%get3A_755, %get3A_756] {strides = array<i32>} : memref<128x128xf32, #tpu.memory_space<vmem>>, vector<1x16xf32>,
        %get3A_758 = vector.shape_cast %get3A_757 : vector<1x16xf32> to vector<16xf32>
        %mul3A_759 = arith.mulf %get3A_758, %broadcast_in_dim3A_680 : vector<16xf32>
        %swap3A_760 = arith.index_cast %add3A_684 : i32 to index
        %swap3A_761 = arith.constant 112 : index
        %swap3A_762 = tpu.vector_load %arg10[%swap3A_760, %swap3A_761] {strides = array<i32>} : memref<128x128xf32, #tpu.memory_space<vmem>>, vector<1x16xf32>,
        %swap3A_763 = vector.shape_cast %swap3A_762 : vector<1x16xf32> to vector<16xf32>
        %swap3A_764 = vector.shape_cast %mul3A_759 : vector<16xf32> to vector<1x16xf32>
        tpu.vector_store %arg10[%swap3A_760, %swap3A_761], %swap3A_764 {strides = array<i32>} : memref<128x128xf32, #tpu.memory_space<vmem>>, vector<1x16xf32>,
        %slice3A_765 = vector.extract_strided_slice %get3A_71 {offsets = [8], sizes = [1], strides = [1]} : vector<16xf32> to vector<1xf32>
        %squeeze3A_766 = vector.extract %slice3A_765[0] : f32 from vector<1xf32>
        %broadcast_in_dim3A_767 = vector.broadcast %squeeze3A_766 : f32 to vector<16xf32>
        %mul3A_768 = arith.constant 16 : i32
        %mul3A_769 = arith.muli %scan3A_64, %mul3A_768 : i32
        %add3A_770 = arith.constant 8 : i32
        %add3A_771 = arith.addi %mul3A_769, %add3A_770 : i32
        %get3A_772 = arith.index_cast %add3A_771 : i32 to index
        %get3A_773 = arith.constant 0 : index
        %get3A_774 = tpu.vector_load %arg10[%get3A_772, %get3A_773] {strides = array<i32>} : memref<128x128xf32, #tpu.memory_space<vmem>>, vector<1x16xf32>,
        %get3A_775 = vector.shape_cast %get3A_774 : vector<1x16xf32> to vector<16xf32>
        %mul3A_776 = arith.mulf %get3A_775, %broadcast_in_dim3A_767 : vector<16xf32>
        %swap3A_777 = arith.index_cast %add3A_771 : i32 to index
        %swap3A_778 = arith.constant 0 : index
        %swap3A_779 = tpu.vector_load %arg10[%swap3A_777, %swap3A_778] {strides = array<i32>} : memref<128x128xf32, #tpu.memory_space<vmem>>, vector<1x16xf32>,
        %swap3A_780 = vector.shape_cast %swap3A_779 : vector<1x16xf32> to vector<16xf32>
        %swap3A_781 = vector.shape_cast %mul3A_776 : vector<16xf32> to vector<1x16xf32>
        tpu.vector_store %arg10[%swap3A_777, %swap3A_778], %swap3A_781 {strides = array<i32>} : memref<128x128xf32, #tpu.memory_space<vmem>>, vector<1x16xf32>,
        %get3A_782 = arith.index_cast %add3A_771 : i32 to index
        %get3A_783 = arith.constant 16 : index
        %get3A_784 = tpu.vector_load %arg10[%get3A_782, %get3A_783] {strides = array<i32>} : memref<128x128xf32, #tpu.memory_space<vmem>>, vector<1x16xf32>,
        %get3A_785 = vector.shape_cast %get3A_784 : vector<1x16xf32> to vector<16xf32>
        %mul3A_786 = arith.mulf %get3A_785, %broadcast_in_dim3A_767 : vector<16xf32>
        %swap3A_787 = arith.index_cast %add3A_771 : i32 to index
        %swap3A_788 = arith.constant 16 : index
        %swap3A_789 = tpu.vector_load %arg10[%swap3A_787, %swap3A_788] {strides = array<i32>} : memref<128x128xf32, #tpu.memory_space<vmem>>, vector<1x16xf32>,
        %swap3A_790 = vector.shape_cast %swap3A_789 : vector<1x16xf32> to vector<16xf32>
        %swap3A_791 = vector.shape_cast %mul3A_786 : vector<16xf32> to vector<1x16xf32>
        tpu.vector_store %arg10[%swap3A_787, %swap3A_788], %swap3A_791 {strides = array<i32>} : memref<128x128xf32, #tpu.memory_space<vmem>>, vector<1x16xf32>,
        %get3A_792 = arith.index_cast %add3A_771 : i32 to index
        %get3A_793 = arith.constant 32 : index
        %get3A_794 = tpu.vector_load %arg10[%get3A_792, %get3A_793] {strides = array<i32>} : memref<128x128xf32, #tpu.memory_space<vmem>>, vector<1x16xf32>,
        %get3A_795 = vector.shape_cast %get3A_794 : vector<1x16xf32> to vector<16xf32>
        %mul3A_796 = arith.mulf %get3A_795, %broadcast_in_dim3A_767 : vector<16xf32>
        %swap3A_797 = arith.index_cast %add3A_771 : i32 to index
        %swap3A_798 = arith.constant 32 : index
        %swap3A_799 = tpu.vector_load %arg10[%swap3A_797, %swap3A_798] {strides = array<i32>} : memref<128x128xf32, #tpu.memory_space<vmem>>, vector<1x16xf32>,
        %swap3A_800 = vector.shape_cast %swap3A_799 : vector<1x16xf32> to vector<16xf32>
        %swap3A_801 = vector.shape_cast %mul3A_796 : vector<16xf32> to vector<1x16xf32>
        tpu.vector_store %arg10[%swap3A_797, %swap3A_798], %swap3A_801 {strides = array<i32>} : memref<128x128xf32, #tpu.memory_space<vmem>>, vector<1x16xf32>,
        %get3A_802 = arith.index_cast %add3A_771 : i32 to index
        %get3A_803 = arith.constant 48 : index
        %get3A_804 = tpu.vector_load %arg10[%get3A_802, %get3A_803] {strides = array<i32>} : memref<128x128xf32, #tpu.memory_space<vmem>>, vector<1x16xf32>,
        %get3A_805 = vector.shape_cast %get3A_804 : vector<1x16xf32> to vector<16xf32>
        %mul3A_806 = arith.mulf %get3A_805, %broadcast_in_dim3A_767 : vector<16xf32>
        %swap3A_807 = arith.index_cast %add3A_771 : i32 to index
        %swap3A_808 = arith.constant 48 : index
        %swap3A_809 = tpu.vector_load %arg10[%swap3A_807, %swap3A_808] {strides = array<i32>} : memref<128x128xf32, #tpu.memory_space<vmem>>, vector<1x16xf32>,
        %swap3A_810 = vector.shape_cast %swap3A_809 : vector<1x16xf32> to vector<16xf32>
        %swap3A_811 = vector.shape_cast %mul3A_806 : vector<16xf32> to vector<1x16xf32>
        tpu.vector_store %arg10[%swap3A_807, %swap3A_808], %swap3A_811 {strides = array<i32>} : memref<128x128xf32, #tpu.memory_space<vmem>>, vector<1x16xf32>,
        %get3A_812 = arith.index_cast %add3A_771 : i32 to index
        %get3A_813 = arith.constant 64 : index
        %get3A_814 = tpu.vector_load %arg10[%get3A_812, %get3A_813] {strides = array<i32>} : memref<128x128xf32, #tpu.memory_space<vmem>>, vector<1x16xf32>,
        %get3A_815 = vector.shape_cast %get3A_814 : vector<1x16xf32> to vector<16xf32>
        %mul3A_816 = arith.mulf %get3A_815, %broadcast_in_dim3A_767 : vector<16xf32>
        %swap3A_817 = arith.index_cast %add3A_771 : i32 to index
        %swap3A_818 = arith.constant 64 : index
        %swap3A_819 = tpu.vector_load %arg10[%swap3A_817, %swap3A_818] {strides = array<i32>} : memref<128x128xf32, #tpu.memory_space<vmem>>, vector<1x16xf32>,
        %swap3A_820 = vector.shape_cast %swap3A_819 : vector<1x16xf32> to vector<16xf32>
        %swap3A_821 = vector.shape_cast %mul3A_816 : vector<16xf32> to vector<1x16xf32>
        tpu.vector_store %arg10[%swap3A_817, %swap3A_818], %swap3A_821 {strides = array<i32>} : memref<128x128xf32, #tpu.memory_space<vmem>>, vector<1x16xf32>,
        %get3A_822 = arith.index_cast %add3A_771 : i32 to index
        %get3A_823 = arith.constant 80 : index
        %get3A_824 = tpu.vector_load %arg10[%get3A_822, %get3A_823] {strides = array<i32>} : memref<128x128xf32, #tpu.memory_space<vmem>>, vector<1x16xf32>,
        %get3A_825 = vector.shape_cast %get3A_824 : vector<1x16xf32> to vector<16xf32>
        %mul3A_826 = arith.mulf %get3A_825, %broadcast_in_dim3A_767 : vector<16xf32>
        %swap3A_827 = arith.index_cast %add3A_771 : i32 to index
        %swap3A_828 = arith.constant 80 : index
        %swap3A_829 = tpu.vector_load %arg10[%swap3A_827, %swap3A_828] {strides = array<i32>} : memref<128x128xf32, #tpu.memory_space<vmem>>, vector<1x16xf32>,
        %swap3A_830 = vector.shape_cast %swap3A_829 : vector<1x16xf32> to vector<16xf32>
        %swap3A_831 = vector.shape_cast %mul3A_826 : vector<16xf32> to vector<1x16xf32>
        tpu.vector_store %arg10[%swap3A_827, %swap3A_828], %swap3A_831 {strides = array<i32>} : memref<128x128xf32, #tpu.memory_space<vmem>>, vector<1x16xf32>,
        %get3A_832 = arith.index_cast %add3A_771 : i32 to index
        %get3A_833 = arith.constant 96 : index
        %get3A_834 = tpu.vector_load %arg10[%get3A_832, %get3A_833] {strides = array<i32>} : memref<128x128xf32, #tpu.memory_space<vmem>>, vector<1x16xf32>,
        %get3A_835 = vector.shape_cast %get3A_834 : vector<1x16xf32> to vector<16xf32>
        %mul3A_836 = arith.mulf %get3A_835, %broadcast_in_dim3A_767 : vector<16xf32>
        %swap3A_837 = arith.index_cast %add3A_771 : i32 to index
        %swap3A_838 = arith.constant 96 : index
        %swap3A_839 = tpu.vector_load %arg10[%swap3A_837, %swap3A_838] {strides = array<i32>} : memref<128x128xf32, #tpu.memory_space<vmem>>, vector<1x16xf32>,
        %swap3A_840 = vector.shape_cast %swap3A_839 : vector<1x16xf32> to vector<16xf32>
        %swap3A_841 = vector.shape_cast %mul3A_836 : vector<16xf32> to vector<1x16xf32>
        tpu.vector_store %arg10[%swap3A_837, %swap3A_838], %swap3A_841 {strides = array<i32>} : memref<128x128xf32, #tpu.memory_space<vmem>>, vector<1x16xf32>,
        %get3A_842 = arith.index_cast %add3A_771 : i32 to index
        %get3A_843 = arith.constant 112 : index
        %get3A_844 = tpu.vector_load %arg10[%get3A_842, %get3A_843] {strides = array<i32>} : memref<128x128xf32, #tpu.memory_space<vmem>>, vector<1x16xf32>,
        %get3A_845 = vector.shape_cast %get3A_844 : vector<1x16xf32> to vector<16xf32>
        %mul3A_846 = arith.mulf %get3A_845, %broadcast_in_dim3A_767 : vector<16xf32>
        %swap3A_847 = arith.index_cast %add3A_771 : i32 to index
        %swap3A_848 = arith.constant 112 : index
        %swap3A_849 = tpu.vector_load %arg10[%swap3A_847, %swap3A_848] {strides = array<i32>} : memref<128x128xf32, #tpu.memory_space<vmem>>, vector<1x16xf32>,
        %swap3A_850 = vector.shape_cast %swap3A_849 : vector<1x16xf32> to vector<16xf32>
        %swap3A_851 = vector.shape_cast %mul3A_846 : vector<16xf32> to vector<1x16xf32>
        tpu.vector_store %arg10[%swap3A_847, %swap3A_848], %swap3A_851 {strides = array<i32>} : memref<128x128xf32, #tpu.memory_space<vmem>>, vector<1x16xf32>,
        %slice3A_852 = vector.extract_strided_slice %get3A_71 {offsets = [9], sizes = [1], strides = [1]} : vector<16xf32> to vector<1xf32>
        %squeeze3A_853 = vector.extract %slice3A_852[0] : f32 from vector<1xf32>
        %broadcast_in_dim3A_854 = vector.broadcast %squeeze3A_853 : f32 to vector<16xf32>
        %mul3A_855 = arith.constant 16 : i32
        %mul3A_856 = arith.muli %scan3A_64, %mul3A_855 : i32
        %add3A_857 = arith.constant 9 : i32
        %add3A_858 = arith.addi %mul3A_856, %add3A_857 : i32
        %get3A_859 = arith.index_cast %add3A_858 : i32 to index
        %get3A_860 = arith.constant 0 : index
        %get3A_861 = tpu.vector_load %arg10[%get3A_859, %get3A_860] {strides = array<i32>} : memref<128x128xf32, #tpu.memory_space<vmem>>, vector<1x16xf32>,
        %get3A_862 = vector.shape_cast %get3A_861 : vector<1x16xf32> to vector<16xf32>
        %mul3A_863 = arith.mulf %get3A_862, %broadcast_in_dim3A_854 : vector<16xf32>
        %swap3A_864 = arith.index_cast %add3A_858 : i32 to index
        %swap3A_865 = arith.constant 0 : index
        %swap3A_866 = tpu.vector_load %arg10[%swap3A_864, %swap3A_865] {strides = array<i32>} : memref<128x128xf32, #tpu.memory_space<vmem>>, vector<1x16xf32>,
        %swap3A_867 = vector.shape_cast %swap3A_866 : vector<1x16xf32> to vector<16xf32>
        %swap3A_868 = vector.shape_cast %mul3A_863 : vector<16xf32> to vector<1x16xf32>
        tpu.vector_store %arg10[%swap3A_864, %swap3A_865], %swap3A_868 {strides = array<i32>} : memref<128x128xf32, #tpu.memory_space<vmem>>, vector<1x16xf32>,
        %get3A_869 = arith.index_cast %add3A_858 : i32 to index
        %get3A_870 = arith.constant 16 : index
        %get3A_871 = tpu.vector_load %arg10[%get3A_869, %get3A_870] {strides = array<i32>} : memref<128x128xf32, #tpu.memory_space<vmem>>, vector<1x16xf32>,
        %get3A_872 = vector.shape_cast %get3A_871 : vector<1x16xf32> to vector<16xf32>
        %mul3A_873 = arith.mulf %get3A_872, %broadcast_in_dim3A_854 : vector<16xf32>
        %swap3A_874 = arith.index_cast %add3A_858 : i32 to index
        %swap3A_875 = arith.constant 16 : index
        %swap3A_876 = tpu.vector_load %arg10[%swap3A_874, %swap3A_875] {strides = array<i32>} : memref<128x128xf32, #tpu.memory_space<vmem>>, vector<1x16xf32>,
        %swap3A_877 = vector.shape_cast %swap3A_876 : vector<1x16xf32> to vector<16xf32>
        %swap3A_878 = vector.shape_cast %mul3A_873 : vector<16xf32> to vector<1x16xf32>
        tpu.vector_store %arg10[%swap3A_874, %swap3A_875], %swap3A_878 {strides = array<i32>} : memref<128x128xf32, #tpu.memory_space<vmem>>, vector<1x16xf32>,
        %get3A_879 = arith.index_cast %add3A_858 : i32 to index
        %get3A_880 = arith.constant 32 : index
        %get3A_881 = tpu.vector_load %arg10[%get3A_879, %get3A_880] {strides = array<i32>} : memref<128x128xf32, #tpu.memory_space<vmem>>, vector<1x16xf32>,
        %get3A_882 = vector.shape_cast %get3A_881 : vector<1x16xf32> to vector<16xf32>
        %mul3A_883 = arith.mulf %get3A_882, %broadcast_in_dim3A_854 : vector<16xf32>
        %swap3A_884 = arith.index_cast %add3A_858 : i32 to index
        %swap3A_885 = arith.constant 32 : index
        %swap3A_886 = tpu.vector_load %arg10[%swap3A_884, %swap3A_885] {strides = array<i32>} : memref<128x128xf32, #tpu.memory_space<vmem>>, vector<1x16xf32>,
        %swap3A_887 = vector.shape_cast %swap3A_886 : vector<1x16xf32> to vector<16xf32>
        %swap3A_888 = vector.shape_cast %mul3A_883 : vector<16xf32> to vector<1x16xf32>
        tpu.vector_store %arg10[%swap3A_884, %swap3A_885], %swap3A_888 {strides = array<i32>} : memref<128x128xf32, #tpu.memory_space<vmem>>, vector<1x16xf32>,
        %get3A_889 = arith.index_cast %add3A_858 : i32 to index
        %get3A_890 = arith.constant 48 : index
        %get3A_891 = tpu.vector_load %arg10[%get3A_889, %get3A_890] {strides = array<i32>} : memref<128x128xf32, #tpu.memory_space<vmem>>, vector<1x16xf32>,
        %get3A_892 = vector.shape_cast %get3A_891 : vector<1x16xf32> to vector<16xf32>
        %mul3A_893 = arith.mulf %get3A_892, %broadcast_in_dim3A_854 : vector<16xf32>
        %swap3A_894 = arith.index_cast %add3A_858 : i32 to index
        %swap3A_895 = arith.constant 48 : index
        %swap3A_896 = tpu.vector_load %arg10[%swap3A_894, %swap3A_895] {strides = array<i32>} : memref<128x128xf32, #tpu.memory_space<vmem>>, vector<1x16xf32>,
        %swap3A_897 = vector.shape_cast %swap3A_896 : vector<1x16xf32> to vector<16xf32>
        %swap3A_898 = vector.shape_cast %mul3A_893 : vector<16xf32> to vector<1x16xf32>
        tpu.vector_store %arg10[%swap3A_894, %swap3A_895], %swap3A_898 {strides = array<i32>} : memref<128x128xf32, #tpu.memory_space<vmem>>, vector<1x16xf32>,
        %get3A_899 = arith.index_cast %add3A_858 : i32 to index
        %get3A_900 = arith.constant 64 : index
        %get3A_901 = tpu.vector_load %arg10[%get3A_899, %get3A_900] {strides = array<i32>} : memref<128x128xf32, #tpu.memory_space<vmem>>, vector<1x16xf32>,
        %get3A_902 = vector.shape_cast %get3A_901 : vector<1x16xf32> to vector<16xf32>
        %mul3A_903 = arith.mulf %get3A_902, %broadcast_in_dim3A_854 : vector<16xf32>
        %swap3A_904 = arith.index_cast %add3A_858 : i32 to index
        %swap3A_905 = arith.constant 64 : index
        %swap3A_906 = tpu.vector_load %arg10[%swap3A_904, %swap3A_905] {strides = array<i32>} : memref<128x128xf32, #tpu.memory_space<vmem>>, vector<1x16xf32>,
        %swap3A_907 = vector.shape_cast %swap3A_906 : vector<1x16xf32> to vector<16xf32>
        %swap3A_908 = vector.shape_cast %mul3A_903 : vector<16xf32> to vector<1x16xf32>
        tpu.vector_store %arg10[%swap3A_904, %swap3A_905], %swap3A_908 {strides = array<i32>} : memref<128x128xf32, #tpu.memory_space<vmem>>, vector<1x16xf32>,
        %get3A_909 = arith.index_cast %add3A_858 : i32 to index
        %get3A_910 = arith.constant 80 : index
        %get3A_911 = tpu.vector_load %arg10[%get3A_909, %get3A_910] {strides = array<i32>} : memref<128x128xf32, #tpu.memory_space<vmem>>, vector<1x16xf32>,
        %get3A_912 = vector.shape_cast %get3A_911 : vector<1x16xf32> to vector<16xf32>
        %mul3A_913 = arith.mulf %get3A_912, %broadcast_in_dim3A_854 : vector<16xf32>
        %swap3A_914 = arith.index_cast %add3A_858 : i32 to index
        %swap3A_915 = arith.constant 80 : index
        %swap3A_916 = tpu.vector_load %arg10[%swap3A_914, %swap3A_915] {strides = array<i32>} : memref<128x128xf32, #tpu.memory_space<vmem>>, vector<1x16xf32>,
        %swap3A_917 = vector.shape_cast %swap3A_916 : vector<1x16xf32> to vector<16xf32>
        %swap3A_918 = vector.shape_cast %mul3A_913 : vector<16xf32> to vector<1x16xf32>
        tpu.vector_store %arg10[%swap3A_914, %swap3A_915], %swap3A_918 {strides = array<i32>} : memref<128x128xf32, #tpu.memory_space<vmem>>, vector<1x16xf32>,
        %get3A_919 = arith.index_cast %add3A_858 : i32 to index
        %get3A_920 = arith.constant 96 : index
        %get3A_921 = tpu.vector_load %arg10[%get3A_919, %get3A_920] {strides = array<i32>} : memref<128x128xf32, #tpu.memory_space<vmem>>, vector<1x16xf32>,
        %get3A_922 = vector.shape_cast %get3A_921 : vector<1x16xf32> to vector<16xf32>
        %mul3A_923 = arith.mulf %get3A_922, %broadcast_in_dim3A_854 : vector<16xf32>
        %swap3A_924 = arith.index_cast %add3A_858 : i32 to index
        %swap3A_925 = arith.constant 96 : index
        %swap3A_926 = tpu.vector_load %arg10[%swap3A_924, %swap3A_925] {strides = array<i32>} : memref<128x128xf32, #tpu.memory_space<vmem>>, vector<1x16xf32>,
        %swap3A_927 = vector.shape_cast %swap3A_926 : vector<1x16xf32> to vector<16xf32>
        %swap3A_928 = vector.shape_cast %mul3A_923 : vector<16xf32> to vector<1x16xf32>
        tpu.vector_store %arg10[%swap3A_924, %swap3A_925], %swap3A_928 {strides = array<i32>} : memref<128x128xf32, #tpu.memory_space<vmem>>, vector<1x16xf32>,
        %get3A_929 = arith.index_cast %add3A_858 : i32 to index
        %get3A_930 = arith.constant 112 : index
        %get3A_931 = tpu.vector_load %arg10[%get3A_929, %get3A_930] {strides = array<i32>} : memref<128x128xf32, #tpu.memory_space<vmem>>, vector<1x16xf32>,
        %get3A_932 = vector.shape_cast %get3A_931 : vector<1x16xf32> to vector<16xf32>
        %mul3A_933 = arith.mulf %get3A_932, %broadcast_in_dim3A_854 : vector<16xf32>
        %swap3A_934 = arith.index_cast %add3A_858 : i32 to index
        %swap3A_935 = arith.constant 112 : index
        %swap3A_936 = tpu.vector_load %arg10[%swap3A_934, %swap3A_935] {strides = array<i32>} : memref<128x128xf32, #tpu.memory_space<vmem>>, vector<1x16xf32>,
        %swap3A_937 = vector.shape_cast %swap3A_936 : vector<1x16xf32> to vector<16xf32>
        %swap3A_938 = vector.shape_cast %mul3A_933 : vector<16xf32> to vector<1x16xf32>
        tpu.vector_store %arg10[%swap3A_934, %swap3A_935], %swap3A_938 {strides = array<i32>} : memref<128x128xf32, #tpu.memory_space<vmem>>, vector<1x16xf32>,
        %slice3A_939 = vector.extract_strided_slice %get3A_71 {offsets = [10], sizes = [1], strides = [1]} : vector<16xf32> to vector<1xf32>
        %squeeze3A_940 = vector.extract %slice3A_939[0] : f32 from vector<1xf32>
        %broadcast_in_dim3A_941 = vector.broadcast %squeeze3A_940 : f32 to vector<16xf32>
        %mul3A_942 = arith.constant 16 : i32
        %mul3A_943 = arith.muli %scan3A_64, %mul3A_942 : i32
        %add3A_944 = arith.constant 10 : i32
        %add3A_945 = arith.addi %mul3A_943, %add3A_944 : i32
        %get3A_946 = arith.index_cast %add3A_945 : i32 to index
        %get3A_947 = arith.constant 0 : index
        %get3A_948 = tpu.vector_load %arg10[%get3A_946, %get3A_947] {strides = array<i32>} : memref<128x128xf32, #tpu.memory_space<vmem>>, vector<1x16xf32>,
        %get3A_949 = vector.shape_cast %get3A_948 : vector<1x16xf32> to vector<16xf32>
        %mul3A_950 = arith.mulf %get3A_949, %broadcast_in_dim3A_941 : vector<16xf32>
        %swap3A_951 = arith.index_cast %add3A_945 : i32 to index
        %swap3A_952 = arith.constant 0 : index
        %swap3A_953 = tpu.vector_load %arg10[%swap3A_951, %swap3A_952] {strides = array<i32>} : memref<128x128xf32, #tpu.memory_space<vmem>>, vector<1x16xf32>,
        %swap3A_954 = vector.shape_cast %swap3A_953 : vector<1x16xf32> to vector<16xf32>
        %swap3A_955 = vector.shape_cast %mul3A_950 : vector<16xf32> to vector<1x16xf32>
        tpu.vector_store %arg10[%swap3A_951, %swap3A_952], %swap3A_955 {strides = array<i32>} : memref<128x128xf32, #tpu.memory_space<vmem>>, vector<1x16xf32>,
        %get3A_956 = arith.index_cast %add3A_945 : i32 to index
        %get3A_957 = arith.constant 16 : index
        %get3A_958 = tpu.vector_load %arg10[%get3A_956, %get3A_957] {strides = array<i32>} : memref<128x128xf32, #tpu.memory_space<vmem>>, vector<1x16xf32>,
        %get3A_959 = vector.shape_cast %get3A_958 : vector<1x16xf32> to vector<16xf32>
        %mul3A_960 = arith.mulf %get3A_959, %broadcast_in_dim3A_941 : vector<16xf32>
        %swap3A_961 = arith.index_cast %add3A_945 : i32 to index
        %swap3A_962 = arith.constant 16 : index
        %swap3A_963 = tpu.vector_load %arg10[%swap3A_961, %swap3A_962] {strides = array<i32>} : memref<128x128xf32, #tpu.memory_space<vmem>>, vector<1x16xf32>,
        %swap3A_964 = vector.shape_cast %swap3A_963 : vector<1x16xf32> to vector<16xf32>
        %swap3A_965 = vector.shape_cast %mul3A_960 : vector<16xf32> to vector<1x16xf32>
        tpu.vector_store %arg10[%swap3A_961, %swap3A_962], %swap3A_965 {strides = array<i32>} : memref<128x128xf32, #tpu.memory_space<vmem>>, vector<1x16xf32>,
        %get3A_966 = arith.index_cast %add3A_945 : i32 to index
        %get3A_967 = arith.constant 32 : index
        %get3A_968 = tpu.vector_load %arg10[%get3A_966, %get3A_967] {strides = array<i32>} : memref<128x128xf32, #tpu.memory_space<vmem>>, vector<1x16xf32>,
        %get3A_969 = vector.shape_cast %get3A_968 : vector<1x16xf32> to vector<16xf32>
        %mul3A_970 = arith.mulf %get3A_969, %broadcast_in_dim3A_941 : vector<16xf32>
        %swap3A_971 = arith.index_cast %add3A_945 : i32 to index
        %swap3A_972 = arith.constant 32 : index
        %swap3A_973 = tpu.vector_load %arg10[%swap3A_971, %swap3A_972] {strides = array<i32>} : memref<128x128xf32, #tpu.memory_space<vmem>>, vector<1x16xf32>,
        %swap3A_974 = vector.shape_cast %swap3A_973 : vector<1x16xf32> to vector<16xf32>
        %swap3A_975 = vector.shape_cast %mul3A_970 : vector<16xf32> to vector<1x16xf32>
        tpu.vector_store %arg10[%swap3A_971, %swap3A_972], %swap3A_975 {strides = array<i32>} : memref<128x128xf32, #tpu.memory_space<vmem>>, vector<1x16xf32>,
        %get3A_976 = arith.index_cast %add3A_945 : i32 to index
        %get3A_977 = arith.constant 48 : index
        %get3A_978 = tpu.vector_load %arg10[%get3A_976, %get3A_977] {strides = array<i32>} : memref<128x128xf32, #tpu.memory_space<vmem>>, vector<1x16xf32>,
        %get3A_979 = vector.shape_cast %get3A_978 : vector<1x16xf32> to vector<16xf32>
        %mul3A_980 = arith.mulf %get3A_979, %broadcast_in_dim3A_941 : vector<16xf32>
        %swap3A_981 = arith.index_cast %add3A_945 : i32 to index
        %swap3A_982 = arith.constant 48 : index
        %swap3A_983 = tpu.vector_load %arg10[%swap3A_981, %swap3A_982] {strides = array<i32>} : memref<128x128xf32, #tpu.memory_space<vmem>>, vector<1x16xf32>,
        %swap3A_984 = vector.shape_cast %swap3A_983 : vector<1x16xf32> to vector<16xf32>
        %swap3A_985 = vector.shape_cast %mul3A_980 : vector<16xf32> to vector<1x16xf32>
        tpu.vector_store %arg10[%swap3A_981, %swap3A_982], %swap3A_985 {strides = array<i32>} : memref<128x128xf32, #tpu.memory_space<vmem>>, vector<1x16xf32>,
        %get3A_986 = arith.index_cast %add3A_945 : i32 to index
        %get3A_987 = arith.constant 64 : index
        %get3A_988 = tpu.vector_load %arg10[%get3A_986, %get3A_987] {strides = array<i32>} : memref<128x128xf32, #tpu.memory_space<vmem>>, vector<1x16xf32>,
        %get3A_989 = vector.shape_cast %get3A_988 : vector<1x16xf32> to vector<16xf32>
        %mul3A_990 = arith.mulf %get3A_989, %broadcast_in_dim3A_941 : vector<16xf32>
        %swap3A_991 = arith.index_cast %add3A_945 : i32 to index
        %swap3A_992 = arith.constant 64 : index
        %swap3A_993 = tpu.vector_load %arg10[%swap3A_991, %swap3A_992] {strides = array<i32>} : memref<128x128xf32, #tpu.memory_space<vmem>>, vector<1x16xf32>,
        %swap3A_994 = vector.shape_cast %swap3A_993 : vector<1x16xf32> to vector<16xf32>
        %swap3A_995 = vector.shape_cast %mul3A_990 : vector<16xf32> to vector<1x16xf32>
        tpu.vector_store %arg10[%swap3A_991, %swap3A_992], %swap3A_995 {strides = array<i32>} : memref<128x128xf32, #tpu.memory_space<vmem>>, vector<1x16xf32>,
        %get3A_996 = arith.index_cast %add3A_945 : i32 to index
        %get3A_997 = arith.constant 80 : index
        %get3A_998 = tpu.vector_load %arg10[%get3A_996, %get3A_997] {strides = array<i32>} : memref<128x128xf32, #tpu.memory_space<vmem>>, vector<1x16xf32>,
        %get3A_999 = vector.shape_cast %get3A_998 : vector<1x16xf32> to vector<16xf32>
        %mul3A_1000 = arith.mulf %get3A_999, %broadcast_in_dim3A_941 : vector<16xf32>
        %swap3A_1001 = arith.index_cast %add3A_945 : i32 to index
        %swap3A_1002 = arith.constant 80 : index
        %swap3A_1003 = tpu.vector_load %arg10[%swap3A_1001, %swap3A_1002] {strides = array<i32>} : memref<128x128xf32, #tpu.memory_space<vmem>>, vector<1x16xf32>,
        %swap3A_1004 = vector.shape_cast %swap3A_1003 : vector<1x16xf32> to vector<16xf32>
        %swap3A_1005 = vector.shape_cast %mul3A_1000 : vector<16xf32> to vector<1x16xf32>
        tpu.vector_store %arg10[%swap3A_1001, %swap3A_1002], %swap3A_1005 {strides = array<i32>} : memref<128x128xf32, #tpu.memory_space<vmem>>, vector<1x16xf32>,
        %get3A_1006 = arith.index_cast %add3A_945 : i32 to index
        %get3A_1007 = arith.constant 96 : index
        %get3A_1008 = tpu.vector_load %arg10[%get3A_1006, %get3A_1007] {strides = array<i32>} : memref<128x128xf32, #tpu.memory_space<vmem>>, vector<1x16xf32>,
        %get3A_1009 = vector.shape_cast %get3A_1008 : vector<1x16xf32> to vector<16xf32>
        %mul3A_1010 = arith.mulf %get3A_1009, %broadcast_in_dim3A_941 : vector<16xf32>
        %swap3A_1011 = arith.index_cast %add3A_945 : i32 to index
        %swap3A_1012 = arith.constant 96 : index
        %swap3A_1013 = tpu.vector_load %arg10[%swap3A_1011, %swap3A_1012] {strides = array<i32>} : memref<128x128xf32, #tpu.memory_space<vmem>>, vector<1x16xf32>,
        %swap3A_1014 = vector.shape_cast %swap3A_1013 : vector<1x16xf32> to vector<16xf32>
        %swap3A_1015 = vector.shape_cast %mul3A_1010 : vector<16xf32> to vector<1x16xf32>
        tpu.vector_store %arg10[%swap3A_1011, %swap3A_1012], %swap3A_1015 {strides = array<i32>} : memref<128x128xf32, #tpu.memory_space<vmem>>, vector<1x16xf32>,
        %get3A_1016 = arith.index_cast %add3A_945 : i32 to index
        %get3A_1017 = arith.constant 112 : index
        %get3A_1018 = tpu.vector_load %arg10[%get3A_1016, %get3A_1017] {strides = array<i32>} : memref<128x128xf32, #tpu.memory_space<vmem>>, vector<1x16xf32>,
        %get3A_1019 = vector.shape_cast %get3A_1018 : vector<1x16xf32> to vector<16xf32>
        %mul3A_1020 = arith.mulf %get3A_1019, %broadcast_in_dim3A_941 : vector<16xf32>
        %swap3A_1021 = arith.index_cast %add3A_945 : i32 to index
        %swap3A_1022 = arith.constant 112 : index
        %swap3A_1023 = tpu.vector_load %arg10[%swap3A_1021, %swap3A_1022] {strides = array<i32>} : memref<128x128xf32, #tpu.memory_space<vmem>>, vector<1x16xf32>,
        %swap3A_1024 = vector.shape_cast %swap3A_1023 : vector<1x16xf32> to vector<16xf32>
        %swap3A_1025 = vector.shape_cast %mul3A_1020 : vector<16xf32> to vector<1x16xf32>
        tpu.vector_store %arg10[%swap3A_1021, %swap3A_1022], %swap3A_1025 {strides = array<i32>} : memref<128x128xf32, #tpu.memory_space<vmem>>, vector<1x16xf32>,
        %slice3A_1026 = vector.extract_strided_slice %get3A_71 {offsets = [11], sizes = [1], strides = [1]} : vector<16xf32> to vector<1xf32>
        %squeeze3A_1027 = vector.extract %slice3A_1026[0] : f32 from vector<1xf32>
        %broadcast_in_dim3A_1028 = vector.broadcast %squeeze3A_1027 : f32 to vector<16xf32>
        %mul3A_1029 = arith.constant 16 : i32
        %mul3A_1030 = arith.muli %scan3A_64, %mul3A_1029 : i32
        %add3A_1031 = arith.constant 11 : i32
        %add3A_1032 = arith.addi %mul3A_1030, %add3A_1031 : i32
        %get3A_1033 = arith.index_cast %add3A_1032 : i32 to index
        %get3A_1034 = arith.constant 0 : index
        %get3A_1035 = tpu.vector_load %arg10[%get3A_1033, %get3A_1034] {strides = array<i32>} : memref<128x128xf32, #tpu.memory_space<vmem>>, vector<1x16xf32>,
        %get3A_1036 = vector.shape_cast %get3A_1035 : vector<1x16xf32> to vector<16xf32>
        %mul3A_1037 = arith.mulf %get3A_1036, %broadcast_in_dim3A_1028 : vector<16xf32>
        %swap3A_1038 = arith.index_cast %add3A_1032 : i32 to index
        %swap3A_1039 = arith.constant 0 : index
        %swap3A_1040 = tpu.vector_load %arg10[%swap3A_1038, %swap3A_1039] {strides = array<i32>} : memref<128x128xf32, #tpu.memory_space<vmem>>, vector<1x16xf32>,
        %swap3A_1041 = vector.shape_cast %swap3A_1040 : vector<1x16xf32> to vector<16xf32>
        %swap3A_1042 = vector.shape_cast %mul3A_1037 : vector<16xf32> to vector<1x16xf32>
        tpu.vector_store %arg10[%swap3A_1038, %swap3A_1039], %swap3A_1042 {strides = array<i32>} : memref<128x128xf32, #tpu.memory_space<vmem>>, vector<1x16xf32>,
        %get3A_1043 = arith.index_cast %add3A_1032 : i32 to index
        %get3A_1044 = arith.constant 16 : index
        %get3A_1045 = tpu.vector_load %arg10[%get3A_1043, %get3A_1044] {strides = array<i32>} : memref<128x128xf32, #tpu.memory_space<vmem>>, vector<1x16xf32>,
        %get3A_1046 = vector.shape_cast %get3A_1045 : vector<1x16xf32> to vector<16xf32>
        %mul3A_1047 = arith.mulf %get3A_1046, %broadcast_in_dim3A_1028 : vector<16xf32>
        %swap3A_1048 = arith.index_cast %add3A_1032 : i32 to index
        %swap3A_1049 = arith.constant 16 : index
        %swap3A_1050 = tpu.vector_load %arg10[%swap3A_1048, %swap3A_1049] {strides = array<i32>} : memref<128x128xf32, #tpu.memory_space<vmem>>, vector<1x16xf32>,
        %swap3A_1051 = vector.shape_cast %swap3A_1050 : vector<1x16xf32> to vector<16xf32>
        %swap3A_1052 = vector.shape_cast %mul3A_1047 : vector<16xf32> to vector<1x16xf32>
        tpu.vector_store %arg10[%swap3A_1048, %swap3A_1049], %swap3A_1052 {strides = array<i32>} : memref<128x128xf32, #tpu.memory_space<vmem>>, vector<1x16xf32>,
        %get3A_1053 = arith.index_cast %add3A_1032 : i32 to index
        %get3A_1054 = arith.constant 32 : index
        %get3A_1055 = tpu.vector_load %arg10[%get3A_1053, %get3A_1054] {strides = array<i32>} : memref<128x128xf32, #tpu.memory_space<vmem>>, vector<1x16xf32>,
        %get3A_1056 = vector.shape_cast %get3A_1055 : vector<1x16xf32> to vector<16xf32>
        %mul3A_1057 = arith.mulf %get3A_1056, %broadcast_in_dim3A_1028 : vector<16xf32>
        %swap3A_1058 = arith.index_cast %add3A_1032 : i32 to index
        %swap3A_1059 = arith.constant 32 : index
        %swap3A_1060 = tpu.vector_load %arg10[%swap3A_1058, %swap3A_1059] {strides = array<i32>} : memref<128x128xf32, #tpu.memory_space<vmem>>, vector<1x16xf32>,
        %swap3A_1061 = vector.shape_cast %swap3A_1060 : vector<1x16xf32> to vector<16xf32>
        %swap3A_1062 = vector.shape_cast %mul3A_1057 : vector<16xf32> to vector<1x16xf32>
        tpu.vector_store %arg10[%swap3A_1058, %swap3A_1059], %swap3A_1062 {strides = array<i32>} : memref<128x128xf32, #tpu.memory_space<vmem>>, vector<1x16xf32>,
        %get3A_1063 = arith.index_cast %add3A_1032 : i32 to index
        %get3A_1064 = arith.constant 48 : index
        %get3A_1065 = tpu.vector_load %arg10[%get3A_1063, %get3A_1064] {strides = array<i32>} : memref<128x128xf32, #tpu.memory_space<vmem>>, vector<1x16xf32>,
        %get3A_1066 = vector.shape_cast %get3A_1065 : vector<1x16xf32> to vector<16xf32>
        %mul3A_1067 = arith.mulf %get3A_1066, %broadcast_in_dim3A_1028 : vector<16xf32>
        %swap3A_1068 = arith.index_cast %add3A_1032 : i32 to index
        %swap3A_1069 = arith.constant 48 : index
        %swap3A_1070 = tpu.vector_load %arg10[%swap3A_1068, %swap3A_1069] {strides = array<i32>} : memref<128x128xf32, #tpu.memory_space<vmem>>, vector<1x16xf32>,
        %swap3A_1071 = vector.shape_cast %swap3A_1070 : vector<1x16xf32> to vector<16xf32>
        %swap3A_1072 = vector.shape_cast %mul3A_1067 : vector<16xf32> to vector<1x16xf32>
        tpu.vector_store %arg10[%swap3A_1068, %swap3A_1069], %swap3A_1072 {strides = array<i32>} : memref<128x128xf32, #tpu.memory_space<vmem>>, vector<1x16xf32>,
        %get3A_1073 = arith.index_cast %add3A_1032 : i32 to index
        %get3A_1074 = arith.constant 64 : index
        %get3A_1075 = tpu.vector_load %arg10[%get3A_1073, %get3A_1074] {strides = array<i32>} : memref<128x128xf32, #tpu.memory_space<vmem>>, vector<1x16xf32>,
        %get3A_1076 = vector.shape_cast %get3A_1075 : vector<1x16xf32> to vector<16xf32>
        %mul3A_1077 = arith.mulf %get3A_1076, %broadcast_in_dim3A_1028 : vector<16xf32>
        %swap3A_1078 = arith.index_cast %add3A_1032 : i32 to index
        %swap3A_1079 = arith.constant 64 : index
        %swap3A_1080 = tpu.vector_load %arg10[%swap3A_1078, %swap3A_1079] {strides = array<i32>} : memref<128x128xf32, #tpu.memory_space<vmem>>, vector<1x16xf32>,
        %swap3A_1081 = vector.shape_cast %swap3A_1080 : vector<1x16xf32> to vector<16xf32>
        %swap3A_1082 = vector.shape_cast %mul3A_1077 : vector<16xf32> to vector<1x16xf32>
        tpu.vector_store %arg10[%swap3A_1078, %swap3A_1079], %swap3A_1082 {strides = array<i32>} : memref<128x128xf32, #tpu.memory_space<vmem>>, vector<1x16xf32>,
        %get3A_1083 = arith.index_cast %add3A_1032 : i32 to index
        %get3A_1084 = arith.constant 80 : index
        %get3A_1085 = tpu.vector_load %arg10[%get3A_1083, %get3A_1084] {strides = array<i32>} : memref<128x128xf32, #tpu.memory_space<vmem>>, vector<1x16xf32>,
        %get3A_1086 = vector.shape_cast %get3A_1085 : vector<1x16xf32> to vector<16xf32>
        %mul3A_1087 = arith.mulf %get3A_1086, %broadcast_in_dim3A_1028 : vector<16xf32>
        %swap3A_1088 = arith.index_cast %add3A_1032 : i32 to index
        %swap3A_1089 = arith.constant 80 : index
        %swap3A_1090 = tpu.vector_load %arg10[%swap3A_1088, %swap3A_1089] {strides = array<i32>} : memref<128x128xf32, #tpu.memory_space<vmem>>, vector<1x16xf32>,
        %swap3A_1091 = vector.shape_cast %swap3A_1090 : vector<1x16xf32> to vector<16xf32>
        %swap3A_1092 = vector.shape_cast %mul3A_1087 : vector<16xf32> to vector<1x16xf32>
        tpu.vector_store %arg10[%swap3A_1088, %swap3A_1089], %swap3A_1092 {strides = array<i32>} : memref<128x128xf32, #tpu.memory_space<vmem>>, vector<1x16xf32>,
        %get3A_1093 = arith.index_cast %add3A_1032 : i32 to index
        %get3A_1094 = arith.constant 96 : index
        %get3A_1095 = tpu.vector_load %arg10[%get3A_1093, %get3A_1094] {strides = array<i32>} : memref<128x128xf32, #tpu.memory_space<vmem>>, vector<1x16xf32>,
        %get3A_1096 = vector.shape_cast %get3A_1095 : vector<1x16xf32> to vector<16xf32>
        %mul3A_1097 = arith.mulf %get3A_1096, %broadcast_in_dim3A_1028 : vector<16xf32>
        %swap3A_1098 = arith.index_cast %add3A_1032 : i32 to index
        %swap3A_1099 = arith.constant 96 : index
        %swap3A_1100 = tpu.vector_load %arg10[%swap3A_1098, %swap3A_1099] {strides = array<i32>} : memref<128x128xf32, #tpu.memory_space<vmem>>, vector<1x16xf32>,
        %swap3A_1101 = vector.shape_cast %swap3A_1100 : vector<1x16xf32> to vector<16xf32>
        %swap3A_1102 = vector.shape_cast %mul3A_1097 : vector<16xf32> to vector<1x16xf32>
        tpu.vector_store %arg10[%swap3A_1098, %swap3A_1099], %swap3A_1102 {strides = array<i32>} : memref<128x128xf32, #tpu.memory_space<vmem>>, vector<1x16xf32>,
        %get3A_1103 = arith.index_cast %add3A_1032 : i32 to index
        %get3A_1104 = arith.constant 112 : index
        %get3A_1105 = tpu.vector_load %arg10[%get3A_1103, %get3A_1104] {strides = array<i32>} : memref<128x128xf32, #tpu.memory_space<vmem>>, vector<1x16xf32>,
        %get3A_1106 = vector.shape_cast %get3A_1105 : vector<1x16xf32> to vector<16xf32>
        %mul3A_1107 = arith.mulf %get3A_1106, %broadcast_in_dim3A_1028 : vector<16xf32>
        %swap3A_1108 = arith.index_cast %add3A_1032 : i32 to index
        %swap3A_1109 = arith.constant 112 : index
        %swap3A_1110 = tpu.vector_load %arg10[%swap3A_1108, %swap3A_1109] {strides = array<i32>} : memref<128x128xf32, #tpu.memory_space<vmem>>, vector<1x16xf32>,
        %swap3A_1111 = vector.shape_cast %swap3A_1110 : vector<1x16xf32> to vector<16xf32>
        %swap3A_1112 = vector.shape_cast %mul3A_1107 : vector<16xf32> to vector<1x16xf32>
        tpu.vector_store %arg10[%swap3A_1108, %swap3A_1109], %swap3A_1112 {strides = array<i32>} : memref<128x128xf32, #tpu.memory_space<vmem>>, vector<1x16xf32>,
        %slice3A_1113 = vector.extract_strided_slice %get3A_71 {offsets = [12], sizes = [1], strides = [1]} : vector<16xf32> to vector<1xf32>
        %squeeze3A_1114 = vector.extract %slice3A_1113[0] : f32 from vector<1xf32>
        %broadcast_in_dim3A_1115 = vector.broadcast %squeeze3A_1114 : f32 to vector<16xf32>
        %mul3A_1116 = arith.constant 16 : i32
        %mul3A_1117 = arith.muli %scan3A_64, %mul3A_1116 : i32
        %add3A_1118 = arith.constant 12 : i32
        %add3A_1119 = arith.addi %mul3A_1117, %add3A_1118 : i32
        %get3A_1120 = arith.index_cast %add3A_1119 : i32 to index
        %get3A_1121 = arith.constant 0 : index
        %get3A_1122 = tpu.vector_load %arg10[%get3A_1120, %get3A_1121] {strides = array<i32>} : memref<128x128xf32, #tpu.memory_space<vmem>>, vector<1x16xf32>,
        %get3A_1123 = vector.shape_cast %get3A_1122 : vector<1x16xf32> to vector<16xf32>
        %mul3A_1124 = arith.mulf %get3A_1123, %broadcast_in_dim3A_1115 : vector<16xf32>
        %swap3A_1125 = arith.index_cast %add3A_1119 : i32 to index
        %swap3A_1126 = arith.constant 0 : index
        %swap3A_1127 = tpu.vector_load %arg10[%swap3A_1125, %swap3A_1126] {strides = array<i32>} : memref<128x128xf32, #tpu.memory_space<vmem>>, vector<1x16xf32>,
        %swap3A_1128 = vector.shape_cast %swap3A_1127 : vector<1x16xf32> to vector<16xf32>
        %swap3A_1129 = vector.shape_cast %mul3A_1124 : vector<16xf32> to vector<1x16xf32>
        tpu.vector_store %arg10[%swap3A_1125, %swap3A_1126], %swap3A_1129 {strides = array<i32>} : memref<128x128xf32, #tpu.memory_space<vmem>>, vector<1x16xf32>,
        %get3A_1130 = arith.index_cast %add3A_1119 : i32 to index
        %get3A_1131 = arith.constant 16 : index
        %get3A_1132 = tpu.vector_load %arg10[%get3A_1130, %get3A_1131] {strides = array<i32>} : memref<128x128xf32, #tpu.memory_space<vmem>>, vector<1x16xf32>,
        %get3A_1133 = vector.shape_cast %get3A_1132 : vector<1x16xf32> to vector<16xf32>
        %mul3A_1134 = arith.mulf %get3A_1133, %broadcast_in_dim3A_1115 : vector<16xf32>
        %swap3A_1135 = arith.index_cast %add3A_1119 : i32 to index
        %swap3A_1136 = arith.constant 16 : index
        %swap3A_1137 = tpu.vector_load %arg10[%swap3A_1135, %swap3A_1136] {strides = array<i32>} : memref<128x128xf32, #tpu.memory_space<vmem>>, vector<1x16xf32>,
        %swap3A_1138 = vector.shape_cast %swap3A_1137 : vector<1x16xf32> to vector<16xf32>
        %swap3A_1139 = vector.shape_cast %mul3A_1134 : vector<16xf32> to vector<1x16xf32>
        tpu.vector_store %arg10[%swap3A_1135, %swap3A_1136], %swap3A_1139 {strides = array<i32>} : memref<128x128xf32, #tpu.memory_space<vmem>>, vector<1x16xf32>,
        %get3A_1140 = arith.index_cast %add3A_1119 : i32 to index
        %get3A_1141 = arith.constant 32 : index
        %get3A_1142 = tpu.vector_load %arg10[%get3A_1140, %get3A_1141] {strides = array<i32>} : memref<128x128xf32, #tpu.memory_space<vmem>>, vector<1x16xf32>,
        %get3A_1143 = vector.shape_cast %get3A_1142 : vector<1x16xf32> to vector<16xf32>
        %mul3A_1144 = arith.mulf %get3A_1143, %broadcast_in_dim3A_1115 : vector<16xf32>
        %swap3A_1145 = arith.index_cast %add3A_1119 : i32 to index
        %swap3A_1146 = arith.constant 32 : index
        %swap3A_1147 = tpu.vector_load %arg10[%swap3A_1145, %swap3A_1146] {strides = array<i32>} : memref<128x128xf32, #tpu.memory_space<vmem>>, vector<1x16xf32>,
        %swap3A_1148 = vector.shape_cast %swap3A_1147 : vector<1x16xf32> to vector<16xf32>
        %swap3A_1149 = vector.shape_cast %mul3A_1144 : vector<16xf32> to vector<1x16xf32>
        tpu.vector_store %arg10[%swap3A_1145, %swap3A_1146], %swap3A_1149 {strides = array<i32>} : memref<128x128xf32, #tpu.memory_space<vmem>>, vector<1x16xf32>,
        %get3A_1150 = arith.index_cast %add3A_1119 : i32 to index
        %get3A_1151 = arith.constant 48 : index
        %get3A_1152 = tpu.vector_load %arg10[%get3A_1150, %get3A_1151] {strides = array<i32>} : memref<128x128xf32, #tpu.memory_space<vmem>>, vector<1x16xf32>,
        %get3A_1153 = vector.shape_cast %get3A_1152 : vector<1x16xf32> to vector<16xf32>
        %mul3A_1154 = arith.mulf %get3A_1153, %broadcast_in_dim3A_1115 : vector<16xf32>
        %swap3A_1155 = arith.index_cast %add3A_1119 : i32 to index
        %swap3A_1156 = arith.constant 48 : index
        %swap3A_1157 = tpu.vector_load %arg10[%swap3A_1155, %swap3A_1156] {strides = array<i32>} : memref<128x128xf32, #tpu.memory_space<vmem>>, vector<1x16xf32>,
        %swap3A_1158 = vector.shape_cast %swap3A_1157 : vector<1x16xf32> to vector<16xf32>
        %swap3A_1159 = vector.shape_cast %mul3A_1154 : vector<16xf32> to vector<1x16xf32>
        tpu.vector_store %arg10[%swap3A_1155, %swap3A_1156], %swap3A_1159 {strides = array<i32>} : memref<128x128xf32, #tpu.memory_space<vmem>>, vector<1x16xf32>,
        %get3A_1160 = arith.index_cast %add3A_1119 : i32 to index
        %get3A_1161 = arith.constant 64 : index
        %get3A_1162 = tpu.vector_load %arg10[%get3A_1160, %get3A_1161] {strides = array<i32>} : memref<128x128xf32, #tpu.memory_space<vmem>>, vector<1x16xf32>,
        %get3A_1163 = vector.shape_cast %get3A_1162 : vector<1x16xf32> to vector<16xf32>
        %mul3A_1164 = arith.mulf %get3A_1163, %broadcast_in_dim3A_1115 : vector<16xf32>
        %swap3A_1165 = arith.index_cast %add3A_1119 : i32 to index
        %swap3A_1166 = arith.constant 64 : index
        %swap3A_1167 = tpu.vector_load %arg10[%swap3A_1165, %swap3A_1166] {strides = array<i32>} : memref<128x128xf32, #tpu.memory_space<vmem>>, vector<1x16xf32>,
        %swap3A_1168 = vector.shape_cast %swap3A_1167 : vector<1x16xf32> to vector<16xf32>
        %swap3A_1169 = vector.shape_cast %mul3A_1164 : vector<16xf32> to vector<1x16xf32>
        tpu.vector_store %arg10[%swap3A_1165, %swap3A_1166], %swap3A_1169 {strides = array<i32>} : memref<128x128xf32, #tpu.memory_space<vmem>>, vector<1x16xf32>,
        %get3A_1170 = arith.index_cast %add3A_1119 : i32 to index
        %get3A_1171 = arith.constant 80 : index
        %get3A_1172 = tpu.vector_load %arg10[%get3A_1170, %get3A_1171] {strides = array<i32>} : memref<128x128xf32, #tpu.memory_space<vmem>>, vector<1x16xf32>,
        %get3A_1173 = vector.shape_cast %get3A_1172 : vector<1x16xf32> to vector<16xf32>
        %mul3A_1174 = arith.mulf %get3A_1173, %broadcast_in_dim3A_1115 : vector<16xf32>
        %swap3A_1175 = arith.index_cast %add3A_1119 : i32 to index
        %swap3A_1176 = arith.constant 80 : index
        %swap3A_1177 = tpu.vector_load %arg10[%swap3A_1175, %swap3A_1176] {strides = array<i32>} : memref<128x128xf32, #tpu.memory_space<vmem>>, vector<1x16xf32>,
        %swap3A_1178 = vector.shape_cast %swap3A_1177 : vector<1x16xf32> to vector<16xf32>
        %swap3A_1179 = vector.shape_cast %mul3A_1174 : vector<16xf32> to vector<1x16xf32>
        tpu.vector_store %arg10[%swap3A_1175, %swap3A_1176], %swap3A_1179 {strides = array<i32>} : memref<128x128xf32, #tpu.memory_space<vmem>>, vector<1x16xf32>,
        %get3A_1180 = arith.index_cast %add3A_1119 : i32 to index
        %get3A_1181 = arith.constant 96 : index
        %get3A_1182 = tpu.vector_load %arg10[%get3A_1180, %get3A_1181] {strides = array<i32>} : memref<128x128xf32, #tpu.memory_space<vmem>>, vector<1x16xf32>,
        %get3A_1183 = vector.shape_cast %get3A_1182 : vector<1x16xf32> to vector<16xf32>
        %mul3A_1184 = arith.mulf %get3A_1183, %broadcast_in_dim3A_1115 : vector<16xf32>
        %swap3A_1185 = arith.index_cast %add3A_1119 : i32 to index
        %swap3A_1186 = arith.constant 96 : index
        %swap3A_1187 = tpu.vector_load %arg10[%swap3A_1185, %swap3A_1186] {strides = array<i32>} : memref<128x128xf32, #tpu.memory_space<vmem>>, vector<1x16xf32>,
        %swap3A_1188 = vector.shape_cast %swap3A_1187 : vector<1x16xf32> to vector<16xf32>
        %swap3A_1189 = vector.shape_cast %mul3A_1184 : vector<16xf32> to vector<1x16xf32>
        tpu.vector_store %arg10[%swap3A_1185, %swap3A_1186], %swap3A_1189 {strides = array<i32>} : memref<128x128xf32, #tpu.memory_space<vmem>>, vector<1x16xf32>,
        %get3A_1190 = arith.index_cast %add3A_1119 : i32 to index
        %get3A_1191 = arith.constant 112 : index
        %get3A_1192 = tpu.vector_load %arg10[%get3A_1190, %get3A_1191] {strides = array<i32>} : memref<128x128xf32, #tpu.memory_space<vmem>>, vector<1x16xf32>,
        %get3A_1193 = vector.shape_cast %get3A_1192 : vector<1x16xf32> to vector<16xf32>
        %mul3A_1194 = arith.mulf %get3A_1193, %broadcast_in_dim3A_1115 : vector<16xf32>
        %swap3A_1195 = arith.index_cast %add3A_1119 : i32 to index
        %swap3A_1196 = arith.constant 112 : index
        %swap3A_1197 = tpu.vector_load %arg10[%swap3A_1195, %swap3A_1196] {strides = array<i32>} : memref<128x128xf32, #tpu.memory_space<vmem>>, vector<1x16xf32>,
        %swap3A_1198 = vector.shape_cast %swap3A_1197 : vector<1x16xf32> to vector<16xf32>
        %swap3A_1199 = vector.shape_cast %mul3A_1194 : vector<16xf32> to vector<1x16xf32>
        tpu.vector_store %arg10[%swap3A_1195, %swap3A_1196], %swap3A_1199 {strides = array<i32>} : memref<128x128xf32, #tpu.memory_space<vmem>>, vector<1x16xf32>,
        %slice3A_1200 = vector.extract_strided_slice %get3A_71 {offsets = [13], sizes = [1], strides = [1]} : vector<16xf32> to vector<1xf32>
        %squeeze3A_1201 = vector.extract %slice3A_1200[0] : f32 from vector<1xf32>
        %broadcast_in_dim3A_1202 = vector.broadcast %squeeze3A_1201 : f32 to vector<16xf32>
        %mul3A_1203 = arith.constant 16 : i32
        %mul3A_1204 = arith.muli %scan3A_64, %mul3A_1203 : i32
        %add3A_1205 = arith.constant 13 : i32
        %add3A_1206 = arith.addi %mul3A_1204, %add3A_1205 : i32
        %get3A_1207 = arith.index_cast %add3A_1206 : i32 to index
        %get3A_1208 = arith.constant 0 : index
        %get3A_1209 = tpu.vector_load %arg10[%get3A_1207, %get3A_1208] {strides = array<i32>} : memref<128x128xf32, #tpu.memory_space<vmem>>, vector<1x16xf32>,
        %get3A_1210 = vector.shape_cast %get3A_1209 : vector<1x16xf32> to vector<16xf32>
        %mul3A_1211 = arith.mulf %get3A_1210, %broadcast_in_dim3A_1202 : vector<16xf32>
        %swap3A_1212 = arith.index_cast %add3A_1206 : i32 to index
        %swap3A_1213 = arith.constant 0 : index
        %swap3A_1214 = tpu.vector_load %arg10[%swap3A_1212, %swap3A_1213] {strides = array<i32>} : memref<128x128xf32, #tpu.memory_space<vmem>>, vector<1x16xf32>,
        %swap3A_1215 = vector.shape_cast %swap3A_1214 : vector<1x16xf32> to vector<16xf32>
        %swap3A_1216 = vector.shape_cast %mul3A_1211 : vector<16xf32> to vector<1x16xf32>
        tpu.vector_store %arg10[%swap3A_1212, %swap3A_1213], %swap3A_1216 {strides = array<i32>} : memref<128x128xf32, #tpu.memory_space<vmem>>, vector<1x16xf32>,
        %get3A_1217 = arith.index_cast %add3A_1206 : i32 to index
        %get3A_1218 = arith.constant 16 : index
        %get3A_1219 = tpu.vector_load %arg10[%get3A_1217, %get3A_1218] {strides = array<i32>} : memref<128x128xf32, #tpu.memory_space<vmem>>, vector<1x16xf32>,
        %get3A_1220 = vector.shape_cast %get3A_1219 : vector<1x16xf32> to vector<16xf32>
        %mul3A_1221 = arith.mulf %get3A_1220, %broadcast_in_dim3A_1202 : vector<16xf32>
        %swap3A_1222 = arith.index_cast %add3A_1206 : i32 to index
        %swap3A_1223 = arith.constant 16 : index
        %swap3A_1224 = tpu.vector_load %arg10[%swap3A_1222, %swap3A_1223] {strides = array<i32>} : memref<128x128xf32, #tpu.memory_space<vmem>>, vector<1x16xf32>,
        %swap3A_1225 = vector.shape_cast %swap3A_1224 : vector<1x16xf32> to vector<16xf32>
        %swap3A_1226 = vector.shape_cast %mul3A_1221 : vector<16xf32> to vector<1x16xf32>
        tpu.vector_store %arg10[%swap3A_1222, %swap3A_1223], %swap3A_1226 {strides = array<i32>} : memref<128x128xf32, #tpu.memory_space<vmem>>, vector<1x16xf32>,
        %get3A_1227 = arith.index_cast %add3A_1206 : i32 to index
        %get3A_1228 = arith.constant 32 : index
        %get3A_1229 = tpu.vector_load %arg10[%get3A_1227, %get3A_1228] {strides = array<i32>} : memref<128x128xf32, #tpu.memory_space<vmem>>, vector<1x16xf32>,
        %get3A_1230 = vector.shape_cast %get3A_1229 : vector<1x16xf32> to vector<16xf32>
        %mul3A_1231 = arith.mulf %get3A_1230, %broadcast_in_dim3A_1202 : vector<16xf32>
        %swap3A_1232 = arith.index_cast %add3A_1206 : i32 to index
        %swap3A_1233 = arith.constant 32 : index
        %swap3A_1234 = tpu.vector_load %arg10[%swap3A_1232, %swap3A_1233] {strides = array<i32>} : memref<128x128xf32, #tpu.memory_space<vmem>>, vector<1x16xf32>,
        %swap3A_1235 = vector.shape_cast %swap3A_1234 : vector<1x16xf32> to vector<16xf32>
        %swap3A_1236 = vector.shape_cast %mul3A_1231 : vector<16xf32> to vector<1x16xf32>
        tpu.vector_store %arg10[%swap3A_1232, %swap3A_1233], %swap3A_1236 {strides = array<i32>} : memref<128x128xf32, #tpu.memory_space<vmem>>, vector<1x16xf32>,
        %get3A_1237 = arith.index_cast %add3A_1206 : i32 to index
        %get3A_1238 = arith.constant 48 : index
        %get3A_1239 = tpu.vector_load %arg10[%get3A_1237, %get3A_1238] {strides = array<i32>} : memref<128x128xf32, #tpu.memory_space<vmem>>, vector<1x16xf32>,
        %get3A_1240 = vector.shape_cast %get3A_1239 : vector<1x16xf32> to vector<16xf32>
        %mul3A_1241 = arith.mulf %get3A_1240, %broadcast_in_dim3A_1202 : vector<16xf32>
        %swap3A_1242 = arith.index_cast %add3A_1206 : i32 to index
        %swap3A_1243 = arith.constant 48 : index
        %swap3A_1244 = tpu.vector_load %arg10[%swap3A_1242, %swap3A_1243] {strides = array<i32>} : memref<128x128xf32, #tpu.memory_space<vmem>>, vector<1x16xf32>,
        %swap3A_1245 = vector.shape_cast %swap3A_1244 : vector<1x16xf32> to vector<16xf32>
        %swap3A_1246 = vector.shape_cast %mul3A_1241 : vector<16xf32> to vector<1x16xf32>
        tpu.vector_store %arg10[%swap3A_1242, %swap3A_1243], %swap3A_1246 {strides = array<i32>} : memref<128x128xf32, #tpu.memory_space<vmem>>, vector<1x16xf32>,
        %get3A_1247 = arith.index_cast %add3A_1206 : i32 to index
        %get3A_1248 = arith.constant 64 : index
        %get3A_1249 = tpu.vector_load %arg10[%get3A_1247, %get3A_1248] {strides = array<i32>} : memref<128x128xf32, #tpu.memory_space<vmem>>, vector<1x16xf32>,
        %get3A_1250 = vector.shape_cast %get3A_1249 : vector<1x16xf32> to vector<16xf32>
        %mul3A_1251 = arith.mulf %get3A_1250, %broadcast_in_dim3A_1202 : vector<16xf32>
        %swap3A_1252 = arith.index_cast %add3A_1206 : i32 to index
        %swap3A_1253 = arith.constant 64 : index
        %swap3A_1254 = tpu.vector_load %arg10[%swap3A_1252, %swap3A_1253] {strides = array<i32>} : memref<128x128xf32, #tpu.memory_space<vmem>>, vector<1x16xf32>,
        %swap3A_1255 = vector.shape_cast %swap3A_1254 : vector<1x16xf32> to vector<16xf32>
        %swap3A_1256 = vector.shape_cast %mul3A_1251 : vector<16xf32> to vector<1x16xf32>
        tpu.vector_store %arg10[%swap3A_1252, %swap3A_1253], %swap3A_1256 {strides = array<i32>} : memref<128x128xf32, #tpu.memory_space<vmem>>, vector<1x16xf32>,
        %get3A_1257 = arith.index_cast %add3A_1206 : i32 to index
        %get3A_1258 = arith.constant 80 : index
        %get3A_1259 = tpu.vector_load %arg10[%get3A_1257, %get3A_1258] {strides = array<i32>} : memref<128x128xf32, #tpu.memory_space<vmem>>, vector<1x16xf32>,
        %get3A_1260 = vector.shape_cast %get3A_1259 : vector<1x16xf32> to vector<16xf32>
        %mul3A_1261 = arith.mulf %get3A_1260, %broadcast_in_dim3A_1202 : vector<16xf32>
        %swap3A_1262 = arith.index_cast %add3A_1206 : i32 to index
        %swap3A_1263 = arith.constant 80 : index
        %swap3A_1264 = tpu.vector_load %arg10[%swap3A_1262, %swap3A_1263] {strides = array<i32>} : memref<128x128xf32, #tpu.memory_space<vmem>>, vector<1x16xf32>,
        %swap3A_1265 = vector.shape_cast %swap3A_1264 : vector<1x16xf32> to vector<16xf32>
        %swap3A_1266 = vector.shape_cast %mul3A_1261 : vector<16xf32> to vector<1x16xf32>
        tpu.vector_store %arg10[%swap3A_1262, %swap3A_1263], %swap3A_1266 {strides = array<i32>} : memref<128x128xf32, #tpu.memory_space<vmem>>, vector<1x16xf32>,
        %get3A_1267 = arith.index_cast %add3A_1206 : i32 to index
        %get3A_1268 = arith.constant 96 : index
        %get3A_1269 = tpu.vector_load %arg10[%get3A_1267, %get3A_1268] {strides = array<i32>} : memref<128x128xf32, #tpu.memory_space<vmem>>, vector<1x16xf32>,
        %get3A_1270 = vector.shape_cast %get3A_1269 : vector<1x16xf32> to vector<16xf32>
        %mul3A_1271 = arith.mulf %get3A_1270, %broadcast_in_dim3A_1202 : vector<16xf32>
        %swap3A_1272 = arith.index_cast %add3A_1206 : i32 to index
        %swap3A_1273 = arith.constant 96 : index
        %swap3A_1274 = tpu.vector_load %arg10[%swap3A_1272, %swap3A_1273] {strides = array<i32>} : memref<128x128xf32, #tpu.memory_space<vmem>>, vector<1x16xf32>,
        %swap3A_1275 = vector.shape_cast %swap3A_1274 : vector<1x16xf32> to vector<16xf32>
        %swap3A_1276 = vector.shape_cast %mul3A_1271 : vector<16xf32> to vector<1x16xf32>
        tpu.vector_store %arg10[%swap3A_1272, %swap3A_1273], %swap3A_1276 {strides = array<i32>} : memref<128x128xf32, #tpu.memory_space<vmem>>, vector<1x16xf32>,
        %get3A_1277 = arith.index_cast %add3A_1206 : i32 to index
        %get3A_1278 = arith.constant 112 : index
        %get3A_1279 = tpu.vector_load %arg10[%get3A_1277, %get3A_1278] {strides = array<i32>} : memref<128x128xf32, #tpu.memory_space<vmem>>, vector<1x16xf32>,
        %get3A_1280 = vector.shape_cast %get3A_1279 : vector<1x16xf32> to vector<16xf32>
        %mul3A_1281 = arith.mulf %get3A_1280, %broadcast_in_dim3A_1202 : vector<16xf32>
        %swap3A_1282 = arith.index_cast %add3A_1206 : i32 to index
        %swap3A_1283 = arith.constant 112 : index
        %swap3A_1284 = tpu.vector_load %arg10[%swap3A_1282, %swap3A_1283] {strides = array<i32>} : memref<128x128xf32, #tpu.memory_space<vmem>>, vector<1x16xf32>,
        %swap3A_1285 = vector.shape_cast %swap3A_1284 : vector<1x16xf32> to vector<16xf32>
        %swap3A_1286 = vector.shape_cast %mul3A_1281 : vector<16xf32> to vector<1x16xf32>
        tpu.vector_store %arg10[%swap3A_1282, %swap3A_1283], %swap3A_1286 {strides = array<i32>} : memref<128x128xf32, #tpu.memory_space<vmem>>, vector<1x16xf32>,
        %slice3A_1287 = vector.extract_strided_slice %get3A_71 {offsets = [14], sizes = [1], strides = [1]} : vector<16xf32> to vector<1xf32>
        %squeeze3A_1288 = vector.extract %slice3A_1287[0] : f32 from vector<1xf32>
        %broadcast_in_dim3A_1289 = vector.broadcast %squeeze3A_1288 : f32 to vector<16xf32>
        %mul3A_1290 = arith.constant 16 : i32
        %mul3A_1291 = arith.muli %scan3A_64, %mul3A_1290 : i32
        %add3A_1292 = arith.constant 14 : i32
        %add3A_1293 = arith.addi %mul3A_1291, %add3A_1292 : i32
        %get3A_1294 = arith.index_cast %add3A_1293 : i32 to index
        %get3A_1295 = arith.constant 0 : index
        %get3A_1296 = tpu.vector_load %arg10[%get3A_1294, %get3A_1295] {strides = array<i32>} : memref<128x128xf32, #tpu.memory_space<vmem>>, vector<1x16xf32>,
        %get3A_1297 = vector.shape_cast %get3A_1296 : vector<1x16xf32> to vector<16xf32>
        %mul3A_1298 = arith.mulf %get3A_1297, %broadcast_in_dim3A_1289 : vector<16xf32>
        %swap3A_1299 = arith.index_cast %add3A_1293 : i32 to index
        %swap3A_1300 = arith.constant 0 : index
        %swap3A_1301 = tpu.vector_load %arg10[%swap3A_1299, %swap3A_1300] {strides = array<i32>} : memref<128x128xf32, #tpu.memory_space<vmem>>, vector<1x16xf32>,
        %swap3A_1302 = vector.shape_cast %swap3A_1301 : vector<1x16xf32> to vector<16xf32>
        %swap3A_1303 = vector.shape_cast %mul3A_1298 : vector<16xf32> to vector<1x16xf32>
        tpu.vector_store %arg10[%swap3A_1299, %swap3A_1300], %swap3A_1303 {strides = array<i32>} : memref<128x128xf32, #tpu.memory_space<vmem>>, vector<1x16xf32>,
        %get3A_1304 = arith.index_cast %add3A_1293 : i32 to index
        %get3A_1305 = arith.constant 16 : index
        %get3A_1306 = tpu.vector_load %arg10[%get3A_1304, %get3A_1305] {strides = array<i32>} : memref<128x128xf32, #tpu.memory_space<vmem>>, vector<1x16xf32>,
        %get3A_1307 = vector.shape_cast %get3A_1306 : vector<1x16xf32> to vector<16xf32>
        %mul3A_1308 = arith.mulf %get3A_1307, %broadcast_in_dim3A_1289 : vector<16xf32>
        %swap3A_1309 = arith.index_cast %add3A_1293 : i32 to index
        %swap3A_1310 = arith.constant 16 : index
        %swap3A_1311 = tpu.vector_load %arg10[%swap3A_1309, %swap3A_1310] {strides = array<i32>} : memref<128x128xf32, #tpu.memory_space<vmem>>, vector<1x16xf32>,
        %swap3A_1312 = vector.shape_cast %swap3A_1311 : vector<1x16xf32> to vector<16xf32>
        %swap3A_1313 = vector.shape_cast %mul3A_1308 : vector<16xf32> to vector<1x16xf32>
        tpu.vector_store %arg10[%swap3A_1309, %swap3A_1310], %swap3A_1313 {strides = array<i32>} : memref<128x128xf32, #tpu.memory_space<vmem>>, vector<1x16xf32>,
        %get3A_1314 = arith.index_cast %add3A_1293 : i32 to index
        %get3A_1315 = arith.constant 32 : index
        %get3A_1316 = tpu.vector_load %arg10[%get3A_1314, %get3A_1315] {strides = array<i32>} : memref<128x128xf32, #tpu.memory_space<vmem>>, vector<1x16xf32>,
        %get3A_1317 = vector.shape_cast %get3A_1316 : vector<1x16xf32> to vector<16xf32>
        %mul3A_1318 = arith.mulf %get3A_1317, %broadcast_in_dim3A_1289 : vector<16xf32>
        %swap3A_1319 = arith.index_cast %add3A_1293 : i32 to index
        %swap3A_1320 = arith.constant 32 : index
        %swap3A_1321 = tpu.vector_load %arg10[%swap3A_1319, %swap3A_1320] {strides = array<i32>} : memref<128x128xf32, #tpu.memory_space<vmem>>, vector<1x16xf32>,
        %swap3A_1322 = vector.shape_cast %swap3A_1321 : vector<1x16xf32> to vector<16xf32>
        %swap3A_1323 = vector.shape_cast %mul3A_1318 : vector<16xf32> to vector<1x16xf32>
        tpu.vector_store %arg10[%swap3A_1319, %swap3A_1320], %swap3A_1323 {strides = array<i32>} : memref<128x128xf32, #tpu.memory_space<vmem>>, vector<1x16xf32>,
        %get3A_1324 = arith.index_cast %add3A_1293 : i32 to index
        %get3A_1325 = arith.constant 48 : index
        %get3A_1326 = tpu.vector_load %arg10[%get3A_1324, %get3A_1325] {strides = array<i32>} : memref<128x128xf32, #tpu.memory_space<vmem>>, vector<1x16xf32>,
        %get3A_1327 = vector.shape_cast %get3A_1326 : vector<1x16xf32> to vector<16xf32>
        %mul3A_1328 = arith.mulf %get3A_1327, %broadcast_in_dim3A_1289 : vector<16xf32>
        %swap3A_1329 = arith.index_cast %add3A_1293 : i32 to index
        %swap3A_1330 = arith.constant 48 : index
        %swap3A_1331 = tpu.vector_load %arg10[%swap3A_1329, %swap3A_1330] {strides = array<i32>} : memref<128x128xf32, #tpu.memory_space<vmem>>, vector<1x16xf32>,
        %swap3A_1332 = vector.shape_cast %swap3A_1331 : vector<1x16xf32> to vector<16xf32>
        %swap3A_1333 = vector.shape_cast %mul3A_1328 : vector<16xf32> to vector<1x16xf32>
        tpu.vector_store %arg10[%swap3A_1329, %swap3A_1330], %swap3A_1333 {strides = array<i32>} : memref<128x128xf32, #tpu.memory_space<vmem>>, vector<1x16xf32>,
        %get3A_1334 = arith.index_cast %add3A_1293 : i32 to index
        %get3A_1335 = arith.constant 64 : index
        %get3A_1336 = tpu.vector_load %arg10[%get3A_1334, %get3A_1335] {strides = array<i32>} : memref<128x128xf32, #tpu.memory_space<vmem>>, vector<1x16xf32>,
        %get3A_1337 = vector.shape_cast %get3A_1336 : vector<1x16xf32> to vector<16xf32>
        %mul3A_1338 = arith.mulf %get3A_1337, %broadcast_in_dim3A_1289 : vector<16xf32>
        %swap3A_1339 = arith.index_cast %add3A_1293 : i32 to index
        %swap3A_1340 = arith.constant 64 : index
        %swap3A_1341 = tpu.vector_load %arg10[%swap3A_1339, %swap3A_1340] {strides = array<i32>} : memref<128x128xf32, #tpu.memory_space<vmem>>, vector<1x16xf32>,
        %swap3A_1342 = vector.shape_cast %swap3A_1341 : vector<1x16xf32> to vector<16xf32>
        %swap3A_1343 = vector.shape_cast %mul3A_1338 : vector<16xf32> to vector<1x16xf32>
        tpu.vector_store %arg10[%swap3A_1339, %swap3A_1340], %swap3A_1343 {strides = array<i32>} : memref<128x128xf32, #tpu.memory_space<vmem>>, vector<1x16xf32>,
        %get3A_1344 = arith.index_cast %add3A_1293 : i32 to index
        %get3A_1345 = arith.constant 80 : index
        %get3A_1346 = tpu.vector_load %arg10[%get3A_1344, %get3A_1345] {strides = array<i32>} : memref<128x128xf32, #tpu.memory_space<vmem>>, vector<1x16xf32>,
        %get3A_1347 = vector.shape_cast %get3A_1346 : vector<1x16xf32> to vector<16xf32>
        %mul3A_1348 = arith.mulf %get3A_1347, %broadcast_in_dim3A_1289 : vector<16xf32>
        %swap3A_1349 = arith.index_cast %add3A_1293 : i32 to index
        %swap3A_1350 = arith.constant 80 : index
        %swap3A_1351 = tpu.vector_load %arg10[%swap3A_1349, %swap3A_1350] {strides = array<i32>} : memref<128x128xf32, #tpu.memory_space<vmem>>, vector<1x16xf32>,
        %swap3A_1352 = vector.shape_cast %swap3A_1351 : vector<1x16xf32> to vector<16xf32>
        %swap3A_1353 = vector.shape_cast %mul3A_1348 : vector<16xf32> to vector<1x16xf32>
        tpu.vector_store %arg10[%swap3A_1349, %swap3A_1350], %swap3A_1353 {strides = array<i32>} : memref<128x128xf32, #tpu.memory_space<vmem>>, vector<1x16xf32>,
        %get3A_1354 = arith.index_cast %add3A_1293 : i32 to index
        %get3A_1355 = arith.constant 96 : index
        %get3A_1356 = tpu.vector_load %arg10[%get3A_1354, %get3A_1355] {strides = array<i32>} : memref<128x128xf32, #tpu.memory_space<vmem>>, vector<1x16xf32>,
        %get3A_1357 = vector.shape_cast %get3A_1356 : vector<1x16xf32> to vector<16xf32>
        %mul3A_1358 = arith.mulf %get3A_1357, %broadcast_in_dim3A_1289 : vector<16xf32>
        %swap3A_1359 = arith.index_cast %add3A_1293 : i32 to index
        %swap3A_1360 = arith.constant 96 : index
        %swap3A_1361 = tpu.vector_load %arg10[%swap3A_1359, %swap3A_1360] {strides = array<i32>} : memref<128x128xf32, #tpu.memory_space<vmem>>, vector<1x16xf32>,
        %swap3A_1362 = vector.shape_cast %swap3A_1361 : vector<1x16xf32> to vector<16xf32>
        %swap3A_1363 = vector.shape_cast %mul3A_1358 : vector<16xf32> to vector<1x16xf32>
        tpu.vector_store %arg10[%swap3A_1359, %swap3A_1360], %swap3A_1363 {strides = array<i32>} : memref<128x128xf32, #tpu.memory_space<vmem>>, vector<1x16xf32>,
        %get3A_1364 = arith.index_cast %add3A_1293 : i32 to index
        %get3A_1365 = arith.constant 112 : index
        %get3A_1366 = tpu.vector_load %arg10[%get3A_1364, %get3A_1365] {strides = array<i32>} : memref<128x128xf32, #tpu.memory_space<vmem>>, vector<1x16xf32>,
        %get3A_1367 = vector.shape_cast %get3A_1366 : vector<1x16xf32> to vector<16xf32>
        %mul3A_1368 = arith.mulf %get3A_1367, %broadcast_in_dim3A_1289 : vector<16xf32>
        %swap3A_1369 = arith.index_cast %add3A_1293 : i32 to index
        %swap3A_1370 = arith.constant 112 : index
        %swap3A_1371 = tpu.vector_load %arg10[%swap3A_1369, %swap3A_1370] {strides = array<i32>} : memref<128x128xf32, #tpu.memory_space<vmem>>, vector<1x16xf32>,
        %swap3A_1372 = vector.shape_cast %swap3A_1371 : vector<1x16xf32> to vector<16xf32>
        %swap3A_1373 = vector.shape_cast %mul3A_1368 : vector<16xf32> to vector<1x16xf32>
        tpu.vector_store %arg10[%swap3A_1369, %swap3A_1370], %swap3A_1373 {strides = array<i32>} : memref<128x128xf32, #tpu.memory_space<vmem>>, vector<1x16xf32>,
        %slice3A_1374 = vector.extract_strided_slice %get3A_71 {offsets = [15], sizes = [1], strides = [1]} : vector<16xf32> to vector<1xf32>
        %squeeze3A_1375 = vector.extract %slice3A_1374[0] : f32 from vector<1xf32>
        %broadcast_in_dim3A_1376 = vector.broadcast %squeeze3A_1375 : f32 to vector<16xf32>
        %mul3A_1377 = arith.constant 16 : i32
        %mul3A_1378 = arith.muli %scan3A_64, %mul3A_1377 : i32
        %add3A_1379 = arith.constant 15 : i32
        %add3A_1380 = arith.addi %mul3A_1378, %add3A_1379 : i32
        %get3A_1381 = arith.index_cast %add3A_1380 : i32 to index
        %get3A_1382 = arith.constant 0 : index
        %get3A_1383 = tpu.vector_load %arg10[%get3A_1381, %get3A_1382] {strides = array<i32>} : memref<128x128xf32, #tpu.memory_space<vmem>>, vector<1x16xf32>,
        %get3A_1384 = vector.shape_cast %get3A_1383 : vector<1x16xf32> to vector<16xf32>
        %mul3A_1385 = arith.mulf %get3A_1384, %broadcast_in_dim3A_1376 : vector<16xf32>
        %swap3A_1386 = arith.index_cast %add3A_1380 : i32 to index
        %swap3A_1387 = arith.constant 0 : index
        %swap3A_1388 = tpu.vector_load %arg10[%swap3A_1386, %swap3A_1387] {strides = array<i32>} : memref<128x128xf32, #tpu.memory_space<vmem>>, vector<1x16xf32>,
        %swap3A_1389 = vector.shape_cast %swap3A_1388 : vector<1x16xf32> to vector<16xf32>
        %swap3A_1390 = vector.shape_cast %mul3A_1385 : vector<16xf32> to vector<1x16xf32>
        tpu.vector_store %arg10[%swap3A_1386, %swap3A_1387], %swap3A_1390 {strides = array<i32>} : memref<128x128xf32, #tpu.memory_space<vmem>>, vector<1x16xf32>,
        %get3A_1391 = arith.index_cast %add3A_1380 : i32 to index
        %get3A_1392 = arith.constant 16 : index
        %get3A_1393 = tpu.vector_load %arg10[%get3A_1391, %get3A_1392] {strides = array<i32>} : memref<128x128xf32, #tpu.memory_space<vmem>>, vector<1x16xf32>,
        %get3A_1394 = vector.shape_cast %get3A_1393 : vector<1x16xf32> to vector<16xf32>
        %mul3A_1395 = arith.mulf %get3A_1394, %broadcast_in_dim3A_1376 : vector<16xf32>
        %swap3A_1396 = arith.index_cast %add3A_1380 : i32 to index
        %swap3A_1397 = arith.constant 16 : index
        %swap3A_1398 = tpu.vector_load %arg10[%swap3A_1396, %swap3A_1397] {strides = array<i32>} : memref<128x128xf32, #tpu.memory_space<vmem>>, vector<1x16xf32>,
        %swap3A_1399 = vector.shape_cast %swap3A_1398 : vector<1x16xf32> to vector<16xf32>
        %swap3A_1400 = vector.shape_cast %mul3A_1395 : vector<16xf32> to vector<1x16xf32>
        tpu.vector_store %arg10[%swap3A_1396, %swap3A_1397], %swap3A_1400 {strides = array<i32>} : memref<128x128xf32, #tpu.memory_space<vmem>>, vector<1x16xf32>,
        %get3A_1401 = arith.index_cast %add3A_1380 : i32 to index
        %get3A_1402 = arith.constant 32 : index
        %get3A_1403 = tpu.vector_load %arg10[%get3A_1401, %get3A_1402] {strides = array<i32>} : memref<128x128xf32, #tpu.memory_space<vmem>>, vector<1x16xf32>,
        %get3A_1404 = vector.shape_cast %get3A_1403 : vector<1x16xf32> to vector<16xf32>
        %mul3A_1405 = arith.mulf %get3A_1404, %broadcast_in_dim3A_1376 : vector<16xf32>
        %swap3A_1406 = arith.index_cast %add3A_1380 : i32 to index
        %swap3A_1407 = arith.constant 32 : index
        %swap3A_1408 = tpu.vector_load %arg10[%swap3A_1406, %swap3A_1407] {strides = array<i32>} : memref<128x128xf32, #tpu.memory_space<vmem>>, vector<1x16xf32>,
        %swap3A_1409 = vector.shape_cast %swap3A_1408 : vector<1x16xf32> to vector<16xf32>
        %swap3A_1410 = vector.shape_cast %mul3A_1405 : vector<16xf32> to vector<1x16xf32>
        tpu.vector_store %arg10[%swap3A_1406, %swap3A_1407], %swap3A_1410 {strides = array<i32>} : memref<128x128xf32, #tpu.memory_space<vmem>>, vector<1x16xf32>,
        %get3A_1411 = arith.index_cast %add3A_1380 : i32 to index
        %get3A_1412 = arith.constant 48 : index
        %get3A_1413 = tpu.vector_load %arg10[%get3A_1411, %get3A_1412] {strides = array<i32>} : memref<128x128xf32, #tpu.memory_space<vmem>>, vector<1x16xf32>,
        %get3A_1414 = vector.shape_cast %get3A_1413 : vector<1x16xf32> to vector<16xf32>
        %mul3A_1415 = arith.mulf %get3A_1414, %broadcast_in_dim3A_1376 : vector<16xf32>
        %swap3A_1416 = arith.index_cast %add3A_1380 : i32 to index
        %swap3A_1417 = arith.constant 48 : index
        %swap3A_1418 = tpu.vector_load %arg10[%swap3A_1416, %swap3A_1417] {strides = array<i32>} : memref<128x128xf32, #tpu.memory_space<vmem>>, vector<1x16xf32>,
        %swap3A_1419 = vector.shape_cast %swap3A_1418 : vector<1x16xf32> to vector<16xf32>
        %swap3A_1420 = vector.shape_cast %mul3A_1415 : vector<16xf32> to vector<1x16xf32>
        tpu.vector_store %arg10[%swap3A_1416, %swap3A_1417], %swap3A_1420 {strides = array<i32>} : memref<128x128xf32, #tpu.memory_space<vmem>>, vector<1x16xf32>,
        %get3A_1421 = arith.index_cast %add3A_1380 : i32 to index
        %get3A_1422 = arith.constant 64 : index
        %get3A_1423 = tpu.vector_load %arg10[%get3A_1421, %get3A_1422] {strides = array<i32>} : memref<128x128xf32, #tpu.memory_space<vmem>>, vector<1x16xf32>,
        %get3A_1424 = vector.shape_cast %get3A_1423 : vector<1x16xf32> to vector<16xf32>
        %mul3A_1425 = arith.mulf %get3A_1424, %broadcast_in_dim3A_1376 : vector<16xf32>
        %swap3A_1426 = arith.index_cast %add3A_1380 : i32 to index
        %swap3A_1427 = arith.constant 64 : index
        %swap3A_1428 = tpu.vector_load %arg10[%swap3A_1426, %swap3A_1427] {strides = array<i32>} : memref<128x128xf32, #tpu.memory_space<vmem>>, vector<1x16xf32>,
        %swap3A_1429 = vector.shape_cast %swap3A_1428 : vector<1x16xf32> to vector<16xf32>
        %swap3A_1430 = vector.shape_cast %mul3A_1425 : vector<16xf32> to vector<1x16xf32>
        tpu.vector_store %arg10[%swap3A_1426, %swap3A_1427], %swap3A_1430 {strides = array<i32>} : memref<128x128xf32, #tpu.memory_space<vmem>>, vector<1x16xf32>,
        %get3A_1431 = arith.index_cast %add3A_1380 : i32 to index
        %get3A_1432 = arith.constant 80 : index
        %get3A_1433 = tpu.vector_load %arg10[%get3A_1431, %get3A_1432] {strides = array<i32>} : memref<128x128xf32, #tpu.memory_space<vmem>>, vector<1x16xf32>,
        %get3A_1434 = vector.shape_cast %get3A_1433 : vector<1x16xf32> to vector<16xf32>
        %mul3A_1435 = arith.mulf %get3A_1434, %broadcast_in_dim3A_1376 : vector<16xf32>
        %swap3A_1436 = arith.index_cast %add3A_1380 : i32 to index
        %swap3A_1437 = arith.constant 80 : index
        %swap3A_1438 = tpu.vector_load %arg10[%swap3A_1436, %swap3A_1437] {strides = array<i32>} : memref<128x128xf32, #tpu.memory_space<vmem>>, vector<1x16xf32>,
        %swap3A_1439 = vector.shape_cast %swap3A_1438 : vector<1x16xf32> to vector<16xf32>
        %swap3A_1440 = vector.shape_cast %mul3A_1435 : vector<16xf32> to vector<1x16xf32>
        tpu.vector_store %arg10[%swap3A_1436, %swap3A_1437], %swap3A_1440 {strides = array<i32>} : memref<128x128xf32, #tpu.memory_space<vmem>>, vector<1x16xf32>,
        %get3A_1441 = arith.index_cast %add3A_1380 : i32 to index
        %get3A_1442 = arith.constant 96 : index
        %get3A_1443 = tpu.vector_load %arg10[%get3A_1441, %get3A_1442] {strides = array<i32>} : memref<128x128xf32, #tpu.memory_space<vmem>>, vector<1x16xf32>,
        %get3A_1444 = vector.shape_cast %get3A_1443 : vector<1x16xf32> to vector<16xf32>
        %mul3A_1445 = arith.mulf %get3A_1444, %broadcast_in_dim3A_1376 : vector<16xf32>
        %swap3A_1446 = arith.index_cast %add3A_1380 : i32 to index
        %swap3A_1447 = arith.constant 96 : index
        %swap3A_1448 = tpu.vector_load %arg10[%swap3A_1446, %swap3A_1447] {strides = array<i32>} : memref<128x128xf32, #tpu.memory_space<vmem>>, vector<1x16xf32>,
        %swap3A_1449 = vector.shape_cast %swap3A_1448 : vector<1x16xf32> to vector<16xf32>
        %swap3A_1450 = vector.shape_cast %mul3A_1445 : vector<16xf32> to vector<1x16xf32>
        tpu.vector_store %arg10[%swap3A_1446, %swap3A_1447], %swap3A_1450 {strides = array<i32>} : memref<128x128xf32, #tpu.memory_space<vmem>>, vector<1x16xf32>,
        %get3A_1451 = arith.index_cast %add3A_1380 : i32 to index
        %get3A_1452 = arith.constant 112 : index
        %get3A_1453 = tpu.vector_load %arg10[%get3A_1451, %get3A_1452] {strides = array<i32>} : memref<128x128xf32, #tpu.memory_space<vmem>>, vector<1x16xf32>,
        %get3A_1454 = vector.shape_cast %get3A_1453 : vector<1x16xf32> to vector<16xf32>
        %mul3A_1455 = arith.mulf %get3A_1454, %broadcast_in_dim3A_1376 : vector<16xf32>
        %swap3A_1456 = arith.index_cast %add3A_1380 : i32 to index
        %swap3A_1457 = arith.constant 112 : index
        %swap3A_1458 = tpu.vector_load %arg10[%swap3A_1456, %swap3A_1457] {strides = array<i32>} : memref<128x128xf32, #tpu.memory_space<vmem>>, vector<1x16xf32>,
        %swap3A_1459 = vector.shape_cast %swap3A_1458 : vector<1x16xf32> to vector<16xf32>
        %swap3A_1460 = vector.shape_cast %mul3A_1455 : vector<16xf32> to vector<1x16xf32>
        tpu.vector_store %arg10[%swap3A_1456, %swap3A_1457], %swap3A_1460 {strides = array<i32>} : memref<128x128xf32, #tpu.memory_space<vmem>>, vector<1x16xf32>,
      }
      %scan3A_63 = arith.constant 8 : i32
      "tpu.region"() ({
        %run_scoped3A = tpu.sem_alloc : memref<!tpu.dma_semaphore, #tpu.memory_space<semaphore_mem>>
        %dma_start3A_64 = arith.constant 0 : i32
        %dma_start3A_65 = tpu.memref_slice %arg8[%rem3A_47, %dma_start3A_64] : memref<79x128xi32, #tpu.memory_space<vmem>> -> memref<1x128xi32, #tpu.memory_space<vmem>>
        %dma_start3A_66 = tpu.memref_squeeze %dma_start3A_65 : memref<1x128xi32, #tpu.memory_space<vmem>> -> memref<128xi32, #tpu.memory_space<vmem>>
        %dma_start3A_67 = arith.constant 0 : i32
        %dma_start3A_68 = arith.constant 0 : i32
        %dma_start3A_69 = tpu.memref_slice %arg11[%dma_start3A_67, %dma_start3A_68] : memref<10240x128xf32, #tpu.memory_space<vmem_shared>> -> memref<10240x128xf32, #tpu.memory_space<vmem_shared>>
        tpu.enqueue_indirect_dma source(%arg10 : memref<128x128xf32, #tpu.memory_space<vmem>>) target(%dma_start3A_69 : memref<10240x128xf32, #tpu.memory_space<vmem_shared>>) offsets(%dma_start3A_66 : memref<128xi32, #tpu.memory_space<vmem>>) semaphore(%run_scoped3A : memref<!tpu.dma_semaphore, #tpu.memory_space<semaphore_mem>>) {add = true}
        %dma_wait3A_70 = arith.constant 0 : i32
        %dma_wait3A_71 = tpu.memref_slice %arg8[%rem3A_47, %dma_wait3A_70] : memref<79x128xi32, #tpu.memory_space<vmem>> -> memref<1x128xi32, #tpu.memory_space<vmem>>
        %dma_wait3A_72 = tpu.memref_squeeze %dma_wait3A_71 : memref<1x128xi32, #tpu.memory_space<vmem>> -> memref<128xi32, #tpu.memory_space<vmem>>
        %dma_wait3A_73 = arith.constant 0 : i32
        %dma_wait3A_74 = arith.constant 0 : i32
        %dma_wait3A_75 = tpu.memref_slice %arg11[%dma_wait3A_73, %dma_wait3A_74] : memref<10240x128xf32, #tpu.memory_space<vmem_shared>> -> memref<10240x128xf32, #tpu.memory_space<vmem_shared>>
        tpu.wait_indirect_dma semaphore(%run_scoped3A : memref<!tpu.dma_semaphore, #tpu.memory_space<semaphore_mem>>) src(%arg10 : memref<128x128xf32, #tpu.memory_space<vmem>>) dst(%dma_wait3A_75 : memref<10240x128xf32, #tpu.memory_space<vmem_shared>>)
        tpu.yield
      }) : () -> ()
    }
    %scan3A_42 = arith.constant 79 : i32
    %barrier3A_43 = arith.constant 0 : index
    tpu.barrier barrier_id(%barrier3A_43)
    "tpu.region"() ({
      %run_scoped3A = tpu.sem_alloc : memref<!tpu.dma_semaphore, #tpu.memory_space<semaphore_mem>>
      %dma_start3A = arith.constant 0 : i32
      %dma_start3A_44 = arith.constant 0 : i32
      %dma_start3A_45 = tpu.memref_slice %arg6[%arg0, %dma_start3A, %dma_start3A_44] : memref<2x10240x128xf32, #tpu.memory_space<hbm>> -> memref<1x10240x128xf32, #tpu.memory_space<hbm>>
      %dma_start3A_46 = tpu.memref_squeeze %dma_start3A_45 : memref<1x10240x128xf32, #tpu.memory_space<hbm>> -> memref<10240x128xf32, #tpu.memory_space<hbm>>
      %dma_start3A_47 = arith.constant 0 : i32
      %dma_start3A_48 = tpu.memref_slice %dma_start3A_46[%mul3A_8, %dma_start3A_47] : memref<10240x128xf32, #tpu.memory_space<hbm>> -> memref<640x128xf32, #tpu.memory_space<hbm>>
      %dma_start3A_49 = arith.constant 0 : i32
      %dma_start3A_50 = tpu.memref_slice %arg11[%mul3A_8, %dma_start3A_49] : memref<10240x128xf32, #tpu.memory_space<vmem_shared>> -> memref<640x128xf32, #tpu.memory_space<vmem_shared>>
      tpu.enqueue_dma source(%dma_start3A_50 : memref<640x128xf32, #tpu.memory_space<vmem_shared>>) target(%dma_start3A_48 : memref<640x128xf32, #tpu.memory_space<hbm>>) target_semaphore(%run_scoped3A : memref<!tpu.dma_semaphore, #tpu.memory_space<semaphore_mem>>)
      %dma_wait3A = arith.constant 0 : i32
      %dma_wait3A_51 = arith.constant 0 : i32
      %dma_wait3A_52 = tpu.memref_slice %arg6[%arg0, %dma_wait3A, %dma_wait3A_51] : memref<2x10240x128xf32, #tpu.memory_space<hbm>> -> memref<1x10240x128xf32, #tpu.memory_space<hbm>>
      %dma_wait3A_53 = tpu.memref_squeeze %dma_wait3A_52 : memref<1x10240x128xf32, #tpu.memory_space<hbm>> -> memref<10240x128xf32, #tpu.memory_space<hbm>>
      %dma_wait3A_54 = arith.constant 0 : i32
      %dma_wait3A_55 = tpu.memref_slice %dma_wait3A_53[%mul3A_8, %dma_wait3A_54] : memref<10240x128xf32, #tpu.memory_space<hbm>> -> memref<640x128xf32, #tpu.memory_space<hbm>>
      %dma_wait3A_56 = arith.constant 0 : i32
      %dma_wait3A_57 = tpu.memref_slice %arg11[%mul3A_8, %dma_wait3A_56] : memref<10240x128xf32, #tpu.memory_space<vmem_shared>> -> memref<640x128xf32, #tpu.memory_space<vmem_shared>>
      tpu.wait_dma2 semaphore(%run_scoped3A : memref<!tpu.dma_semaphore, #tpu.memory_space<semaphore_mem>>) src(%dma_wait3A_57 : memref<640x128xf32, #tpu.memory_space<vmem_shared>>) dst(%dma_wait3A_55 : memref<640x128xf32, #tpu.memory_space<hbm>>)
      tpu.yield
    }) : () -> ()
    return
  }
}

#map = affine_map<(d0, d1) -> (0, 0)>
#map1 = affine_map<(d0, d1) -> (0, 0, 0)>
module attributes {stable_mosaic.version = 14 : i64} {
  func.func @spmm_sc(%arg0: i32, %arg1: i32, %arg2: memref<10000x128xf32, #tpu.memory_space<hbm>>, %arg3: memref<32x79x128xi32, #tpu.memory_space<hbm>>, %arg4: memref<32x79x128xi32, #tpu.memory_space<hbm>>, %arg5: memref<32x10112xf32, #tpu.memory_space<hbm>>, %arg6: memref<2x10240x128xf32, #tpu.memory_space<hbm>>, %arg7: memref<79x128xi32, #tpu.memory_space<vmem>>, %arg8: memref<79x128xi32, #tpu.memory_space<vmem>>, %arg9: memref<10112xf32, #tpu.memory_space<vmem>>, %arg10: memref<128x128xf32, #tpu.memory_space<vmem>>, %arg11: memref<10240x128xf32, #tpu.memory_space<vmem_shared>>, %arg12: memref<!tpu.dma_semaphore, #tpu.memory_space<semaphore_mem>>) attributes {dimension_semantics = [#tpu.dimension_semantics<core_parallel>, #tpu.dimension_semantics<subcore_parallel>], iteration_bounds = array<i64: 2, 16>, scalar_prefetch = 0 : i64, scratch_operands = 6 : i64, tpu.core_type = #tpu.core_type<sc_vector_subcore>, window_params = [{transform_indices = #map}, {transform_indices = #map1}, {transform_indices = #map1}, {transform_indices = #map}, {transform_indices = #map1}]} {
    %mul3A = arith.constant 16 : i32
    %mul3A_0 = arith.muli %arg0, %mul3A : i32
    %add3A = arith.addi %mul3A_0, %arg1 : i32
    "tpu.region"() ({
      %run_scoped3A = tpu.sem_alloc : memref<!tpu.dma_semaphore, #tpu.memory_space<semaphore_mem>>
      %dma_start3A = arith.constant 0 : i32
      %dma_start3A_44 = arith.constant 0 : i32
      %dma_start3A_45 = tpu.memref_slice %arg3[%add3A, %dma_start3A, %dma_start3A_44] : memref<32x79x128xi32, #tpu.memory_space<hbm>> -> memref<1x79x128xi32, #tpu.memory_space<hbm>>
      %dma_start3A_46 = tpu.memref_squeeze %dma_start3A_45 : memref<1x79x128xi32, #tpu.memory_space<hbm>> -> memref<79x128xi32, #tpu.memory_space<hbm>>
      %dma_start3A_47 = arith.constant 0 : i32
      %dma_start3A_48 = arith.constant 0 : i32
      %dma_start3A_49 = tpu.memref_slice %arg3[%add3A, %dma_start3A_47, %dma_start3A_48] : memref<32x79x128xi32, #tpu.memory_space<hbm>> -> memref<1x79x128xi32, #tpu.memory_space<hbm>>
      %dma_start3A_50 = tpu.memref_squeeze %dma_start3A_49 : memref<1x79x128xi32, #tpu.memory_space<hbm>> -> memref<79x128xi32, #tpu.memory_space<hbm>>
      tpu.enqueue_dma source(%dma_start3A_50 : memref<79x128xi32, #tpu.memory_space<hbm>>) target(%arg7 : memref<79x128xi32, #tpu.memory_space<vmem>>) target_semaphore(%run_scoped3A : memref<!tpu.dma_semaphore, #tpu.memory_space<semaphore_mem>>)
      %dma_wait3A = arith.constant 0 : i32
      %dma_wait3A_51 = arith.constant 0 : i32
      %dma_wait3A_52 = tpu.memref_slice %arg3[%add3A, %dma_wait3A, %dma_wait3A_51] : memref<32x79x128xi32, #tpu.memory_space<hbm>> -> memref<1x79x128xi32, #tpu.memory_space<hbm>>
      %dma_wait3A_53 = tpu.memref_squeeze %dma_wait3A_52 : memref<1x79x128xi32, #tpu.memory_space<hbm>> -> memref<79x128xi32, #tpu.memory_space<hbm>>
      %dma_wait3A_54 = arith.constant 0 : i32
      %dma_wait3A_55 = arith.constant 0 : i32
      %dma_wait3A_56 = tpu.memref_slice %arg3[%add3A, %dma_wait3A_54, %dma_wait3A_55] : memref<32x79x128xi32, #tpu.memory_space<hbm>> -> memref<1x79x128xi32, #tpu.memory_space<hbm>>
      %dma_wait3A_57 = tpu.memref_squeeze %dma_wait3A_56 : memref<1x79x128xi32, #tpu.memory_space<hbm>> -> memref<79x128xi32, #tpu.memory_space<hbm>>
      tpu.wait_dma2 semaphore(%run_scoped3A : memref<!tpu.dma_semaphore, #tpu.memory_space<semaphore_mem>>) src(%dma_wait3A_57 : memref<79x128xi32, #tpu.memory_space<hbm>>) dst(%arg7 : memref<79x128xi32, #tpu.memory_space<vmem>>)
      tpu.yield
    }) : () -> ()
    "tpu.region"() ({
      %run_scoped3A = tpu.sem_alloc : memref<!tpu.dma_semaphore, #tpu.memory_space<semaphore_mem>>
      %dma_start3A = arith.constant 0 : i32
      %dma_start3A_44 = arith.constant 0 : i32
      %dma_start3A_45 = tpu.memref_slice %arg4[%add3A, %dma_start3A, %dma_start3A_44] : memref<32x79x128xi32, #tpu.memory_space<hbm>> -> memref<1x79x128xi32, #tpu.memory_space<hbm>>
      %dma_start3A_46 = tpu.memref_squeeze %dma_start3A_45 : memref<1x79x128xi32, #tpu.memory_space<hbm>> -> memref<79x128xi32, #tpu.memory_space<hbm>>
      %dma_start3A_47 = arith.constant 0 : i32
      %dma_start3A_48 = arith.constant 0 : i32
      %dma_start3A_49 = tpu.memref_slice %arg4[%add3A, %dma_start3A_47, %dma_start3A_48] : memref<32x79x128xi32, #tpu.memory_space<hbm>> -> memref<1x79x128xi32, #tpu.memory_space<hbm>>
      %dma_start3A_50 = tpu.memref_squeeze %dma_start3A_49 : memref<1x79x128xi32, #tpu.memory_space<hbm>> -> memref<79x128xi32, #tpu.memory_space<hbm>>
      tpu.enqueue_dma source(%dma_start3A_50 : memref<79x128xi32, #tpu.memory_space<hbm>>) target(%arg8 : memref<79x128xi32, #tpu.memory_space<vmem>>) target_semaphore(%run_scoped3A : memref<!tpu.dma_semaphore, #tpu.memory_space<semaphore_mem>>)
      %dma_wait3A = arith.constant 0 : i32
      %dma_wait3A_51 = arith.constant 0 : i32
      %dma_wait3A_52 = tpu.memref_slice %arg4[%add3A, %dma_wait3A, %dma_wait3A_51] : memref<32x79x128xi32, #tpu.memory_space<hbm>> -> memref<1x79x128xi32, #tpu.memory_space<hbm>>
      %dma_wait3A_53 = tpu.memref_squeeze %dma_wait3A_52 : memref<1x79x128xi32, #tpu.memory_space<hbm>> -> memref<79x128xi32, #tpu.memory_space<hbm>>
      %dma_wait3A_54 = arith.constant 0 : i32
      %dma_wait3A_55 = arith.constant 0 : i32
      %dma_wait3A_56 = tpu.memref_slice %arg4[%add3A, %dma_wait3A_54, %dma_wait3A_55] : memref<32x79x128xi32, #tpu.memory_space<hbm>> -> memref<1x79x128xi32, #tpu.memory_space<hbm>>
      %dma_wait3A_57 = tpu.memref_squeeze %dma_wait3A_56 : memref<1x79x128xi32, #tpu.memory_space<hbm>> -> memref<79x128xi32, #tpu.memory_space<hbm>>
      tpu.wait_dma2 semaphore(%run_scoped3A : memref<!tpu.dma_semaphore, #tpu.memory_space<semaphore_mem>>) src(%dma_wait3A_57 : memref<79x128xi32, #tpu.memory_space<hbm>>) dst(%arg8 : memref<79x128xi32, #tpu.memory_space<vmem>>)
      tpu.yield
    }) : () -> ()
    "tpu.region"() ({
      %run_scoped3A = tpu.sem_alloc : memref<!tpu.dma_semaphore, #tpu.memory_space<semaphore_mem>>
      %dma_start3A = arith.constant 0 : i32
      %dma_start3A_44 = tpu.memref_slice %arg5[%add3A, %dma_start3A] : memref<32x10112xf32, #tpu.memory_space<hbm>> -> memref<1x10112xf32, #tpu.memory_space<hbm>>
      %dma_start3A_45 = tpu.memref_squeeze %dma_start3A_44 : memref<1x10112xf32, #tpu.memory_space<hbm>> -> memref<10112xf32, #tpu.memory_space<hbm>>
      %dma_start3A_46 = arith.constant 0 : i32
      %dma_start3A_47 = tpu.memref_slice %arg5[%add3A, %dma_start3A_46] : memref<32x10112xf32, #tpu.memory_space<hbm>> -> memref<1x10112xf32, #tpu.memory_space<hbm>>
      %dma_start3A_48 = tpu.memref_squeeze %dma_start3A_47 : memref<1x10112xf32, #tpu.memory_space<hbm>> -> memref<10112xf32, #tpu.memory_space<hbm>>
      tpu.enqueue_dma source(%dma_start3A_48 : memref<10112xf32, #tpu.memory_space<hbm>>) target(%arg9 : memref<10112xf32, #tpu.memory_space<vmem>>) target_semaphore(%run_scoped3A : memref<!tpu.dma_semaphore, #tpu.memory_space<semaphore_mem>>)
      %dma_wait3A = arith.constant 0 : i32
      %dma_wait3A_49 = tpu.memref_slice %arg5[%add3A, %dma_wait3A] : memref<32x10112xf32, #tpu.memory_space<hbm>> -> memref<1x10112xf32, #tpu.memory_space<hbm>>
      %dma_wait3A_50 = tpu.memref_squeeze %dma_wait3A_49 : memref<1x10112xf32, #tpu.memory_space<hbm>> -> memref<10112xf32, #tpu.memory_space<hbm>>
      %dma_wait3A_51 = arith.constant 0 : i32
      %dma_wait3A_52 = tpu.memref_slice %arg5[%add3A, %dma_wait3A_51] : memref<32x10112xf32, #tpu.memory_space<hbm>> -> memref<1x10112xf32, #tpu.memory_space<hbm>>
      %dma_wait3A_53 = tpu.memref_squeeze %dma_wait3A_52 : memref<1x10112xf32, #tpu.memory_space<hbm>> -> memref<10112xf32, #tpu.memory_space<hbm>>
      tpu.wait_dma2 semaphore(%run_scoped3A : memref<!tpu.dma_semaphore, #tpu.memory_space<semaphore_mem>>) src(%dma_wait3A_53 : memref<10112xf32, #tpu.memory_space<hbm>>) dst(%arg9 : memref<10112xf32, #tpu.memory_space<vmem>>)
      tpu.yield
    }) : () -> ()
    %broadcast_in_dim3A = arith.constant 0.000000e+00 : f32
    %broadcast_in_dim3A_1 = vector.broadcast %broadcast_in_dim3A : f32 to vector<16xf32>
    %scan3A = arith.constant 0 : i32
    %scan3A_2 = arith.constant 0 : i32
    %scan3A_3 = arith.constant 128 : i32
    %scan3A_4 = arith.addi %scan3A_2, %scan3A_3 : i32
    %scan3A_5 = arith.constant 1 : i32
    scf.for %scan3A_44 = %scan3A_2 to %scan3A_4 step %scan3A_5  : i32 {
      %swap3A = arith.index_cast %scan3A_44 : i32 to index
      %swap3A_45 = arith.constant 0 : index
      %swap3A_46 = tpu.vector_load %arg10[%swap3A, %swap3A_45] {strides = array<i32>} : memref<128x128xf32, #tpu.memory_space<vmem>>, vector<1x16xf32>,
      %swap3A_47 = vector.shape_cast %swap3A_46 : vector<1x16xf32> to vector<16xf32>
      %swap3A_48 = vector.shape_cast %broadcast_in_dim3A_1 : vector<16xf32> to vector<1x16xf32>
      tpu.vector_store %arg10[%swap3A, %swap3A_45], %swap3A_48 {strides = array<i32>} : memref<128x128xf32, #tpu.memory_space<vmem>>, vector<1x16xf32>,
      %swap3A_49 = arith.index_cast %scan3A_44 : i32 to index
      %swap3A_50 = arith.constant 16 : index
      %swap3A_51 = tpu.vector_load %arg10[%swap3A_49, %swap3A_50] {strides = array<i32>} : memref<128x128xf32, #tpu.memory_space<vmem>>, vector<1x16xf32>,
      %swap3A_52 = vector.shape_cast %swap3A_51 : vector<1x16xf32> to vector<16xf32>
      %swap3A_53 = vector.shape_cast %broadcast_in_dim3A_1 : vector<16xf32> to vector<1x16xf32>
      tpu.vector_store %arg10[%swap3A_49, %swap3A_50], %swap3A_53 {strides = array<i32>} : memref<128x128xf32, #tpu.memory_space<vmem>>, vector<1x16xf32>,
      %swap3A_54 = arith.index_cast %scan3A_44 : i32 to index
      %swap3A_55 = arith.constant 32 : index
      %swap3A_56 = tpu.vector_load %arg10[%swap3A_54, %swap3A_55] {strides = array<i32>} : memref<128x128xf32, #tpu.memory_space<vmem>>, vector<1x16xf32>,
      %swap3A_57 = vector.shape_cast %swap3A_56 : vector<1x16xf32> to vector<16xf32>
      %swap3A_58 = vector.shape_cast %broadcast_in_dim3A_1 : vector<16xf32> to vector<1x16xf32>
      tpu.vector_store %arg10[%swap3A_54, %swap3A_55], %swap3A_58 {strides = array<i32>} : memref<128x128xf32, #tpu.memory_space<vmem>>, vector<1x16xf32>,
      %swap3A_59 = arith.index_cast %scan3A_44 : i32 to index
      %swap3A_60 = arith.constant 48 : index
      %swap3A_61 = tpu.vector_load %arg10[%swap3A_59, %swap3A_60] {strides = array<i32>} : memref<128x128xf32, #tpu.memory_space<vmem>>, vector<1x16xf32>,
      %swap3A_62 = vector.shape_cast %swap3A_61 : vector<1x16xf32> to vector<16xf32>
      %swap3A_63 = vector.shape_cast %broadcast_in_dim3A_1 : vector<16xf32> to vector<1x16xf32>
      tpu.vector_store %arg10[%swap3A_59, %swap3A_60], %swap3A_63 {strides = array<i32>} : memref<128x128xf32, #tpu.memory_space<vmem>>, vector<1x16xf32>,
      %swap3A_64 = arith.index_cast %scan3A_44 : i32 to index
      %swap3A_65 = arith.constant 64 : index
      %swap3A_66 = tpu.vector_load %arg10[%swap3A_64, %swap3A_65] {strides = array<i32>} : memref<128x128xf32, #tpu.memory_space<vmem>>, vector<1x16xf32>,
      %swap3A_67 = vector.shape_cast %swap3A_66 : vector<1x16xf32> to vector<16xf32>
      %swap3A_68 = vector.shape_cast %broadcast_in_dim3A_1 : vector<16xf32> to vector<1x16xf32>
      tpu.vector_store %arg10[%swap3A_64, %swap3A_65], %swap3A_68 {strides = array<i32>} : memref<128x128xf32, #tpu.memory_space<vmem>>, vector<1x16xf32>,
      %swap3A_69 = arith.index_cast %scan3A_44 : i32 to index
      %swap3A_70 = arith.constant 80 : index
      %swap3A_71 = tpu.vector_load %arg10[%swap3A_69, %swap3A_70] {strides = array<i32>} : memref<128x128xf32, #tpu.memory_space<vmem>>, vector<1x16xf32>,
      %swap3A_72 = vector.shape_cast %swap3A_71 : vector<1x16xf32> to vector<16xf32>
      %swap3A_73 = vector.shape_cast %broadcast_in_dim3A_1 : vector<16xf32> to vector<1x16xf32>
      tpu.vector_store %arg10[%swap3A_69, %swap3A_70], %swap3A_73 {strides = array<i32>} : memref<128x128xf32, #tpu.memory_space<vmem>>, vector<1x16xf32>,
      %swap3A_74 = arith.index_cast %scan3A_44 : i32 to index
      %swap3A_75 = arith.constant 96 : index
      %swap3A_76 = tpu.vector_load %arg10[%swap3A_74, %swap3A_75] {strides = array<i32>} : memref<128x128xf32, #tpu.memory_space<vmem>>, vector<1x16xf32>,
      %swap3A_77 = vector.shape_cast %swap3A_76 : vector<1x16xf32> to vector<16xf32>
      %swap3A_78 = vector.shape_cast %broadcast_in_dim3A_1 : vector<16xf32> to vector<1x16xf32>
      tpu.vector_store %arg10[%swap3A_74, %swap3A_75], %swap3A_78 {strides = array<i32>} : memref<128x128xf32, #tpu.memory_space<vmem>>, vector<1x16xf32>,
      %swap3A_79 = arith.index_cast %scan3A_44 : i32 to index
      %swap3A_80 = arith.constant 112 : index
      %swap3A_81 = tpu.vector_load %arg10[%swap3A_79, %swap3A_80] {strides = array<i32>} : memref<128x128xf32, #tpu.memory_space<vmem>>, vector<1x16xf32>,
      %swap3A_82 = vector.shape_cast %swap3A_81 : vector<1x16xf32> to vector<16xf32>
      %swap3A_83 = vector.shape_cast %broadcast_in_dim3A_1 : vector<16xf32> to vector<1x16xf32>
      tpu.vector_store %arg10[%swap3A_79, %swap3A_80], %swap3A_83 {strides = array<i32>} : memref<128x128xf32, #tpu.memory_space<vmem>>, vector<1x16xf32>,
    }
    %scan3A_6 = arith.constant 128 : i32
    %mul3A_7 = arith.constant 640 : i32
    %mul3A_8 = arith.muli %arg1, %mul3A_7 : i32
    %add3A_9 = arith.constant 0 : i32
    %add3A_10 = arith.addi %mul3A_8, %add3A_9 : i32
    "tpu.region"() ({
      %run_scoped3A = tpu.sem_alloc : memref<!tpu.dma_semaphore, #tpu.memory_space<semaphore_mem>>
      %dma_start3A = arith.constant 0 : i32
      %dma_start3A_44 = tpu.memref_slice %arg11[%add3A_10, %dma_start3A] : memref<10240x128xf32, #tpu.memory_space<vmem_shared>> -> memref<128x128xf32, #tpu.memory_space<vmem_shared>>
      %dma_start3A_45 = arith.constant 0 : i32
      %dma_start3A_46 = tpu.memref_slice %arg11[%add3A_10, %dma_start3A_45] : memref<10240x128xf32, #tpu.memory_space<vmem_shared>> -> memref<128x128xf32, #tpu.memory_space<vmem_shared>>
      tpu.enqueue_dma source(%arg10 : memref<128x128xf32, #tpu.memory_space<vmem>>) target(%dma_start3A_46 : memref<128x128xf32, #tpu.memory_space<vmem_shared>>) target_semaphore(%run_scoped3A : memref<!tpu.dma_semaphore, #tpu.memory_space<semaphore_mem>>)
      %dma_wait3A = arith.constant 0 : i32
      %dma_wait3A_47 = tpu.memref_slice %arg11[%add3A_10, %dma_wait3A] : memref<10240x128xf32, #tpu.memory_space<vmem_shared>> -> memref<128x128xf32, #tpu.memory_space<vmem_shared>>
      %dma_wait3A_48 = arith.constant 0 : i32
      %dma_wait3A_49 = tpu.memref_slice %arg11[%add3A_10, %dma_wait3A_48] : memref<10240x128xf32, #tpu.memory_space<vmem_shared>> -> memref<128x128xf32, #tpu.memory_space<vmem_shared>>
      tpu.wait_dma2 semaphore(%run_scoped3A : memref<!tpu.dma_semaphore, #tpu.memory_space<semaphore_mem>>) src(%arg10 : memref<128x128xf32, #tpu.memory_space<vmem>>) dst(%dma_wait3A_49 : memref<128x128xf32, #tpu.memory_space<vmem_shared>>)
      tpu.yield
    }) : () -> ()
    %add3A_11 = arith.constant 128 : i32
    %add3A_12 = arith.addi %mul3A_8, %add3A_11 : i32
    "tpu.region"() ({
      %run_scoped3A = tpu.sem_alloc : memref<!tpu.dma_semaphore, #tpu.memory_space<semaphore_mem>>
      %dma_start3A = arith.constant 0 : i32
      %dma_start3A_44 = tpu.memref_slice %arg11[%add3A_12, %dma_start3A] : memref<10240x128xf32, #tpu.memory_space<vmem_shared>> -> memref<128x128xf32, #tpu.memory_space<vmem_shared>>
      %dma_start3A_45 = arith.constant 0 : i32
      %dma_start3A_46 = tpu.memref_slice %arg11[%add3A_12, %dma_start3A_45] : memref<10240x128xf32, #tpu.memory_space<vmem_shared>> -> memref<128x128xf32, #tpu.memory_space<vmem_shared>>
      tpu.enqueue_dma source(%arg10 : memref<128x128xf32, #tpu.memory_space<vmem>>) target(%dma_start3A_46 : memref<128x128xf32, #tpu.memory_space<vmem_shared>>) target_semaphore(%run_scoped3A : memref<!tpu.dma_semaphore, #tpu.memory_space<semaphore_mem>>)
      %dma_wait3A = arith.constant 0 : i32
      %dma_wait3A_47 = tpu.memref_slice %arg11[%add3A_12, %dma_wait3A] : memref<10240x128xf32, #tpu.memory_space<vmem_shared>> -> memref<128x128xf32, #tpu.memory_space<vmem_shared>>
      %dma_wait3A_48 = arith.constant 0 : i32
      %dma_wait3A_49 = tpu.memref_slice %arg11[%add3A_12, %dma_wait3A_48] : memref<10240x128xf32, #tpu.memory_space<vmem_shared>> -> memref<128x128xf32, #tpu.memory_space<vmem_shared>>
      tpu.wait_dma2 semaphore(%run_scoped3A : memref<!tpu.dma_semaphore, #tpu.memory_space<semaphore_mem>>) src(%arg10 : memref<128x128xf32, #tpu.memory_space<vmem>>) dst(%dma_wait3A_49 : memref<128x128xf32, #tpu.memory_space<vmem_shared>>)
      tpu.yield
    }) : () -> ()
    %add3A_13 = arith.constant 256 : i32
    %add3A_14 = arith.addi %mul3A_8, %add3A_13 : i32
    "tpu.region"() ({
      %run_scoped3A = tpu.sem_alloc : memref<!tpu.dma_semaphore, #tpu.memory_space<semaphore_mem>>
      %dma_start3A = arith.constant 0 : i32
      %dma_start3A_44 = tpu.memref_slice %arg11[%add3A_14, %dma_start3A] : memref<10240x128xf32, #tpu.memory_space<vmem_shared>> -> memref<128x128xf32, #tpu.memory_space<vmem_shared>>
      %dma_start3A_45 = arith.constant 0 : i32
      %dma_start3A_46 = tpu.memref_slice %arg11[%add3A_14, %dma_start3A_45] : memref<10240x128xf32, #tpu.memory_space<vmem_shared>> -> memref<128x128xf32, #tpu.memory_space<vmem_shared>>
      tpu.enqueue_dma source(%arg10 : memref<128x128xf32, #tpu.memory_space<vmem>>) target(%dma_start3A_46 : memref<128x128xf32, #tpu.memory_space<vmem_shared>>) target_semaphore(%run_scoped3A : memref<!tpu.dma_semaphore, #tpu.memory_space<semaphore_mem>>)
      %dma_wait3A = arith.constant 0 : i32
      %dma_wait3A_47 = tpu.memref_slice %arg11[%add3A_14, %dma_wait3A] : memref<10240x128xf32, #tpu.memory_space<vmem_shared>> -> memref<128x128xf32, #tpu.memory_space<vmem_shared>>
      %dma_wait3A_48 = arith.constant 0 : i32
      %dma_wait3A_49 = tpu.memref_slice %arg11[%add3A_14, %dma_wait3A_48] : memref<10240x128xf32, #tpu.memory_space<vmem_shared>> -> memref<128x128xf32, #tpu.memory_space<vmem_shared>>
      tpu.wait_dma2 semaphore(%run_scoped3A : memref<!tpu.dma_semaphore, #tpu.memory_space<semaphore_mem>>) src(%arg10 : memref<128x128xf32, #tpu.memory_space<vmem>>) dst(%dma_wait3A_49 : memref<128x128xf32, #tpu.memory_space<vmem_shared>>)
      tpu.yield
    }) : () -> ()
    %add3A_15 = arith.constant 384 : i32
    %add3A_16 = arith.addi %mul3A_8, %add3A_15 : i32
    "tpu.region"() ({
      %run_scoped3A = tpu.sem_alloc : memref<!tpu.dma_semaphore, #tpu.memory_space<semaphore_mem>>
      %dma_start3A = arith.constant 0 : i32
      %dma_start3A_44 = tpu.memref_slice %arg11[%add3A_16, %dma_start3A] : memref<10240x128xf32, #tpu.memory_space<vmem_shared>> -> memref<128x128xf32, #tpu.memory_space<vmem_shared>>
      %dma_start3A_45 = arith.constant 0 : i32
      %dma_start3A_46 = tpu.memref_slice %arg11[%add3A_16, %dma_start3A_45] : memref<10240x128xf32, #tpu.memory_space<vmem_shared>> -> memref<128x128xf32, #tpu.memory_space<vmem_shared>>
      tpu.enqueue_dma source(%arg10 : memref<128x128xf32, #tpu.memory_space<vmem>>) target(%dma_start3A_46 : memref<128x128xf32, #tpu.memory_space<vmem_shared>>) target_semaphore(%run_scoped3A : memref<!tpu.dma_semaphore, #tpu.memory_space<semaphore_mem>>)
      %dma_wait3A = arith.constant 0 : i32
      %dma_wait3A_47 = tpu.memref_slice %arg11[%add3A_16, %dma_wait3A] : memref<10240x128xf32, #tpu.memory_space<vmem_shared>> -> memref<128x128xf32, #tpu.memory_space<vmem_shared>>
      %dma_wait3A_48 = arith.constant 0 : i32
      %dma_wait3A_49 = tpu.memref_slice %arg11[%add3A_16, %dma_wait3A_48] : memref<10240x128xf32, #tpu.memory_space<vmem_shared>> -> memref<128x128xf32, #tpu.memory_space<vmem_shared>>
      tpu.wait_dma2 semaphore(%run_scoped3A : memref<!tpu.dma_semaphore, #tpu.memory_space<semaphore_mem>>) src(%arg10 : memref<128x128xf32, #tpu.memory_space<vmem>>) dst(%dma_wait3A_49 : memref<128x128xf32, #tpu.memory_space<vmem_shared>>)
      tpu.yield
    }) : () -> ()
    %add3A_17 = arith.constant 512 : i32
    %add3A_18 = arith.addi %mul3A_8, %add3A_17 : i32
    "tpu.region"() ({
      %run_scoped3A = tpu.sem_alloc : memref<!tpu.dma_semaphore, #tpu.memory_space<semaphore_mem>>
      %dma_start3A = arith.constant 0 : i32
      %dma_start3A_44 = tpu.memref_slice %arg11[%add3A_18, %dma_start3A] : memref<10240x128xf32, #tpu.memory_space<vmem_shared>> -> memref<128x128xf32, #tpu.memory_space<vmem_shared>>
      %dma_start3A_45 = arith.constant 0 : i32
      %dma_start3A_46 = tpu.memref_slice %arg11[%add3A_18, %dma_start3A_45] : memref<10240x128xf32, #tpu.memory_space<vmem_shared>> -> memref<128x128xf32, #tpu.memory_space<vmem_shared>>
      tpu.enqueue_dma source(%arg10 : memref<128x128xf32, #tpu.memory_space<vmem>>) target(%dma_start3A_46 : memref<128x128xf32, #tpu.memory_space<vmem_shared>>) target_semaphore(%run_scoped3A : memref<!tpu.dma_semaphore, #tpu.memory_space<semaphore_mem>>)
      %dma_wait3A = arith.constant 0 : i32
      %dma_wait3A_47 = tpu.memref_slice %arg11[%add3A_18, %dma_wait3A] : memref<10240x128xf32, #tpu.memory_space<vmem_shared>> -> memref<128x128xf32, #tpu.memory_space<vmem_shared>>
      %dma_wait3A_48 = arith.constant 0 : i32
      %dma_wait3A_49 = tpu.memref_slice %arg11[%add3A_18, %dma_wait3A_48] : memref<10240x128xf32, #tpu.memory_space<vmem_shared>> -> memref<128x128xf32, #tpu.memory_space<vmem_shared>>
      tpu.wait_dma2 semaphore(%run_scoped3A : memref<!tpu.dma_semaphore, #tpu.memory_space<semaphore_mem>>) src(%arg10 : memref<128x128xf32, #tpu.memory_space<vmem>>) dst(%dma_wait3A_49 : memref<128x128xf32, #tpu.memory_space<vmem_shared>>)
      tpu.yield
    }) : () -> ()
    %barrier3A = arith.constant 0 : index
    tpu.barrier barrier_id(%barrier3A)
    %mul3A_19 = arith.constant 79 : i32
    %mul3A_20 = arith.muli %add3A, %mul3A_19 : i32
    %jit3A = arith.constant 32 : i32
    %div3A = arith.divsi %mul3A_20, %jit3A : i32
    %sign3A = arith.constant 0 : i32
    %sign3A_21 = arith.cmpi sgt, %mul3A_20, %sign3A : i32
    %sign3A_22 = arith.extui %sign3A_21 : i1 to i32
    %sign3A_23 = arith.constant 0 : i32
    %sign3A_24 = arith.cmpi slt, %mul3A_20, %sign3A_23 : i32
    %sign3A_25 = arith.extui %sign3A_24 : i1 to i32
    %sign3A_26 = arith.subi %sign3A_22, %sign3A_25 : i32
    %sign3A_27 = arith.constant 0 : i32
    %sign3A_28 = arith.cmpi sgt, %jit3A, %sign3A_27 : i32
    %sign3A_29 = arith.extui %sign3A_28 : i1 to i32
    %sign3A_30 = arith.constant 0 : i32
    %sign3A_31 = arith.cmpi slt, %jit3A, %sign3A_30 : i32
    %sign3A_32 = arith.extui %sign3A_31 : i1 to i32
    %sign3A_33 = arith.subi %sign3A_29, %sign3A_32 : i32
    %ne3A = arith.cmpi ne, %sign3A_26, %sign3A_33 : i32
    %rem3A = arith.remsi %mul3A_20, %jit3A : i32
    %ne3A_34 = arith.constant 0 : i32
    %ne3A_35 = arith.cmpi ne, %rem3A, %ne3A_34 : i32
    %and3A = arith.andi %ne3A, %ne3A_35 : i1
    %sub3A = arith.constant 1 : i32
    %sub3A_36 = arith.subi %div3A, %sub3A : i32
    %select_n3A = arith.select %and3A, %sub3A_36, %div3A : i32
    %scan3A_37 = arith.constant 0 : i32
    %scan3A_38 = arith.constant 0 : i32
    %scan3A_39 = arith.constant 79 : i32
    %scan3A_40 = arith.addi %scan3A_38, %scan3A_39 : i32
    %scan3A_41 = arith.constant 1 : i32
    scf.for %scan3A_44 = %scan3A_38 to %scan3A_40 step %scan3A_41  : i32 {
      %add3A_45 = arith.addi %scan3A_44, %select_n3A : i32
      %rem3A_46 = arith.constant 79 : i32
      %rem3A_47 = arith.remsi %add3A_45, %rem3A_46 : i32
      %dma_start3A = arith.constant 0 : i32
      %dma_start3A_48 = tpu.memref_slice %arg7[%rem3A_47, %dma_start3A] : memref<79x128xi32, #tpu.memory_space<vmem>> -> memref<1x128xi32, #tpu.memory_space<vmem>>
      %dma_start3A_49 = tpu.memref_squeeze %dma_start3A_48 : memref<1x128xi32, #tpu.memory_space<vmem>> -> memref<128xi32, #tpu.memory_space<vmem>>
      %dma_start3A_50 = arith.constant 0 : i32
      %dma_start3A_51 = arith.constant 0 : i32
      %dma_start3A_52 = tpu.memref_slice %arg2[%dma_start3A_50, %dma_start3A_51] : memref<10000x128xf32, #tpu.memory_space<hbm>> -> memref<10000x128xf32, #tpu.memory_space<hbm>>
      tpu.enqueue_indirect_dma source(%dma_start3A_52 : memref<10000x128xf32, #tpu.memory_space<hbm>>) target(%arg10 : memref<128x128xf32, #tpu.memory_space<vmem>>) offsets(%dma_start3A_49 : memref<128xi32, #tpu.memory_space<vmem>>) semaphore(%arg12 : memref<!tpu.dma_semaphore, #tpu.memory_space<semaphore_mem>>)
      %dma_wait3A = arith.constant 0 : i32
      %dma_wait3A_53 = tpu.memref_slice %arg7[%rem3A_47, %dma_wait3A] : memref<79x128xi32, #tpu.memory_space<vmem>> -> memref<1x128xi32, #tpu.memory_space<vmem>>
      %dma_wait3A_54 = tpu.memref_squeeze %dma_wait3A_53 : memref<1x128xi32, #tpu.memory_space<vmem>> -> memref<128xi32, #tpu.memory_space<vmem>>
      %dma_wait3A_55 = arith.constant 0 : i32
      %dma_wait3A_56 = arith.constant 0 : i32
      %dma_wait3A_57 = tpu.memref_slice %arg2[%dma_wait3A_55, %dma_wait3A_56] : memref<10000x128xf32, #tpu.memory_space<hbm>> -> memref<10000x128xf32, #tpu.memory_space<hbm>>
      tpu.wait_indirect_dma semaphore(%arg12 : memref<!tpu.dma_semaphore, #tpu.memory_space<semaphore_mem>>) src(%dma_wait3A_57 : memref<10000x128xf32, #tpu.memory_space<hbm>>) dst(%arg10 : memref<128x128xf32, #tpu.memory_space<vmem>>)
      %scan3A_58 = arith.constant 0 : i32
      %scan3A_59 = arith.constant 0 : i32
      %scan3A_60 = arith.constant 8 : i32
      %scan3A_61 = arith.addi %scan3A_59, %scan3A_60 : i32
      %scan3A_62 = arith.constant 1 : i32
      scf.for %scan3A_64 = %scan3A_59 to %scan3A_61 step %scan3A_62  : i32 {
        %mul3A_65 = arith.constant 128 : i32
        %mul3A_66 = arith.muli %rem3A_47, %mul3A_65 : i32
        %mul3A_67 = arith.constant 16 : i32
        %mul3A_68 = arith.muli %scan3A_64, %mul3A_67 : i32
        %add3A_69 = arith.addi %mul3A_66, %mul3A_68 : i32
        %get3A = arith.index_cast %add3A_69 : i32 to index
        %get3A_70 = tpu.vector_load %arg9[%get3A] {strides = array<i32>} : memref<10112xf32, #tpu.memory_space<vmem>>, vector<16xf32>,
        %get3A_71 = vector.shape_cast %get3A_70 : vector<16xf32> to vector<16xf32>
        %slice3A = vector.extract_strided_slice %get3A_71 {offsets = [0], sizes = [1], strides = [1]} : vector<16xf32> to vector<1xf32>
        %squeeze3A = vector.extract %slice3A[0] : f32 from vector<1xf32>
        %broadcast_in_dim3A_72 = vector.broadcast %squeeze3A : f32 to vector<16xf32>
        %mul3A_73 = arith.constant 16 : i32
        %mul3A_74 = arith.muli %scan3A_64, %mul3A_73 : i32
        %add3A_75 = arith.constant 0 : i32
        %add3A_76 = arith.addi %mul3A_74, %add3A_75 : i32
        %get3A_77 = arith.index_cast %add3A_76 : i32 to index
        %get3A_78 = arith.constant 0 : index
        %get3A_79 = tpu.vector_load %arg10[%get3A_77, %get3A_78] {strides = array<i32>} : memref<128x128xf32, #tpu.memory_space<vmem>>, vector<1x16xf32>,
        %get3A_80 = vector.shape_cast %get3A_79 : vector<1x16xf32> to vector<16xf32>
        %mul3A_81 = arith.mulf %get3A_80, %broadcast_in_dim3A_72 : vector<16xf32>
        %swap3A = arith.index_cast %add3A_76 : i32 to index
        %swap3A_82 = arith.constant 0 : index
        %swap3A_83 = tpu.vector_load %arg10[%swap3A, %swap3A_82] {strides = array<i32>} : memref<128x128xf32, #tpu.memory_space<vmem>>, vector<1x16xf32>,
        %swap3A_84 = vector.shape_cast %swap3A_83 : vector<1x16xf32> to vector<16xf32>
        %swap3A_85 = vector.shape_cast %mul3A_81 : vector<16xf32> to vector<1x16xf32>
        tpu.vector_store %arg10[%swap3A, %swap3A_82], %swap3A_85 {strides = array<i32>} : memref<128x128xf32, #tpu.memory_space<vmem>>, vector<1x16xf32>,
        %get3A_86 = arith.index_cast %add3A_76 : i32 to index
        %get3A_87 = arith.constant 16 : index
        %get3A_88 = tpu.vector_load %arg10[%get3A_86, %get3A_87] {strides = array<i32>} : memref<128x128xf32, #tpu.memory_space<vmem>>, vector<1x16xf32>,
        %get3A_89 = vector.shape_cast %get3A_88 : vector<1x16xf32> to vector<16xf32>
        %mul3A_90 = arith.mulf %get3A_89, %broadcast_in_dim3A_72 : vector<16xf32>
        %swap3A_91 = arith.index_cast %add3A_76 : i32 to index
        %swap3A_92 = arith.constant 16 : index
        %swap3A_93 = tpu.vector_load %arg10[%swap3A_91, %swap3A_92] {strides = array<i32>} : memref<128x128xf32, #tpu.memory_space<vmem>>, vector<1x16xf32>,
        %swap3A_94 = vector.shape_cast %swap3A_93 : vector<1x16xf32> to vector<16xf32>
        %swap3A_95 = vector.shape_cast %mul3A_90 : vector<16xf32> to vector<1x16xf32>
        tpu.vector_store %arg10[%swap3A_91, %swap3A_92], %swap3A_95 {strides = array<i32>} : memref<128x128xf32, #tpu.memory_space<vmem>>, vector<1x16xf32>,
        %get3A_96 = arith.index_cast %add3A_76 : i32 to index
        %get3A_97 = arith.constant 32 : index
        %get3A_98 = tpu.vector_load %arg10[%get3A_96, %get3A_97] {strides = array<i32>} : memref<128x128xf32, #tpu.memory_space<vmem>>, vector<1x16xf32>,
        %get3A_99 = vector.shape_cast %get3A_98 : vector<1x16xf32> to vector<16xf32>
        %mul3A_100 = arith.mulf %get3A_99, %broadcast_in_dim3A_72 : vector<16xf32>
        %swap3A_101 = arith.index_cast %add3A_76 : i32 to index
        %swap3A_102 = arith.constant 32 : index
        %swap3A_103 = tpu.vector_load %arg10[%swap3A_101, %swap3A_102] {strides = array<i32>} : memref<128x128xf32, #tpu.memory_space<vmem>>, vector<1x16xf32>,
        %swap3A_104 = vector.shape_cast %swap3A_103 : vector<1x16xf32> to vector<16xf32>
        %swap3A_105 = vector.shape_cast %mul3A_100 : vector<16xf32> to vector<1x16xf32>
        tpu.vector_store %arg10[%swap3A_101, %swap3A_102], %swap3A_105 {strides = array<i32>} : memref<128x128xf32, #tpu.memory_space<vmem>>, vector<1x16xf32>,
        %get3A_106 = arith.index_cast %add3A_76 : i32 to index
        %get3A_107 = arith.constant 48 : index
        %get3A_108 = tpu.vector_load %arg10[%get3A_106, %get3A_107] {strides = array<i32>} : memref<128x128xf32, #tpu.memory_space<vmem>>, vector<1x16xf32>,
        %get3A_109 = vector.shape_cast %get3A_108 : vector<1x16xf32> to vector<16xf32>
        %mul3A_110 = arith.mulf %get3A_109, %broadcast_in_dim3A_72 : vector<16xf32>
        %swap3A_111 = arith.index_cast %add3A_76 : i32 to index
        %swap3A_112 = arith.constant 48 : index
        %swap3A_113 = tpu.vector_load %arg10[%swap3A_111, %swap3A_112] {strides = array<i32>} : memref<128x128xf32, #tpu.memory_space<vmem>>, vector<1x16xf32>,
        %swap3A_114 = vector.shape_cast %swap3A_113 : vector<1x16xf32> to vector<16xf32>
        %swap3A_115 = vector.shape_cast %mul3A_110 : vector<16xf32> to vector<1x16xf32>
        tpu.vector_store %arg10[%swap3A_111, %swap3A_112], %swap3A_115 {strides = array<i32>} : memref<128x128xf32, #tpu.memory_space<vmem>>, vector<1x16xf32>,
        %get3A_116 = arith.index_cast %add3A_76 : i32 to index
        %get3A_117 = arith.constant 64 : index
        %get3A_118 = tpu.vector_load %arg10[%get3A_116, %get3A_117] {strides = array<i32>} : memref<128x128xf32, #tpu.memory_space<vmem>>, vector<1x16xf32>,
        %get3A_119 = vector.shape_cast %get3A_118 : vector<1x16xf32> to vector<16xf32>
        %mul3A_120 = arith.mulf %get3A_119, %broadcast_in_dim3A_72 : vector<16xf32>
        %swap3A_121 = arith.index_cast %add3A_76 : i32 to index
        %swap3A_122 = arith.constant 64 : index
        %swap3A_123 = tpu.vector_load %arg10[%swap3A_121, %swap3A_122] {strides = array<i32>} : memref<128x128xf32, #tpu.memory_space<vmem>>, vector<1x16xf32>,
        %swap3A_124 = vector.shape_cast %swap3A_123 : vector<1x16xf32> to vector<16xf32>
        %swap3A_125 = vector.shape_cast %mul3A_120 : vector<16xf32> to vector<1x16xf32>
        tpu.vector_store %arg10[%swap3A_121, %swap3A_122], %swap3A_125 {strides = array<i32>} : memref<128x128xf32, #tpu.memory_space<vmem>>, vector<1x16xf32>,
        %get3A_126 = arith.index_cast %add3A_76 : i32 to index
        %get3A_127 = arith.constant 80 : index
        %get3A_128 = tpu.vector_load %arg10[%get3A_126, %get3A_127] {strides = array<i32>} : memref<128x128xf32, #tpu.memory_space<vmem>>, vector<1x16xf32>,
        %get3A_129 = vector.shape_cast %get3A_128 : vector<1x16xf32> to vector<16xf32>
        %mul3A_130 = arith.mulf %get3A_129, %broadcast_in_dim3A_72 : vector<16xf32>
        %swap3A_131 = arith.index_cast %add3A_76 : i32 to index
        %swap3A_132 = arith.constant 80 : index
        %swap3A_133 = tpu.vector_load %arg10[%swap3A_131, %swap3A_132] {strides = array<i32>} : memref<128x128xf32, #tpu.memory_space<vmem>>, vector<1x16xf32>,
        %swap3A_134 = vector.shape_cast %swap3A_133 : vector<1x16xf32> to vector<16xf32>
        %swap3A_135 = vector.shape_cast %mul3A_130 : vector<16xf32> to vector<1x16xf32>
        tpu.vector_store %arg10[%swap3A_131, %swap3A_132], %swap3A_135 {strides = array<i32>} : memref<128x128xf32, #tpu.memory_space<vmem>>, vector<1x16xf32>,
        %get3A_136 = arith.index_cast %add3A_76 : i32 to index
        %get3A_137 = arith.constant 96 : index
        %get3A_138 = tpu.vector_load %arg10[%get3A_136, %get3A_137] {strides = array<i32>} : memref<128x128xf32, #tpu.memory_space<vmem>>, vector<1x16xf32>,
        %get3A_139 = vector.shape_cast %get3A_138 : vector<1x16xf32> to vector<16xf32>
        %mul3A_140 = arith.mulf %get3A_139, %broadcast_in_dim3A_72 : vector<16xf32>
        %swap3A_141 = arith.index_cast %add3A_76 : i32 to index
        %swap3A_142 = arith.constant 96 : index
        %swap3A_143 = tpu.vector_load %arg10[%swap3A_141, %swap3A_142] {strides = array<i32>} : memref<128x128xf32, #tpu.memory_space<vmem>>, vector<1x16xf32>,
        %swap3A_144 = vector.shape_cast %swap3A_143 : vector<1x16xf32> to vector<16xf32>
        %swap3A_145 = vector.shape_cast %mul3A_140 : vector<16xf32> to vector<1x16xf32>
        tpu.vector_store %arg10[%swap3A_141, %swap3A_142], %swap3A_145 {strides = array<i32>} : memref<128x128xf32, #tpu.memory_space<vmem>>, vector<1x16xf32>,
        %get3A_146 = arith.index_cast %add3A_76 : i32 to index
        %get3A_147 = arith.constant 112 : index
        %get3A_148 = tpu.vector_load %arg10[%get3A_146, %get3A_147] {strides = array<i32>} : memref<128x128xf32, #tpu.memory_space<vmem>>, vector<1x16xf32>,
        %get3A_149 = vector.shape_cast %get3A_148 : vector<1x16xf32> to vector<16xf32>
        %mul3A_150 = arith.mulf %get3A_149, %broadcast_in_dim3A_72 : vector<16xf32>
        %swap3A_151 = arith.index_cast %add3A_76 : i32 to index
        %swap3A_152 = arith.constant 112 : index
        %swap3A_153 = tpu.vector_load %arg10[%swap3A_151, %swap3A_152] {strides = array<i32>} : memref<128x128xf32, #tpu.memory_space<vmem>>, vector<1x16xf32>,
        %swap3A_154 = vector.shape_cast %swap3A_153 : vector<1x16xf32> to vector<16xf32>
        %swap3A_155 = vector.shape_cast %mul3A_150 : vector<16xf32> to vector<1x16xf32>
        tpu.vector_store %arg10[%swap3A_151, %swap3A_152], %swap3A_155 {strides = array<i32>} : memref<128x128xf32, #tpu.memory_space<vmem>>, vector<1x16xf32>,
        %slice3A_156 = vector.extract_strided_slice %get3A_71 {offsets = [1], sizes = [1], strides = [1]} : vector<16xf32> to vector<1xf32>
        %squeeze3A_157 = vector.extract %slice3A_156[0] : f32 from vector<1xf32>
        %broadcast_in_dim3A_158 = vector.broadcast %squeeze3A_157 : f32 to vector<16xf32>
        %mul3A_159 = arith.constant 16 : i32
        %mul3A_160 = arith.muli %scan3A_64, %mul3A_159 : i32
        %add3A_161 = arith.constant 1 : i32
        %add3A_162 = arith.addi %mul3A_160, %add3A_161 : i32
        %get3A_163 = arith.index_cast %add3A_162 : i32 to index
        %get3A_164 = arith.constant 0 : index
        %get3A_165 = tpu.vector_load %arg10[%get3A_163, %get3A_164] {strides = array<i32>} : memref<128x128xf32, #tpu.memory_space<vmem>>, vector<1x16xf32>,
        %get3A_166 = vector.shape_cast %get3A_165 : vector<1x16xf32> to vector<16xf32>
        %mul3A_167 = arith.mulf %get3A_166, %broadcast_in_dim3A_158 : vector<16xf32>
        %swap3A_168 = arith.index_cast %add3A_162 : i32 to index
        %swap3A_169 = arith.constant 0 : index
        %swap3A_170 = tpu.vector_load %arg10[%swap3A_168, %swap3A_169] {strides = array<i32>} : memref<128x128xf32, #tpu.memory_space<vmem>>, vector<1x16xf32>,
        %swap3A_171 = vector.shape_cast %swap3A_170 : vector<1x16xf32> to vector<16xf32>
        %swap3A_172 = vector.shape_cast %mul3A_167 : vector<16xf32> to vector<1x16xf32>
        tpu.vector_store %arg10[%swap3A_168, %swap3A_169], %swap3A_172 {strides = array<i32>} : memref<128x128xf32, #tpu.memory_space<vmem>>, vector<1x16xf32>,
        %get3A_173 = arith.index_cast %add3A_162 : i32 to index
        %get3A_174 = arith.constant 16 : index
        %get3A_175 = tpu.vector_load %arg10[%get3A_173, %get3A_174] {strides = array<i32>} : memref<128x128xf32, #tpu.memory_space<vmem>>, vector<1x16xf32>,
        %get3A_176 = vector.shape_cast %get3A_175 : vector<1x16xf32> to vector<16xf32>
        %mul3A_177 = arith.mulf %get3A_176, %broadcast_in_dim3A_158 : vector<16xf32>
        %swap3A_178 = arith.index_cast %add3A_162 : i32 to index
        %swap3A_179 = arith.constant 16 : index
        %swap3A_180 = tpu.vector_load %arg10[%swap3A_178, %swap3A_179] {strides = array<i32>} : memref<128x128xf32, #tpu.memory_space<vmem>>, vector<1x16xf32>,
        %swap3A_181 = vector.shape_cast %swap3A_180 : vector<1x16xf32> to vector<16xf32>
        %swap3A_182 = vector.shape_cast %mul3A_177 : vector<16xf32> to vector<1x16xf32>
        tpu.vector_store %arg10[%swap3A_178, %swap3A_179], %swap3A_182 {strides = array<i32>} : memref<128x128xf32, #tpu.memory_space<vmem>>, vector<1x16xf32>,
        %get3A_183 = arith.index_cast %add3A_162 : i32 to index
        %get3A_184 = arith.constant 32 : index
        %get3A_185 = tpu.vector_load %arg10[%get3A_183, %get3A_184] {strides = array<i32>} : memref<128x128xf32, #tpu.memory_space<vmem>>, vector<1x16xf32>,
        %get3A_186 = vector.shape_cast %get3A_185 : vector<1x16xf32> to vector<16xf32>
        %mul3A_187 = arith.mulf %get3A_186, %broadcast_in_dim3A_158 : vector<16xf32>
        %swap3A_188 = arith.index_cast %add3A_162 : i32 to index
        %swap3A_189 = arith.constant 32 : index
        %swap3A_190 = tpu.vector_load %arg10[%swap3A_188, %swap3A_189] {strides = array<i32>} : memref<128x128xf32, #tpu.memory_space<vmem>>, vector<1x16xf32>,
        %swap3A_191 = vector.shape_cast %swap3A_190 : vector<1x16xf32> to vector<16xf32>
        %swap3A_192 = vector.shape_cast %mul3A_187 : vector<16xf32> to vector<1x16xf32>
        tpu.vector_store %arg10[%swap3A_188, %swap3A_189], %swap3A_192 {strides = array<i32>} : memref<128x128xf32, #tpu.memory_space<vmem>>, vector<1x16xf32>,
        %get3A_193 = arith.index_cast %add3A_162 : i32 to index
        %get3A_194 = arith.constant 48 : index
        %get3A_195 = tpu.vector_load %arg10[%get3A_193, %get3A_194] {strides = array<i32>} : memref<128x128xf32, #tpu.memory_space<vmem>>, vector<1x16xf32>,
        %get3A_196 = vector.shape_cast %get3A_195 : vector<1x16xf32> to vector<16xf32>
        %mul3A_197 = arith.mulf %get3A_196, %broadcast_in_dim3A_158 : vector<16xf32>
        %swap3A_198 = arith.index_cast %add3A_162 : i32 to index
        %swap3A_199 = arith.constant 48 : index
        %swap3A_200 = tpu.vector_load %arg10[%swap3A_198, %swap3A_199] {strides = array<i32>} : memref<128x128xf32, #tpu.memory_space<vmem>>, vector<1x16xf32>,
        %swap3A_201 = vector.shape_cast %swap3A_200 : vector<1x16xf32> to vector<16xf32>
        %swap3A_202 = vector.shape_cast %mul3A_197 : vector<16xf32> to vector<1x16xf32>
        tpu.vector_store %arg10[%swap3A_198, %swap3A_199], %swap3A_202 {strides = array<i32>} : memref<128x128xf32, #tpu.memory_space<vmem>>, vector<1x16xf32>,
        %get3A_203 = arith.index_cast %add3A_162 : i32 to index
        %get3A_204 = arith.constant 64 : index
        %get3A_205 = tpu.vector_load %arg10[%get3A_203, %get3A_204] {strides = array<i32>} : memref<128x128xf32, #tpu.memory_space<vmem>>, vector<1x16xf32>,
        %get3A_206 = vector.shape_cast %get3A_205 : vector<1x16xf32> to vector<16xf32>
        %mul3A_207 = arith.mulf %get3A_206, %broadcast_in_dim3A_158 : vector<16xf32>
        %swap3A_208 = arith.index_cast %add3A_162 : i32 to index
        %swap3A_209 = arith.constant 64 : index
        %swap3A_210 = tpu.vector_load %arg10[%swap3A_208, %swap3A_209] {strides = array<i32>} : memref<128x128xf32, #tpu.memory_space<vmem>>, vector<1x16xf32>,
        %swap3A_211 = vector.shape_cast %swap3A_210 : vector<1x16xf32> to vector<16xf32>
        %swap3A_212 = vector.shape_cast %mul3A_207 : vector<16xf32> to vector<1x16xf32>
        tpu.vector_store %arg10[%swap3A_208, %swap3A_209], %swap3A_212 {strides = array<i32>} : memref<128x128xf32, #tpu.memory_space<vmem>>, vector<1x16xf32>,
        %get3A_213 = arith.index_cast %add3A_162 : i32 to index
        %get3A_214 = arith.constant 80 : index
        %get3A_215 = tpu.vector_load %arg10[%get3A_213, %get3A_214] {strides = array<i32>} : memref<128x128xf32, #tpu.memory_space<vmem>>, vector<1x16xf32>,
        %get3A_216 = vector.shape_cast %get3A_215 : vector<1x16xf32> to vector<16xf32>
        %mul3A_217 = arith.mulf %get3A_216, %broadcast_in_dim3A_158 : vector<16xf32>
        %swap3A_218 = arith.index_cast %add3A_162 : i32 to index
        %swap3A_219 = arith.constant 80 : index
        %swap3A_220 = tpu.vector_load %arg10[%swap3A_218, %swap3A_219] {strides = array<i32>} : memref<128x128xf32, #tpu.memory_space<vmem>>, vector<1x16xf32>,
        %swap3A_221 = vector.shape_cast %swap3A_220 : vector<1x16xf32> to vector<16xf32>
        %swap3A_222 = vector.shape_cast %mul3A_217 : vector<16xf32> to vector<1x16xf32>
        tpu.vector_store %arg10[%swap3A_218, %swap3A_219], %swap3A_222 {strides = array<i32>} : memref<128x128xf32, #tpu.memory_space<vmem>>, vector<1x16xf32>,
        %get3A_223 = arith.index_cast %add3A_162 : i32 to index
        %get3A_224 = arith.constant 96 : index
        %get3A_225 = tpu.vector_load %arg10[%get3A_223, %get3A_224] {strides = array<i32>} : memref<128x128xf32, #tpu.memory_space<vmem>>, vector<1x16xf32>,
        %get3A_226 = vector.shape_cast %get3A_225 : vector<1x16xf32> to vector<16xf32>
        %mul3A_227 = arith.mulf %get3A_226, %broadcast_in_dim3A_158 : vector<16xf32>
        %swap3A_228 = arith.index_cast %add3A_162 : i32 to index
        %swap3A_229 = arith.constant 96 : index
        %swap3A_230 = tpu.vector_load %arg10[%swap3A_228, %swap3A_229] {strides = array<i32>} : memref<128x128xf32, #tpu.memory_space<vmem>>, vector<1x16xf32>,
        %swap3A_231 = vector.shape_cast %swap3A_230 : vector<1x16xf32> to vector<16xf32>
        %swap3A_232 = vector.shape_cast %mul3A_227 : vector<16xf32> to vector<1x16xf32>
        tpu.vector_store %arg10[%swap3A_228, %swap3A_229], %swap3A_232 {strides = array<i32>} : memref<128x128xf32, #tpu.memory_space<vmem>>, vector<1x16xf32>,
        %get3A_233 = arith.index_cast %add3A_162 : i32 to index
        %get3A_234 = arith.constant 112 : index
        %get3A_235 = tpu.vector_load %arg10[%get3A_233, %get3A_234] {strides = array<i32>} : memref<128x128xf32, #tpu.memory_space<vmem>>, vector<1x16xf32>,
        %get3A_236 = vector.shape_cast %get3A_235 : vector<1x16xf32> to vector<16xf32>
        %mul3A_237 = arith.mulf %get3A_236, %broadcast_in_dim3A_158 : vector<16xf32>
        %swap3A_238 = arith.index_cast %add3A_162 : i32 to index
        %swap3A_239 = arith.constant 112 : index
        %swap3A_240 = tpu.vector_load %arg10[%swap3A_238, %swap3A_239] {strides = array<i32>} : memref<128x128xf32, #tpu.memory_space<vmem>>, vector<1x16xf32>,
        %swap3A_241 = vector.shape_cast %swap3A_240 : vector<1x16xf32> to vector<16xf32>
        %swap3A_242 = vector.shape_cast %mul3A_237 : vector<16xf32> to vector<1x16xf32>
        tpu.vector_store %arg10[%swap3A_238, %swap3A_239], %swap3A_242 {strides = array<i32>} : memref<128x128xf32, #tpu.memory_space<vmem>>, vector<1x16xf32>,
        %slice3A_243 = vector.extract_strided_slice %get3A_71 {offsets = [2], sizes = [1], strides = [1]} : vector<16xf32> to vector<1xf32>
        %squeeze3A_244 = vector.extract %slice3A_243[0] : f32 from vector<1xf32>
        %broadcast_in_dim3A_245 = vector.broadcast %squeeze3A_244 : f32 to vector<16xf32>
        %mul3A_246 = arith.constant 16 : i32
        %mul3A_247 = arith.muli %scan3A_64, %mul3A_246 : i32
        %add3A_248 = arith.constant 2 : i32
        %add3A_249 = arith.addi %mul3A_247, %add3A_248 : i32
        %get3A_250 = arith.index_cast %add3A_249 : i32 to index
        %get3A_251 = arith.constant 0 : index
        %get3A_252 = tpu.vector_load %arg10[%get3A_250, %get3A_251] {strides = array<i32>} : memref<128x128xf32, #tpu.memory_space<vmem>>, vector<1x16xf32>,
        %get3A_253 = vector.shape_cast %get3A_252 : vector<1x16xf32> to vector<16xf32>
        %mul3A_254 = arith.mulf %get3A_253, %broadcast_in_dim3A_245 : vector<16xf32>
        %swap3A_255 = arith.index_cast %add3A_249 : i32 to index
        %swap3A_256 = arith.constant 0 : index
        %swap3A_257 = tpu.vector_load %arg10[%swap3A_255, %swap3A_256] {strides = array<i32>} : memref<128x128xf32, #tpu.memory_space<vmem>>, vector<1x16xf32>,
        %swap3A_258 = vector.shape_cast %swap3A_257 : vector<1x16xf32> to vector<16xf32>
        %swap3A_259 = vector.shape_cast %mul3A_254 : vector<16xf32> to vector<1x16xf32>
        tpu.vector_store %arg10[%swap3A_255, %swap3A_256], %swap3A_259 {strides = array<i32>} : memref<128x128xf32, #tpu.memory_space<vmem>>, vector<1x16xf32>,
        %get3A_260 = arith.index_cast %add3A_249 : i32 to index
        %get3A_261 = arith.constant 16 : index
        %get3A_262 = tpu.vector_load %arg10[%get3A_260, %get3A_261] {strides = array<i32>} : memref<128x128xf32, #tpu.memory_space<vmem>>, vector<1x16xf32>,
        %get3A_263 = vector.shape_cast %get3A_262 : vector<1x16xf32> to vector<16xf32>
        %mul3A_264 = arith.mulf %get3A_263, %broadcast_in_dim3A_245 : vector<16xf32>
        %swap3A_265 = arith.index_cast %add3A_249 : i32 to index
        %swap3A_266 = arith.constant 16 : index
        %swap3A_267 = tpu.vector_load %arg10[%swap3A_265, %swap3A_266] {strides = array<i32>} : memref<128x128xf32, #tpu.memory_space<vmem>>, vector<1x16xf32>,
        %swap3A_268 = vector.shape_cast %swap3A_267 : vector<1x16xf32> to vector<16xf32>
        %swap3A_269 = vector.shape_cast %mul3A_264 : vector<16xf32> to vector<1x16xf32>
        tpu.vector_store %arg10[%swap3A_265, %swap3A_266], %swap3A_269 {strides = array<i32>} : memref<128x128xf32, #tpu.memory_space<vmem>>, vector<1x16xf32>,
        %get3A_270 = arith.index_cast %add3A_249 : i32 to index
        %get3A_271 = arith.constant 32 : index
        %get3A_272 = tpu.vector_load %arg10[%get3A_270, %get3A_271] {strides = array<i32>} : memref<128x128xf32, #tpu.memory_space<vmem>>, vector<1x16xf32>,
        %get3A_273 = vector.shape_cast %get3A_272 : vector<1x16xf32> to vector<16xf32>
        %mul3A_274 = arith.mulf %get3A_273, %broadcast_in_dim3A_245 : vector<16xf32>
        %swap3A_275 = arith.index_cast %add3A_249 : i32 to index
        %swap3A_276 = arith.constant 32 : index
        %swap3A_277 = tpu.vector_load %arg10[%swap3A_275, %swap3A_276] {strides = array<i32>} : memref<128x128xf32, #tpu.memory_space<vmem>>, vector<1x16xf32>,
        %swap3A_278 = vector.shape_cast %swap3A_277 : vector<1x16xf32> to vector<16xf32>
        %swap3A_279 = vector.shape_cast %mul3A_274 : vector<16xf32> to vector<1x16xf32>
        tpu.vector_store %arg10[%swap3A_275, %swap3A_276], %swap3A_279 {strides = array<i32>} : memref<128x128xf32, #tpu.memory_space<vmem>>, vector<1x16xf32>,
        %get3A_280 = arith.index_cast %add3A_249 : i32 to index
        %get3A_281 = arith.constant 48 : index
        %get3A_282 = tpu.vector_load %arg10[%get3A_280, %get3A_281] {strides = array<i32>} : memref<128x128xf32, #tpu.memory_space<vmem>>, vector<1x16xf32>,
        %get3A_283 = vector.shape_cast %get3A_282 : vector<1x16xf32> to vector<16xf32>
        %mul3A_284 = arith.mulf %get3A_283, %broadcast_in_dim3A_245 : vector<16xf32>
        %swap3A_285 = arith.index_cast %add3A_249 : i32 to index
        %swap3A_286 = arith.constant 48 : index
        %swap3A_287 = tpu.vector_load %arg10[%swap3A_285, %swap3A_286] {strides = array<i32>} : memref<128x128xf32, #tpu.memory_space<vmem>>, vector<1x16xf32>,
        %swap3A_288 = vector.shape_cast %swap3A_287 : vector<1x16xf32> to vector<16xf32>
        %swap3A_289 = vector.shape_cast %mul3A_284 : vector<16xf32> to vector<1x16xf32>
        tpu.vector_store %arg10[%swap3A_285, %swap3A_286], %swap3A_289 {strides = array<i32>} : memref<128x128xf32, #tpu.memory_space<vmem>>, vector<1x16xf32>,
        %get3A_290 = arith.index_cast %add3A_249 : i32 to index
        %get3A_291 = arith.constant 64 : index
        %get3A_292 = tpu.vector_load %arg10[%get3A_290, %get3A_291] {strides = array<i32>} : memref<128x128xf32, #tpu.memory_space<vmem>>, vector<1x16xf32>,
        %get3A_293 = vector.shape_cast %get3A_292 : vector<1x16xf32> to vector<16xf32>
        %mul3A_294 = arith.mulf %get3A_293, %broadcast_in_dim3A_245 : vector<16xf32>
        %swap3A_295 = arith.index_cast %add3A_249 : i32 to index
        %swap3A_296 = arith.constant 64 : index
        %swap3A_297 = tpu.vector_load %arg10[%swap3A_295, %swap3A_296] {strides = array<i32>} : memref<128x128xf32, #tpu.memory_space<vmem>>, vector<1x16xf32>,
        %swap3A_298 = vector.shape_cast %swap3A_297 : vector<1x16xf32> to vector<16xf32>
        %swap3A_299 = vector.shape_cast %mul3A_294 : vector<16xf32> to vector<1x16xf32>
        tpu.vector_store %arg10[%swap3A_295, %swap3A_296], %swap3A_299 {strides = array<i32>} : memref<128x128xf32, #tpu.memory_space<vmem>>, vector<1x16xf32>,
        %get3A_300 = arith.index_cast %add3A_249 : i32 to index
        %get3A_301 = arith.constant 80 : index
        %get3A_302 = tpu.vector_load %arg10[%get3A_300, %get3A_301] {strides = array<i32>} : memref<128x128xf32, #tpu.memory_space<vmem>>, vector<1x16xf32>,
        %get3A_303 = vector.shape_cast %get3A_302 : vector<1x16xf32> to vector<16xf32>
        %mul3A_304 = arith.mulf %get3A_303, %broadcast_in_dim3A_245 : vector<16xf32>
        %swap3A_305 = arith.index_cast %add3A_249 : i32 to index
        %swap3A_306 = arith.constant 80 : index
        %swap3A_307 = tpu.vector_load %arg10[%swap3A_305, %swap3A_306] {strides = array<i32>} : memref<128x128xf32, #tpu.memory_space<vmem>>, vector<1x16xf32>,
        %swap3A_308 = vector.shape_cast %swap3A_307 : vector<1x16xf32> to vector<16xf32>
        %swap3A_309 = vector.shape_cast %mul3A_304 : vector<16xf32> to vector<1x16xf32>
        tpu.vector_store %arg10[%swap3A_305, %swap3A_306], %swap3A_309 {strides = array<i32>} : memref<128x128xf32, #tpu.memory_space<vmem>>, vector<1x16xf32>,
        %get3A_310 = arith.index_cast %add3A_249 : i32 to index
        %get3A_311 = arith.constant 96 : index
        %get3A_312 = tpu.vector_load %arg10[%get3A_310, %get3A_311] {strides = array<i32>} : memref<128x128xf32, #tpu.memory_space<vmem>>, vector<1x16xf32>,
        %get3A_313 = vector.shape_cast %get3A_312 : vector<1x16xf32> to vector<16xf32>
        %mul3A_314 = arith.mulf %get3A_313, %broadcast_in_dim3A_245 : vector<16xf32>
        %swap3A_315 = arith.index_cast %add3A_249 : i32 to index
        %swap3A_316 = arith.constant 96 : index
        %swap3A_317 = tpu.vector_load %arg10[%swap3A_315, %swap3A_316] {strides = array<i32>} : memref<128x128xf32, #tpu.memory_space<vmem>>, vector<1x16xf32>,
        %swap3A_318 = vector.shape_cast %swap3A_317 : vector<1x16xf32> to vector<16xf32>
        %swap3A_319 = vector.shape_cast %mul3A_314 : vector<16xf32> to vector<1x16xf32>
        tpu.vector_store %arg10[%swap3A_315, %swap3A_316], %swap3A_319 {strides = array<i32>} : memref<128x128xf32, #tpu.memory_space<vmem>>, vector<1x16xf32>,
        %get3A_320 = arith.index_cast %add3A_249 : i32 to index
        %get3A_321 = arith.constant 112 : index
        %get3A_322 = tpu.vector_load %arg10[%get3A_320, %get3A_321] {strides = array<i32>} : memref<128x128xf32, #tpu.memory_space<vmem>>, vector<1x16xf32>,
        %get3A_323 = vector.shape_cast %get3A_322 : vector<1x16xf32> to vector<16xf32>
        %mul3A_324 = arith.mulf %get3A_323, %broadcast_in_dim3A_245 : vector<16xf32>
        %swap3A_325 = arith.index_cast %add3A_249 : i32 to index
        %swap3A_326 = arith.constant 112 : index
        %swap3A_327 = tpu.vector_load %arg10[%swap3A_325, %swap3A_326] {strides = array<i32>} : memref<128x128xf32, #tpu.memory_space<vmem>>, vector<1x16xf32>,
        %swap3A_328 = vector.shape_cast %swap3A_327 : vector<1x16xf32> to vector<16xf32>
        %swap3A_329 = vector.shape_cast %mul3A_324 : vector<16xf32> to vector<1x16xf32>
        tpu.vector_store %arg10[%swap3A_325, %swap3A_326], %swap3A_329 {strides = array<i32>} : memref<128x128xf32, #tpu.memory_space<vmem>>, vector<1x16xf32>,
        %slice3A_330 = vector.extract_strided_slice %get3A_71 {offsets = [3], sizes = [1], strides = [1]} : vector<16xf32> to vector<1xf32>
        %squeeze3A_331 = vector.extract %slice3A_330[0] : f32 from vector<1xf32>
        %broadcast_in_dim3A_332 = vector.broadcast %squeeze3A_331 : f32 to vector<16xf32>
        %mul3A_333 = arith.constant 16 : i32
        %mul3A_334 = arith.muli %scan3A_64, %mul3A_333 : i32
        %add3A_335 = arith.constant 3 : i32
        %add3A_336 = arith.addi %mul3A_334, %add3A_335 : i32
        %get3A_337 = arith.index_cast %add3A_336 : i32 to index
        %get3A_338 = arith.constant 0 : index
        %get3A_339 = tpu.vector_load %arg10[%get3A_337, %get3A_338] {strides = array<i32>} : memref<128x128xf32, #tpu.memory_space<vmem>>, vector<1x16xf32>,
        %get3A_340 = vector.shape_cast %get3A_339 : vector<1x16xf32> to vector<16xf32>
        %mul3A_341 = arith.mulf %get3A_340, %broadcast_in_dim3A_332 : vector<16xf32>
        %swap3A_342 = arith.index_cast %add3A_336 : i32 to index
        %swap3A_343 = arith.constant 0 : index
        %swap3A_344 = tpu.vector_load %arg10[%swap3A_342, %swap3A_343] {strides = array<i32>} : memref<128x128xf32, #tpu.memory_space<vmem>>, vector<1x16xf32>,
        %swap3A_345 = vector.shape_cast %swap3A_344 : vector<1x16xf32> to vector<16xf32>
        %swap3A_346 = vector.shape_cast %mul3A_341 : vector<16xf32> to vector<1x16xf32>
        tpu.vector_store %arg10[%swap3A_342, %swap3A_343], %swap3A_346 {strides = array<i32>} : memref<128x128xf32, #tpu.memory_space<vmem>>, vector<1x16xf32>,
        %get3A_347 = arith.index_cast %add3A_336 : i32 to index
        %get3A_348 = arith.constant 16 : index
        %get3A_349 = tpu.vector_load %arg10[%get3A_347, %get3A_348] {strides = array<i32>} : memref<128x128xf32, #tpu.memory_space<vmem>>, vector<1x16xf32>,
        %get3A_350 = vector.shape_cast %get3A_349 : vector<1x16xf32> to vector<16xf32>
        %mul3A_351 = arith.mulf %get3A_350, %broadcast_in_dim3A_332 : vector<16xf32>
        %swap3A_352 = arith.index_cast %add3A_336 : i32 to index
        %swap3A_353 = arith.constant 16 : index
        %swap3A_354 = tpu.vector_load %arg10[%swap3A_352, %swap3A_353] {strides = array<i32>} : memref<128x128xf32, #tpu.memory_space<vmem>>, vector<1x16xf32>,
        %swap3A_355 = vector.shape_cast %swap3A_354 : vector<1x16xf32> to vector<16xf32>
        %swap3A_356 = vector.shape_cast %mul3A_351 : vector<16xf32> to vector<1x16xf32>
        tpu.vector_store %arg10[%swap3A_352, %swap3A_353], %swap3A_356 {strides = array<i32>} : memref<128x128xf32, #tpu.memory_space<vmem>>, vector<1x16xf32>,
        %get3A_357 = arith.index_cast %add3A_336 : i32 to index
        %get3A_358 = arith.constant 32 : index
        %get3A_359 = tpu.vector_load %arg10[%get3A_357, %get3A_358] {strides = array<i32>} : memref<128x128xf32, #tpu.memory_space<vmem>>, vector<1x16xf32>,
        %get3A_360 = vector.shape_cast %get3A_359 : vector<1x16xf32> to vector<16xf32>
        %mul3A_361 = arith.mulf %get3A_360, %broadcast_in_dim3A_332 : vector<16xf32>
        %swap3A_362 = arith.index_cast %add3A_336 : i32 to index
        %swap3A_363 = arith.constant 32 : index
        %swap3A_364 = tpu.vector_load %arg10[%swap3A_362, %swap3A_363] {strides = array<i32>} : memref<128x128xf32, #tpu.memory_space<vmem>>, vector<1x16xf32>,
        %swap3A_365 = vector.shape_cast %swap3A_364 : vector<1x16xf32> to vector<16xf32>
        %swap3A_366 = vector.shape_cast %mul3A_361 : vector<16xf32> to vector<1x16xf32>
        tpu.vector_store %arg10[%swap3A_362, %swap3A_363], %swap3A_366 {strides = array<i32>} : memref<128x128xf32, #tpu.memory_space<vmem>>, vector<1x16xf32>,
        %get3A_367 = arith.index_cast %add3A_336 : i32 to index
        %get3A_368 = arith.constant 48 : index
        %get3A_369 = tpu.vector_load %arg10[%get3A_367, %get3A_368] {strides = array<i32>} : memref<128x128xf32, #tpu.memory_space<vmem>>, vector<1x16xf32>,
        %get3A_370 = vector.shape_cast %get3A_369 : vector<1x16xf32> to vector<16xf32>
        %mul3A_371 = arith.mulf %get3A_370, %broadcast_in_dim3A_332 : vector<16xf32>
        %swap3A_372 = arith.index_cast %add3A_336 : i32 to index
        %swap3A_373 = arith.constant 48 : index
        %swap3A_374 = tpu.vector_load %arg10[%swap3A_372, %swap3A_373] {strides = array<i32>} : memref<128x128xf32, #tpu.memory_space<vmem>>, vector<1x16xf32>,
        %swap3A_375 = vector.shape_cast %swap3A_374 : vector<1x16xf32> to vector<16xf32>
        %swap3A_376 = vector.shape_cast %mul3A_371 : vector<16xf32> to vector<1x16xf32>
        tpu.vector_store %arg10[%swap3A_372, %swap3A_373], %swap3A_376 {strides = array<i32>} : memref<128x128xf32, #tpu.memory_space<vmem>>, vector<1x16xf32>,
        %get3A_377 = arith.index_cast %add3A_336 : i32 to index
        %get3A_378 = arith.constant 64 : index
        %get3A_379 = tpu.vector_load %arg10[%get3A_377, %get3A_378] {strides = array<i32>} : memref<128x128xf32, #tpu.memory_space<vmem>>, vector<1x16xf32>,
        %get3A_380 = vector.shape_cast %get3A_379 : vector<1x16xf32> to vector<16xf32>
        %mul3A_381 = arith.mulf %get3A_380, %broadcast_in_dim3A_332 : vector<16xf32>
        %swap3A_382 = arith.index_cast %add3A_336 : i32 to index
        %swap3A_383 = arith.constant 64 : index
        %swap3A_384 = tpu.vector_load %arg10[%swap3A_382, %swap3A_383] {strides = array<i32>} : memref<128x128xf32, #tpu.memory_space<vmem>>, vector<1x16xf32>,
        %swap3A_385 = vector.shape_cast %swap3A_384 : vector<1x16xf32> to vector<16xf32>
        %swap3A_386 = vector.shape_cast %mul3A_381 : vector<16xf32> to vector<1x16xf32>
        tpu.vector_store %arg10[%swap3A_382, %swap3A_383], %swap3A_386 {strides = array<i32>} : memref<128x128xf32, #tpu.memory_space<vmem>>, vector<1x16xf32>,
        %get3A_387 = arith.index_cast %add3A_336 : i32 to index
        %get3A_388 = arith.constant 80 : index
        %get3A_389 = tpu.vector_load %arg10[%get3A_387, %get3A_388] {strides = array<i32>} : memref<128x128xf32, #tpu.memory_space<vmem>>, vector<1x16xf32>,
        %get3A_390 = vector.shape_cast %get3A_389 : vector<1x16xf32> to vector<16xf32>
        %mul3A_391 = arith.mulf %get3A_390, %broadcast_in_dim3A_332 : vector<16xf32>
        %swap3A_392 = arith.index_cast %add3A_336 : i32 to index
        %swap3A_393 = arith.constant 80 : index
        %swap3A_394 = tpu.vector_load %arg10[%swap3A_392, %swap3A_393] {strides = array<i32>} : memref<128x128xf32, #tpu.memory_space<vmem>>, vector<1x16xf32>,
        %swap3A_395 = vector.shape_cast %swap3A_394 : vector<1x16xf32> to vector<16xf32>
        %swap3A_396 = vector.shape_cast %mul3A_391 : vector<16xf32> to vector<1x16xf32>
        tpu.vector_store %arg10[%swap3A_392, %swap3A_393], %swap3A_396 {strides = array<i32>} : memref<128x128xf32, #tpu.memory_space<vmem>>, vector<1x16xf32>,
        %get3A_397 = arith.index_cast %add3A_336 : i32 to index
        %get3A_398 = arith.constant 96 : index
        %get3A_399 = tpu.vector_load %arg10[%get3A_397, %get3A_398] {strides = array<i32>} : memref<128x128xf32, #tpu.memory_space<vmem>>, vector<1x16xf32>,
        %get3A_400 = vector.shape_cast %get3A_399 : vector<1x16xf32> to vector<16xf32>
        %mul3A_401 = arith.mulf %get3A_400, %broadcast_in_dim3A_332 : vector<16xf32>
        %swap3A_402 = arith.index_cast %add3A_336 : i32 to index
        %swap3A_403 = arith.constant 96 : index
        %swap3A_404 = tpu.vector_load %arg10[%swap3A_402, %swap3A_403] {strides = array<i32>} : memref<128x128xf32, #tpu.memory_space<vmem>>, vector<1x16xf32>,
        %swap3A_405 = vector.shape_cast %swap3A_404 : vector<1x16xf32> to vector<16xf32>
        %swap3A_406 = vector.shape_cast %mul3A_401 : vector<16xf32> to vector<1x16xf32>
        tpu.vector_store %arg10[%swap3A_402, %swap3A_403], %swap3A_406 {strides = array<i32>} : memref<128x128xf32, #tpu.memory_space<vmem>>, vector<1x16xf32>,
        %get3A_407 = arith.index_cast %add3A_336 : i32 to index
        %get3A_408 = arith.constant 112 : index
        %get3A_409 = tpu.vector_load %arg10[%get3A_407, %get3A_408] {strides = array<i32>} : memref<128x128xf32, #tpu.memory_space<vmem>>, vector<1x16xf32>,
        %get3A_410 = vector.shape_cast %get3A_409 : vector<1x16xf32> to vector<16xf32>
        %mul3A_411 = arith.mulf %get3A_410, %broadcast_in_dim3A_332 : vector<16xf32>
        %swap3A_412 = arith.index_cast %add3A_336 : i32 to index
        %swap3A_413 = arith.constant 112 : index
        %swap3A_414 = tpu.vector_load %arg10[%swap3A_412, %swap3A_413] {strides = array<i32>} : memref<128x128xf32, #tpu.memory_space<vmem>>, vector<1x16xf32>,
        %swap3A_415 = vector.shape_cast %swap3A_414 : vector<1x16xf32> to vector<16xf32>
        %swap3A_416 = vector.shape_cast %mul3A_411 : vector<16xf32> to vector<1x16xf32>
        tpu.vector_store %arg10[%swap3A_412, %swap3A_413], %swap3A_416 {strides = array<i32>} : memref<128x128xf32, #tpu.memory_space<vmem>>, vector<1x16xf32>,
        %slice3A_417 = vector.extract_strided_slice %get3A_71 {offsets = [4], sizes = [1], strides = [1]} : vector<16xf32> to vector<1xf32>
        %squeeze3A_418 = vector.extract %slice3A_417[0] : f32 from vector<1xf32>
        %broadcast_in_dim3A_419 = vector.broadcast %squeeze3A_418 : f32 to vector<16xf32>
        %mul3A_420 = arith.constant 16 : i32
        %mul3A_421 = arith.muli %scan3A_64, %mul3A_420 : i32
        %add3A_422 = arith.constant 4 : i32
        %add3A_423 = arith.addi %mul3A_421, %add3A_422 : i32
        %get3A_424 = arith.index_cast %add3A_423 : i32 to index
        %get3A_425 = arith.constant 0 : index
        %get3A_426 = tpu.vector_load %arg10[%get3A_424, %get3A_425] {strides = array<i32>} : memref<128x128xf32, #tpu.memory_space<vmem>>, vector<1x16xf32>,
        %get3A_427 = vector.shape_cast %get3A_426 : vector<1x16xf32> to vector<16xf32>
        %mul3A_428 = arith.mulf %get3A_427, %broadcast_in_dim3A_419 : vector<16xf32>
        %swap3A_429 = arith.index_cast %add3A_423 : i32 to index
        %swap3A_430 = arith.constant 0 : index
        %swap3A_431 = tpu.vector_load %arg10[%swap3A_429, %swap3A_430] {strides = array<i32>} : memref<128x128xf32, #tpu.memory_space<vmem>>, vector<1x16xf32>,
        %swap3A_432 = vector.shape_cast %swap3A_431 : vector<1x16xf32> to vector<16xf32>
        %swap3A_433 = vector.shape_cast %mul3A_428 : vector<16xf32> to vector<1x16xf32>
        tpu.vector_store %arg10[%swap3A_429, %swap3A_430], %swap3A_433 {strides = array<i32>} : memref<128x128xf32, #tpu.memory_space<vmem>>, vector<1x16xf32>,
        %get3A_434 = arith.index_cast %add3A_423 : i32 to index
        %get3A_435 = arith.constant 16 : index
        %get3A_436 = tpu.vector_load %arg10[%get3A_434, %get3A_435] {strides = array<i32>} : memref<128x128xf32, #tpu.memory_space<vmem>>, vector<1x16xf32>,
        %get3A_437 = vector.shape_cast %get3A_436 : vector<1x16xf32> to vector<16xf32>
        %mul3A_438 = arith.mulf %get3A_437, %broadcast_in_dim3A_419 : vector<16xf32>
        %swap3A_439 = arith.index_cast %add3A_423 : i32 to index
        %swap3A_440 = arith.constant 16 : index
        %swap3A_441 = tpu.vector_load %arg10[%swap3A_439, %swap3A_440] {strides = array<i32>} : memref<128x128xf32, #tpu.memory_space<vmem>>, vector<1x16xf32>,
        %swap3A_442 = vector.shape_cast %swap3A_441 : vector<1x16xf32> to vector<16xf32>
        %swap3A_443 = vector.shape_cast %mul3A_438 : vector<16xf32> to vector<1x16xf32>
        tpu.vector_store %arg10[%swap3A_439, %swap3A_440], %swap3A_443 {strides = array<i32>} : memref<128x128xf32, #tpu.memory_space<vmem>>, vector<1x16xf32>,
        %get3A_444 = arith.index_cast %add3A_423 : i32 to index
        %get3A_445 = arith.constant 32 : index
        %get3A_446 = tpu.vector_load %arg10[%get3A_444, %get3A_445] {strides = array<i32>} : memref<128x128xf32, #tpu.memory_space<vmem>>, vector<1x16xf32>,
        %get3A_447 = vector.shape_cast %get3A_446 : vector<1x16xf32> to vector<16xf32>
        %mul3A_448 = arith.mulf %get3A_447, %broadcast_in_dim3A_419 : vector<16xf32>
        %swap3A_449 = arith.index_cast %add3A_423 : i32 to index
        %swap3A_450 = arith.constant 32 : index
        %swap3A_451 = tpu.vector_load %arg10[%swap3A_449, %swap3A_450] {strides = array<i32>} : memref<128x128xf32, #tpu.memory_space<vmem>>, vector<1x16xf32>,
        %swap3A_452 = vector.shape_cast %swap3A_451 : vector<1x16xf32> to vector<16xf32>
        %swap3A_453 = vector.shape_cast %mul3A_448 : vector<16xf32> to vector<1x16xf32>
        tpu.vector_store %arg10[%swap3A_449, %swap3A_450], %swap3A_453 {strides = array<i32>} : memref<128x128xf32, #tpu.memory_space<vmem>>, vector<1x16xf32>,
        %get3A_454 = arith.index_cast %add3A_423 : i32 to index
        %get3A_455 = arith.constant 48 : index
        %get3A_456 = tpu.vector_load %arg10[%get3A_454, %get3A_455] {strides = array<i32>} : memref<128x128xf32, #tpu.memory_space<vmem>>, vector<1x16xf32>,
        %get3A_457 = vector.shape_cast %get3A_456 : vector<1x16xf32> to vector<16xf32>
        %mul3A_458 = arith.mulf %get3A_457, %broadcast_in_dim3A_419 : vector<16xf32>
        %swap3A_459 = arith.index_cast %add3A_423 : i32 to index
        %swap3A_460 = arith.constant 48 : index
        %swap3A_461 = tpu.vector_load %arg10[%swap3A_459, %swap3A_460] {strides = array<i32>} : memref<128x128xf32, #tpu.memory_space<vmem>>, vector<1x16xf32>,
        %swap3A_462 = vector.shape_cast %swap3A_461 : vector<1x16xf32> to vector<16xf32>
        %swap3A_463 = vector.shape_cast %mul3A_458 : vector<16xf32> to vector<1x16xf32>
        tpu.vector_store %arg10[%swap3A_459, %swap3A_460], %swap3A_463 {strides = array<i32>} : memref<128x128xf32, #tpu.memory_space<vmem>>, vector<1x16xf32>,
        %get3A_464 = arith.index_cast %add3A_423 : i32 to index
        %get3A_465 = arith.constant 64 : index
        %get3A_466 = tpu.vector_load %arg10[%get3A_464, %get3A_465] {strides = array<i32>} : memref<128x128xf32, #tpu.memory_space<vmem>>, vector<1x16xf32>,
        %get3A_467 = vector.shape_cast %get3A_466 : vector<1x16xf32> to vector<16xf32>
        %mul3A_468 = arith.mulf %get3A_467, %broadcast_in_dim3A_419 : vector<16xf32>
        %swap3A_469 = arith.index_cast %add3A_423 : i32 to index
        %swap3A_470 = arith.constant 64 : index
        %swap3A_471 = tpu.vector_load %arg10[%swap3A_469, %swap3A_470] {strides = array<i32>} : memref<128x128xf32, #tpu.memory_space<vmem>>, vector<1x16xf32>,
        %swap3A_472 = vector.shape_cast %swap3A_471 : vector<1x16xf32> to vector<16xf32>
        %swap3A_473 = vector.shape_cast %mul3A_468 : vector<16xf32> to vector<1x16xf32>
        tpu.vector_store %arg10[%swap3A_469, %swap3A_470], %swap3A_473 {strides = array<i32>} : memref<128x128xf32, #tpu.memory_space<vmem>>, vector<1x16xf32>,
        %get3A_474 = arith.index_cast %add3A_423 : i32 to index
        %get3A_475 = arith.constant 80 : index
        %get3A_476 = tpu.vector_load %arg10[%get3A_474, %get3A_475] {strides = array<i32>} : memref<128x128xf32, #tpu.memory_space<vmem>>, vector<1x16xf32>,
        %get3A_477 = vector.shape_cast %get3A_476 : vector<1x16xf32> to vector<16xf32>
        %mul3A_478 = arith.mulf %get3A_477, %broadcast_in_dim3A_419 : vector<16xf32>
        %swap3A_479 = arith.index_cast %add3A_423 : i32 to index
        %swap3A_480 = arith.constant 80 : index
        %swap3A_481 = tpu.vector_load %arg10[%swap3A_479, %swap3A_480] {strides = array<i32>} : memref<128x128xf32, #tpu.memory_space<vmem>>, vector<1x16xf32>,
        %swap3A_482 = vector.shape_cast %swap3A_481 : vector<1x16xf32> to vector<16xf32>
        %swap3A_483 = vector.shape_cast %mul3A_478 : vector<16xf32> to vector<1x16xf32>
        tpu.vector_store %arg10[%swap3A_479, %swap3A_480], %swap3A_483 {strides = array<i32>} : memref<128x128xf32, #tpu.memory_space<vmem>>, vector<1x16xf32>,
        %get3A_484 = arith.index_cast %add3A_423 : i32 to index
        %get3A_485 = arith.constant 96 : index
        %get3A_486 = tpu.vector_load %arg10[%get3A_484, %get3A_485] {strides = array<i32>} : memref<128x128xf32, #tpu.memory_space<vmem>>, vector<1x16xf32>,
        %get3A_487 = vector.shape_cast %get3A_486 : vector<1x16xf32> to vector<16xf32>
        %mul3A_488 = arith.mulf %get3A_487, %broadcast_in_dim3A_419 : vector<16xf32>
        %swap3A_489 = arith.index_cast %add3A_423 : i32 to index
        %swap3A_490 = arith.constant 96 : index
        %swap3A_491 = tpu.vector_load %arg10[%swap3A_489, %swap3A_490] {strides = array<i32>} : memref<128x128xf32, #tpu.memory_space<vmem>>, vector<1x16xf32>,
        %swap3A_492 = vector.shape_cast %swap3A_491 : vector<1x16xf32> to vector<16xf32>
        %swap3A_493 = vector.shape_cast %mul3A_488 : vector<16xf32> to vector<1x16xf32>
        tpu.vector_store %arg10[%swap3A_489, %swap3A_490], %swap3A_493 {strides = array<i32>} : memref<128x128xf32, #tpu.memory_space<vmem>>, vector<1x16xf32>,
        %get3A_494 = arith.index_cast %add3A_423 : i32 to index
        %get3A_495 = arith.constant 112 : index
        %get3A_496 = tpu.vector_load %arg10[%get3A_494, %get3A_495] {strides = array<i32>} : memref<128x128xf32, #tpu.memory_space<vmem>>, vector<1x16xf32>,
        %get3A_497 = vector.shape_cast %get3A_496 : vector<1x16xf32> to vector<16xf32>
        %mul3A_498 = arith.mulf %get3A_497, %broadcast_in_dim3A_419 : vector<16xf32>
        %swap3A_499 = arith.index_cast %add3A_423 : i32 to index
        %swap3A_500 = arith.constant 112 : index
        %swap3A_501 = tpu.vector_load %arg10[%swap3A_499, %swap3A_500] {strides = array<i32>} : memref<128x128xf32, #tpu.memory_space<vmem>>, vector<1x16xf32>,
        %swap3A_502 = vector.shape_cast %swap3A_501 : vector<1x16xf32> to vector<16xf32>
        %swap3A_503 = vector.shape_cast %mul3A_498 : vector<16xf32> to vector<1x16xf32>
        tpu.vector_store %arg10[%swap3A_499, %swap3A_500], %swap3A_503 {strides = array<i32>} : memref<128x128xf32, #tpu.memory_space<vmem>>, vector<1x16xf32>,
        %slice3A_504 = vector.extract_strided_slice %get3A_71 {offsets = [5], sizes = [1], strides = [1]} : vector<16xf32> to vector<1xf32>
        %squeeze3A_505 = vector.extract %slice3A_504[0] : f32 from vector<1xf32>
        %broadcast_in_dim3A_506 = vector.broadcast %squeeze3A_505 : f32 to vector<16xf32>
        %mul3A_507 = arith.constant 16 : i32
        %mul3A_508 = arith.muli %scan3A_64, %mul3A_507 : i32
        %add3A_509 = arith.constant 5 : i32
        %add3A_510 = arith.addi %mul3A_508, %add3A_509 : i32
        %get3A_511 = arith.index_cast %add3A_510 : i32 to index
        %get3A_512 = arith.constant 0 : index
        %get3A_513 = tpu.vector_load %arg10[%get3A_511, %get3A_512] {strides = array<i32>} : memref<128x128xf32, #tpu.memory_space<vmem>>, vector<1x16xf32>,
        %get3A_514 = vector.shape_cast %get3A_513 : vector<1x16xf32> to vector<16xf32>
        %mul3A_515 = arith.mulf %get3A_514, %broadcast_in_dim3A_506 : vector<16xf32>
        %swap3A_516 = arith.index_cast %add3A_510 : i32 to index
        %swap3A_517 = arith.constant 0 : index
        %swap3A_518 = tpu.vector_load %arg10[%swap3A_516, %swap3A_517] {strides = array<i32>} : memref<128x128xf32, #tpu.memory_space<vmem>>, vector<1x16xf32>,
        %swap3A_519 = vector.shape_cast %swap3A_518 : vector<1x16xf32> to vector<16xf32>
        %swap3A_520 = vector.shape_cast %mul3A_515 : vector<16xf32> to vector<1x16xf32>
        tpu.vector_store %arg10[%swap3A_516, %swap3A_517], %swap3A_520 {strides = array<i32>} : memref<128x128xf32, #tpu.memory_space<vmem>>, vector<1x16xf32>,
        %get3A_521 = arith.index_cast %add3A_510 : i32 to index
        %get3A_522 = arith.constant 16 : index
        %get3A_523 = tpu.vector_load %arg10[%get3A_521, %get3A_522] {strides = array<i32>} : memref<128x128xf32, #tpu.memory_space<vmem>>, vector<1x16xf32>,
        %get3A_524 = vector.shape_cast %get3A_523 : vector<1x16xf32> to vector<16xf32>
        %mul3A_525 = arith.mulf %get3A_524, %broadcast_in_dim3A_506 : vector<16xf32>
        %swap3A_526 = arith.index_cast %add3A_510 : i32 to index
        %swap3A_527 = arith.constant 16 : index
        %swap3A_528 = tpu.vector_load %arg10[%swap3A_526, %swap3A_527] {strides = array<i32>} : memref<128x128xf32, #tpu.memory_space<vmem>>, vector<1x16xf32>,
        %swap3A_529 = vector.shape_cast %swap3A_528 : vector<1x16xf32> to vector<16xf32>
        %swap3A_530 = vector.shape_cast %mul3A_525 : vector<16xf32> to vector<1x16xf32>
        tpu.vector_store %arg10[%swap3A_526, %swap3A_527], %swap3A_530 {strides = array<i32>} : memref<128x128xf32, #tpu.memory_space<vmem>>, vector<1x16xf32>,
        %get3A_531 = arith.index_cast %add3A_510 : i32 to index
        %get3A_532 = arith.constant 32 : index
        %get3A_533 = tpu.vector_load %arg10[%get3A_531, %get3A_532] {strides = array<i32>} : memref<128x128xf32, #tpu.memory_space<vmem>>, vector<1x16xf32>,
        %get3A_534 = vector.shape_cast %get3A_533 : vector<1x16xf32> to vector<16xf32>
        %mul3A_535 = arith.mulf %get3A_534, %broadcast_in_dim3A_506 : vector<16xf32>
        %swap3A_536 = arith.index_cast %add3A_510 : i32 to index
        %swap3A_537 = arith.constant 32 : index
        %swap3A_538 = tpu.vector_load %arg10[%swap3A_536, %swap3A_537] {strides = array<i32>} : memref<128x128xf32, #tpu.memory_space<vmem>>, vector<1x16xf32>,
        %swap3A_539 = vector.shape_cast %swap3A_538 : vector<1x16xf32> to vector<16xf32>
        %swap3A_540 = vector.shape_cast %mul3A_535 : vector<16xf32> to vector<1x16xf32>
        tpu.vector_store %arg10[%swap3A_536, %swap3A_537], %swap3A_540 {strides = array<i32>} : memref<128x128xf32, #tpu.memory_space<vmem>>, vector<1x16xf32>,
        %get3A_541 = arith.index_cast %add3A_510 : i32 to index
        %get3A_542 = arith.constant 48 : index
        %get3A_543 = tpu.vector_load %arg10[%get3A_541, %get3A_542] {strides = array<i32>} : memref<128x128xf32, #tpu.memory_space<vmem>>, vector<1x16xf32>,
        %get3A_544 = vector.shape_cast %get3A_543 : vector<1x16xf32> to vector<16xf32>
        %mul3A_545 = arith.mulf %get3A_544, %broadcast_in_dim3A_506 : vector<16xf32>
        %swap3A_546 = arith.index_cast %add3A_510 : i32 to index
        %swap3A_547 = arith.constant 48 : index
        %swap3A_548 = tpu.vector_load %arg10[%swap3A_546, %swap3A_547] {strides = array<i32>} : memref<128x128xf32, #tpu.memory_space<vmem>>, vector<1x16xf32>,
        %swap3A_549 = vector.shape_cast %swap3A_548 : vector<1x16xf32> to vector<16xf32>
        %swap3A_550 = vector.shape_cast %mul3A_545 : vector<16xf32> to vector<1x16xf32>
        tpu.vector_store %arg10[%swap3A_546, %swap3A_547], %swap3A_550 {strides = array<i32>} : memref<128x128xf32, #tpu.memory_space<vmem>>, vector<1x16xf32>,
        %get3A_551 = arith.index_cast %add3A_510 : i32 to index
        %get3A_552 = arith.constant 64 : index
        %get3A_553 = tpu.vector_load %arg10[%get3A_551, %get3A_552] {strides = array<i32>} : memref<128x128xf32, #tpu.memory_space<vmem>>, vector<1x16xf32>,
        %get3A_554 = vector.shape_cast %get3A_553 : vector<1x16xf32> to vector<16xf32>
        %mul3A_555 = arith.mulf %get3A_554, %broadcast_in_dim3A_506 : vector<16xf32>
        %swap3A_556 = arith.index_cast %add3A_510 : i32 to index
        %swap3A_557 = arith.constant 64 : index
        %swap3A_558 = tpu.vector_load %arg10[%swap3A_556, %swap3A_557] {strides = array<i32>} : memref<128x128xf32, #tpu.memory_space<vmem>>, vector<1x16xf32>,
        %swap3A_559 = vector.shape_cast %swap3A_558 : vector<1x16xf32> to vector<16xf32>
        %swap3A_560 = vector.shape_cast %mul3A_555 : vector<16xf32> to vector<1x16xf32>
        tpu.vector_store %arg10[%swap3A_556, %swap3A_557], %swap3A_560 {strides = array<i32>} : memref<128x128xf32, #tpu.memory_space<vmem>>, vector<1x16xf32>,
        %get3A_561 = arith.index_cast %add3A_510 : i32 to index
        %get3A_562 = arith.constant 80 : index
        %get3A_563 = tpu.vector_load %arg10[%get3A_561, %get3A_562] {strides = array<i32>} : memref<128x128xf32, #tpu.memory_space<vmem>>, vector<1x16xf32>,
        %get3A_564 = vector.shape_cast %get3A_563 : vector<1x16xf32> to vector<16xf32>
        %mul3A_565 = arith.mulf %get3A_564, %broadcast_in_dim3A_506 : vector<16xf32>
        %swap3A_566 = arith.index_cast %add3A_510 : i32 to index
        %swap3A_567 = arith.constant 80 : index
        %swap3A_568 = tpu.vector_load %arg10[%swap3A_566, %swap3A_567] {strides = array<i32>} : memref<128x128xf32, #tpu.memory_space<vmem>>, vector<1x16xf32>,
        %swap3A_569 = vector.shape_cast %swap3A_568 : vector<1x16xf32> to vector<16xf32>
        %swap3A_570 = vector.shape_cast %mul3A_565 : vector<16xf32> to vector<1x16xf32>
        tpu.vector_store %arg10[%swap3A_566, %swap3A_567], %swap3A_570 {strides = array<i32>} : memref<128x128xf32, #tpu.memory_space<vmem>>, vector<1x16xf32>,
        %get3A_571 = arith.index_cast %add3A_510 : i32 to index
        %get3A_572 = arith.constant 96 : index
        %get3A_573 = tpu.vector_load %arg10[%get3A_571, %get3A_572] {strides = array<i32>} : memref<128x128xf32, #tpu.memory_space<vmem>>, vector<1x16xf32>,
        %get3A_574 = vector.shape_cast %get3A_573 : vector<1x16xf32> to vector<16xf32>
        %mul3A_575 = arith.mulf %get3A_574, %broadcast_in_dim3A_506 : vector<16xf32>
        %swap3A_576 = arith.index_cast %add3A_510 : i32 to index
        %swap3A_577 = arith.constant 96 : index
        %swap3A_578 = tpu.vector_load %arg10[%swap3A_576, %swap3A_577] {strides = array<i32>} : memref<128x128xf32, #tpu.memory_space<vmem>>, vector<1x16xf32>,
        %swap3A_579 = vector.shape_cast %swap3A_578 : vector<1x16xf32> to vector<16xf32>
        %swap3A_580 = vector.shape_cast %mul3A_575 : vector<16xf32> to vector<1x16xf32>
        tpu.vector_store %arg10[%swap3A_576, %swap3A_577], %swap3A_580 {strides = array<i32>} : memref<128x128xf32, #tpu.memory_space<vmem>>, vector<1x16xf32>,
        %get3A_581 = arith.index_cast %add3A_510 : i32 to index
        %get3A_582 = arith.constant 112 : index
        %get3A_583 = tpu.vector_load %arg10[%get3A_581, %get3A_582] {strides = array<i32>} : memref<128x128xf32, #tpu.memory_space<vmem>>, vector<1x16xf32>,
        %get3A_584 = vector.shape_cast %get3A_583 : vector<1x16xf32> to vector<16xf32>
        %mul3A_585 = arith.mulf %get3A_584, %broadcast_in_dim3A_506 : vector<16xf32>
        %swap3A_586 = arith.index_cast %add3A_510 : i32 to index
        %swap3A_587 = arith.constant 112 : index
        %swap3A_588 = tpu.vector_load %arg10[%swap3A_586, %swap3A_587] {strides = array<i32>} : memref<128x128xf32, #tpu.memory_space<vmem>>, vector<1x16xf32>,
        %swap3A_589 = vector.shape_cast %swap3A_588 : vector<1x16xf32> to vector<16xf32>
        %swap3A_590 = vector.shape_cast %mul3A_585 : vector<16xf32> to vector<1x16xf32>
        tpu.vector_store %arg10[%swap3A_586, %swap3A_587], %swap3A_590 {strides = array<i32>} : memref<128x128xf32, #tpu.memory_space<vmem>>, vector<1x16xf32>,
        %slice3A_591 = vector.extract_strided_slice %get3A_71 {offsets = [6], sizes = [1], strides = [1]} : vector<16xf32> to vector<1xf32>
        %squeeze3A_592 = vector.extract %slice3A_591[0] : f32 from vector<1xf32>
        %broadcast_in_dim3A_593 = vector.broadcast %squeeze3A_592 : f32 to vector<16xf32>
        %mul3A_594 = arith.constant 16 : i32
        %mul3A_595 = arith.muli %scan3A_64, %mul3A_594 : i32
        %add3A_596 = arith.constant 6 : i32
        %add3A_597 = arith.addi %mul3A_595, %add3A_596 : i32
        %get3A_598 = arith.index_cast %add3A_597 : i32 to index
        %get3A_599 = arith.constant 0 : index
        %get3A_600 = tpu.vector_load %arg10[%get3A_598, %get3A_599] {strides = array<i32>} : memref<128x128xf32, #tpu.memory_space<vmem>>, vector<1x16xf32>,
        %get3A_601 = vector.shape_cast %get3A_600 : vector<1x16xf32> to vector<16xf32>
        %mul3A_602 = arith.mulf %get3A_601, %broadcast_in_dim3A_593 : vector<16xf32>
        %swap3A_603 = arith.index_cast %add3A_597 : i32 to index
        %swap3A_604 = arith.constant 0 : index
        %swap3A_605 = tpu.vector_load %arg10[%swap3A_603, %swap3A_604] {strides = array<i32>} : memref<128x128xf32, #tpu.memory_space<vmem>>, vector<1x16xf32>,
        %swap3A_606 = vector.shape_cast %swap3A_605 : vector<1x16xf32> to vector<16xf32>
        %swap3A_607 = vector.shape_cast %mul3A_602 : vector<16xf32> to vector<1x16xf32>
        tpu.vector_store %arg10[%swap3A_603, %swap3A_604], %swap3A_607 {strides = array<i32>} : memref<128x128xf32, #tpu.memory_space<vmem>>, vector<1x16xf32>,
        %get3A_608 = arith.index_cast %add3A_597 : i32 to index
        %get3A_609 = arith.constant 16 : index
        %get3A_610 = tpu.vector_load %arg10[%get3A_608, %get3A_609] {strides = array<i32>} : memref<128x128xf32, #tpu.memory_space<vmem>>, vector<1x16xf32>,
        %get3A_611 = vector.shape_cast %get3A_610 : vector<1x16xf32> to vector<16xf32>
        %mul3A_612 = arith.mulf %get3A_611, %broadcast_in_dim3A_593 : vector<16xf32>
        %swap3A_613 = arith.index_cast %add3A_597 : i32 to index
        %swap3A_614 = arith.constant 16 : index
        %swap3A_615 = tpu.vector_load %arg10[%swap3A_613, %swap3A_614] {strides = array<i32>} : memref<128x128xf32, #tpu.memory_space<vmem>>, vector<1x16xf32>,
        %swap3A_616 = vector.shape_cast %swap3A_615 : vector<1x16xf32> to vector<16xf32>
        %swap3A_617 = vector.shape_cast %mul3A_612 : vector<16xf32> to vector<1x16xf32>
        tpu.vector_store %arg10[%swap3A_613, %swap3A_614], %swap3A_617 {strides = array<i32>} : memref<128x128xf32, #tpu.memory_space<vmem>>, vector<1x16xf32>,
        %get3A_618 = arith.index_cast %add3A_597 : i32 to index
        %get3A_619 = arith.constant 32 : index
        %get3A_620 = tpu.vector_load %arg10[%get3A_618, %get3A_619] {strides = array<i32>} : memref<128x128xf32, #tpu.memory_space<vmem>>, vector<1x16xf32>,
        %get3A_621 = vector.shape_cast %get3A_620 : vector<1x16xf32> to vector<16xf32>
        %mul3A_622 = arith.mulf %get3A_621, %broadcast_in_dim3A_593 : vector<16xf32>
        %swap3A_623 = arith.index_cast %add3A_597 : i32 to index
        %swap3A_624 = arith.constant 32 : index
        %swap3A_625 = tpu.vector_load %arg10[%swap3A_623, %swap3A_624] {strides = array<i32>} : memref<128x128xf32, #tpu.memory_space<vmem>>, vector<1x16xf32>,
        %swap3A_626 = vector.shape_cast %swap3A_625 : vector<1x16xf32> to vector<16xf32>
        %swap3A_627 = vector.shape_cast %mul3A_622 : vector<16xf32> to vector<1x16xf32>
        tpu.vector_store %arg10[%swap3A_623, %swap3A_624], %swap3A_627 {strides = array<i32>} : memref<128x128xf32, #tpu.memory_space<vmem>>, vector<1x16xf32>,
        %get3A_628 = arith.index_cast %add3A_597 : i32 to index
        %get3A_629 = arith.constant 48 : index
        %get3A_630 = tpu.vector_load %arg10[%get3A_628, %get3A_629] {strides = array<i32>} : memref<128x128xf32, #tpu.memory_space<vmem>>, vector<1x16xf32>,
        %get3A_631 = vector.shape_cast %get3A_630 : vector<1x16xf32> to vector<16xf32>
        %mul3A_632 = arith.mulf %get3A_631, %broadcast_in_dim3A_593 : vector<16xf32>
        %swap3A_633 = arith.index_cast %add3A_597 : i32 to index
        %swap3A_634 = arith.constant 48 : index
        %swap3A_635 = tpu.vector_load %arg10[%swap3A_633, %swap3A_634] {strides = array<i32>} : memref<128x128xf32, #tpu.memory_space<vmem>>, vector<1x16xf32>,
        %swap3A_636 = vector.shape_cast %swap3A_635 : vector<1x16xf32> to vector<16xf32>
        %swap3A_637 = vector.shape_cast %mul3A_632 : vector<16xf32> to vector<1x16xf32>
        tpu.vector_store %arg10[%swap3A_633, %swap3A_634], %swap3A_637 {strides = array<i32>} : memref<128x128xf32, #tpu.memory_space<vmem>>, vector<1x16xf32>,
        %get3A_638 = arith.index_cast %add3A_597 : i32 to index
        %get3A_639 = arith.constant 64 : index
        %get3A_640 = tpu.vector_load %arg10[%get3A_638, %get3A_639] {strides = array<i32>} : memref<128x128xf32, #tpu.memory_space<vmem>>, vector<1x16xf32>,
        %get3A_641 = vector.shape_cast %get3A_640 : vector<1x16xf32> to vector<16xf32>
        %mul3A_642 = arith.mulf %get3A_641, %broadcast_in_dim3A_593 : vector<16xf32>
        %swap3A_643 = arith.index_cast %add3A_597 : i32 to index
        %swap3A_644 = arith.constant 64 : index
        %swap3A_645 = tpu.vector_load %arg10[%swap3A_643, %swap3A_644] {strides = array<i32>} : memref<128x128xf32, #tpu.memory_space<vmem>>, vector<1x16xf32>,
        %swap3A_646 = vector.shape_cast %swap3A_645 : vector<1x16xf32> to vector<16xf32>
        %swap3A_647 = vector.shape_cast %mul3A_642 : vector<16xf32> to vector<1x16xf32>
        tpu.vector_store %arg10[%swap3A_643, %swap3A_644], %swap3A_647 {strides = array<i32>} : memref<128x128xf32, #tpu.memory_space<vmem>>, vector<1x16xf32>,
        %get3A_648 = arith.index_cast %add3A_597 : i32 to index
        %get3A_649 = arith.constant 80 : index
        %get3A_650 = tpu.vector_load %arg10[%get3A_648, %get3A_649] {strides = array<i32>} : memref<128x128xf32, #tpu.memory_space<vmem>>, vector<1x16xf32>,
        %get3A_651 = vector.shape_cast %get3A_650 : vector<1x16xf32> to vector<16xf32>
        %mul3A_652 = arith.mulf %get3A_651, %broadcast_in_dim3A_593 : vector<16xf32>
        %swap3A_653 = arith.index_cast %add3A_597 : i32 to index
        %swap3A_654 = arith.constant 80 : index
        %swap3A_655 = tpu.vector_load %arg10[%swap3A_653, %swap3A_654] {strides = array<i32>} : memref<128x128xf32, #tpu.memory_space<vmem>>, vector<1x16xf32>,
        %swap3A_656 = vector.shape_cast %swap3A_655 : vector<1x16xf32> to vector<16xf32>
        %swap3A_657 = vector.shape_cast %mul3A_652 : vector<16xf32> to vector<1x16xf32>
        tpu.vector_store %arg10[%swap3A_653, %swap3A_654], %swap3A_657 {strides = array<i32>} : memref<128x128xf32, #tpu.memory_space<vmem>>, vector<1x16xf32>,
        %get3A_658 = arith.index_cast %add3A_597 : i32 to index
        %get3A_659 = arith.constant 96 : index
        %get3A_660 = tpu.vector_load %arg10[%get3A_658, %get3A_659] {strides = array<i32>} : memref<128x128xf32, #tpu.memory_space<vmem>>, vector<1x16xf32>,
        %get3A_661 = vector.shape_cast %get3A_660 : vector<1x16xf32> to vector<16xf32>
        %mul3A_662 = arith.mulf %get3A_661, %broadcast_in_dim3A_593 : vector<16xf32>
        %swap3A_663 = arith.index_cast %add3A_597 : i32 to index
        %swap3A_664 = arith.constant 96 : index
        %swap3A_665 = tpu.vector_load %arg10[%swap3A_663, %swap3A_664] {strides = array<i32>} : memref<128x128xf32, #tpu.memory_space<vmem>>, vector<1x16xf32>,
        %swap3A_666 = vector.shape_cast %swap3A_665 : vector<1x16xf32> to vector<16xf32>
        %swap3A_667 = vector.shape_cast %mul3A_662 : vector<16xf32> to vector<1x16xf32>
        tpu.vector_store %arg10[%swap3A_663, %swap3A_664], %swap3A_667 {strides = array<i32>} : memref<128x128xf32, #tpu.memory_space<vmem>>, vector<1x16xf32>,
        %get3A_668 = arith.index_cast %add3A_597 : i32 to index
        %get3A_669 = arith.constant 112 : index
        %get3A_670 = tpu.vector_load %arg10[%get3A_668, %get3A_669] {strides = array<i32>} : memref<128x128xf32, #tpu.memory_space<vmem>>, vector<1x16xf32>,
        %get3A_671 = vector.shape_cast %get3A_670 : vector<1x16xf32> to vector<16xf32>
        %mul3A_672 = arith.mulf %get3A_671, %broadcast_in_dim3A_593 : vector<16xf32>
        %swap3A_673 = arith.index_cast %add3A_597 : i32 to index
        %swap3A_674 = arith.constant 112 : index
        %swap3A_675 = tpu.vector_load %arg10[%swap3A_673, %swap3A_674] {strides = array<i32>} : memref<128x128xf32, #tpu.memory_space<vmem>>, vector<1x16xf32>,
        %swap3A_676 = vector.shape_cast %swap3A_675 : vector<1x16xf32> to vector<16xf32>
        %swap3A_677 = vector.shape_cast %mul3A_672 : vector<16xf32> to vector<1x16xf32>
        tpu.vector_store %arg10[%swap3A_673, %swap3A_674], %swap3A_677 {strides = array<i32>} : memref<128x128xf32, #tpu.memory_space<vmem>>, vector<1x16xf32>,
        %slice3A_678 = vector.extract_strided_slice %get3A_71 {offsets = [7], sizes = [1], strides = [1]} : vector<16xf32> to vector<1xf32>
        %squeeze3A_679 = vector.extract %slice3A_678[0] : f32 from vector<1xf32>
        %broadcast_in_dim3A_680 = vector.broadcast %squeeze3A_679 : f32 to vector<16xf32>
        %mul3A_681 = arith.constant 16 : i32
        %mul3A_682 = arith.muli %scan3A_64, %mul3A_681 : i32
        %add3A_683 = arith.constant 7 : i32
        %add3A_684 = arith.addi %mul3A_682, %add3A_683 : i32
        %get3A_685 = arith.index_cast %add3A_684 : i32 to index
        %get3A_686 = arith.constant 0 : index
        %get3A_687 = tpu.vector_load %arg10[%get3A_685, %get3A_686] {strides = array<i32>} : memref<128x128xf32, #tpu.memory_space<vmem>>, vector<1x16xf32>,
        %get3A_688 = vector.shape_cast %get3A_687 : vector<1x16xf32> to vector<16xf32>
        %mul3A_689 = arith.mulf %get3A_688, %broadcast_in_dim3A_680 : vector<16xf32>
        %swap3A_690 = arith.index_cast %add3A_684 : i32 to index
        %swap3A_691 = arith.constant 0 : index
        %swap3A_692 = tpu.vector_load %arg10[%swap3A_690, %swap3A_691] {strides = array<i32>} : memref<128x128xf32, #tpu.memory_space<vmem>>, vector<1x16xf32>,
        %swap3A_693 = vector.shape_cast %swap3A_692 : vector<1x16xf32> to vector<16xf32>
        %swap3A_694 = vector.shape_cast %mul3A_689 : vector<16xf32> to vector<1x16xf32>
        tpu.vector_store %arg10[%swap3A_690, %swap3A_691], %swap3A_694 {strides = array<i32>} : memref<128x128xf32, #tpu.memory_space<vmem>>, vector<1x16xf32>,
        %get3A_695 = arith.index_cast %add3A_684 : i32 to index
        %get3A_696 = arith.constant 16 : index
        %get3A_697 = tpu.vector_load %arg10[%get3A_695, %get3A_696] {strides = array<i32>} : memref<128x128xf32, #tpu.memory_space<vmem>>, vector<1x16xf32>,
        %get3A_698 = vector.shape_cast %get3A_697 : vector<1x16xf32> to vector<16xf32>
        %mul3A_699 = arith.mulf %get3A_698, %broadcast_in_dim3A_680 : vector<16xf32>
        %swap3A_700 = arith.index_cast %add3A_684 : i32 to index
        %swap3A_701 = arith.constant 16 : index
        %swap3A_702 = tpu.vector_load %arg10[%swap3A_700, %swap3A_701] {strides = array<i32>} : memref<128x128xf32, #tpu.memory_space<vmem>>, vector<1x16xf32>,
        %swap3A_703 = vector.shape_cast %swap3A_702 : vector<1x16xf32> to vector<16xf32>
        %swap3A_704 = vector.shape_cast %mul3A_699 : vector<16xf32> to vector<1x16xf32>
        tpu.vector_store %arg10[%swap3A_700, %swap3A_701], %swap3A_704 {strides = array<i32>} : memref<128x128xf32, #tpu.memory_space<vmem>>, vector<1x16xf32>,
        %get3A_705 = arith.index_cast %add3A_684 : i32 to index
        %get3A_706 = arith.constant 32 : index
        %get3A_707 = tpu.vector_load %arg10[%get3A_705, %get3A_706] {strides = array<i32>} : memref<128x128xf32, #tpu.memory_space<vmem>>, vector<1x16xf32>,
        %get3A_708 = vector.shape_cast %get3A_707 : vector<1x16xf32> to vector<16xf32>
        %mul3A_709 = arith.mulf %get3A_708, %broadcast_in_dim3A_680 : vector<16xf32>
        %swap3A_710 = arith.index_cast %add3A_684 : i32 to index
        %swap3A_711 = arith.constant 32 : index
        %swap3A_712 = tpu.vector_load %arg10[%swap3A_710, %swap3A_711] {strides = array<i32>} : memref<128x128xf32, #tpu.memory_space<vmem>>, vector<1x16xf32>,
        %swap3A_713 = vector.shape_cast %swap3A_712 : vector<1x16xf32> to vector<16xf32>
        %swap3A_714 = vector.shape_cast %mul3A_709 : vector<16xf32> to vector<1x16xf32>
        tpu.vector_store %arg10[%swap3A_710, %swap3A_711], %swap3A_714 {strides = array<i32>} : memref<128x128xf32, #tpu.memory_space<vmem>>, vector<1x16xf32>,
        %get3A_715 = arith.index_cast %add3A_684 : i32 to index
        %get3A_716 = arith.constant 48 : index
        %get3A_717 = tpu.vector_load %arg10[%get3A_715, %get3A_716] {strides = array<i32>} : memref<128x128xf32, #tpu.memory_space<vmem>>, vector<1x16xf32>,
        %get3A_718 = vector.shape_cast %get3A_717 : vector<1x16xf32> to vector<16xf32>
        %mul3A_719 = arith.mulf %get3A_718, %broadcast_in_dim3A_680 : vector<16xf32>
        %swap3A_720 = arith.index_cast %add3A_684 : i32 to index
        %swap3A_721 = arith.constant 48 : index
        %swap3A_722 = tpu.vector_load %arg10[%swap3A_720, %swap3A_721] {strides = array<i32>} : memref<128x128xf32, #tpu.memory_space<vmem>>, vector<1x16xf32>,
        %swap3A_723 = vector.shape_cast %swap3A_722 : vector<1x16xf32> to vector<16xf32>
        %swap3A_724 = vector.shape_cast %mul3A_719 : vector<16xf32> to vector<1x16xf32>
        tpu.vector_store %arg10[%swap3A_720, %swap3A_721], %swap3A_724 {strides = array<i32>} : memref<128x128xf32, #tpu.memory_space<vmem>>, vector<1x16xf32>,
        %get3A_725 = arith.index_cast %add3A_684 : i32 to index
        %get3A_726 = arith.constant 64 : index
        %get3A_727 = tpu.vector_load %arg10[%get3A_725, %get3A_726] {strides = array<i32>} : memref<128x128xf32, #tpu.memory_space<vmem>>, vector<1x16xf32>,
        %get3A_728 = vector.shape_cast %get3A_727 : vector<1x16xf32> to vector<16xf32>
        %mul3A_729 = arith.mulf %get3A_728, %broadcast_in_dim3A_680 : vector<16xf32>
        %swap3A_730 = arith.index_cast %add3A_684 : i32 to index
        %swap3A_731 = arith.constant 64 : index
        %swap3A_732 = tpu.vector_load %arg10[%swap3A_730, %swap3A_731] {strides = array<i32>} : memref<128x128xf32, #tpu.memory_space<vmem>>, vector<1x16xf32>,
        %swap3A_733 = vector.shape_cast %swap3A_732 : vector<1x16xf32> to vector<16xf32>
        %swap3A_734 = vector.shape_cast %mul3A_729 : vector<16xf32> to vector<1x16xf32>
        tpu.vector_store %arg10[%swap3A_730, %swap3A_731], %swap3A_734 {strides = array<i32>} : memref<128x128xf32, #tpu.memory_space<vmem>>, vector<1x16xf32>,
        %get3A_735 = arith.index_cast %add3A_684 : i32 to index
        %get3A_736 = arith.constant 80 : index
        %get3A_737 = tpu.vector_load %arg10[%get3A_735, %get3A_736] {strides = array<i32>} : memref<128x128xf32, #tpu.memory_space<vmem>>, vector<1x16xf32>,
        %get3A_738 = vector.shape_cast %get3A_737 : vector<1x16xf32> to vector<16xf32>
        %mul3A_739 = arith.mulf %get3A_738, %broadcast_in_dim3A_680 : vector<16xf32>
        %swap3A_740 = arith.index_cast %add3A_684 : i32 to index
        %swap3A_741 = arith.constant 80 : index
        %swap3A_742 = tpu.vector_load %arg10[%swap3A_740, %swap3A_741] {strides = array<i32>} : memref<128x128xf32, #tpu.memory_space<vmem>>, vector<1x16xf32>,
        %swap3A_743 = vector.shape_cast %swap3A_742 : vector<1x16xf32> to vector<16xf32>
        %swap3A_744 = vector.shape_cast %mul3A_739 : vector<16xf32> to vector<1x16xf32>
        tpu.vector_store %arg10[%swap3A_740, %swap3A_741], %swap3A_744 {strides = array<i32>} : memref<128x128xf32, #tpu.memory_space<vmem>>, vector<1x16xf32>,
        %get3A_745 = arith.index_cast %add3A_684 : i32 to index
        %get3A_746 = arith.constant 96 : index
        %get3A_747 = tpu.vector_load %arg10[%get3A_745, %get3A_746] {strides = array<i32>} : memref<128x128xf32, #tpu.memory_space<vmem>>, vector<1x16xf32>,
        %get3A_748 = vector.shape_cast %get3A_747 : vector<1x16xf32> to vector<16xf32>
        %mul3A_749 = arith.mulf %get3A_748, %broadcast_in_dim3A_680 : vector<16xf32>
        %swap3A_750 = arith.index_cast %add3A_684 : i32 to index
        %swap3A_751 = arith.constant 96 : index
        %swap3A_752 = tpu.vector_load %arg10[%swap3A_750, %swap3A_751] {strides = array<i32>} : memref<128x128xf32, #tpu.memory_space<vmem>>, vector<1x16xf32>,
        %swap3A_753 = vector.shape_cast %swap3A_752 : vector<1x16xf32> to vector<16xf32>
        %swap3A_754 = vector.shape_cast %mul3A_749 : vector<16xf32> to vector<1x16xf32>
        tpu.vector_store %arg10[%swap3A_750, %swap3A_751], %swap3A_754 {strides = array<i32>} : memref<128x128xf32, #tpu.memory_space<vmem>>, vector<1x16xf32>,
        %get3A_755 = arith.index_cast %add3A_684 : i32 to index
        %get3A_756 = arith.constant 112 : index
        %get3A_757 = tpu.vector_load %arg10[%get3A_755, %get3A_756] {strides = array<i32>} : memref<128x128xf32, #tpu.memory_space<vmem>>, vector<1x16xf32>,
        %get3A_758 = vector.shape_cast %get3A_757 : vector<1x16xf32> to vector<16xf32>
        %mul3A_759 = arith.mulf %get3A_758, %broadcast_in_dim3A_680 : vector<16xf32>
        %swap3A_760 = arith.index_cast %add3A_684 : i32 to index
        %swap3A_761 = arith.constant 112 : index
        %swap3A_762 = tpu.vector_load %arg10[%swap3A_760, %swap3A_761] {strides = array<i32>} : memref<128x128xf32, #tpu.memory_space<vmem>>, vector<1x16xf32>,
        %swap3A_763 = vector.shape_cast %swap3A_762 : vector<1x16xf32> to vector<16xf32>
        %swap3A_764 = vector.shape_cast %mul3A_759 : vector<16xf32> to vector<1x16xf32>
        tpu.vector_store %arg10[%swap3A_760, %swap3A_761], %swap3A_764 {strides = array<i32>} : memref<128x128xf32, #tpu.memory_space<vmem>>, vector<1x16xf32>,
        %slice3A_765 = vector.extract_strided_slice %get3A_71 {offsets = [8], sizes = [1], strides = [1]} : vector<16xf32> to vector<1xf32>
        %squeeze3A_766 = vector.extract %slice3A_765[0] : f32 from vector<1xf32>
        %broadcast_in_dim3A_767 = vector.broadcast %squeeze3A_766 : f32 to vector<16xf32>
        %mul3A_768 = arith.constant 16 : i32
        %mul3A_769 = arith.muli %scan3A_64, %mul3A_768 : i32
        %add3A_770 = arith.constant 8 : i32
        %add3A_771 = arith.addi %mul3A_769, %add3A_770 : i32
        %get3A_772 = arith.index_cast %add3A_771 : i32 to index
        %get3A_773 = arith.constant 0 : index
        %get3A_774 = tpu.vector_load %arg10[%get3A_772, %get3A_773] {strides = array<i32>} : memref<128x128xf32, #tpu.memory_space<vmem>>, vector<1x16xf32>,
        %get3A_775 = vector.shape_cast %get3A_774 : vector<1x16xf32> to vector<16xf32>
        %mul3A_776 = arith.mulf %get3A_775, %broadcast_in_dim3A_767 : vector<16xf32>
        %swap3A_777 = arith.index_cast %add3A_771 : i32 to index
        %swap3A_778 = arith.constant 0 : index
        %swap3A_779 = tpu.vector_load %arg10[%swap3A_777, %swap3A_778] {strides = array<i32>} : memref<128x128xf32, #tpu.memory_space<vmem>>, vector<1x16xf32>,
        %swap3A_780 = vector.shape_cast %swap3A_779 : vector<1x16xf32> to vector<16xf32>
        %swap3A_781 = vector.shape_cast %mul3A_776 : vector<16xf32> to vector<1x16xf32>
        tpu.vector_store %arg10[%swap3A_777, %swap3A_778], %swap3A_781 {strides = array<i32>} : memref<128x128xf32, #tpu.memory_space<vmem>>, vector<1x16xf32>,
        %get3A_782 = arith.index_cast %add3A_771 : i32 to index
        %get3A_783 = arith.constant 16 : index
        %get3A_784 = tpu.vector_load %arg10[%get3A_782, %get3A_783] {strides = array<i32>} : memref<128x128xf32, #tpu.memory_space<vmem>>, vector<1x16xf32>,
        %get3A_785 = vector.shape_cast %get3A_784 : vector<1x16xf32> to vector<16xf32>
        %mul3A_786 = arith.mulf %get3A_785, %broadcast_in_dim3A_767 : vector<16xf32>
        %swap3A_787 = arith.index_cast %add3A_771 : i32 to index
        %swap3A_788 = arith.constant 16 : index
        %swap3A_789 = tpu.vector_load %arg10[%swap3A_787, %swap3A_788] {strides = array<i32>} : memref<128x128xf32, #tpu.memory_space<vmem>>, vector<1x16xf32>,
        %swap3A_790 = vector.shape_cast %swap3A_789 : vector<1x16xf32> to vector<16xf32>
        %swap3A_791 = vector.shape_cast %mul3A_786 : vector<16xf32> to vector<1x16xf32>
        tpu.vector_store %arg10[%swap3A_787, %swap3A_788], %swap3A_791 {strides = array<i32>} : memref<128x128xf32, #tpu.memory_space<vmem>>, vector<1x16xf32>,
        %get3A_792 = arith.index_cast %add3A_771 : i32 to index
        %get3A_793 = arith.constant 32 : index
        %get3A_794 = tpu.vector_load %arg10[%get3A_792, %get3A_793] {strides = array<i32>} : memref<128x128xf32, #tpu.memory_space<vmem>>, vector<1x16xf32>,
        %get3A_795 = vector.shape_cast %get3A_794 : vector<1x16xf32> to vector<16xf32>
        %mul3A_796 = arith.mulf %get3A_795, %broadcast_in_dim3A_767 : vector<16xf32>
        %swap3A_797 = arith.index_cast %add3A_771 : i32 to index
        %swap3A_798 = arith.constant 32 : index
        %swap3A_799 = tpu.vector_load %arg10[%swap3A_797, %swap3A_798] {strides = array<i32>} : memref<128x128xf32, #tpu.memory_space<vmem>>, vector<1x16xf32>,
        %swap3A_800 = vector.shape_cast %swap3A_799 : vector<1x16xf32> to vector<16xf32>
        %swap3A_801 = vector.shape_cast %mul3A_796 : vector<16xf32> to vector<1x16xf32>
        tpu.vector_store %arg10[%swap3A_797, %swap3A_798], %swap3A_801 {strides = array<i32>} : memref<128x128xf32, #tpu.memory_space<vmem>>, vector<1x16xf32>,
        %get3A_802 = arith.index_cast %add3A_771 : i32 to index
        %get3A_803 = arith.constant 48 : index
        %get3A_804 = tpu.vector_load %arg10[%get3A_802, %get3A_803] {strides = array<i32>} : memref<128x128xf32, #tpu.memory_space<vmem>>, vector<1x16xf32>,
        %get3A_805 = vector.shape_cast %get3A_804 : vector<1x16xf32> to vector<16xf32>
        %mul3A_806 = arith.mulf %get3A_805, %broadcast_in_dim3A_767 : vector<16xf32>
        %swap3A_807 = arith.index_cast %add3A_771 : i32 to index
        %swap3A_808 = arith.constant 48 : index
        %swap3A_809 = tpu.vector_load %arg10[%swap3A_807, %swap3A_808] {strides = array<i32>} : memref<128x128xf32, #tpu.memory_space<vmem>>, vector<1x16xf32>,
        %swap3A_810 = vector.shape_cast %swap3A_809 : vector<1x16xf32> to vector<16xf32>
        %swap3A_811 = vector.shape_cast %mul3A_806 : vector<16xf32> to vector<1x16xf32>
        tpu.vector_store %arg10[%swap3A_807, %swap3A_808], %swap3A_811 {strides = array<i32>} : memref<128x128xf32, #tpu.memory_space<vmem>>, vector<1x16xf32>,
        %get3A_812 = arith.index_cast %add3A_771 : i32 to index
        %get3A_813 = arith.constant 64 : index
        %get3A_814 = tpu.vector_load %arg10[%get3A_812, %get3A_813] {strides = array<i32>} : memref<128x128xf32, #tpu.memory_space<vmem>>, vector<1x16xf32>,
        %get3A_815 = vector.shape_cast %get3A_814 : vector<1x16xf32> to vector<16xf32>
        %mul3A_816 = arith.mulf %get3A_815, %broadcast_in_dim3A_767 : vector<16xf32>
        %swap3A_817 = arith.index_cast %add3A_771 : i32 to index
        %swap3A_818 = arith.constant 64 : index
        %swap3A_819 = tpu.vector_load %arg10[%swap3A_817, %swap3A_818] {strides = array<i32>} : memref<128x128xf32, #tpu.memory_space<vmem>>, vector<1x16xf32>,
        %swap3A_820 = vector.shape_cast %swap3A_819 : vector<1x16xf32> to vector<16xf32>
        %swap3A_821 = vector.shape_cast %mul3A_816 : vector<16xf32> to vector<1x16xf32>
        tpu.vector_store %arg10[%swap3A_817, %swap3A_818], %swap3A_821 {strides = array<i32>} : memref<128x128xf32, #tpu.memory_space<vmem>>, vector<1x16xf32>,
        %get3A_822 = arith.index_cast %add3A_771 : i32 to index
        %get3A_823 = arith.constant 80 : index
        %get3A_824 = tpu.vector_load %arg10[%get3A_822, %get3A_823] {strides = array<i32>} : memref<128x128xf32, #tpu.memory_space<vmem>>, vector<1x16xf32>,
        %get3A_825 = vector.shape_cast %get3A_824 : vector<1x16xf32> to vector<16xf32>
        %mul3A_826 = arith.mulf %get3A_825, %broadcast_in_dim3A_767 : vector<16xf32>
        %swap3A_827 = arith.index_cast %add3A_771 : i32 to index
        %swap3A_828 = arith.constant 80 : index
        %swap3A_829 = tpu.vector_load %arg10[%swap3A_827, %swap3A_828] {strides = array<i32>} : memref<128x128xf32, #tpu.memory_space<vmem>>, vector<1x16xf32>,
        %swap3A_830 = vector.shape_cast %swap3A_829 : vector<1x16xf32> to vector<16xf32>
        %swap3A_831 = vector.shape_cast %mul3A_826 : vector<16xf32> to vector<1x16xf32>
        tpu.vector_store %arg10[%swap3A_827, %swap3A_828], %swap3A_831 {strides = array<i32>} : memref<128x128xf32, #tpu.memory_space<vmem>>, vector<1x16xf32>,
        %get3A_832 = arith.index_cast %add3A_771 : i32 to index
        %get3A_833 = arith.constant 96 : index
        %get3A_834 = tpu.vector_load %arg10[%get3A_832, %get3A_833] {strides = array<i32>} : memref<128x128xf32, #tpu.memory_space<vmem>>, vector<1x16xf32>,
        %get3A_835 = vector.shape_cast %get3A_834 : vector<1x16xf32> to vector<16xf32>
        %mul3A_836 = arith.mulf %get3A_835, %broadcast_in_dim3A_767 : vector<16xf32>
        %swap3A_837 = arith.index_cast %add3A_771 : i32 to index
        %swap3A_838 = arith.constant 96 : index
        %swap3A_839 = tpu.vector_load %arg10[%swap3A_837, %swap3A_838] {strides = array<i32>} : memref<128x128xf32, #tpu.memory_space<vmem>>, vector<1x16xf32>,
        %swap3A_840 = vector.shape_cast %swap3A_839 : vector<1x16xf32> to vector<16xf32>
        %swap3A_841 = vector.shape_cast %mul3A_836 : vector<16xf32> to vector<1x16xf32>
        tpu.vector_store %arg10[%swap3A_837, %swap3A_838], %swap3A_841 {strides = array<i32>} : memref<128x128xf32, #tpu.memory_space<vmem>>, vector<1x16xf32>,
        %get3A_842 = arith.index_cast %add3A_771 : i32 to index
        %get3A_843 = arith.constant 112 : index
        %get3A_844 = tpu.vector_load %arg10[%get3A_842, %get3A_843] {strides = array<i32>} : memref<128x128xf32, #tpu.memory_space<vmem>>, vector<1x16xf32>,
        %get3A_845 = vector.shape_cast %get3A_844 : vector<1x16xf32> to vector<16xf32>
        %mul3A_846 = arith.mulf %get3A_845, %broadcast_in_dim3A_767 : vector<16xf32>
        %swap3A_847 = arith.index_cast %add3A_771 : i32 to index
        %swap3A_848 = arith.constant 112 : index
        %swap3A_849 = tpu.vector_load %arg10[%swap3A_847, %swap3A_848] {strides = array<i32>} : memref<128x128xf32, #tpu.memory_space<vmem>>, vector<1x16xf32>,
        %swap3A_850 = vector.shape_cast %swap3A_849 : vector<1x16xf32> to vector<16xf32>
        %swap3A_851 = vector.shape_cast %mul3A_846 : vector<16xf32> to vector<1x16xf32>
        tpu.vector_store %arg10[%swap3A_847, %swap3A_848], %swap3A_851 {strides = array<i32>} : memref<128x128xf32, #tpu.memory_space<vmem>>, vector<1x16xf32>,
        %slice3A_852 = vector.extract_strided_slice %get3A_71 {offsets = [9], sizes = [1], strides = [1]} : vector<16xf32> to vector<1xf32>
        %squeeze3A_853 = vector.extract %slice3A_852[0] : f32 from vector<1xf32>
        %broadcast_in_dim3A_854 = vector.broadcast %squeeze3A_853 : f32 to vector<16xf32>
        %mul3A_855 = arith.constant 16 : i32
        %mul3A_856 = arith.muli %scan3A_64, %mul3A_855 : i32
        %add3A_857 = arith.constant 9 : i32
        %add3A_858 = arith.addi %mul3A_856, %add3A_857 : i32
        %get3A_859 = arith.index_cast %add3A_858 : i32 to index
        %get3A_860 = arith.constant 0 : index
        %get3A_861 = tpu.vector_load %arg10[%get3A_859, %get3A_860] {strides = array<i32>} : memref<128x128xf32, #tpu.memory_space<vmem>>, vector<1x16xf32>,
        %get3A_862 = vector.shape_cast %get3A_861 : vector<1x16xf32> to vector<16xf32>
        %mul3A_863 = arith.mulf %get3A_862, %broadcast_in_dim3A_854 : vector<16xf32>
        %swap3A_864 = arith.index_cast %add3A_858 : i32 to index
        %swap3A_865 = arith.constant 0 : index
        %swap3A_866 = tpu.vector_load %arg10[%swap3A_864, %swap3A_865] {strides = array<i32>} : memref<128x128xf32, #tpu.memory_space<vmem>>, vector<1x16xf32>,
        %swap3A_867 = vector.shape_cast %swap3A_866 : vector<1x16xf32> to vector<16xf32>
        %swap3A_868 = vector.shape_cast %mul3A_863 : vector<16xf32> to vector<1x16xf32>
        tpu.vector_store %arg10[%swap3A_864, %swap3A_865], %swap3A_868 {strides = array<i32>} : memref<128x128xf32, #tpu.memory_space<vmem>>, vector<1x16xf32>,
        %get3A_869 = arith.index_cast %add3A_858 : i32 to index
        %get3A_870 = arith.constant 16 : index
        %get3A_871 = tpu.vector_load %arg10[%get3A_869, %get3A_870] {strides = array<i32>} : memref<128x128xf32, #tpu.memory_space<vmem>>, vector<1x16xf32>,
        %get3A_872 = vector.shape_cast %get3A_871 : vector<1x16xf32> to vector<16xf32>
        %mul3A_873 = arith.mulf %get3A_872, %broadcast_in_dim3A_854 : vector<16xf32>
        %swap3A_874 = arith.index_cast %add3A_858 : i32 to index
        %swap3A_875 = arith.constant 16 : index
        %swap3A_876 = tpu.vector_load %arg10[%swap3A_874, %swap3A_875] {strides = array<i32>} : memref<128x128xf32, #tpu.memory_space<vmem>>, vector<1x16xf32>,
        %swap3A_877 = vector.shape_cast %swap3A_876 : vector<1x16xf32> to vector<16xf32>
        %swap3A_878 = vector.shape_cast %mul3A_873 : vector<16xf32> to vector<1x16xf32>
        tpu.vector_store %arg10[%swap3A_874, %swap3A_875], %swap3A_878 {strides = array<i32>} : memref<128x128xf32, #tpu.memory_space<vmem>>, vector<1x16xf32>,
        %get3A_879 = arith.index_cast %add3A_858 : i32 to index
        %get3A_880 = arith.constant 32 : index
        %get3A_881 = tpu.vector_load %arg10[%get3A_879, %get3A_880] {strides = array<i32>} : memref<128x128xf32, #tpu.memory_space<vmem>>, vector<1x16xf32>,
        %get3A_882 = vector.shape_cast %get3A_881 : vector<1x16xf32> to vector<16xf32>
        %mul3A_883 = arith.mulf %get3A_882, %broadcast_in_dim3A_854 : vector<16xf32>
        %swap3A_884 = arith.index_cast %add3A_858 : i32 to index
        %swap3A_885 = arith.constant 32 : index
        %swap3A_886 = tpu.vector_load %arg10[%swap3A_884, %swap3A_885] {strides = array<i32>} : memref<128x128xf32, #tpu.memory_space<vmem>>, vector<1x16xf32>,
        %swap3A_887 = vector.shape_cast %swap3A_886 : vector<1x16xf32> to vector<16xf32>
        %swap3A_888 = vector.shape_cast %mul3A_883 : vector<16xf32> to vector<1x16xf32>
        tpu.vector_store %arg10[%swap3A_884, %swap3A_885], %swap3A_888 {strides = array<i32>} : memref<128x128xf32, #tpu.memory_space<vmem>>, vector<1x16xf32>,
        %get3A_889 = arith.index_cast %add3A_858 : i32 to index
        %get3A_890 = arith.constant 48 : index
        %get3A_891 = tpu.vector_load %arg10[%get3A_889, %get3A_890] {strides = array<i32>} : memref<128x128xf32, #tpu.memory_space<vmem>>, vector<1x16xf32>,
        %get3A_892 = vector.shape_cast %get3A_891 : vector<1x16xf32> to vector<16xf32>
        %mul3A_893 = arith.mulf %get3A_892, %broadcast_in_dim3A_854 : vector<16xf32>
        %swap3A_894 = arith.index_cast %add3A_858 : i32 to index
        %swap3A_895 = arith.constant 48 : index
        %swap3A_896 = tpu.vector_load %arg10[%swap3A_894, %swap3A_895] {strides = array<i32>} : memref<128x128xf32, #tpu.memory_space<vmem>>, vector<1x16xf32>,
        %swap3A_897 = vector.shape_cast %swap3A_896 : vector<1x16xf32> to vector<16xf32>
        %swap3A_898 = vector.shape_cast %mul3A_893 : vector<16xf32> to vector<1x16xf32>
        tpu.vector_store %arg10[%swap3A_894, %swap3A_895], %swap3A_898 {strides = array<i32>} : memref<128x128xf32, #tpu.memory_space<vmem>>, vector<1x16xf32>,
        %get3A_899 = arith.index_cast %add3A_858 : i32 to index
        %get3A_900 = arith.constant 64 : index
        %get3A_901 = tpu.vector_load %arg10[%get3A_899, %get3A_900] {strides = array<i32>} : memref<128x128xf32, #tpu.memory_space<vmem>>, vector<1x16xf32>,
        %get3A_902 = vector.shape_cast %get3A_901 : vector<1x16xf32> to vector<16xf32>
        %mul3A_903 = arith.mulf %get3A_902, %broadcast_in_dim3A_854 : vector<16xf32>
        %swap3A_904 = arith.index_cast %add3A_858 : i32 to index
        %swap3A_905 = arith.constant 64 : index
        %swap3A_906 = tpu.vector_load %arg10[%swap3A_904, %swap3A_905] {strides = array<i32>} : memref<128x128xf32, #tpu.memory_space<vmem>>, vector<1x16xf32>,
        %swap3A_907 = vector.shape_cast %swap3A_906 : vector<1x16xf32> to vector<16xf32>
        %swap3A_908 = vector.shape_cast %mul3A_903 : vector<16xf32> to vector<1x16xf32>
        tpu.vector_store %arg10[%swap3A_904, %swap3A_905], %swap3A_908 {strides = array<i32>} : memref<128x128xf32, #tpu.memory_space<vmem>>, vector<1x16xf32>,
        %get3A_909 = arith.index_cast %add3A_858 : i32 to index
        %get3A_910 = arith.constant 80 : index
        %get3A_911 = tpu.vector_load %arg10[%get3A_909, %get3A_910] {strides = array<i32>} : memref<128x128xf32, #tpu.memory_space<vmem>>, vector<1x16xf32>,
        %get3A_912 = vector.shape_cast %get3A_911 : vector<1x16xf32> to vector<16xf32>
        %mul3A_913 = arith.mulf %get3A_912, %broadcast_in_dim3A_854 : vector<16xf32>
        %swap3A_914 = arith.index_cast %add3A_858 : i32 to index
        %swap3A_915 = arith.constant 80 : index
        %swap3A_916 = tpu.vector_load %arg10[%swap3A_914, %swap3A_915] {strides = array<i32>} : memref<128x128xf32, #tpu.memory_space<vmem>>, vector<1x16xf32>,
        %swap3A_917 = vector.shape_cast %swap3A_916 : vector<1x16xf32> to vector<16xf32>
        %swap3A_918 = vector.shape_cast %mul3A_913 : vector<16xf32> to vector<1x16xf32>
        tpu.vector_store %arg10[%swap3A_914, %swap3A_915], %swap3A_918 {strides = array<i32>} : memref<128x128xf32, #tpu.memory_space<vmem>>, vector<1x16xf32>,
        %get3A_919 = arith.index_cast %add3A_858 : i32 to index
        %get3A_920 = arith.constant 96 : index
        %get3A_921 = tpu.vector_load %arg10[%get3A_919, %get3A_920] {strides = array<i32>} : memref<128x128xf32, #tpu.memory_space<vmem>>, vector<1x16xf32>,
        %get3A_922 = vector.shape_cast %get3A_921 : vector<1x16xf32> to vector<16xf32>
        %mul3A_923 = arith.mulf %get3A_922, %broadcast_in_dim3A_854 : vector<16xf32>
        %swap3A_924 = arith.index_cast %add3A_858 : i32 to index
        %swap3A_925 = arith.constant 96 : index
        %swap3A_926 = tpu.vector_load %arg10[%swap3A_924, %swap3A_925] {strides = array<i32>} : memref<128x128xf32, #tpu.memory_space<vmem>>, vector<1x16xf32>,
        %swap3A_927 = vector.shape_cast %swap3A_926 : vector<1x16xf32> to vector<16xf32>
        %swap3A_928 = vector.shape_cast %mul3A_923 : vector<16xf32> to vector<1x16xf32>
        tpu.vector_store %arg10[%swap3A_924, %swap3A_925], %swap3A_928 {strides = array<i32>} : memref<128x128xf32, #tpu.memory_space<vmem>>, vector<1x16xf32>,
        %get3A_929 = arith.index_cast %add3A_858 : i32 to index
        %get3A_930 = arith.constant 112 : index
        %get3A_931 = tpu.vector_load %arg10[%get3A_929, %get3A_930] {strides = array<i32>} : memref<128x128xf32, #tpu.memory_space<vmem>>, vector<1x16xf32>,
        %get3A_932 = vector.shape_cast %get3A_931 : vector<1x16xf32> to vector<16xf32>
        %mul3A_933 = arith.mulf %get3A_932, %broadcast_in_dim3A_854 : vector<16xf32>
        %swap3A_934 = arith.index_cast %add3A_858 : i32 to index
        %swap3A_935 = arith.constant 112 : index
        %swap3A_936 = tpu.vector_load %arg10[%swap3A_934, %swap3A_935] {strides = array<i32>} : memref<128x128xf32, #tpu.memory_space<vmem>>, vector<1x16xf32>,
        %swap3A_937 = vector.shape_cast %swap3A_936 : vector<1x16xf32> to vector<16xf32>
        %swap3A_938 = vector.shape_cast %mul3A_933 : vector<16xf32> to vector<1x16xf32>
        tpu.vector_store %arg10[%swap3A_934, %swap3A_935], %swap3A_938 {strides = array<i32>} : memref<128x128xf32, #tpu.memory_space<vmem>>, vector<1x16xf32>,
        %slice3A_939 = vector.extract_strided_slice %get3A_71 {offsets = [10], sizes = [1], strides = [1]} : vector<16xf32> to vector<1xf32>
        %squeeze3A_940 = vector.extract %slice3A_939[0] : f32 from vector<1xf32>
        %broadcast_in_dim3A_941 = vector.broadcast %squeeze3A_940 : f32 to vector<16xf32>
        %mul3A_942 = arith.constant 16 : i32
        %mul3A_943 = arith.muli %scan3A_64, %mul3A_942 : i32
        %add3A_944 = arith.constant 10 : i32
        %add3A_945 = arith.addi %mul3A_943, %add3A_944 : i32
        %get3A_946 = arith.index_cast %add3A_945 : i32 to index
        %get3A_947 = arith.constant 0 : index
        %get3A_948 = tpu.vector_load %arg10[%get3A_946, %get3A_947] {strides = array<i32>} : memref<128x128xf32, #tpu.memory_space<vmem>>, vector<1x16xf32>,
        %get3A_949 = vector.shape_cast %get3A_948 : vector<1x16xf32> to vector<16xf32>
        %mul3A_950 = arith.mulf %get3A_949, %broadcast_in_dim3A_941 : vector<16xf32>
        %swap3A_951 = arith.index_cast %add3A_945 : i32 to index
        %swap3A_952 = arith.constant 0 : index
        %swap3A_953 = tpu.vector_load %arg10[%swap3A_951, %swap3A_952] {strides = array<i32>} : memref<128x128xf32, #tpu.memory_space<vmem>>, vector<1x16xf32>,
        %swap3A_954 = vector.shape_cast %swap3A_953 : vector<1x16xf32> to vector<16xf32>
        %swap3A_955 = vector.shape_cast %mul3A_950 : vector<16xf32> to vector<1x16xf32>
        tpu.vector_store %arg10[%swap3A_951, %swap3A_952], %swap3A_955 {strides = array<i32>} : memref<128x128xf32, #tpu.memory_space<vmem>>, vector<1x16xf32>,
        %get3A_956 = arith.index_cast %add3A_945 : i32 to index
        %get3A_957 = arith.constant 16 : index
        %get3A_958 = tpu.vector_load %arg10[%get3A_956, %get3A_957] {strides = array<i32>} : memref<128x128xf32, #tpu.memory_space<vmem>>, vector<1x16xf32>,
        %get3A_959 = vector.shape_cast %get3A_958 : vector<1x16xf32> to vector<16xf32>
        %mul3A_960 = arith.mulf %get3A_959, %broadcast_in_dim3A_941 : vector<16xf32>
        %swap3A_961 = arith.index_cast %add3A_945 : i32 to index
        %swap3A_962 = arith.constant 16 : index
        %swap3A_963 = tpu.vector_load %arg10[%swap3A_961, %swap3A_962] {strides = array<i32>} : memref<128x128xf32, #tpu.memory_space<vmem>>, vector<1x16xf32>,
        %swap3A_964 = vector.shape_cast %swap3A_963 : vector<1x16xf32> to vector<16xf32>
        %swap3A_965 = vector.shape_cast %mul3A_960 : vector<16xf32> to vector<1x16xf32>
        tpu.vector_store %arg10[%swap3A_961, %swap3A_962], %swap3A_965 {strides = array<i32>} : memref<128x128xf32, #tpu.memory_space<vmem>>, vector<1x16xf32>,
        %get3A_966 = arith.index_cast %add3A_945 : i32 to index
        %get3A_967 = arith.constant 32 : index
        %get3A_968 = tpu.vector_load %arg10[%get3A_966, %get3A_967] {strides = array<i32>} : memref<128x128xf32, #tpu.memory_space<vmem>>, vector<1x16xf32>,
        %get3A_969 = vector.shape_cast %get3A_968 : vector<1x16xf32> to vector<16xf32>
        %mul3A_970 = arith.mulf %get3A_969, %broadcast_in_dim3A_941 : vector<16xf32>
        %swap3A_971 = arith.index_cast %add3A_945 : i32 to index
        %swap3A_972 = arith.constant 32 : index
        %swap3A_973 = tpu.vector_load %arg10[%swap3A_971, %swap3A_972] {strides = array<i32>} : memref<128x128xf32, #tpu.memory_space<vmem>>, vector<1x16xf32>,
        %swap3A_974 = vector.shape_cast %swap3A_973 : vector<1x16xf32> to vector<16xf32>
        %swap3A_975 = vector.shape_cast %mul3A_970 : vector<16xf32> to vector<1x16xf32>
        tpu.vector_store %arg10[%swap3A_971, %swap3A_972], %swap3A_975 {strides = array<i32>} : memref<128x128xf32, #tpu.memory_space<vmem>>, vector<1x16xf32>,
        %get3A_976 = arith.index_cast %add3A_945 : i32 to index
        %get3A_977 = arith.constant 48 : index
        %get3A_978 = tpu.vector_load %arg10[%get3A_976, %get3A_977] {strides = array<i32>} : memref<128x128xf32, #tpu.memory_space<vmem>>, vector<1x16xf32>,
        %get3A_979 = vector.shape_cast %get3A_978 : vector<1x16xf32> to vector<16xf32>
        %mul3A_980 = arith.mulf %get3A_979, %broadcast_in_dim3A_941 : vector<16xf32>
        %swap3A_981 = arith.index_cast %add3A_945 : i32 to index
        %swap3A_982 = arith.constant 48 : index
        %swap3A_983 = tpu.vector_load %arg10[%swap3A_981, %swap3A_982] {strides = array<i32>} : memref<128x128xf32, #tpu.memory_space<vmem>>, vector<1x16xf32>,
        %swap3A_984 = vector.shape_cast %swap3A_983 : vector<1x16xf32> to vector<16xf32>
        %swap3A_985 = vector.shape_cast %mul3A_980 : vector<16xf32> to vector<1x16xf32>
        tpu.vector_store %arg10[%swap3A_981, %swap3A_982], %swap3A_985 {strides = array<i32>} : memref<128x128xf32, #tpu.memory_space<vmem>>, vector<1x16xf32>,
        %get3A_986 = arith.index_cast %add3A_945 : i32 to index
        %get3A_987 = arith.constant 64 : index
        %get3A_988 = tpu.vector_load %arg10[%get3A_986, %get3A_987] {strides = array<i32>} : memref<128x128xf32, #tpu.memory_space<vmem>>, vector<1x16xf32>,
        %get3A_989 = vector.shape_cast %get3A_988 : vector<1x16xf32> to vector<16xf32>
        %mul3A_990 = arith.mulf %get3A_989, %broadcast_in_dim3A_941 : vector<16xf32>
        %swap3A_991 = arith.index_cast %add3A_945 : i32 to index
        %swap3A_992 = arith.constant 64 : index
        %swap3A_993 = tpu.vector_load %arg10[%swap3A_991, %swap3A_992] {strides = array<i32>} : memref<128x128xf32, #tpu.memory_space<vmem>>, vector<1x16xf32>,
        %swap3A_994 = vector.shape_cast %swap3A_993 : vector<1x16xf32> to vector<16xf32>
        %swap3A_995 = vector.shape_cast %mul3A_990 : vector<16xf32> to vector<1x16xf32>
        tpu.vector_store %arg10[%swap3A_991, %swap3A_992], %swap3A_995 {strides = array<i32>} : memref<128x128xf32, #tpu.memory_space<vmem>>, vector<1x16xf32>,
        %get3A_996 = arith.index_cast %add3A_945 : i32 to index
        %get3A_997 = arith.constant 80 : index
        %get3A_998 = tpu.vector_load %arg10[%get3A_996, %get3A_997] {strides = array<i32>} : memref<128x128xf32, #tpu.memory_space<vmem>>, vector<1x16xf32>,
        %get3A_999 = vector.shape_cast %get3A_998 : vector<1x16xf32> to vector<16xf32>
        %mul3A_1000 = arith.mulf %get3A_999, %broadcast_in_dim3A_941 : vector<16xf32>
        %swap3A_1001 = arith.index_cast %add3A_945 : i32 to index
        %swap3A_1002 = arith.constant 80 : index
        %swap3A_1003 = tpu.vector_load %arg10[%swap3A_1001, %swap3A_1002] {strides = array<i32>} : memref<128x128xf32, #tpu.memory_space<vmem>>, vector<1x16xf32>,
        %swap3A_1004 = vector.shape_cast %swap3A_1003 : vector<1x16xf32> to vector<16xf32>
        %swap3A_1005 = vector.shape_cast %mul3A_1000 : vector<16xf32> to vector<1x16xf32>
        tpu.vector_store %arg10[%swap3A_1001, %swap3A_1002], %swap3A_1005 {strides = array<i32>} : memref<128x128xf32, #tpu.memory_space<vmem>>, vector<1x16xf32>,
        %get3A_1006 = arith.index_cast %add3A_945 : i32 to index
        %get3A_1007 = arith.constant 96 : index
        %get3A_1008 = tpu.vector_load %arg10[%get3A_1006, %get3A_1007] {strides = array<i32>} : memref<128x128xf32, #tpu.memory_space<vmem>>, vector<1x16xf32>,
        %get3A_1009 = vector.shape_cast %get3A_1008 : vector<1x16xf32> to vector<16xf32>
        %mul3A_1010 = arith.mulf %get3A_1009, %broadcast_in_dim3A_941 : vector<16xf32>
        %swap3A_1011 = arith.index_cast %add3A_945 : i32 to index
        %swap3A_1012 = arith.constant 96 : index
        %swap3A_1013 = tpu.vector_load %arg10[%swap3A_1011, %swap3A_1012] {strides = array<i32>} : memref<128x128xf32, #tpu.memory_space<vmem>>, vector<1x16xf32>,
        %swap3A_1014 = vector.shape_cast %swap3A_1013 : vector<1x16xf32> to vector<16xf32>
        %swap3A_1015 = vector.shape_cast %mul3A_1010 : vector<16xf32> to vector<1x16xf32>
        tpu.vector_store %arg10[%swap3A_1011, %swap3A_1012], %swap3A_1015 {strides = array<i32>} : memref<128x128xf32, #tpu.memory_space<vmem>>, vector<1x16xf32>,
        %get3A_1016 = arith.index_cast %add3A_945 : i32 to index
        %get3A_1017 = arith.constant 112 : index
        %get3A_1018 = tpu.vector_load %arg10[%get3A_1016, %get3A_1017] {strides = array<i32>} : memref<128x128xf32, #tpu.memory_space<vmem>>, vector<1x16xf32>,
        %get3A_1019 = vector.shape_cast %get3A_1018 : vector<1x16xf32> to vector<16xf32>
        %mul3A_1020 = arith.mulf %get3A_1019, %broadcast_in_dim3A_941 : vector<16xf32>
        %swap3A_1021 = arith.index_cast %add3A_945 : i32 to index
        %swap3A_1022 = arith.constant 112 : index
        %swap3A_1023 = tpu.vector_load %arg10[%swap3A_1021, %swap3A_1022] {strides = array<i32>} : memref<128x128xf32, #tpu.memory_space<vmem>>, vector<1x16xf32>,
        %swap3A_1024 = vector.shape_cast %swap3A_1023 : vector<1x16xf32> to vector<16xf32>
        %swap3A_1025 = vector.shape_cast %mul3A_1020 : vector<16xf32> to vector<1x16xf32>
        tpu.vector_store %arg10[%swap3A_1021, %swap3A_1022], %swap3A_1025 {strides = array<i32>} : memref<128x128xf32, #tpu.memory_space<vmem>>, vector<1x16xf32>,
        %slice3A_1026 = vector.extract_strided_slice %get3A_71 {offsets = [11], sizes = [1], strides = [1]} : vector<16xf32> to vector<1xf32>
        %squeeze3A_1027 = vector.extract %slice3A_1026[0] : f32 from vector<1xf32>
        %broadcast_in_dim3A_1028 = vector.broadcast %squeeze3A_1027 : f32 to vector<16xf32>
        %mul3A_1029 = arith.constant 16 : i32
        %mul3A_1030 = arith.muli %scan3A_64, %mul3A_1029 : i32
        %add3A_1031 = arith.constant 11 : i32
        %add3A_1032 = arith.addi %mul3A_1030, %add3A_1031 : i32
        %get3A_1033 = arith.index_cast %add3A_1032 : i32 to index
        %get3A_1034 = arith.constant 0 : index
        %get3A_1035 = tpu.vector_load %arg10[%get3A_1033, %get3A_1034] {strides = array<i32>} : memref<128x128xf32, #tpu.memory_space<vmem>>, vector<1x16xf32>,
        %get3A_1036 = vector.shape_cast %get3A_1035 : vector<1x16xf32> to vector<16xf32>
        %mul3A_1037 = arith.mulf %get3A_1036, %broadcast_in_dim3A_1028 : vector<16xf32>
        %swap3A_1038 = arith.index_cast %add3A_1032 : i32 to index
        %swap3A_1039 = arith.constant 0 : index
        %swap3A_1040 = tpu.vector_load %arg10[%swap3A_1038, %swap3A_1039] {strides = array<i32>} : memref<128x128xf32, #tpu.memory_space<vmem>>, vector<1x16xf32>,
        %swap3A_1041 = vector.shape_cast %swap3A_1040 : vector<1x16xf32> to vector<16xf32>
        %swap3A_1042 = vector.shape_cast %mul3A_1037 : vector<16xf32> to vector<1x16xf32>
        tpu.vector_store %arg10[%swap3A_1038, %swap3A_1039], %swap3A_1042 {strides = array<i32>} : memref<128x128xf32, #tpu.memory_space<vmem>>, vector<1x16xf32>,
        %get3A_1043 = arith.index_cast %add3A_1032 : i32 to index
        %get3A_1044 = arith.constant 16 : index
        %get3A_1045 = tpu.vector_load %arg10[%get3A_1043, %get3A_1044] {strides = array<i32>} : memref<128x128xf32, #tpu.memory_space<vmem>>, vector<1x16xf32>,
        %get3A_1046 = vector.shape_cast %get3A_1045 : vector<1x16xf32> to vector<16xf32>
        %mul3A_1047 = arith.mulf %get3A_1046, %broadcast_in_dim3A_1028 : vector<16xf32>
        %swap3A_1048 = arith.index_cast %add3A_1032 : i32 to index
        %swap3A_1049 = arith.constant 16 : index
        %swap3A_1050 = tpu.vector_load %arg10[%swap3A_1048, %swap3A_1049] {strides = array<i32>} : memref<128x128xf32, #tpu.memory_space<vmem>>, vector<1x16xf32>,
        %swap3A_1051 = vector.shape_cast %swap3A_1050 : vector<1x16xf32> to vector<16xf32>
        %swap3A_1052 = vector.shape_cast %mul3A_1047 : vector<16xf32> to vector<1x16xf32>
        tpu.vector_store %arg10[%swap3A_1048, %swap3A_1049], %swap3A_1052 {strides = array<i32>} : memref<128x128xf32, #tpu.memory_space<vmem>>, vector<1x16xf32>,
        %get3A_1053 = arith.index_cast %add3A_1032 : i32 to index
        %get3A_1054 = arith.constant 32 : index
        %get3A_1055 = tpu.vector_load %arg10[%get3A_1053, %get3A_1054] {strides = array<i32>} : memref<128x128xf32, #tpu.memory_space<vmem>>, vector<1x16xf32>,
        %get3A_1056 = vector.shape_cast %get3A_1055 : vector<1x16xf32> to vector<16xf32>
        %mul3A_1057 = arith.mulf %get3A_1056, %broadcast_in_dim3A_1028 : vector<16xf32>
        %swap3A_1058 = arith.index_cast %add3A_1032 : i32 to index
        %swap3A_1059 = arith.constant 32 : index
        %swap3A_1060 = tpu.vector_load %arg10[%swap3A_1058, %swap3A_1059] {strides = array<i32>} : memref<128x128xf32, #tpu.memory_space<vmem>>, vector<1x16xf32>,
        %swap3A_1061 = vector.shape_cast %swap3A_1060 : vector<1x16xf32> to vector<16xf32>
        %swap3A_1062 = vector.shape_cast %mul3A_1057 : vector<16xf32> to vector<1x16xf32>
        tpu.vector_store %arg10[%swap3A_1058, %swap3A_1059], %swap3A_1062 {strides = array<i32>} : memref<128x128xf32, #tpu.memory_space<vmem>>, vector<1x16xf32>,
        %get3A_1063 = arith.index_cast %add3A_1032 : i32 to index
        %get3A_1064 = arith.constant 48 : index
        %get3A_1065 = tpu.vector_load %arg10[%get3A_1063, %get3A_1064] {strides = array<i32>} : memref<128x128xf32, #tpu.memory_space<vmem>>, vector<1x16xf32>,
        %get3A_1066 = vector.shape_cast %get3A_1065 : vector<1x16xf32> to vector<16xf32>
        %mul3A_1067 = arith.mulf %get3A_1066, %broadcast_in_dim3A_1028 : vector<16xf32>
        %swap3A_1068 = arith.index_cast %add3A_1032 : i32 to index
        %swap3A_1069 = arith.constant 48 : index
        %swap3A_1070 = tpu.vector_load %arg10[%swap3A_1068, %swap3A_1069] {strides = array<i32>} : memref<128x128xf32, #tpu.memory_space<vmem>>, vector<1x16xf32>,
        %swap3A_1071 = vector.shape_cast %swap3A_1070 : vector<1x16xf32> to vector<16xf32>
        %swap3A_1072 = vector.shape_cast %mul3A_1067 : vector<16xf32> to vector<1x16xf32>
        tpu.vector_store %arg10[%swap3A_1068, %swap3A_1069], %swap3A_1072 {strides = array<i32>} : memref<128x128xf32, #tpu.memory_space<vmem>>, vector<1x16xf32>,
        %get3A_1073 = arith.index_cast %add3A_1032 : i32 to index
        %get3A_1074 = arith.constant 64 : index
        %get3A_1075 = tpu.vector_load %arg10[%get3A_1073, %get3A_1074] {strides = array<i32>} : memref<128x128xf32, #tpu.memory_space<vmem>>, vector<1x16xf32>,
        %get3A_1076 = vector.shape_cast %get3A_1075 : vector<1x16xf32> to vector<16xf32>
        %mul3A_1077 = arith.mulf %get3A_1076, %broadcast_in_dim3A_1028 : vector<16xf32>
        %swap3A_1078 = arith.index_cast %add3A_1032 : i32 to index
        %swap3A_1079 = arith.constant 64 : index
        %swap3A_1080 = tpu.vector_load %arg10[%swap3A_1078, %swap3A_1079] {strides = array<i32>} : memref<128x128xf32, #tpu.memory_space<vmem>>, vector<1x16xf32>,
        %swap3A_1081 = vector.shape_cast %swap3A_1080 : vector<1x16xf32> to vector<16xf32>
        %swap3A_1082 = vector.shape_cast %mul3A_1077 : vector<16xf32> to vector<1x16xf32>
        tpu.vector_store %arg10[%swap3A_1078, %swap3A_1079], %swap3A_1082 {strides = array<i32>} : memref<128x128xf32, #tpu.memory_space<vmem>>, vector<1x16xf32>,
        %get3A_1083 = arith.index_cast %add3A_1032 : i32 to index
        %get3A_1084 = arith.constant 80 : index
        %get3A_1085 = tpu.vector_load %arg10[%get3A_1083, %get3A_1084] {strides = array<i32>} : memref<128x128xf32, #tpu.memory_space<vmem>>, vector<1x16xf32>,
        %get3A_1086 = vector.shape_cast %get3A_1085 : vector<1x16xf32> to vector<16xf32>
        %mul3A_1087 = arith.mulf %get3A_1086, %broadcast_in_dim3A_1028 : vector<16xf32>
        %swap3A_1088 = arith.index_cast %add3A_1032 : i32 to index
        %swap3A_1089 = arith.constant 80 : index
        %swap3A_1090 = tpu.vector_load %arg10[%swap3A_1088, %swap3A_1089] {strides = array<i32>} : memref<128x128xf32, #tpu.memory_space<vmem>>, vector<1x16xf32>,
        %swap3A_1091 = vector.shape_cast %swap3A_1090 : vector<1x16xf32> to vector<16xf32>
        %swap3A_1092 = vector.shape_cast %mul3A_1087 : vector<16xf32> to vector<1x16xf32>
        tpu.vector_store %arg10[%swap3A_1088, %swap3A_1089], %swap3A_1092 {strides = array<i32>} : memref<128x128xf32, #tpu.memory_space<vmem>>, vector<1x16xf32>,
        %get3A_1093 = arith.index_cast %add3A_1032 : i32 to index
        %get3A_1094 = arith.constant 96 : index
        %get3A_1095 = tpu.vector_load %arg10[%get3A_1093, %get3A_1094] {strides = array<i32>} : memref<128x128xf32, #tpu.memory_space<vmem>>, vector<1x16xf32>,
        %get3A_1096 = vector.shape_cast %get3A_1095 : vector<1x16xf32> to vector<16xf32>
        %mul3A_1097 = arith.mulf %get3A_1096, %broadcast_in_dim3A_1028 : vector<16xf32>
        %swap3A_1098 = arith.index_cast %add3A_1032 : i32 to index
        %swap3A_1099 = arith.constant 96 : index
        %swap3A_1100 = tpu.vector_load %arg10[%swap3A_1098, %swap3A_1099] {strides = array<i32>} : memref<128x128xf32, #tpu.memory_space<vmem>>, vector<1x16xf32>,
        %swap3A_1101 = vector.shape_cast %swap3A_1100 : vector<1x16xf32> to vector<16xf32>
        %swap3A_1102 = vector.shape_cast %mul3A_1097 : vector<16xf32> to vector<1x16xf32>
        tpu.vector_store %arg10[%swap3A_1098, %swap3A_1099], %swap3A_1102 {strides = array<i32>} : memref<128x128xf32, #tpu.memory_space<vmem>>, vector<1x16xf32>,
        %get3A_1103 = arith.index_cast %add3A_1032 : i32 to index
        %get3A_1104 = arith.constant 112 : index
        %get3A_1105 = tpu.vector_load %arg10[%get3A_1103, %get3A_1104] {strides = array<i32>} : memref<128x128xf32, #tpu.memory_space<vmem>>, vector<1x16xf32>,
        %get3A_1106 = vector.shape_cast %get3A_1105 : vector<1x16xf32> to vector<16xf32>
        %mul3A_1107 = arith.mulf %get3A_1106, %broadcast_in_dim3A_1028 : vector<16xf32>
        %swap3A_1108 = arith.index_cast %add3A_1032 : i32 to index
        %swap3A_1109 = arith.constant 112 : index
        %swap3A_1110 = tpu.vector_load %arg10[%swap3A_1108, %swap3A_1109] {strides = array<i32>} : memref<128x128xf32, #tpu.memory_space<vmem>>, vector<1x16xf32>,
        %swap3A_1111 = vector.shape_cast %swap3A_1110 : vector<1x16xf32> to vector<16xf32>
        %swap3A_1112 = vector.shape_cast %mul3A_1107 : vector<16xf32> to vector<1x16xf32>
        tpu.vector_store %arg10[%swap3A_1108, %swap3A_1109], %swap3A_1112 {strides = array<i32>} : memref<128x128xf32, #tpu.memory_space<vmem>>, vector<1x16xf32>,
        %slice3A_1113 = vector.extract_strided_slice %get3A_71 {offsets = [12], sizes = [1], strides = [1]} : vector<16xf32> to vector<1xf32>
        %squeeze3A_1114 = vector.extract %slice3A_1113[0] : f32 from vector<1xf32>
        %broadcast_in_dim3A_1115 = vector.broadcast %squeeze3A_1114 : f32 to vector<16xf32>
        %mul3A_1116 = arith.constant 16 : i32
        %mul3A_1117 = arith.muli %scan3A_64, %mul3A_1116 : i32
        %add3A_1118 = arith.constant 12 : i32
        %add3A_1119 = arith.addi %mul3A_1117, %add3A_1118 : i32
        %get3A_1120 = arith.index_cast %add3A_1119 : i32 to index
        %get3A_1121 = arith.constant 0 : index
        %get3A_1122 = tpu.vector_load %arg10[%get3A_1120, %get3A_1121] {strides = array<i32>} : memref<128x128xf32, #tpu.memory_space<vmem>>, vector<1x16xf32>,
        %get3A_1123 = vector.shape_cast %get3A_1122 : vector<1x16xf32> to vector<16xf32>
        %mul3A_1124 = arith.mulf %get3A_1123, %broadcast_in_dim3A_1115 : vector<16xf32>
        %swap3A_1125 = arith.index_cast %add3A_1119 : i32 to index
        %swap3A_1126 = arith.constant 0 : index
        %swap3A_1127 = tpu.vector_load %arg10[%swap3A_1125, %swap3A_1126] {strides = array<i32>} : memref<128x128xf32, #tpu.memory_space<vmem>>, vector<1x16xf32>,
        %swap3A_1128 = vector.shape_cast %swap3A_1127 : vector<1x16xf32> to vector<16xf32>
        %swap3A_1129 = vector.shape_cast %mul3A_1124 : vector<16xf32> to vector<1x16xf32>
        tpu.vector_store %arg10[%swap3A_1125, %swap3A_1126], %swap3A_1129 {strides = array<i32>} : memref<128x128xf32, #tpu.memory_space<vmem>>, vector<1x16xf32>,
        %get3A_1130 = arith.index_cast %add3A_1119 : i32 to index
        %get3A_1131 = arith.constant 16 : index
        %get3A_1132 = tpu.vector_load %arg10[%get3A_1130, %get3A_1131] {strides = array<i32>} : memref<128x128xf32, #tpu.memory_space<vmem>>, vector<1x16xf32>,
        %get3A_1133 = vector.shape_cast %get3A_1132 : vector<1x16xf32> to vector<16xf32>
        %mul3A_1134 = arith.mulf %get3A_1133, %broadcast_in_dim3A_1115 : vector<16xf32>
        %swap3A_1135 = arith.index_cast %add3A_1119 : i32 to index
        %swap3A_1136 = arith.constant 16 : index
        %swap3A_1137 = tpu.vector_load %arg10[%swap3A_1135, %swap3A_1136] {strides = array<i32>} : memref<128x128xf32, #tpu.memory_space<vmem>>, vector<1x16xf32>,
        %swap3A_1138 = vector.shape_cast %swap3A_1137 : vector<1x16xf32> to vector<16xf32>
        %swap3A_1139 = vector.shape_cast %mul3A_1134 : vector<16xf32> to vector<1x16xf32>
        tpu.vector_store %arg10[%swap3A_1135, %swap3A_1136], %swap3A_1139 {strides = array<i32>} : memref<128x128xf32, #tpu.memory_space<vmem>>, vector<1x16xf32>,
        %get3A_1140 = arith.index_cast %add3A_1119 : i32 to index
        %get3A_1141 = arith.constant 32 : index
        %get3A_1142 = tpu.vector_load %arg10[%get3A_1140, %get3A_1141] {strides = array<i32>} : memref<128x128xf32, #tpu.memory_space<vmem>>, vector<1x16xf32>,
        %get3A_1143 = vector.shape_cast %get3A_1142 : vector<1x16xf32> to vector<16xf32>
        %mul3A_1144 = arith.mulf %get3A_1143, %broadcast_in_dim3A_1115 : vector<16xf32>
        %swap3A_1145 = arith.index_cast %add3A_1119 : i32 to index
        %swap3A_1146 = arith.constant 32 : index
        %swap3A_1147 = tpu.vector_load %arg10[%swap3A_1145, %swap3A_1146] {strides = array<i32>} : memref<128x128xf32, #tpu.memory_space<vmem>>, vector<1x16xf32>,
        %swap3A_1148 = vector.shape_cast %swap3A_1147 : vector<1x16xf32> to vector<16xf32>
        %swap3A_1149 = vector.shape_cast %mul3A_1144 : vector<16xf32> to vector<1x16xf32>
        tpu.vector_store %arg10[%swap3A_1145, %swap3A_1146], %swap3A_1149 {strides = array<i32>} : memref<128x128xf32, #tpu.memory_space<vmem>>, vector<1x16xf32>,
        %get3A_1150 = arith.index_cast %add3A_1119 : i32 to index
        %get3A_1151 = arith.constant 48 : index
        %get3A_1152 = tpu.vector_load %arg10[%get3A_1150, %get3A_1151] {strides = array<i32>} : memref<128x128xf32, #tpu.memory_space<vmem>>, vector<1x16xf32>,
        %get3A_1153 = vector.shape_cast %get3A_1152 : vector<1x16xf32> to vector<16xf32>
        %mul3A_1154 = arith.mulf %get3A_1153, %broadcast_in_dim3A_1115 : vector<16xf32>
        %swap3A_1155 = arith.index_cast %add3A_1119 : i32 to index
        %swap3A_1156 = arith.constant 48 : index
        %swap3A_1157 = tpu.vector_load %arg10[%swap3A_1155, %swap3A_1156] {strides = array<i32>} : memref<128x128xf32, #tpu.memory_space<vmem>>, vector<1x16xf32>,
        %swap3A_1158 = vector.shape_cast %swap3A_1157 : vector<1x16xf32> to vector<16xf32>
        %swap3A_1159 = vector.shape_cast %mul3A_1154 : vector<16xf32> to vector<1x16xf32>
        tpu.vector_store %arg10[%swap3A_1155, %swap3A_1156], %swap3A_1159 {strides = array<i32>} : memref<128x128xf32, #tpu.memory_space<vmem>>, vector<1x16xf32>,
        %get3A_1160 = arith.index_cast %add3A_1119 : i32 to index
        %get3A_1161 = arith.constant 64 : index
        %get3A_1162 = tpu.vector_load %arg10[%get3A_1160, %get3A_1161] {strides = array<i32>} : memref<128x128xf32, #tpu.memory_space<vmem>>, vector<1x16xf32>,
        %get3A_1163 = vector.shape_cast %get3A_1162 : vector<1x16xf32> to vector<16xf32>
        %mul3A_1164 = arith.mulf %get3A_1163, %broadcast_in_dim3A_1115 : vector<16xf32>
        %swap3A_1165 = arith.index_cast %add3A_1119 : i32 to index
        %swap3A_1166 = arith.constant 64 : index
        %swap3A_1167 = tpu.vector_load %arg10[%swap3A_1165, %swap3A_1166] {strides = array<i32>} : memref<128x128xf32, #tpu.memory_space<vmem>>, vector<1x16xf32>,
        %swap3A_1168 = vector.shape_cast %swap3A_1167 : vector<1x16xf32> to vector<16xf32>
        %swap3A_1169 = vector.shape_cast %mul3A_1164 : vector<16xf32> to vector<1x16xf32>
        tpu.vector_store %arg10[%swap3A_1165, %swap3A_1166], %swap3A_1169 {strides = array<i32>} : memref<128x128xf32, #tpu.memory_space<vmem>>, vector<1x16xf32>,
        %get3A_1170 = arith.index_cast %add3A_1119 : i32 to index
        %get3A_1171 = arith.constant 80 : index
        %get3A_1172 = tpu.vector_load %arg10[%get3A_1170, %get3A_1171] {strides = array<i32>} : memref<128x128xf32, #tpu.memory_space<vmem>>, vector<1x16xf32>,
        %get3A_1173 = vector.shape_cast %get3A_1172 : vector<1x16xf32> to vector<16xf32>
        %mul3A_1174 = arith.mulf %get3A_1173, %broadcast_in_dim3A_1115 : vector<16xf32>
        %swap3A_1175 = arith.index_cast %add3A_1119 : i32 to index
        %swap3A_1176 = arith.constant 80 : index
        %swap3A_1177 = tpu.vector_load %arg10[%swap3A_1175, %swap3A_1176] {strides = array<i32>} : memref<128x128xf32, #tpu.memory_space<vmem>>, vector<1x16xf32>,
        %swap3A_1178 = vector.shape_cast %swap3A_1177 : vector<1x16xf32> to vector<16xf32>
        %swap3A_1179 = vector.shape_cast %mul3A_1174 : vector<16xf32> to vector<1x16xf32>
        tpu.vector_store %arg10[%swap3A_1175, %swap3A_1176], %swap3A_1179 {strides = array<i32>} : memref<128x128xf32, #tpu.memory_space<vmem>>, vector<1x16xf32>,
        %get3A_1180 = arith.index_cast %add3A_1119 : i32 to index
        %get3A_1181 = arith.constant 96 : index
        %get3A_1182 = tpu.vector_load %arg10[%get3A_1180, %get3A_1181] {strides = array<i32>} : memref<128x128xf32, #tpu.memory_space<vmem>>, vector<1x16xf32>,
        %get3A_1183 = vector.shape_cast %get3A_1182 : vector<1x16xf32> to vector<16xf32>
        %mul3A_1184 = arith.mulf %get3A_1183, %broadcast_in_dim3A_1115 : vector<16xf32>
        %swap3A_1185 = arith.index_cast %add3A_1119 : i32 to index
        %swap3A_1186 = arith.constant 96 : index
        %swap3A_1187 = tpu.vector_load %arg10[%swap3A_1185, %swap3A_1186] {strides = array<i32>} : memref<128x128xf32, #tpu.memory_space<vmem>>, vector<1x16xf32>,
        %swap3A_1188 = vector.shape_cast %swap3A_1187 : vector<1x16xf32> to vector<16xf32>
        %swap3A_1189 = vector.shape_cast %mul3A_1184 : vector<16xf32> to vector<1x16xf32>
        tpu.vector_store %arg10[%swap3A_1185, %swap3A_1186], %swap3A_1189 {strides = array<i32>} : memref<128x128xf32, #tpu.memory_space<vmem>>, vector<1x16xf32>,
        %get3A_1190 = arith.index_cast %add3A_1119 : i32 to index
        %get3A_1191 = arith.constant 112 : index
        %get3A_1192 = tpu.vector_load %arg10[%get3A_1190, %get3A_1191] {strides = array<i32>} : memref<128x128xf32, #tpu.memory_space<vmem>>, vector<1x16xf32>,
        %get3A_1193 = vector.shape_cast %get3A_1192 : vector<1x16xf32> to vector<16xf32>
        %mul3A_1194 = arith.mulf %get3A_1193, %broadcast_in_dim3A_1115 : vector<16xf32>
        %swap3A_1195 = arith.index_cast %add3A_1119 : i32 to index
        %swap3A_1196 = arith.constant 112 : index
        %swap3A_1197 = tpu.vector_load %arg10[%swap3A_1195, %swap3A_1196] {strides = array<i32>} : memref<128x128xf32, #tpu.memory_space<vmem>>, vector<1x16xf32>,
        %swap3A_1198 = vector.shape_cast %swap3A_1197 : vector<1x16xf32> to vector<16xf32>
        %swap3A_1199 = vector.shape_cast %mul3A_1194 : vector<16xf32> to vector<1x16xf32>
        tpu.vector_store %arg10[%swap3A_1195, %swap3A_1196], %swap3A_1199 {strides = array<i32>} : memref<128x128xf32, #tpu.memory_space<vmem>>, vector<1x16xf32>,
        %slice3A_1200 = vector.extract_strided_slice %get3A_71 {offsets = [13], sizes = [1], strides = [1]} : vector<16xf32> to vector<1xf32>
        %squeeze3A_1201 = vector.extract %slice3A_1200[0] : f32 from vector<1xf32>
        %broadcast_in_dim3A_1202 = vector.broadcast %squeeze3A_1201 : f32 to vector<16xf32>
        %mul3A_1203 = arith.constant 16 : i32
        %mul3A_1204 = arith.muli %scan3A_64, %mul3A_1203 : i32
        %add3A_1205 = arith.constant 13 : i32
        %add3A_1206 = arith.addi %mul3A_1204, %add3A_1205 : i32
        %get3A_1207 = arith.index_cast %add3A_1206 : i32 to index
        %get3A_1208 = arith.constant 0 : index
        %get3A_1209 = tpu.vector_load %arg10[%get3A_1207, %get3A_1208] {strides = array<i32>} : memref<128x128xf32, #tpu.memory_space<vmem>>, vector<1x16xf32>,
        %get3A_1210 = vector.shape_cast %get3A_1209 : vector<1x16xf32> to vector<16xf32>
        %mul3A_1211 = arith.mulf %get3A_1210, %broadcast_in_dim3A_1202 : vector<16xf32>
        %swap3A_1212 = arith.index_cast %add3A_1206 : i32 to index
        %swap3A_1213 = arith.constant 0 : index
        %swap3A_1214 = tpu.vector_load %arg10[%swap3A_1212, %swap3A_1213] {strides = array<i32>} : memref<128x128xf32, #tpu.memory_space<vmem>>, vector<1x16xf32>,
        %swap3A_1215 = vector.shape_cast %swap3A_1214 : vector<1x16xf32> to vector<16xf32>
        %swap3A_1216 = vector.shape_cast %mul3A_1211 : vector<16xf32> to vector<1x16xf32>
        tpu.vector_store %arg10[%swap3A_1212, %swap3A_1213], %swap3A_1216 {strides = array<i32>} : memref<128x128xf32, #tpu.memory_space<vmem>>, vector<1x16xf32>,
        %get3A_1217 = arith.index_cast %add3A_1206 : i32 to index
        %get3A_1218 = arith.constant 16 : index
        %get3A_1219 = tpu.vector_load %arg10[%get3A_1217, %get3A_1218] {strides = array<i32>} : memref<128x128xf32, #tpu.memory_space<vmem>>, vector<1x16xf32>,
        %get3A_1220 = vector.shape_cast %get3A_1219 : vector<1x16xf32> to vector<16xf32>
        %mul3A_1221 = arith.mulf %get3A_1220, %broadcast_in_dim3A_1202 : vector<16xf32>
        %swap3A_1222 = arith.index_cast %add3A_1206 : i32 to index
        %swap3A_1223 = arith.constant 16 : index
        %swap3A_1224 = tpu.vector_load %arg10[%swap3A_1222, %swap3A_1223] {strides = array<i32>} : memref<128x128xf32, #tpu.memory_space<vmem>>, vector<1x16xf32>,
        %swap3A_1225 = vector.shape_cast %swap3A_1224 : vector<1x16xf32> to vector<16xf32>
        %swap3A_1226 = vector.shape_cast %mul3A_1221 : vector<16xf32> to vector<1x16xf32>
        tpu.vector_store %arg10[%swap3A_1222, %swap3A_1223], %swap3A_1226 {strides = array<i32>} : memref<128x128xf32, #tpu.memory_space<vmem>>, vector<1x16xf32>,
        %get3A_1227 = arith.index_cast %add3A_1206 : i32 to index
        %get3A_1228 = arith.constant 32 : index
        %get3A_1229 = tpu.vector_load %arg10[%get3A_1227, %get3A_1228] {strides = array<i32>} : memref<128x128xf32, #tpu.memory_space<vmem>>, vector<1x16xf32>,
        %get3A_1230 = vector.shape_cast %get3A_1229 : vector<1x16xf32> to vector<16xf32>
        %mul3A_1231 = arith.mulf %get3A_1230, %broadcast_in_dim3A_1202 : vector<16xf32>
        %swap3A_1232 = arith.index_cast %add3A_1206 : i32 to index
        %swap3A_1233 = arith.constant 32 : index
        %swap3A_1234 = tpu.vector_load %arg10[%swap3A_1232, %swap3A_1233] {strides = array<i32>} : memref<128x128xf32, #tpu.memory_space<vmem>>, vector<1x16xf32>,
        %swap3A_1235 = vector.shape_cast %swap3A_1234 : vector<1x16xf32> to vector<16xf32>
        %swap3A_1236 = vector.shape_cast %mul3A_1231 : vector<16xf32> to vector<1x16xf32>
        tpu.vector_store %arg10[%swap3A_1232, %swap3A_1233], %swap3A_1236 {strides = array<i32>} : memref<128x128xf32, #tpu.memory_space<vmem>>, vector<1x16xf32>,
        %get3A_1237 = arith.index_cast %add3A_1206 : i32 to index
        %get3A_1238 = arith.constant 48 : index
        %get3A_1239 = tpu.vector_load %arg10[%get3A_1237, %get3A_1238] {strides = array<i32>} : memref<128x128xf32, #tpu.memory_space<vmem>>, vector<1x16xf32>,
        %get3A_1240 = vector.shape_cast %get3A_1239 : vector<1x16xf32> to vector<16xf32>
        %mul3A_1241 = arith.mulf %get3A_1240, %broadcast_in_dim3A_1202 : vector<16xf32>
        %swap3A_1242 = arith.index_cast %add3A_1206 : i32 to index
        %swap3A_1243 = arith.constant 48 : index
        %swap3A_1244 = tpu.vector_load %arg10[%swap3A_1242, %swap3A_1243] {strides = array<i32>} : memref<128x128xf32, #tpu.memory_space<vmem>>, vector<1x16xf32>,
        %swap3A_1245 = vector.shape_cast %swap3A_1244 : vector<1x16xf32> to vector<16xf32>
        %swap3A_1246 = vector.shape_cast %mul3A_1241 : vector<16xf32> to vector<1x16xf32>
        tpu.vector_store %arg10[%swap3A_1242, %swap3A_1243], %swap3A_1246 {strides = array<i32>} : memref<128x128xf32, #tpu.memory_space<vmem>>, vector<1x16xf32>,
        %get3A_1247 = arith.index_cast %add3A_1206 : i32 to index
        %get3A_1248 = arith.constant 64 : index
        %get3A_1249 = tpu.vector_load %arg10[%get3A_1247, %get3A_1248] {strides = array<i32>} : memref<128x128xf32, #tpu.memory_space<vmem>>, vector<1x16xf32>,
        %get3A_1250 = vector.shape_cast %get3A_1249 : vector<1x16xf32> to vector<16xf32>
        %mul3A_1251 = arith.mulf %get3A_1250, %broadcast_in_dim3A_1202 : vector<16xf32>
        %swap3A_1252 = arith.index_cast %add3A_1206 : i32 to index
        %swap3A_1253 = arith.constant 64 : index
        %swap3A_1254 = tpu.vector_load %arg10[%swap3A_1252, %swap3A_1253] {strides = array<i32>} : memref<128x128xf32, #tpu.memory_space<vmem>>, vector<1x16xf32>,
        %swap3A_1255 = vector.shape_cast %swap3A_1254 : vector<1x16xf32> to vector<16xf32>
        %swap3A_1256 = vector.shape_cast %mul3A_1251 : vector<16xf32> to vector<1x16xf32>
        tpu.vector_store %arg10[%swap3A_1252, %swap3A_1253], %swap3A_1256 {strides = array<i32>} : memref<128x128xf32, #tpu.memory_space<vmem>>, vector<1x16xf32>,
        %get3A_1257 = arith.index_cast %add3A_1206 : i32 to index
        %get3A_1258 = arith.constant 80 : index
        %get3A_1259 = tpu.vector_load %arg10[%get3A_1257, %get3A_1258] {strides = array<i32>} : memref<128x128xf32, #tpu.memory_space<vmem>>, vector<1x16xf32>,
        %get3A_1260 = vector.shape_cast %get3A_1259 : vector<1x16xf32> to vector<16xf32>
        %mul3A_1261 = arith.mulf %get3A_1260, %broadcast_in_dim3A_1202 : vector<16xf32>
        %swap3A_1262 = arith.index_cast %add3A_1206 : i32 to index
        %swap3A_1263 = arith.constant 80 : index
        %swap3A_1264 = tpu.vector_load %arg10[%swap3A_1262, %swap3A_1263] {strides = array<i32>} : memref<128x128xf32, #tpu.memory_space<vmem>>, vector<1x16xf32>,
        %swap3A_1265 = vector.shape_cast %swap3A_1264 : vector<1x16xf32> to vector<16xf32>
        %swap3A_1266 = vector.shape_cast %mul3A_1261 : vector<16xf32> to vector<1x16xf32>
        tpu.vector_store %arg10[%swap3A_1262, %swap3A_1263], %swap3A_1266 {strides = array<i32>} : memref<128x128xf32, #tpu.memory_space<vmem>>, vector<1x16xf32>,
        %get3A_1267 = arith.index_cast %add3A_1206 : i32 to index
        %get3A_1268 = arith.constant 96 : index
        %get3A_1269 = tpu.vector_load %arg10[%get3A_1267, %get3A_1268] {strides = array<i32>} : memref<128x128xf32, #tpu.memory_space<vmem>>, vector<1x16xf32>,
        %get3A_1270 = vector.shape_cast %get3A_1269 : vector<1x16xf32> to vector<16xf32>
        %mul3A_1271 = arith.mulf %get3A_1270, %broadcast_in_dim3A_1202 : vector<16xf32>
        %swap3A_1272 = arith.index_cast %add3A_1206 : i32 to index
        %swap3A_1273 = arith.constant 96 : index
        %swap3A_1274 = tpu.vector_load %arg10[%swap3A_1272, %swap3A_1273] {strides = array<i32>} : memref<128x128xf32, #tpu.memory_space<vmem>>, vector<1x16xf32>,
        %swap3A_1275 = vector.shape_cast %swap3A_1274 : vector<1x16xf32> to vector<16xf32>
        %swap3A_1276 = vector.shape_cast %mul3A_1271 : vector<16xf32> to vector<1x16xf32>
        tpu.vector_store %arg10[%swap3A_1272, %swap3A_1273], %swap3A_1276 {strides = array<i32>} : memref<128x128xf32, #tpu.memory_space<vmem>>, vector<1x16xf32>,
        %get3A_1277 = arith.index_cast %add3A_1206 : i32 to index
        %get3A_1278 = arith.constant 112 : index
        %get3A_1279 = tpu.vector_load %arg10[%get3A_1277, %get3A_1278] {strides = array<i32>} : memref<128x128xf32, #tpu.memory_space<vmem>>, vector<1x16xf32>,
        %get3A_1280 = vector.shape_cast %get3A_1279 : vector<1x16xf32> to vector<16xf32>
        %mul3A_1281 = arith.mulf %get3A_1280, %broadcast_in_dim3A_1202 : vector<16xf32>
        %swap3A_1282 = arith.index_cast %add3A_1206 : i32 to index
        %swap3A_1283 = arith.constant 112 : index
        %swap3A_1284 = tpu.vector_load %arg10[%swap3A_1282, %swap3A_1283] {strides = array<i32>} : memref<128x128xf32, #tpu.memory_space<vmem>>, vector<1x16xf32>,
        %swap3A_1285 = vector.shape_cast %swap3A_1284 : vector<1x16xf32> to vector<16xf32>
        %swap3A_1286 = vector.shape_cast %mul3A_1281 : vector<16xf32> to vector<1x16xf32>
        tpu.vector_store %arg10[%swap3A_1282, %swap3A_1283], %swap3A_1286 {strides = array<i32>} : memref<128x128xf32, #tpu.memory_space<vmem>>, vector<1x16xf32>,
        %slice3A_1287 = vector.extract_strided_slice %get3A_71 {offsets = [14], sizes = [1], strides = [1]} : vector<16xf32> to vector<1xf32>
        %squeeze3A_1288 = vector.extract %slice3A_1287[0] : f32 from vector<1xf32>
        %broadcast_in_dim3A_1289 = vector.broadcast %squeeze3A_1288 : f32 to vector<16xf32>
        %mul3A_1290 = arith.constant 16 : i32
        %mul3A_1291 = arith.muli %scan3A_64, %mul3A_1290 : i32
        %add3A_1292 = arith.constant 14 : i32
        %add3A_1293 = arith.addi %mul3A_1291, %add3A_1292 : i32
        %get3A_1294 = arith.index_cast %add3A_1293 : i32 to index
        %get3A_1295 = arith.constant 0 : index
        %get3A_1296 = tpu.vector_load %arg10[%get3A_1294, %get3A_1295] {strides = array<i32>} : memref<128x128xf32, #tpu.memory_space<vmem>>, vector<1x16xf32>,
        %get3A_1297 = vector.shape_cast %get3A_1296 : vector<1x16xf32> to vector<16xf32>
        %mul3A_1298 = arith.mulf %get3A_1297, %broadcast_in_dim3A_1289 : vector<16xf32>
        %swap3A_1299 = arith.index_cast %add3A_1293 : i32 to index
        %swap3A_1300 = arith.constant 0 : index
        %swap3A_1301 = tpu.vector_load %arg10[%swap3A_1299, %swap3A_1300] {strides = array<i32>} : memref<128x128xf32, #tpu.memory_space<vmem>>, vector<1x16xf32>,
        %swap3A_1302 = vector.shape_cast %swap3A_1301 : vector<1x16xf32> to vector<16xf32>
        %swap3A_1303 = vector.shape_cast %mul3A_1298 : vector<16xf32> to vector<1x16xf32>
        tpu.vector_store %arg10[%swap3A_1299, %swap3A_1300], %swap3A_1303 {strides = array<i32>} : memref<128x128xf32, #tpu.memory_space<vmem>>, vector<1x16xf32>,
        %get3A_1304 = arith.index_cast %add3A_1293 : i32 to index
        %get3A_1305 = arith.constant 16 : index
        %get3A_1306 = tpu.vector_load %arg10[%get3A_1304, %get3A_1305] {strides = array<i32>} : memref<128x128xf32, #tpu.memory_space<vmem>>, vector<1x16xf32>,
        %get3A_1307 = vector.shape_cast %get3A_1306 : vector<1x16xf32> to vector<16xf32>
        %mul3A_1308 = arith.mulf %get3A_1307, %broadcast_in_dim3A_1289 : vector<16xf32>
        %swap3A_1309 = arith.index_cast %add3A_1293 : i32 to index
        %swap3A_1310 = arith.constant 16 : index
        %swap3A_1311 = tpu.vector_load %arg10[%swap3A_1309, %swap3A_1310] {strides = array<i32>} : memref<128x128xf32, #tpu.memory_space<vmem>>, vector<1x16xf32>,
        %swap3A_1312 = vector.shape_cast %swap3A_1311 : vector<1x16xf32> to vector<16xf32>
        %swap3A_1313 = vector.shape_cast %mul3A_1308 : vector<16xf32> to vector<1x16xf32>
        tpu.vector_store %arg10[%swap3A_1309, %swap3A_1310], %swap3A_1313 {strides = array<i32>} : memref<128x128xf32, #tpu.memory_space<vmem>>, vector<1x16xf32>,
        %get3A_1314 = arith.index_cast %add3A_1293 : i32 to index
        %get3A_1315 = arith.constant 32 : index
        %get3A_1316 = tpu.vector_load %arg10[%get3A_1314, %get3A_1315] {strides = array<i32>} : memref<128x128xf32, #tpu.memory_space<vmem>>, vector<1x16xf32>,
        %get3A_1317 = vector.shape_cast %get3A_1316 : vector<1x16xf32> to vector<16xf32>
        %mul3A_1318 = arith.mulf %get3A_1317, %broadcast_in_dim3A_1289 : vector<16xf32>
        %swap3A_1319 = arith.index_cast %add3A_1293 : i32 to index
        %swap3A_1320 = arith.constant 32 : index
        %swap3A_1321 = tpu.vector_load %arg10[%swap3A_1319, %swap3A_1320] {strides = array<i32>} : memref<128x128xf32, #tpu.memory_space<vmem>>, vector<1x16xf32>,
        %swap3A_1322 = vector.shape_cast %swap3A_1321 : vector<1x16xf32> to vector<16xf32>
        %swap3A_1323 = vector.shape_cast %mul3A_1318 : vector<16xf32> to vector<1x16xf32>
        tpu.vector_store %arg10[%swap3A_1319, %swap3A_1320], %swap3A_1323 {strides = array<i32>} : memref<128x128xf32, #tpu.memory_space<vmem>>, vector<1x16xf32>,
        %get3A_1324 = arith.index_cast %add3A_1293 : i32 to index
        %get3A_1325 = arith.constant 48 : index
        %get3A_1326 = tpu.vector_load %arg10[%get3A_1324, %get3A_1325] {strides = array<i32>} : memref<128x128xf32, #tpu.memory_space<vmem>>, vector<1x16xf32>,
        %get3A_1327 = vector.shape_cast %get3A_1326 : vector<1x16xf32> to vector<16xf32>
        %mul3A_1328 = arith.mulf %get3A_1327, %broadcast_in_dim3A_1289 : vector<16xf32>
        %swap3A_1329 = arith.index_cast %add3A_1293 : i32 to index
        %swap3A_1330 = arith.constant 48 : index
        %swap3A_1331 = tpu.vector_load %arg10[%swap3A_1329, %swap3A_1330] {strides = array<i32>} : memref<128x128xf32, #tpu.memory_space<vmem>>, vector<1x16xf32>,
        %swap3A_1332 = vector.shape_cast %swap3A_1331 : vector<1x16xf32> to vector<16xf32>
        %swap3A_1333 = vector.shape_cast %mul3A_1328 : vector<16xf32> to vector<1x16xf32>
        tpu.vector_store %arg10[%swap3A_1329, %swap3A_1330], %swap3A_1333 {strides = array<i32>} : memref<128x128xf32, #tpu.memory_space<vmem>>, vector<1x16xf32>,
        %get3A_1334 = arith.index_cast %add3A_1293 : i32 to index
        %get3A_1335 = arith.constant 64 : index
        %get3A_1336 = tpu.vector_load %arg10[%get3A_1334, %get3A_1335] {strides = array<i32>} : memref<128x128xf32, #tpu.memory_space<vmem>>, vector<1x16xf32>,
        %get3A_1337 = vector.shape_cast %get3A_1336 : vector<1x16xf32> to vector<16xf32>
        %mul3A_1338 = arith.mulf %get3A_1337, %broadcast_in_dim3A_1289 : vector<16xf32>
        %swap3A_1339 = arith.index_cast %add3A_1293 : i32 to index
        %swap3A_1340 = arith.constant 64 : index
        %swap3A_1341 = tpu.vector_load %arg10[%swap3A_1339, %swap3A_1340] {strides = array<i32>} : memref<128x128xf32, #tpu.memory_space<vmem>>, vector<1x16xf32>,
        %swap3A_1342 = vector.shape_cast %swap3A_1341 : vector<1x16xf32> to vector<16xf32>
        %swap3A_1343 = vector.shape_cast %mul3A_1338 : vector<16xf32> to vector<1x16xf32>
        tpu.vector_store %arg10[%swap3A_1339, %swap3A_1340], %swap3A_1343 {strides = array<i32>} : memref<128x128xf32, #tpu.memory_space<vmem>>, vector<1x16xf32>,
        %get3A_1344 = arith.index_cast %add3A_1293 : i32 to index
        %get3A_1345 = arith.constant 80 : index
        %get3A_1346 = tpu.vector_load %arg10[%get3A_1344, %get3A_1345] {strides = array<i32>} : memref<128x128xf32, #tpu.memory_space<vmem>>, vector<1x16xf32>,
        %get3A_1347 = vector.shape_cast %get3A_1346 : vector<1x16xf32> to vector<16xf32>
        %mul3A_1348 = arith.mulf %get3A_1347, %broadcast_in_dim3A_1289 : vector<16xf32>
        %swap3A_1349 = arith.index_cast %add3A_1293 : i32 to index
        %swap3A_1350 = arith.constant 80 : index
        %swap3A_1351 = tpu.vector_load %arg10[%swap3A_1349, %swap3A_1350] {strides = array<i32>} : memref<128x128xf32, #tpu.memory_space<vmem>>, vector<1x16xf32>,
        %swap3A_1352 = vector.shape_cast %swap3A_1351 : vector<1x16xf32> to vector<16xf32>
        %swap3A_1353 = vector.shape_cast %mul3A_1348 : vector<16xf32> to vector<1x16xf32>
        tpu.vector_store %arg10[%swap3A_1349, %swap3A_1350], %swap3A_1353 {strides = array<i32>} : memref<128x128xf32, #tpu.memory_space<vmem>>, vector<1x16xf32>,
        %get3A_1354 = arith.index_cast %add3A_1293 : i32 to index
        %get3A_1355 = arith.constant 96 : index
        %get3A_1356 = tpu.vector_load %arg10[%get3A_1354, %get3A_1355] {strides = array<i32>} : memref<128x128xf32, #tpu.memory_space<vmem>>, vector<1x16xf32>,
        %get3A_1357 = vector.shape_cast %get3A_1356 : vector<1x16xf32> to vector<16xf32>
        %mul3A_1358 = arith.mulf %get3A_1357, %broadcast_in_dim3A_1289 : vector<16xf32>
        %swap3A_1359 = arith.index_cast %add3A_1293 : i32 to index
        %swap3A_1360 = arith.constant 96 : index
        %swap3A_1361 = tpu.vector_load %arg10[%swap3A_1359, %swap3A_1360] {strides = array<i32>} : memref<128x128xf32, #tpu.memory_space<vmem>>, vector<1x16xf32>,
        %swap3A_1362 = vector.shape_cast %swap3A_1361 : vector<1x16xf32> to vector<16xf32>
        %swap3A_1363 = vector.shape_cast %mul3A_1358 : vector<16xf32> to vector<1x16xf32>
        tpu.vector_store %arg10[%swap3A_1359, %swap3A_1360], %swap3A_1363 {strides = array<i32>} : memref<128x128xf32, #tpu.memory_space<vmem>>, vector<1x16xf32>,
        %get3A_1364 = arith.index_cast %add3A_1293 : i32 to index
        %get3A_1365 = arith.constant 112 : index
        %get3A_1366 = tpu.vector_load %arg10[%get3A_1364, %get3A_1365] {strides = array<i32>} : memref<128x128xf32, #tpu.memory_space<vmem>>, vector<1x16xf32>,
        %get3A_1367 = vector.shape_cast %get3A_1366 : vector<1x16xf32> to vector<16xf32>
        %mul3A_1368 = arith.mulf %get3A_1367, %broadcast_in_dim3A_1289 : vector<16xf32>
        %swap3A_1369 = arith.index_cast %add3A_1293 : i32 to index
        %swap3A_1370 = arith.constant 112 : index
        %swap3A_1371 = tpu.vector_load %arg10[%swap3A_1369, %swap3A_1370] {strides = array<i32>} : memref<128x128xf32, #tpu.memory_space<vmem>>, vector<1x16xf32>,
        %swap3A_1372 = vector.shape_cast %swap3A_1371 : vector<1x16xf32> to vector<16xf32>
        %swap3A_1373 = vector.shape_cast %mul3A_1368 : vector<16xf32> to vector<1x16xf32>
        tpu.vector_store %arg10[%swap3A_1369, %swap3A_1370], %swap3A_1373 {strides = array<i32>} : memref<128x128xf32, #tpu.memory_space<vmem>>, vector<1x16xf32>,
        %slice3A_1374 = vector.extract_strided_slice %get3A_71 {offsets = [15], sizes = [1], strides = [1]} : vector<16xf32> to vector<1xf32>
        %squeeze3A_1375 = vector.extract %slice3A_1374[0] : f32 from vector<1xf32>
        %broadcast_in_dim3A_1376 = vector.broadcast %squeeze3A_1375 : f32 to vector<16xf32>
        %mul3A_1377 = arith.constant 16 : i32
        %mul3A_1378 = arith.muli %scan3A_64, %mul3A_1377 : i32
        %add3A_1379 = arith.constant 15 : i32
        %add3A_1380 = arith.addi %mul3A_1378, %add3A_1379 : i32
        %get3A_1381 = arith.index_cast %add3A_1380 : i32 to index
        %get3A_1382 = arith.constant 0 : index
        %get3A_1383 = tpu.vector_load %arg10[%get3A_1381, %get3A_1382] {strides = array<i32>} : memref<128x128xf32, #tpu.memory_space<vmem>>, vector<1x16xf32>,
        %get3A_1384 = vector.shape_cast %get3A_1383 : vector<1x16xf32> to vector<16xf32>
        %mul3A_1385 = arith.mulf %get3A_1384, %broadcast_in_dim3A_1376 : vector<16xf32>
        %swap3A_1386 = arith.index_cast %add3A_1380 : i32 to index
        %swap3A_1387 = arith.constant 0 : index
        %swap3A_1388 = tpu.vector_load %arg10[%swap3A_1386, %swap3A_1387] {strides = array<i32>} : memref<128x128xf32, #tpu.memory_space<vmem>>, vector<1x16xf32>,
        %swap3A_1389 = vector.shape_cast %swap3A_1388 : vector<1x16xf32> to vector<16xf32>
        %swap3A_1390 = vector.shape_cast %mul3A_1385 : vector<16xf32> to vector<1x16xf32>
        tpu.vector_store %arg10[%swap3A_1386, %swap3A_1387], %swap3A_1390 {strides = array<i32>} : memref<128x128xf32, #tpu.memory_space<vmem>>, vector<1x16xf32>,
        %get3A_1391 = arith.index_cast %add3A_1380 : i32 to index
        %get3A_1392 = arith.constant 16 : index
        %get3A_1393 = tpu.vector_load %arg10[%get3A_1391, %get3A_1392] {strides = array<i32>} : memref<128x128xf32, #tpu.memory_space<vmem>>, vector<1x16xf32>,
        %get3A_1394 = vector.shape_cast %get3A_1393 : vector<1x16xf32> to vector<16xf32>
        %mul3A_1395 = arith.mulf %get3A_1394, %broadcast_in_dim3A_1376 : vector<16xf32>
        %swap3A_1396 = arith.index_cast %add3A_1380 : i32 to index
        %swap3A_1397 = arith.constant 16 : index
        %swap3A_1398 = tpu.vector_load %arg10[%swap3A_1396, %swap3A_1397] {strides = array<i32>} : memref<128x128xf32, #tpu.memory_space<vmem>>, vector<1x16xf32>,
        %swap3A_1399 = vector.shape_cast %swap3A_1398 : vector<1x16xf32> to vector<16xf32>
        %swap3A_1400 = vector.shape_cast %mul3A_1395 : vector<16xf32> to vector<1x16xf32>
        tpu.vector_store %arg10[%swap3A_1396, %swap3A_1397], %swap3A_1400 {strides = array<i32>} : memref<128x128xf32, #tpu.memory_space<vmem>>, vector<1x16xf32>,
        %get3A_1401 = arith.index_cast %add3A_1380 : i32 to index
        %get3A_1402 = arith.constant 32 : index
        %get3A_1403 = tpu.vector_load %arg10[%get3A_1401, %get3A_1402] {strides = array<i32>} : memref<128x128xf32, #tpu.memory_space<vmem>>, vector<1x16xf32>,
        %get3A_1404 = vector.shape_cast %get3A_1403 : vector<1x16xf32> to vector<16xf32>
        %mul3A_1405 = arith.mulf %get3A_1404, %broadcast_in_dim3A_1376 : vector<16xf32>
        %swap3A_1406 = arith.index_cast %add3A_1380 : i32 to index
        %swap3A_1407 = arith.constant 32 : index
        %swap3A_1408 = tpu.vector_load %arg10[%swap3A_1406, %swap3A_1407] {strides = array<i32>} : memref<128x128xf32, #tpu.memory_space<vmem>>, vector<1x16xf32>,
        %swap3A_1409 = vector.shape_cast %swap3A_1408 : vector<1x16xf32> to vector<16xf32>
        %swap3A_1410 = vector.shape_cast %mul3A_1405 : vector<16xf32> to vector<1x16xf32>
        tpu.vector_store %arg10[%swap3A_1406, %swap3A_1407], %swap3A_1410 {strides = array<i32>} : memref<128x128xf32, #tpu.memory_space<vmem>>, vector<1x16xf32>,
        %get3A_1411 = arith.index_cast %add3A_1380 : i32 to index
        %get3A_1412 = arith.constant 48 : index
        %get3A_1413 = tpu.vector_load %arg10[%get3A_1411, %get3A_1412] {strides = array<i32>} : memref<128x128xf32, #tpu.memory_space<vmem>>, vector<1x16xf32>,
        %get3A_1414 = vector.shape_cast %get3A_1413 : vector<1x16xf32> to vector<16xf32>
        %mul3A_1415 = arith.mulf %get3A_1414, %broadcast_in_dim3A_1376 : vector<16xf32>
        %swap3A_1416 = arith.index_cast %add3A_1380 : i32 to index
        %swap3A_1417 = arith.constant 48 : index
        %swap3A_1418 = tpu.vector_load %arg10[%swap3A_1416, %swap3A_1417] {strides = array<i32>} : memref<128x128xf32, #tpu.memory_space<vmem>>, vector<1x16xf32>,
        %swap3A_1419 = vector.shape_cast %swap3A_1418 : vector<1x16xf32> to vector<16xf32>
        %swap3A_1420 = vector.shape_cast %mul3A_1415 : vector<16xf32> to vector<1x16xf32>
        tpu.vector_store %arg10[%swap3A_1416, %swap3A_1417], %swap3A_1420 {strides = array<i32>} : memref<128x128xf32, #tpu.memory_space<vmem>>, vector<1x16xf32>,
        %get3A_1421 = arith.index_cast %add3A_1380 : i32 to index
        %get3A_1422 = arith.constant 64 : index
        %get3A_1423 = tpu.vector_load %arg10[%get3A_1421, %get3A_1422] {strides = array<i32>} : memref<128x128xf32, #tpu.memory_space<vmem>>, vector<1x16xf32>,
        %get3A_1424 = vector.shape_cast %get3A_1423 : vector<1x16xf32> to vector<16xf32>
        %mul3A_1425 = arith.mulf %get3A_1424, %broadcast_in_dim3A_1376 : vector<16xf32>
        %swap3A_1426 = arith.index_cast %add3A_1380 : i32 to index
        %swap3A_1427 = arith.constant 64 : index
        %swap3A_1428 = tpu.vector_load %arg10[%swap3A_1426, %swap3A_1427] {strides = array<i32>} : memref<128x128xf32, #tpu.memory_space<vmem>>, vector<1x16xf32>,
        %swap3A_1429 = vector.shape_cast %swap3A_1428 : vector<1x16xf32> to vector<16xf32>
        %swap3A_1430 = vector.shape_cast %mul3A_1425 : vector<16xf32> to vector<1x16xf32>
        tpu.vector_store %arg10[%swap3A_1426, %swap3A_1427], %swap3A_1430 {strides = array<i32>} : memref<128x128xf32, #tpu.memory_space<vmem>>, vector<1x16xf32>,
        %get3A_1431 = arith.index_cast %add3A_1380 : i32 to index
        %get3A_1432 = arith.constant 80 : index
        %get3A_1433 = tpu.vector_load %arg10[%get3A_1431, %get3A_1432] {strides = array<i32>} : memref<128x128xf32, #tpu.memory_space<vmem>>, vector<1x16xf32>,
        %get3A_1434 = vector.shape_cast %get3A_1433 : vector<1x16xf32> to vector<16xf32>
        %mul3A_1435 = arith.mulf %get3A_1434, %broadcast_in_dim3A_1376 : vector<16xf32>
        %swap3A_1436 = arith.index_cast %add3A_1380 : i32 to index
        %swap3A_1437 = arith.constant 80 : index
        %swap3A_1438 = tpu.vector_load %arg10[%swap3A_1436, %swap3A_1437] {strides = array<i32>} : memref<128x128xf32, #tpu.memory_space<vmem>>, vector<1x16xf32>,
        %swap3A_1439 = vector.shape_cast %swap3A_1438 : vector<1x16xf32> to vector<16xf32>
        %swap3A_1440 = vector.shape_cast %mul3A_1435 : vector<16xf32> to vector<1x16xf32>
        tpu.vector_store %arg10[%swap3A_1436, %swap3A_1437], %swap3A_1440 {strides = array<i32>} : memref<128x128xf32, #tpu.memory_space<vmem>>, vector<1x16xf32>,
        %get3A_1441 = arith.index_cast %add3A_1380 : i32 to index
        %get3A_1442 = arith.constant 96 : index
        %get3A_1443 = tpu.vector_load %arg10[%get3A_1441, %get3A_1442] {strides = array<i32>} : memref<128x128xf32, #tpu.memory_space<vmem>>, vector<1x16xf32>,
        %get3A_1444 = vector.shape_cast %get3A_1443 : vector<1x16xf32> to vector<16xf32>
        %mul3A_1445 = arith.mulf %get3A_1444, %broadcast_in_dim3A_1376 : vector<16xf32>
        %swap3A_1446 = arith.index_cast %add3A_1380 : i32 to index
        %swap3A_1447 = arith.constant 96 : index
        %swap3A_1448 = tpu.vector_load %arg10[%swap3A_1446, %swap3A_1447] {strides = array<i32>} : memref<128x128xf32, #tpu.memory_space<vmem>>, vector<1x16xf32>,
        %swap3A_1449 = vector.shape_cast %swap3A_1448 : vector<1x16xf32> to vector<16xf32>
        %swap3A_1450 = vector.shape_cast %mul3A_1445 : vector<16xf32> to vector<1x16xf32>
        tpu.vector_store %arg10[%swap3A_1446, %swap3A_1447], %swap3A_1450 {strides = array<i32>} : memref<128x128xf32, #tpu.memory_space<vmem>>, vector<1x16xf32>,
        %get3A_1451 = arith.index_cast %add3A_1380 : i32 to index
        %get3A_1452 = arith.constant 112 : index
        %get3A_1453 = tpu.vector_load %arg10[%get3A_1451, %get3A_1452] {strides = array<i32>} : memref<128x128xf32, #tpu.memory_space<vmem>>, vector<1x16xf32>,
        %get3A_1454 = vector.shape_cast %get3A_1453 : vector<1x16xf32> to vector<16xf32>
        %mul3A_1455 = arith.mulf %get3A_1454, %broadcast_in_dim3A_1376 : vector<16xf32>
        %swap3A_1456 = arith.index_cast %add3A_1380 : i32 to index
        %swap3A_1457 = arith.constant 112 : index
        %swap3A_1458 = tpu.vector_load %arg10[%swap3A_1456, %swap3A_1457] {strides = array<i32>} : memref<128x128xf32, #tpu.memory_space<vmem>>, vector<1x16xf32>,
        %swap3A_1459 = vector.shape_cast %swap3A_1458 : vector<1x16xf32> to vector<16xf32>
        %swap3A_1460 = vector.shape_cast %mul3A_1455 : vector<16xf32> to vector<1x16xf32>
        tpu.vector_store %arg10[%swap3A_1456, %swap3A_1457], %swap3A_1460 {strides = array<i32>} : memref<128x128xf32, #tpu.memory_space<vmem>>, vector<1x16xf32>,
      }
      %scan3A_63 = arith.constant 8 : i32
      "tpu.region"() ({
        %run_scoped3A = tpu.sem_alloc : memref<!tpu.dma_semaphore, #tpu.memory_space<semaphore_mem>>
        %dma_start3A_64 = arith.constant 0 : i32
        %dma_start3A_65 = tpu.memref_slice %arg8[%rem3A_47, %dma_start3A_64] : memref<79x128xi32, #tpu.memory_space<vmem>> -> memref<1x128xi32, #tpu.memory_space<vmem>>
        %dma_start3A_66 = tpu.memref_squeeze %dma_start3A_65 : memref<1x128xi32, #tpu.memory_space<vmem>> -> memref<128xi32, #tpu.memory_space<vmem>>
        %dma_start3A_67 = arith.constant 0 : i32
        %dma_start3A_68 = arith.constant 0 : i32
        %dma_start3A_69 = tpu.memref_slice %arg11[%dma_start3A_67, %dma_start3A_68] : memref<10240x128xf32, #tpu.memory_space<vmem_shared>> -> memref<10240x128xf32, #tpu.memory_space<vmem_shared>>
        tpu.enqueue_indirect_dma source(%arg10 : memref<128x128xf32, #tpu.memory_space<vmem>>) target(%dma_start3A_69 : memref<10240x128xf32, #tpu.memory_space<vmem_shared>>) offsets(%dma_start3A_66 : memref<128xi32, #tpu.memory_space<vmem>>) semaphore(%run_scoped3A : memref<!tpu.dma_semaphore, #tpu.memory_space<semaphore_mem>>) {add = true}
        %dma_wait3A_70 = arith.constant 0 : i32
        %dma_wait3A_71 = tpu.memref_slice %arg8[%rem3A_47, %dma_wait3A_70] : memref<79x128xi32, #tpu.memory_space<vmem>> -> memref<1x128xi32, #tpu.memory_space<vmem>>
        %dma_wait3A_72 = tpu.memref_squeeze %dma_wait3A_71 : memref<1x128xi32, #tpu.memory_space<vmem>> -> memref<128xi32, #tpu.memory_space<vmem>>
        %dma_wait3A_73 = arith.constant 0 : i32
        %dma_wait3A_74 = arith.constant 0 : i32
        %dma_wait3A_75 = tpu.memref_slice %arg11[%dma_wait3A_73, %dma_wait3A_74] : memref<10240x128xf32, #tpu.memory_space<vmem_shared>> -> memref<10240x128xf32, #tpu.memory_space<vmem_shared>>
        tpu.wait_indirect_dma semaphore(%run_scoped3A : memref<!tpu.dma_semaphore, #tpu.memory_space<semaphore_mem>>) src(%arg10 : memref<128x128xf32, #tpu.memory_space<vmem>>) dst(%dma_wait3A_75 : memref<10240x128xf32, #tpu.memory_space<vmem_shared>>)
        tpu.yield
      }) : () -> ()
    }
    %scan3A_42 = arith.constant 79 : i32
    %barrier3A_43 = arith.constant 0 : index
    tpu.barrier barrier_id(%barrier3A_43)
    "tpu.region"() ({
      %run_scoped3A = tpu.sem_alloc : memref<!tpu.dma_semaphore, #tpu.memory_space<semaphore_mem>>
      %dma_start3A = arith.constant 0 : i32
      %dma_start3A_44 = arith.constant 0 : i32
      %dma_start3A_45 = tpu.memref_slice %arg6[%arg0, %dma_start3A, %dma_start3A_44] : memref<2x10240x128xf32, #tpu.memory_space<hbm>> -> memref<1x10240x128xf32, #tpu.memory_space<hbm>>
      %dma_start3A_46 = tpu.memref_squeeze %dma_start3A_45 : memref<1x10240x128xf32, #tpu.memory_space<hbm>> -> memref<10240x128xf32, #tpu.memory_space<hbm>>
      %dma_start3A_47 = arith.constant 0 : i32
      %dma_start3A_48 = tpu.memref_slice %dma_start3A_46[%mul3A_8, %dma_start3A_47] : memref<10240x128xf32, #tpu.memory_space<hbm>> -> memref<640x128xf32, #tpu.memory_space<hbm>>
      %dma_start3A_49 = arith.constant 0 : i32
      %dma_start3A_50 = tpu.memref_slice %arg11[%mul3A_8, %dma_start3A_49] : memref<10240x128xf32, #tpu.memory_space<vmem_shared>> -> memref<640x128xf32, #tpu.memory_space<vmem_shared>>
      tpu.enqueue_dma source(%dma_start3A_50 : memref<640x128xf32, #tpu.memory_space<vmem_shared>>) target(%dma_start3A_48 : memref<640x128xf32, #tpu.memory_space<hbm>>) target_semaphore(%run_scoped3A : memref<!tpu.dma_semaphore, #tpu.memory_space<semaphore_mem>>)
      %dma_wait3A = arith.constant 0 : i32
      %dma_wait3A_51 = arith.constant 0 : i32
      %dma_wait3A_52 = tpu.memref_slice %arg6[%arg0, %dma_wait3A, %dma_wait3A_51] : memref<2x10240x128xf32, #tpu.memory_space<hbm>> -> memref<1x10240x128xf32, #tpu.memory_space<hbm>>
      %dma_wait3A_53 = tpu.memref_squeeze %dma_wait3A_52 : memref<1x10240x128xf32, #tpu.memory_space<hbm>> -> memref<10240x128xf32, #tpu.memory_space<hbm>>
      %dma_wait3A_54 = arith.constant 0 : i32
      %dma_wait3A_55 = tpu.memref_slice %dma_wait3A_53[%mul3A_8, %dma_wait3A_54] : memref<10240x128xf32, #tpu.memory_space<hbm>> -> memref<640x128xf32, #tpu.memory_space<hbm>>
      %dma_wait3A_56 = arith.constant 0 : i32
      %dma_wait3A_57 = tpu.memref_slice %arg11[%mul3A_8, %dma_wait3A_56] : memref<10240x128xf32, #tpu.memory_space<vmem_shared>> -> memref<640x128xf32, #tpu.memory_space<vmem_shared>>
      tpu.wait_dma2 semaphore(%run_scoped3A : memref<!tpu.dma_semaphore, #tpu.memory_space<semaphore_mem>>) src(%dma_wait3A_57 : memref<640x128xf32, #tpu.memory_space<vmem_shared>>) dst(%dma_wait3A_55 : memref<640x128xf32, #tpu.memory_space<hbm>>)
      tpu.yield
    }) : () -> ()
    return
  }
}

module attributes {stable_mosaic.version = 14 : i64} {
  func.func @_proj_body(%arg0: i32, %arg1: memref<2x1024x128xf32, #tpu.memory_space<vmem>>, %arg2: memref<128x128xf32, #tpu.memory_space<vmem>>, %arg3: memref<1024x128xf32, #tpu.memory_space<vmem>>) attributes {dimension_semantics = [#tpu.dimension_semantics<arbitrary>], iteration_bounds = array<i64: 10>, scalar_prefetch = 0 : i64, scratch_operands = 0 : i64, tpu.core_type = #tpu.core_type<tc>, window_params = [{transform_indices = @transform_0, window_bounds = array<i64: 2, 1024, 128>}, {pipeline_mode = #tpu.pipeline_mode<synchronous>, transform_indices = @transform_1, window_bounds = array<i64: 128, 128>}, {transform_indices = @transform_2, window_bounds = array<i64: 1024, 128>}]} {
    %get3A = arith.constant 0 : index
    %get3A_0 = arith.constant 0 : index
    %get3A_1 = arith.constant 0 : index
    %get3A_2 = vector.load %arg1[%get3A, %get3A_0, %get3A_1] : memref<2x1024x128xf32, #tpu.memory_space<vmem>>, vector<1x1024x128xf32>
    %get3A_3 = vector.shape_cast %get3A_2 : vector<1x1024x128xf32> to vector<1024x128xf32>
    %get3A_4 = arith.constant 1 : index
    %get3A_5 = arith.constant 0 : index
    %get3A_6 = arith.constant 0 : index
    %get3A_7 = vector.load %arg1[%get3A_4, %get3A_5, %get3A_6] : memref<2x1024x128xf32, #tpu.memory_space<vmem>>, vector<1x1024x128xf32>
    %get3A_8 = vector.shape_cast %get3A_7 : vector<1x1024x128xf32> to vector<1024x128xf32>
    %add3A = arith.addf %get3A_3, %get3A_8 : vector<1024x128xf32>
    %get3A_9 = arith.constant 0 : index
    %get3A_10 = arith.constant 0 : index
    %get3A_11 = vector.load %arg2[%get3A_9, %get3A_10] : memref<128x128xf32, #tpu.memory_space<vmem>>, vector<128x128xf32>
    %dot_general3A = arith.constant dense<0.000000e+00> : vector<1024x128xf32>
    %dot_general3A_12 = tpu.matmul %add3A, %get3A_11, %dot_general3A {dimension_numbers = #tpu.dot_dimension_numbers<[1], [0], [0], [1], [0, 0, 1, 1], [], []>, transpose_lhs_hint = false} : vector<1024x128xf32>, vector<128x128xf32>, vector<1024x128xf32> -> vector<1024x128xf32>
    %swap3A = arith.constant 0 : index
    %swap3A_13 = arith.constant 0 : index
    %swap3A_14 = vector.load %arg3[%swap3A, %swap3A_13] : memref<1024x128xf32, #tpu.memory_space<vmem>>, vector<1024x128xf32>
    tpu.vector_store %arg3[%swap3A, %swap3A_13], %dot_general3A_12 {strides = array<i32>} : memref<1024x128xf32, #tpu.memory_space<vmem>>, vector<1024x128xf32>,
    return
  }
  func.func @transform_0(%arg0: i32) -> (i32, i32, i32) {
    %c0_i32 = arith.constant 0 : i32
    %c0_i32_0 = arith.constant 0 : i32
    %c0_i32_1 = arith.constant 0 : i32
    return %c0_i32, %arg0, %c0_i32_0 : i32, i32, i32
  }
  func.func @transform_1(%arg0: i32) -> (i32, i32) {
    %c0_i32 = arith.constant 0 : i32
    %c0_i32_0 = arith.constant 0 : i32
    %c0_i32_1 = arith.constant 0 : i32
    return %c0_i32, %c0_i32_0 : i32, i32
  }
  func.func @transform_2(%arg0: i32) -> (i32, i32) {
    %c0_i32 = arith.constant 0 : i32
    %c0_i32_0 = arith.constant 0 : i32
    return %arg0, %c0_i32 : i32, i32
  }
}

module attributes {stable_mosaic.version = 14 : i64} {
  func.func @_relu_body(%arg0: i32, %arg1: memref<2x1024x128xf32, #tpu.memory_space<vmem>>, %arg2: memref<1024x128xf32, #tpu.memory_space<vmem>>) attributes {dimension_semantics = [#tpu.dimension_semantics<arbitrary>], iteration_bounds = array<i64: 10>, scalar_prefetch = 0 : i64, scratch_operands = 0 : i64, tpu.core_type = #tpu.core_type<tc>, window_params = [{transform_indices = @transform_0, window_bounds = array<i64: 2, 1024, 128>}, {transform_indices = @transform_1, window_bounds = array<i64: 1024, 128>}]} {
    %get3A = arith.constant 0 : index
    %get3A_0 = arith.constant 0 : index
    %get3A_1 = arith.constant 0 : index
    %get3A_2 = vector.load %arg1[%get3A, %get3A_0, %get3A_1] : memref<2x1024x128xf32, #tpu.memory_space<vmem>>, vector<1x1024x128xf32>
    %get3A_3 = vector.shape_cast %get3A_2 : vector<1x1024x128xf32> to vector<1024x128xf32>
    %get3A_4 = arith.constant 1 : index
    %get3A_5 = arith.constant 0 : index
    %get3A_6 = arith.constant 0 : index
    %get3A_7 = vector.load %arg1[%get3A_4, %get3A_5, %get3A_6] : memref<2x1024x128xf32, #tpu.memory_space<vmem>>, vector<1x1024x128xf32>
    %get3A_8 = vector.shape_cast %get3A_7 : vector<1x1024x128xf32> to vector<1024x128xf32>
    %add3A = arith.addf %get3A_3, %get3A_8 : vector<1024x128xf32>
    %max3A = arith.constant 0.000000e+00 : f32
    %max3A_9 = vector.broadcast %max3A : f32 to vector<1024x128xf32>
    %max3A_10 = arith.maximumf %add3A, %max3A_9 : vector<1024x128xf32>
    %swap3A = arith.constant 0 : index
    %swap3A_11 = arith.constant 0 : index
    %swap3A_12 = vector.load %arg2[%swap3A, %swap3A_11] : memref<1024x128xf32, #tpu.memory_space<vmem>>, vector<1024x128xf32>
    tpu.vector_store %arg2[%swap3A, %swap3A_11], %max3A_10 {strides = array<i32>} : memref<1024x128xf32, #tpu.memory_space<vmem>>, vector<1024x128xf32>,
    return
  }
  func.func @transform_0(%arg0: i32) -> (i32, i32, i32) {
    %c0_i32 = arith.constant 0 : i32
    %c0_i32_0 = arith.constant 0 : i32
    %c0_i32_1 = arith.constant 0 : i32
    return %c0_i32, %arg0, %c0_i32_0 : i32, i32, i32
  }
  func.func @transform_1(%arg0: i32) -> (i32, i32) {
    %c0_i32 = arith.constant 0 : i32
    %c0_i32_0 = arith.constant 0 : i32
    return %arg0, %c0_i32 : i32, i32
  }
}

</mosaic_0001>

<sc_bundles>
// kernel: spmm_sc.4.cloned.1.call-start
scs
__scs_entry_jumppad:
0x0: {  	(pc) =	sbr.rel $0x88, $3  }
0x1: {  	(tag) =	ssettag $0x0;
	lr =	simm.s32 $0x1  }
0x2: {  	[smem:$0x3F9D] =	sst lr;
	_ =	strace $0xD0000000  }
0x3: {  	_ = 	snop  }
0x4: {  	_ = 	snop  }
0x5: {  	_ = 	snop  }
0x6: {  	_ = 	snop  }
0x7: {  	_ = 	snop  }
__scs_overlays_trampoline_lowered:
0x8: {  	[smem:$0x3FAC] =	sst s0  }
0x9: {  	[smem:$0x3FAD] =	sst s1  }
0xa: {  	[smem:$0x3FAE] =	sst s2  }
0xb: {  	[smem:$0x3FAF] =	sst s3  }
0xc: {  	[smem:$0x3FB0] =	sst s4  }
0xd: {  	[smem:$0x3FB1] =	sst s5  }
0xe: {  	[smem:$0x3FB2] =	sst s6  }
0xf: {  	[smem:$0x3FB3] =	sst s7  }
0x10: {  	[smem:$0x3FB4] =	sst s8  }
0x11: {  	[smem:$0x3FB5] =	sst s9;
	s0 =	simm.s32 @!p0 $0x0  }
0x12: {  	s1 =	sld [smem:$0x3F9B];
	s0 =	simm.s32 @p0 $0x1  }
0x13: {  	[smem:$0x3FB6] =	sst s0;
	s0 =	simm.s32 @!p1 $0x0  }
0x14: {  	s2 =	sld [smem:$0x3F9A];
	s0 =	simm.s32 @p1 $0x1  }
0x15: {  	[smem:$0x3FB7] =	sst s0;
	s0 =	simm.s32 @!p2 $0x0  }
0x16: {  	s3 =	sld [smem:$0x3FDB];
	s0 =	simm.s32 @p2 $0x1  }
0x17: {  	s4 =	simm.s32 $0x1BF5;
	[smem:$0x3FB9] =	sst s0  }
0x18: {  	s0 =	sld [smem:$0x3F9C];
	_ =	swait.ge [sflag:s4], $0x0  }
0x19: {  	s7 =	sld [smem:$0x3F9D]  }
0x1a: {  	s8 =	sadd.s32 $0xFFFFE003, lr  }
0x1b: {  	s9 =	sadd.s32 $0xFFFFFEF7, lr;
	s5 =	simm.s32 $0xFFFFFFFF;
	p2 =	slt.u32 s8, $0xFFFFF086  }
0x1c: {  	p1 =	slt.u32 s9, $0xF7A;
	s5 =	simm.s32 @!p2 $0x0  }
0x1d: {  	s5 =	simm.s32 @p1 $0x1;
	p0 =	seq.s32 s7, s2  }
0x1e: {  	s7 =	smul.u32 @!p0 $0xF7A, s2;
	p2 =	seq.s32 @!p0 s5, $0x0  }
0x1f: {  	s9 =	smul.u32 $0xF7A, s1;
	s8 =	simm.s32 @!p0 $0x1BF5;
	p2 =	por !p2, p0  }
0x20: {  	[sflag:s8] =	ssyncset.s32 @!p0 $0xFFFFF086;
	s6 =	sadd.s32 @!p0 s3, s7;
	s7 =	simm.s32 @!p0 $0x108  }
0x21: {  	s3 =	sadd.s32 s3, s9;
	s6 =	sadd.s32 @!p0 $0x88, s6;
	s7 =	simm.s32 @p2 $0x1082  }
0x22: {  	[simem:s7], [sflag:s8] =	dma.local @!p0 [hbm:s6], $0xF7A  }
0x23: {  	s9 =	sor.u32 $0xD0000000, s2;
	s6 =	simm.s32 $0x108;
	_ =	swait.ge @!p0 [sflag:s8], $0x0  }
0x24: {  	s3 =	sadd.s32 $0x88, s3;
	s6 =	simm.s32 @!p1 $0x1082;
	[sflag:s4] =	ssyncset.s32 $0xFFFFF086  }
0x25: {  	[simem:s6], [sflag:s4] =	dma.local [hbm:s3], $0xF7A  }
0x26: {  	[smem:$0x3F9D] =	sst s1;
	(tag) =	ssettag s2;
	_ =	strace s9  }
0x27: {  	s1 =	sld [smem:$0x3FAD]  }
0x28: {  	s2 =	sld [smem:$0x3FAE]  }
0x29: {  	s4 =	sld [smem:$0x3FB0]  }
0x2a: {  	p0 =	seq.s32 s5, $0x0;
	s5 =	sld [smem:$0x3FB1]  }
0x2b: {  	s6 =	sld [smem:$0x3FB2]  }
0x2c: {  	s7 =	sld [smem:$0x3FB3]  }
0x2d: {  	s3 =	simm.s32 $0x108;
	s8 =	sld [smem:$0x3FB4]  }
0x2e: {  	s3 =	simm.s32 @!p0 $0x1082;
	s9 =	sld [smem:$0x3FB5]  }
0x2f: {  	lr =	sadd.s32 s0, s3;
	s0 =	sld [smem:$0x3FAC]  }
0x30: {  	s3 =	sld [smem:$0x3FAF]  }
0x31: {  	[smem:$0x3FB8] =	sst s10  }
0x32: {  	s10 =	sld [smem:$0x3FB6];
	_ =	sdelay $0x3  }
0x33: {  	p0 =	seq.s32 s10, $0x1;
	s10 =	sld [smem:$0x3FB8];
	_ =	sdelay $0x3  }
0x34: {  	[smem:$0x3FB8] =	sst s10  }
0x35: {  	s10 =	sld [smem:$0x3FB7];
	_ =	sdelay $0x3  }
0x36: {  	p1 =	seq.s32 s10, $0x1;
	s10 =	sld [smem:$0x3FB8];
	_ =	sdelay $0x3  }
0x37: {  	[smem:$0x3FB8] =	sst s10  }
0x38: {  	s10 =	sld [smem:$0x3FB9]  }
0x39: {  	_ = 	snop;
	(pc) =	sbr.ind lr, $3  }
0x3a: {  	_ = 	snop  }
0x3b: {  	_ = 	snop  }
0x3c: {  	p2 =	seq.s32 s10, $0x1;
	s10 =	sld [smem:$0x3FB8]  }
0x3d: {  	_ =	shalt  }
0x3e: {  	_ =	shalt  }
0x3f: {  	_ =	shalt  }
0x40: {  	_ =	shalt  }
0x41: {  	_ =	shalt  }
0x42: {  	_ =	shalt  }
0x43: {  	_ =	shalt  }
0x44: {  	_ =	shalt  }
0x45: {  	_ =	shalt  }
0x46: {  	_ =	shalt  }
0x47: {  	_ =	shalt  }
0x48: {  	_ =	shalt  }
0x49: {  	_ =	shalt  }
0x4a: {  	_ =	shalt  }
0x4b: {  	_ =	shalt  }
0x4c: {  	_ =	shalt  }
0x4d: {  	_ =	shalt  }
0x4e: {  	_ =	shalt  }
0x4f: {  	_ =	shalt  }
0x50: {  	_ =	shalt  }
0x51: {  	_ =	shalt  }
0x52: {  	_ =	shalt  }
0x53: {  	_ =	shalt  }
0x54: {  	_ =	shalt  }
0x55: {  	_ =	shalt  }
0x56: {  	_ =	shalt  }
0x57: {  	_ =	shalt  }
0x58: {  	_ =	shalt  }
0x59: {  	_ =	shalt  }
0x5a: {  	_ =	shalt  }
0x5b: {  	_ =	shalt  }
0x5c: {  	_ =	shalt  }
0x5d: {  	_ =	shalt  }
0x5e: {  	_ =	shalt  }
0x5f: {  	_ =	shalt  }
0x60: {  	_ =	shalt  }
0x61: {  	_ =	shalt  }
0x62: {  	_ =	shalt  }
0x63: {  	_ =	shalt  }
0x64: {  	_ =	shalt  }
0x65: {  	_ =	shalt  }
0x66: {  	_ =	shalt  }
0x67: {  	_ =	shalt  }
0x68: {  	_ =	shalt  }
0x69: {  	_ =	shalt  }
0x6a: {  	_ =	shalt  }
0x6b: {  	_ =	shalt  }
0x6c: {  	_ =	shalt  }
0x6d: {  	_ =	shalt  }
0x6e: {  	_ =	shalt  }
0x6f: {  	_ =	shalt  }
0x70: {  	_ =	shalt  }
0x71: {  	_ =	shalt  }
0x72: {  	_ =	shalt  }
0x73: {  	_ =	shalt  }
0x74: {  	_ =	shalt  }
0x75: {  	_ =	shalt  }
0x76: {  	_ =	shalt  }
0x77: {  	_ =	shalt  }
0x78: {  	_ =	shalt  }
0x79: {  	_ =	shalt  }
0x7a: {  	_ =	shalt  }
0x7b: {  	_ =	shalt  }
0x7c: {  	_ =	shalt  }
0x7d: {  	_ =	shalt  }
0x7e: {  	_ =	shalt  }
0x7f: {  	_ =	shalt  }
0x80: {  	_ =	shalt  }
0x81: {  	_ =	shalt  }
0x82: {  	_ =	shalt  }
0x83: {  	_ =	shalt  }
0x84: {  	_ =	shalt  }
0x85: {  	_ =	shalt  }
0x86: {  	_ =	shalt  }
0x87: {  	_ =	shalt  }
.Lfunc_end0:
.L_simem_size_0:
called_computation_lowered:
.L_overlay_start_0:
0x88: {  	s2 =	sld [smem:$0x3FD9]  }
0x89: {  	s3 =	sld [smem:$0x3FFE];
	_ =	sdelay $0x1  }
0x8a: {  	s1 =	srdreg.scid  }
0x8b: {  	s0 =	sand.u32 $0x1, s1  }
0x8c: {  	s17 =	sshll.u32 s0, $0xA;
	s2 =	sadd.s32 s3, s2  }
0x8d: {  	s2 =	sadd.s32 s2, s17  }
0x8e: {  	[smem:$0x3FC4] =	sst s2  }
0x8f: {  	_ = 	snop  }
0x90: {  	s2 =	sld [smem:$0x3FC9];
	(tm) =	ssettm $0x1  }
0x91: {  	s18 =	sld [smem:$0x3FFB];
	_ =	sdelay $0x3  }
0x92: {  	_ =	strace s18  }
0x93: {  	s3 =	sld [smem:$0x3FFC];
	_ =	sdelay $0x3  }
0x94: {  	_ =	strace s3  }
0x95: {  	s3 =	sld [smem:$0x3FFD];
	_ =	sdelay $0x3  }
0x96: {  	_ =	strace s3  }
0x97: {  	_ =	strace $0x8FFFFFFF  }
0x98: {  	s19 =	sld [smem:$0x3FDB];
	_ =	sdelay $0x1  }
0x99: {  	s4 =	simm.s32 $_scs_section_size  }
0x9a: {  	s5 =	simm.s32 $_size__tile_overlayer_lowered;
	s6 =	simm.s32 $_tile_overlayer_lowered  }
0x9b: {  	s22 =	simm.s32 $0x1BFF;
	s21 =	sshll.u32 s6, $0x1;
	s3 =	sadd.s32 s4, s19  }
0x9c: {  	s7 =	simm.s32 $0x0;
	s20 =	sshll.u32 s5, $0x1;
	s5 =	sadd.s32 s21, s3  }
0x9d: {  	[timem:s7], [sflag:s22] =	dma.local [hbm:s5], s20  }
0x9e: {  	_ =	swait.ge [sflag:s22], s20  }
0x9f: {  	s4 =	ssub.s32 $0x0, s20;
	[sflag:s22] =	ssyncset.done $0x0  }
0xa0: {  	[sflag:s22] =	ssyncadd.s32 s4;
	_ =	sdelay $0x1  }
0xa1: {  	s23 =	simm.s32 $0x1B8B  }
0xa2: {  	_ =	swait.ge [sflag:s23], $0x1  }
0xa3: {  	[sflag:s23] =	ssyncset.done $0x0  }
0xa4: {  	s25 =	simm.s32 $0x1B8E;
	s24 =	sld [smem:$0x3FFE];
	[sflag:s23] =	ssyncadd.s32 $0xFFFFFFFF  }
0xa5: {  	s26 =	simm.s32 $execute0_lowered;
	[smem:$0x3FD2] =	sst s25  }
0xa6: {  	s5 =	sshll.u32 s26, $0x1;
	_ =	strace $0x80000046;
	[dreg:$0x1] =	wrdreg $0xFFFFFFFF  }
0xa7: {  	s28 =	simm.s32 $_size_execute0_lowered;
	s3 =	sadd.s32 s3, s5;
	[dreg:$0x0] =	wrdreg $0x0  }
0xa8: {  	s5 =	sshll.u32 s28, $0x1;
	[dreg:$0x2] =	wrdreg s3  }
0xa9: {  	[dreg:$0x3] =	wrdreg s5  }
0xaa: {  	[dreg:$0x4] =	wrdreg $0xC0  }
0xab: {  	_ =	task [dreg:s7], $0x5FFFF  }
0xac: {  	[dreg:$0x1] =	wrdreg $0xFFFFFFFF  }
0xad: {  	[dreg:$0x0] =	wrdreg $0x60  }
0xae: {  	[dreg:$0x2] =	wrdreg s2  }
0xaf: {  	[dreg:$0x3] =	wrdreg s24  }
0xb0: {  	[dreg:$0x4] =	wrdreg $0xB7800  }
0xb1: {  	[dreg:$0x5] =	wrdreg $0x9  }
0xb2: {  	_ =	task.clear_ibuf [dreg:s7], $0x6FFFF;
	_ =	strace $0x90000046  }
0xb3: {  	s29 =	simm.s32 $0x9;
	_ =	strace $0x80000048  }
0xb4: {  	_ =	swait.ge [sflag:s29], $0x1  }
0xb5: {  	[sflag:s29] =	ssyncadd.s32 $0xFFFFFFFF  }
0xb6: {  	_ =	strace $0x90000048  }
0xb7: {  	_ =	sfence  }
0xb8: {  	s30 =	sld [smem:$0x0];
	_ =	sdelay $0x2  }
0xb9: {  	s31 =	sshll.u32 s1, $0xD;
	s1 =	sshrl.u32 s1, $0x2  }
0xba: {  	s3 =	sand.u32 $0x4000, s31;
	s1 =	sadd.s32 s1, s30  }
0xbb: {  	s0 =	sor.u32 s3, s0;
	s1 =	sshll.u32 s1, $0x11  }
0xbc: {  	s0 =	sor.u32 s1, s0  }
0xbd: {  	s0 =	sadd.s32 $0x8F2B, s0  }
0xbe: {  	[sflag:s0] =	ssyncadd.remote.s32 $0x1  }
0xbf: {  	_ =	sfence.sel $0xFFFF  }
0xc0: {  	[dreg:$0x0] =	wrdreg $0xFFFFFFFF;
	(pc) =	sbr.abs _section_cstart, $3  }
0xc1: {  	[dreg:$0x1] =	wrdreg $0xFFFFFFFF  }
0xc2: {  	_ =	task.clear_ibuf [dreg:s7], $0x2FFFF;
	_ =	strace $0x9FFFFFFF  }
0xc3: {  	(tm) =	ssettm $0x7FFFFFFF  }
tec
execute0_lowered:
.L_overlay_start_1:
0x0: {  	(tag) =	ssettag $0x1  }
0x1: {  	s0 =	rddreg [dreg:$0x0]  }
0x2: {  	s1 =	srdreg.scid;
	s5 =	rddreg [dreg:$0x1]  }
0x3: {  	s3 =	rddreg [dreg:$0x2];
	s2 =	stileid.u32  }
0x4: {  	s16 =	simm.s32 $0x2800;
	s17 =	simm.s32 $0x80;
	s18 =	simm.s32 $0x400  }
0x5: {  	s19 =	simm.s32 $0x5000;
	s20 =	simm.s32 $0x7780;
	s21 =	simm.s32 $0x1  }
0x6: {  	s25 =	simm.s32 $0x0;
	s6 =	sand.u32 $0x1, s1;
	s11 =	smul.u32 $0x50000, s2  }
0x7: {  	s1 =	rddreg [dreg:$0x3];
	s10 =	sshll.u32 s2, $0x7;
	s23 =	smul.u32 $0x2800, s2  }
0x8: {  	s31 =	sshll.u32 s2, $0x6;
	s4 =	sshll.u32 s6, $0x4;
	s10 =	sand.u32 $0x380, s10  }
0x9: {  	s28 =	smul.u32 $0x28000, s6;
	s6 =	ssub.s32 $0x2, s6;
	s8 =	sor.u32 s2, s4  }
0xa: {  	s4 =	simm.s32 $0x0;
	s29 =	sshrl.u32 s6, $0x1;
	s30 =	sshrl.u32 s11, $0x2  }
0xb: {  	s7 =	smul.u32 $0x500, s8;
	s9 =	sshrl.u32 s8, $0x3;
	[smem:$0x7FF] =	sst s4  }
0xc: {  	s14 =	sadd.s32 s28, s5;
	s15 =	ssub.s32 s6, s29;
	s13 =	smul.u32 $0x4F, s8  }
0xd: {  	s9 =	smul.u32 $0x13C00, s9;
	_ =	strace $0x80000047;
	s22 =	sadd.s32 $0x1E600, s14  }
0xe: {  	s14 =	smax.u32 s15, $0x1;
	s15 =	simm.s32 $0x2;
	s7 =	sadd.s32 s7, s5  }
0xf: {  	s13 =	sshrl.u32 s13, $0x5;
	s22 =	sadd.s32 s23, s22;
	s9 =	sor.u32 s10, s9  }
0x10: {  	s23 =	sor.u32 $0x1C02, s31;
	s6 =	sadd.s32 $0x14600, s7;
	s9 =	sshrl.u32 s9, $0x3  }
0x11: {  	s9 =	sadd.s32 s9, s5;
	s5 =	sadd.s32 $0xA600, s7;
	s7 =	sadd.s32 s30, s3  }
0x12: {  	s8 =	sadd.s32 $0x800, s9;
	s9 =	sadd.s32 $0x4000, s7;
	s10 =	sadd.s32 $0x8000, s7  }
0x13: {  	v0 =	vimm.f32 $0.0e+00;
	s11 =	sadd.s32 $0xC000, s7;
	s12 =	sadd.s32 $0x10000, s7;
	s24 =	sshrl.u32 s7, $0x3  }
.LBB2_1:
0x14: {  	[tilespmem:s4], [sflag:$0x2] =	stream.linear.gather [hbm4b:s5+s4], $0x2780, $0x38;
	[tilespmem:$0x1F780] =	vst v63  }
0x15: {  	_ =	swait.ge [sflag:s15], $0x2780  }
0x16: {  	[sflag:s15] =	ssyncset.done $0x0  }
0x17: {  	[sflag:s15] =	ssyncadd.s32 $0xFFFFD880  }
0x18: {  	[tilespmem:s16], [sflag:$0x2] =	stream.linear.gather [hbm4b:s6+s4], $0x2780, $0x38;
	[tilespmem:$0x1F780] =	vst v63  }
0x19: {  	_ =	swait.ge [sflag:s15], $0x2780  }
0x1a: {  	[sflag:s15] =	ssyncset.done $0x0  }
0x1b: {  	[sflag:s15] =	ssyncadd.s32 $0xFFFFD880  }
0x1c: {  	[tilespmem:s19], [sflag:$0x2] =	stream.strided.gather [hbm4b:s8+s17], $0x2780, s18, s17, $0x38;
	[tilespmem:$0x1F780] =	vst v63  }
0x1d: {  	_ =	swait.ge [sflag:s15], $0x2780  }
0x1e: {  	[sflag:s15] =	ssyncset.done $0x0  }
0x1f: {  	s26 =	simm.s32 $0x0;
	s28 =	simm.s32 $0x200;
	[sflag:s15] =	ssyncadd.s32 $0xFFFFD880  }
.LBB2_2:
0x20: {  	p0 =	sne.s32 s28, $0xFE00;
	[tilespmem:s26+$0x77F0] =	vst v0  }
0x21: {  	[tilespmem:s26+$0x7780] =	vst v0  }
0x22: {  	[tilespmem:s26+$0x7790] =	vst v0  }
.Ltmp0:
0x23: {  	[tilespmem:s26+$0x77A0] =	vst v0;
	(pc) =	sbr.rel @p0 .LBB2_2-.Ltmp0, $4  }
0x24: {  	[tilespmem:s26+$0x77B0] =	vst v0  }
0x25: {  	[tilespmem:s26+$0x77C0] =	vst v0  }
0x26: {  	[tilespmem:s26+$0x77D0] =	vst v0  }
0x27: {  	[tilespmem:s26+$0x77E0] =	vst v0;
	s26 =	sshra.s32 s28, $0x2;
	s28 =	sadd.s32 $0x200, s28  }
0x28: {  	[tilespmem:s26+$0x77F0] =	vst v0  }
0x29: {  	[tilespmem:s26+$0x7780] =	vst v0  }
0x2a: {  	[tilespmem:s26+$0x7790] =	vst v0  }
0x2b: {  	[tilespmem:s26+$0x77A0] =	vst v0  }
0x2c: {  	[tilespmem:s26+$0x77B0] =	vst v0  }
0x2d: {  	[tilespmem:s26+$0x77C0] =	vst v0  }
0x2e: {  	[tilespmem:s26+$0x77D0] =	vst v0  }
0x2f: {  	[tilespmem:s26+$0x77E0] =	vst v0  }
0x30: {  	[spmem:s7] =	stream.linear.scatter [tilespmem:s20], [sflag:$0x2], $0x4000, $0x38;
	[tilespmem:$0x1F780] =	vst v63  }
0x31: {  	_ =	swait.ge [sflag:s15], $0x4000  }
0x32: {  	[sflag:s15] =	ssyncset.done $0x0  }
0x33: {  	[sflag:s15] =	ssyncadd.s32 $0xFFFFC000  }
0x34: {  	[spmem:s9] =	stream.linear.scatter [tilespmem:s20], [sflag:$0x2], $0x4000, $0x38;
	[tilespmem:$0x1F780] =	vst v63  }
0x35: {  	_ =	swait.ge [sflag:s15], $0x4000  }
0x36: {  	[sflag:s15] =	ssyncset.done $0x0  }
0x37: {  	[sflag:s15] =	ssyncadd.s32 $0xFFFFC000  }
0x38: {  	[spmem:s10] =	stream.linear.scatter [tilespmem:s20], [sflag:$0x2], $0x4000, $0x38;
	[tilespmem:$0x1F780] =	vst v63  }
0x39: {  	_ =	swait.ge [sflag:s15], $0x4000  }
0x3a: {  	[sflag:s15] =	ssyncset.done $0x0  }
0x3b: {  	[sflag:s15] =	ssyncadd.s32 $0xFFFFC000  }
0x3c: {  	[spmem:s11] =	stream.linear.scatter [tilespmem:s20], [sflag:$0x2], $0x4000, $0x38;
	[tilespmem:$0x1F780] =	vst v63  }
0x3d: {  	_ =	swait.ge [sflag:s15], $0x4000  }
0x3e: {  	[sflag:s15] =	ssyncset.done $0x0  }
0x3f: {  	[sflag:s15] =	ssyncadd.s32 $0xFFFFC000  }
0x40: {  	[spmem:s12] =	stream.linear.scatter [tilespmem:s20], [sflag:$0x2], $0x4000, $0x38;
	[tilespmem:$0x1F780] =	vst v63  }
0x41: {  	_ =	swait.ge [sflag:s15], $0x4000  }
0x42: {  	[sflag:s15] =	ssyncset.done $0x0  }
0x43: {  	[sflag:s15] =	ssyncadd.s32 $0xFFFFC000  }
0x44: {  	s26 =	simm.s32 $0x0;
	[bflag:$0x0] =	sbarrier.arrive $0xFFFF  }
.LBB2_4:
0x45: {  	s28 =	sadd.s32 s13, s26  }
0x46: {  	s29 =	smulhi.u32 $0xCF6474A9, s28;
	_ =	sdelay $0x1  }
0x47: {  	s29 =	sshrl.u32 s29, $0x6  }
0x48: {  	s29 =	smul.u32 $0x4F, s29;
	_ =	sdelay $0x1  }
0x49: {  	s28 =	ssub.s32 s28, s29  }
0x4a: {  	s28 =	sshll.u32 s28, $0x7  }
0x4b: {  	[tilespmem:s20], [sflag:$0x1] =	stream.indirect.gather [hbm4b:s0+s17], $0x80, s28, s17, $0xb8;
	[tilespmem:$0x1F780] =	vst v63  }
0x4c: {  	s29 =	sadd.s32 $0x5000, s28  }
0x4d: {  	_ =	swait.ge [sflag:s21], $0x4000;
	v1 =	vmov s29  }
0x4e: {  	[sflag:s21] =	ssyncset.done $0x0  }
0x4f: {  	s29 =	simm.s32 $0x0;
	[sflag:s21] =	ssyncadd.s32 $0xFFFFC000  }
.LBB2_5:
0x50: {  	s30 =	sshll.u32 s29, $0x4  }
0x51: {  	s30 =	sand.u32 $0x3FFFFFF0, s30  }
0x52: {  	s31 =	sshll.u32 s29, $0xB;
	v2 =	vld.idx.msk [tilespmem:v1+s30+$0x0 ss:$0x1], $0xffff  }
0x53: {  	s30 =	sand.u32 $0x3FFFF800, s31  }
0x54: {  	v3 =	vld [tilespmem:s30+$0x7780]  }
0x55: {  	v4 =	vld [tilespmem:s30+$0x7790]  }
0x56: {  	v5 =	vld [tilespmem:s30+$0x77A0]  }
0x57: {  	v7 =	vld [tilespmem:s30+$0x77B0];
	v6 =	vbroadcast v2, $0x0  }
0x58: {  	v8 =	vld [tilespmem:s30+$0x77C0]  }
0x59: {  	v9 =	vld [tilespmem:s30+$0x77D0];
	v3 =	vmul.f32 v6, v3  }
0x5a: {  	v10 =	vld [tilespmem:s30+$0x77E0];
	v4 =	vmul.f32 v4, v6  }
0x5b: {  	v24 =	vld [tilespmem:s30+$0x77F0];
	[tilespmem:s30+$0x7780] =	vst v3;
	v3 =	vmul.f32 v5, v6  }
0x5c: {  	v26 =	vld [tilespmem:s30+$0x7800];
	v25 =	vmul.f32 v7, v6;
	[tilespmem:s30+$0x7790] =	vst v4  }
0x5d: {  	v27 =	vld [tilespmem:s30+$0x7810];
	[tilespmem:s30+$0x77A0] =	vst v3;
	v3 =	vmul.f32 v8, v6  }
0x5e: {  	v29 =	vld [tilespmem:s30+$0x7820];
	v28 =	vmul.f32 v9, v6;
	[tilespmem:s30+$0x77B0] =	vst v25  }
0x5f: {  	v11 =	vld [tilespmem:s30+$0x7830];
	v30 =	vbroadcast v2, $0x1;
	[tilespmem:s30+$0x77C0] =	vst v3;
	v3 =	vmul.f32 v10, v6  }
0x60: {  	v32 =	vld [tilespmem:s30+$0x7840];
	v31 =	vmul.f32 v24, v6;
	[tilespmem:s30+$0x77D0] =	vst v28  }
0x61: {  	v33 =	vld [tilespmem:s30+$0x7850];
	[tilespmem:s30+$0x77E0] =	vst v3;
	v3 =	vmul.f32 v26, v30  }
0x62: {  	v35 =	vld [tilespmem:s30+$0x7860];
	v34 =	vmul.f32 v27, v30;
	[tilespmem:s30+$0x77F0] =	vst v31  }
0x63: {  	v36 =	vld [tilespmem:s30+$0x7870];
	[tilespmem:s30+$0x7800] =	vst v3;
	v3 =	vmul.f32 v29, v30  }
0x64: {  	v38 =	vld [tilespmem:s30+$0x7880];
	v37 =	vmul.f32 v11, v30;
	[tilespmem:s30+$0x7810] =	vst v34  }
0x65: {  	v39 =	vld [tilespmem:s30+$0x7890];
	[tilespmem:s30+$0x7820] =	vst v3;
	v3 =	vmul.f32 v32, v30  }
0x66: {  	v41 =	vld [tilespmem:s30+$0x78A0];
	v40 =	vmul.f32 v33, v30;
	[tilespmem:s30+$0x7830] =	vst v37  }
0x67: {  	v43 =	vld [tilespmem:s30+$0x78B0];
	v42 =	vbroadcast v2, $0x2;
	[tilespmem:s30+$0x7840] =	vst v3;
	v3 =	vmul.f32 v35, v30  }
0x68: {  	v45 =	vld [tilespmem:s30+$0x78C0];
	v44 =	vmul.f32 v36, v30;
	[tilespmem:s30+$0x7850] =	vst v40  }
0x69: {  	v46 =	vld [tilespmem:s30+$0x78D0];
	[tilespmem:s30+$0x7860] =	vst v3;
	v3 =	vmul.f32 v38, v42  }
0x6a: {  	v48 =	vld [tilespmem:s30+$0x78E0];
	v47 =	vmul.f32 v39, v42;
	[tilespmem:s30+$0x7870] =	vst v44  }
0x6b: {  	v49 =	vld [tilespmem:s30+$0x78F0];
	[tilespmem:s30+$0x7880] =	vst v3;
	v3 =	vmul.f32 v41, v42  }
0x6c: {  	v51 =	vld [tilespmem:s30+$0x7900];
	v50 =	vmul.f32 v43, v42;
	[tilespmem:s30+$0x7890] =	vst v47  }
0x6d: {  	v52 =	vld [tilespmem:s30+$0x7910];
	[tilespmem:s30+$0x78A0] =	vst v3;
	v3 =	vmul.f32 v45, v42  }
0x6e: {  	v54 =	vld [tilespmem:s30+$0x7920];
	v53 =	vmul.f32 v46, v42;
	[tilespmem:s30+$0x78B0] =	vst v50  }
0x6f: {  	v56 =	vld [tilespmem:s30+$0x7930];
	v55 =	vbroadcast v2, $0x3;
	[tilespmem:s30+$0x78C0] =	vst v3;
	v3 =	vmul.f32 v48, v42  }
0x70: {  	v58 =	vld [tilespmem:s30+$0x7940];
	v57 =	vmul.f32 v49, v42;
	[tilespmem:s30+$0x78D0] =	vst v53  }
0x71: {  	v59 =	vld [tilespmem:s30+$0x7950];
	[tilespmem:s30+$0x78E0] =	vst v3;
	v3 =	vmul.f32 v51, v55  }
0x72: {  	v61 =	vld [tilespmem:s30+$0x7960];
	v60 =	vmul.f32 v52, v55;
	[tilespmem:s30+$0x78F0] =	vst v57  }
0x73: {  	v62 =	vld [tilespmem:s30+$0x7970];
	[tilespmem:s30+$0x7900] =	vst v3;
	v3 =	vmul.f32 v54, v55  }
0x74: {  	v12 =	vld [tilespmem:s30+$0x7980];
	v63 =	vmul.f32 v56, v55;
	[tilespmem:s30+$0x7910] =	vst v60  }
0x75: {  	v13 =	vld [tilespmem:s30+$0x7990];
	[tilespmem:s30+$0x7920] =	vst v3;
	v3 =	vmul.f32 v58, v55  }
0x76: {  	v15 =	vld [tilespmem:s30+$0x79A0];
	v14 =	vmul.f32 v59, v55;
	[tilespmem:s30+$0x7930] =	vst v63  }
0x77: {  	v17 =	vld [tilespmem:s30+$0x79B0];
	v16 =	vbroadcast v2, $0x4;
	[tilespmem:s30+$0x7940] =	vst v3;
	v3 =	vmul.f32 v61, v55  }
0x78: {  	v19 =	vld [tilespmem:s30+$0x79C0];
	v18 =	vmul.f32 v62, v55;
	[tilespmem:s30+$0x7950] =	vst v14  }
0x79: {  	v20 =	vld [tilespmem:s30+$0x79D0];
	[tilespmem:s30+$0x7960] =	vst v3;
	v3 =	vmul.f32 v12, v16  }
0x7a: {  	v22 =	vld [tilespmem:s30+$0x79E0];
	v21 =	vmul.f32 v13, v16;
	[tilespmem:s30+$0x7970] =	vst v18  }
0x7b: {  	v23 =	vld [tilespmem:s30+$0x79F0];
	[tilespmem:s30+$0x7980] =	vst v3;
	v3 =	vmul.f32 v15, v16  }
0x7c: {  	v24 =	vmul.f32 v17, v16;
	[tilespmem:s30+$0x7990] =	vst v21;
	v25 =	vld [tilespmem:s30+$0x7A00]  }
0x7d: {  	v33 =	vld [tilespmem:s30+$0x7A50];
	[tilespmem:s30+$0x79A0] =	vst v3;
	v3 =	vmul.f32 v19, v16  }
0x7e: {  	v27 =	vmul.f32 v20, v16;
	[tilespmem:s30+$0x79B0] =	vst v24;
	v28 =	vld [tilespmem:s30+$0x7A20]  }
0x7f: {  	v36 =	vld [tilespmem:s30+$0x7A70];
	v29 =	vbroadcast v2, $0x5;
	[tilespmem:s30+$0x79C0] =	vst v3;
	v3 =	vmul.f32 v22, v16  }
0x80: {  	[tilespmem:s30+$0x79D0] =	vst v27;
	v31 =	vmul.f32 v23, v16;
	v32 =	vld [tilespmem:s30+$0x7A40]  }
0x81: {  	v26 =	vld [tilespmem:s30+$0x7A10];
	[tilespmem:s30+$0x79E0] =	vst v3;
	v3 =	vmul.f32 v25, v29  }
0x82: {  	[tilespmem:s30+$0x79F0] =	vst v31;
	v40 =	vmul.f32 v33, v29;
	v35 =	vld [tilespmem:s30+$0x7A60]  }
0x83: {  	v30 =	vld [tilespmem:s30+$0x7A30];
	[tilespmem:s30+$0x7A00] =	vst v3;
	v3 =	vmul.f32 v28, v29  }
0x84: {  	v44 =	vmul.f32 v36, v29;
	[tilespmem:s30+$0x7A50] =	vst v40;
	v38 =	vld [tilespmem:s30+$0x7A80]  }
0x85: {  	v39 =	vld [tilespmem:s30+$0x7A90];
	[tilespmem:s30+$0x7A20] =	vst v3;
	v3 =	vmul.f32 v32, v29  }
0x86: {  	v34 =	vmul.f32 v26, v29;
	[tilespmem:s30+$0x7A70] =	vst v44;
	v41 =	vld [tilespmem:s30+$0x7AA0]  }
0x87: {  	v43 =	vld [tilespmem:s30+$0x7AB0];
	v42 =	vbroadcast v2, $0x6;
	[tilespmem:s30+$0x7A40] =	vst v3;
	v3 =	vmul.f32 v35, v29  }
0x88: {  	[tilespmem:s30+$0x7A10] =	vst v34;
	v37 =	vmul.f32 v30, v29;
	v45 =	vld [tilespmem:s30+$0x7AC0]  }
0x89: {  	v46 =	vld [tilespmem:s30+$0x7AD0];
	[tilespmem:s30+$0x7A60] =	vst v3;
	v3 =	vmul.f32 v38, v42  }
0x8a: {  	[tilespmem:s30+$0x7A30] =	vst v37;
	v48 =	vld [tilespmem:s30+$0x7AE0];
	v47 =	vmul.f32 v39, v42  }
0x8b: {  	v49 =	vld [tilespmem:s30+$0x7AF0];
	[tilespmem:s30+$0x7A80] =	vst v3;
	v3 =	vmul.f32 v41, v42  }
0x8c: {  	v50 =	vmul.f32 v43, v42;
	v51 =	vld [tilespmem:s30+$0x7B00];
	[tilespmem:s30+$0x7A90] =	vst v47  }
0x8d: {  	v52 =	vld [tilespmem:s30+$0x7B10];
	[tilespmem:s30+$0x7AA0] =	vst v3;
	v3 =	vmul.f32 v45, v42  }
0x8e: {  	v53 =	vmul.f32 v46, v42;
	[tilespmem:s30+$0x7AB0] =	vst v50;
	v54 =	vld [tilespmem:s30+$0x7B20]  }
0x8f: {  	v56 =	vld [tilespmem:s30+$0x7B30];
	v55 =	vbroadcast v2, $0x7;
	[tilespmem:s30+$0x7AC0] =	vst v3;
	v3 =	vmul.f32 v48, v42  }
0x90: {  	v57 =	vmul.f32 v49, v42;
	[tilespmem:s30+$0x7AD0] =	vst v53;
	v58 =	vld [tilespmem:s30+$0x7B40]  }
0x91: {  	v59 =	vld [tilespmem:s30+$0x7B50];
	[tilespmem:s30+$0x7AE0] =	vst v3;
	v3 =	vmul.f32 v51, v55  }
0x92: {  	[tilespmem:s30+$0x7AF0] =	vst v57;
	v61 =	vld [tilespmem:s30+$0x7B60];
	v60 =	vmul.f32 v52, v55  }
0x93: {  	v62 =	vld [tilespmem:s30+$0x7B70];
	[tilespmem:s30+$0x7B00] =	vst v3;
	v3 =	vmul.f32 v54, v55  }
0x94: {  	v63 =	vmul.f32 v56, v55;
	v12 =	vld [tilespmem:s30+$0x7B80];
	[tilespmem:s30+$0x7B10] =	vst v60  }
0x95: {  	v13 =	vld [tilespmem:s30+$0x7B90];
	[tilespmem:s30+$0x7B20] =	vst v3;
	v3 =	vmul.f32 v58, v55  }
0x96: {  	v14 =	vmul.f32 v59, v55;
	[tilespmem:s30+$0x7B30] =	vst v63;
	v15 =	vld [tilespmem:s30+$0x7BA0]  }
0x97: {  	v17 =	vld [tilespmem:s30+$0x7BB0];
	v16 =	vbroadcast v2, $0x8;
	[tilespmem:s30+$0x7B40] =	vst v3;
	v3 =	vmul.f32 v61, v55  }
0x98: {  	v18 =	vmul.f32 v62, v55;
	[tilespmem:s30+$0x7B50] =	vst v14;
	v19 =	vld [tilespmem:s30+$0x7BC0]  }
0x99: {  	v20 =	vld [tilespmem:s30+$0x7BD0];
	[tilespmem:s30+$0x7B60] =	vst v3;
	v3 =	vmul.f32 v12, v16  }
0x9a: {  	[tilespmem:s30+$0x7B70] =	vst v18;
	v22 =	vld [tilespmem:s30+$0x7BE0];
	v21 =	vmul.f32 v13, v16  }
0x9b: {  	v23 =	vld [tilespmem:s30+$0x7BF0];
	[tilespmem:s30+$0x7B80] =	vst v3;
	v3 =	vmul.f32 v15, v16  }
0x9c: {  	v24 =	vmul.f32 v17, v16;
	v25 =	vld [tilespmem:s30+$0x7C00];
	[tilespmem:s30+$0x7B90] =	vst v21  }
0x9d: {  	v26 =	vld [tilespmem:s30+$0x7C10];
	[tilespmem:s30+$0x7BA0] =	vst v3;
	v3 =	vmul.f32 v19, v16  }
0x9e: {  	v27 =	vmul.f32 v20, v16;
	[tilespmem:s30+$0x7BB0] =	vst v24;
	v28 =	vld [tilespmem:s30+$0x7C20]  }
0x9f: {  	v30 =	vld [tilespmem:s30+$0x7C30];
	v29 =	vbroadcast v2, $0x9;
	[tilespmem:s30+$0x7BC0] =	vst v3;
	v3 =	vmul.f32 v22, v16  }
0xa0: {  	v31 =	vmul.f32 v23, v16;
	[tilespmem:s30+$0x7BD0] =	vst v27;
	v32 =	vld [tilespmem:s30+$0x7C40]  }
0xa1: {  	v33 =	vld [tilespmem:s30+$0x7C50];
	[tilespmem:s30+$0x7BE0] =	vst v3;
	v3 =	vmul.f32 v25, v29  }
0xa2: {  	[tilespmem:s30+$0x7BF0] =	vst v31;
	v35 =	vld [tilespmem:s30+$0x7C60];
	v34 =	vmul.f32 v26, v29  }
0xa3: {  	v36 =	vld [tilespmem:s30+$0x7C70];
	[tilespmem:s30+$0x7C00] =	vst v3;
	v3 =	vmul.f32 v28, v29  }
0xa4: {  	v37 =	vmul.f32 v30, v29;
	v38 =	vld [tilespmem:s30+$0x7C80];
	[tilespmem:s30+$0x7C10] =	vst v34  }
0xa5: {  	v39 =	vld [tilespmem:s30+$0x7C90];
	[tilespmem:s30+$0x7C20] =	vst v3;
	v3 =	vmul.f32 v32, v29  }
0xa6: {  	v40 =	vmul.f32 v33, v29;
	[tilespmem:s30+$0x7C30] =	vst v37;
	v41 =	vld [tilespmem:s30+$0x7CA0]  }
0xa7: {  	v43 =	vld [tilespmem:s30+$0x7CB0];
	v42 =	vbroadcast v2, $0xA;
	[tilespmem:s30+$0x7C40] =	vst v3;
	v3 =	vmul.f32 v35, v29  }
0xa8: {  	v44 =	vmul.f32 v36, v29;
	[tilespmem:s30+$0x7C50] =	vst v40;
	v45 =	vld [tilespmem:s30+$0x7CC0]  }
0xa9: {  	v46 =	vld [tilespmem:s30+$0x7CD0];
	[tilespmem:s30+$0x7C60] =	vst v3;
	v3 =	vmul.f32 v38, v42  }
0xaa: {  	[tilespmem:s30+$0x7C70] =	vst v44;
	v48 =	vld [tilespmem:s30+$0x7CE0];
	v47 =	vmul.f32 v39, v42  }
0xab: {  	v49 =	vld [tilespmem:s30+$0x7CF0];
	[tilespmem:s30+$0x7C80] =	vst v3;
	v3 =	vmul.f32 v41, v42  }
0xac: {  	v50 =	vmul.f32 v43, v42;
	v51 =	vld [tilespmem:s30+$0x7D00];
	[tilespmem:s30+$0x7C90] =	vst v47  }
0xad: {  	v52 =	vld [tilespmem:s30+$0x7D10];
	[tilespmem:s30+$0x7CA0] =	vst v3;
	v3 =	vmul.f32 v45, v42  }
0xae: {  	v53 =	vmul.f32 v46, v42;
	[tilespmem:s30+$0x7CB0] =	vst v50;
	v54 =	vld [tilespmem:s30+$0x7D20]  }
0xaf: {  	v56 =	vld [tilespmem:s30+$0x7D30];
	v55 =	vbroadcast v2, $0xB;
	[tilespmem:s30+$0x7CC0] =	vst v3;
	v3 =	vmul.f32 v48, v42  }
0xb0: {  	v57 =	vmul.f32 v49, v42;
	[tilespmem:s30+$0x7CD0] =	vst v53;
	v58 =	vld [tilespmem:s30+$0x7D40]  }
0xb1: {  	v59 =	vld [tilespmem:s30+$0x7D50];
	[tilespmem:s30+$0x7CE0] =	vst v3;
	v3 =	vmul.f32 v51, v55  }
0xb2: {  	[tilespmem:s30+$0x7CF0] =	vst v57;
	v61 =	vld [tilespmem:s30+$0x7D60];
	v60 =	vmul.f32 v52, v55  }
0xb3: {  	v62 =	vld [tilespmem:s30+$0x7D70];
	[tilespmem:s30+$0x7D00] =	vst v3;
	v3 =	vmul.f32 v54, v55  }
0xb4: {  	v63 =	vmul.f32 v56, v55;
	v12 =	vld [tilespmem:s30+$0x7D80];
	[tilespmem:s30+$0x7D10] =	vst v60  }
0xb5: {  	v13 =	vld [tilespmem:s30+$0x7D90];
	[tilespmem:s30+$0x7D20] =	vst v3;
	v3 =	vmul.f32 v58, v55  }
0xb6: {  	v14 =	vmul.f32 v59, v55;
	[tilespmem:s30+$0x7D30] =	vst v63;
	v15 =	vld [tilespmem:s30+$0x7DA0]  }
0xb7: {  	v17 =	vld [tilespmem:s30+$0x7DB0];
	v16 =	vbroadcast v2, $0xC;
	[tilespmem:s30+$0x7D40] =	vst v3;
	v3 =	vmul.f32 v61, v55  }
0xb8: {  	v18 =	vmul.f32 v62, v55;
	[tilespmem:s30+$0x7D50] =	vst v14;
	v19 =	vld [tilespmem:s30+$0x7DC0]  }
0xb9: {  	v20 =	vld [tilespmem:s30+$0x7DD0];
	[tilespmem:s30+$0x7D60] =	vst v3;
	v3 =	vmul.f32 v12, v16  }
0xba: {  	[tilespmem:s30+$0x7D70] =	vst v18;
	v22 =	vld [tilespmem:s30+$0x7DE0];
	v21 =	vmul.f32 v13, v16  }
0xbb: {  	v23 =	vld [tilespmem:s30+$0x7DF0];
	[tilespmem:s30+$0x7D80] =	vst v3;
	v3 =	vmul.f32 v15, v16  }
0xbc: {  	v24 =	vmul.f32 v17, v16;
	v25 =	vld [tilespmem:s30+$0x7E00];
	[tilespmem:s30+$0x7D90] =	vst v21  }
0xbd: {  	v26 =	vld [tilespmem:s30+$0x7E10];
	[tilespmem:s30+$0x7DA0] =	vst v3;
	v3 =	vmul.f32 v19, v16  }
0xbe: {  	v27 =	vmul.f32 v20, v16;
	[tilespmem:s30+$0x7DB0] =	vst v24;
	v28 =	vld [tilespmem:s30+$0x7E20]  }
0xbf: {  	v30 =	vld [tilespmem:s30+$0x7E30];
	v29 =	vbroadcast v2, $0xD;
	[tilespmem:s30+$0x7DC0] =	vst v3;
	v3 =	vmul.f32 v22, v16  }
0xc0: {  	v31 =	vmul.f32 v23, v16;
	[tilespmem:s30+$0x7DD0] =	vst v27;
	v32 =	vld [tilespmem:s30+$0x7E40]  }
0xc1: {  	v33 =	vld [tilespmem:s30+$0x7E50];
	[tilespmem:s30+$0x7DE0] =	vst v3;
	v3 =	vmul.f32 v25, v29  }
0xc2: {  	[tilespmem:s30+$0x7DF0] =	vst v31;
	v35 =	vld [tilespmem:s30+$0x7E60];
	v34 =	vmul.f32 v26, v29  }
0xc3: {  	v36 =	vld [tilespmem:s30+$0x7E70];
	[tilespmem:s30+$0x7E00] =	vst v3;
	v3 =	vmul.f32 v28, v29  }
0xc4: {  	v37 =	vmul.f32 v30, v29;
	v38 =	vld [tilespmem:s30+$0x7E80];
	[tilespmem:s30+$0x7E10] =	vst v34  }
0xc5: {  	v39 =	vld [tilespmem:s30+$0x7E90];
	[tilespmem:s30+$0x7E20] =	vst v3;
	v3 =	vmul.f32 v32, v29  }
0xc6: {  	v40 =	vmul.f32 v33, v29;
	[tilespmem:s30+$0x7E30] =	vst v37;
	v41 =	vld [tilespmem:s30+$0x7EA0]  }
0xc7: {  	v43 =	vld [tilespmem:s30+$0x7EB0];
	v42 =	vbroadcast v2, $0xE;
	[tilespmem:s30+$0x7E40] =	vst v3;
	v3 =	vmul.f32 v35, v29  }
0xc8: {  	v44 =	vmul.f32 v36, v29;
	[tilespmem:s30+$0x7E50] =	vst v40;
	v45 =	vld [tilespmem:s30+$0x7EC0]  }
0xc9: {  	v46 =	vld [tilespmem:s30+$0x7ED0];
	[tilespmem:s30+$0x7E60] =	vst v3;
	v3 =	vmul.f32 v38, v42  }
0xca: {  	[tilespmem:s30+$0x7E70] =	vst v44;
	v48 =	vld [tilespmem:s30+$0x7EE0];
	v47 =	vmul.f32 v39, v42  }
0xcb: {  	v49 =	vld [tilespmem:s30+$0x7EF0];
	[tilespmem:s30+$0x7E80] =	vst v3;
	v3 =	vmul.f32 v41, v42  }
0xcc: {  	v50 =	vmul.f32 v43, v42;
	v51 =	vld [tilespmem:s30+$0x7F00];
	[tilespmem:s30+$0x7E90] =	vst v47  }
0xcd: {  	v52 =	vld [tilespmem:s30+$0x7F10];
	[tilespmem:s30+$0x7EA0] =	vst v3;
	v3 =	vmul.f32 v45, v42  }
0xce: {  	v53 =	vmul.f32 v46, v42;
	[tilespmem:s30+$0x7EB0] =	vst v50;
	v54 =	vld [tilespmem:s30+$0x7F20]  }
0xcf: {  	v2 =	vbroadcast v2, $0xF;
	v58 =	vld [tilespmem:s30+$0x7F50];
	[tilespmem:s30+$0x7EC0] =	vst v3;
	v3 =	vmul.f32 v48, v42  }
0xd0: {  	v57 =	vld [tilespmem:s30+$0x7F40];
	v56 =	vmul.f32 v49, v42;
	[tilespmem:s30+$0x7ED0] =	vst v53  }
0xd1: {  	v55 =	vld [tilespmem:s30+$0x7F30];
	[tilespmem:s30+$0x7EE0] =	vst v3;
	v3 =	vmul.f32 v51, v2  }
0xd2: {  	v60 =	vld [tilespmem:s30+$0x7F60];
	v59 =	vmul.f32 v52, v2;
	[tilespmem:s30+$0x7EF0] =	vst v56  }
0xd3: {  	v61 =	vld [tilespmem:s30+$0x7F70];
	[tilespmem:s30+$0x7F00] =	vst v3;
	v3 =	vmul.f32 v54, v2  }
0xd4: {  	[tilespmem:s30+$0x7F10] =	vst v59;
	v63 =	vmul.f32 v58, v2  }
0xd5: {  	p0 =	sne.s32 s29, $0x7;
	[tilespmem:s30+$0x7F20] =	vst v3;
	v3 =	vmul.f32 v57, v2  }
.Ltmp1:
0xd6: {  	v62 =	vmul.f32 v55, v2;
	[tilespmem:s30+$0x7F50] =	vst v63;
	(pc) =	sbr.rel @p0 .LBB2_5-.Ltmp1, $4  }
0xd7: {  	[tilespmem:s30+$0x7F40] =	vst v3;
	v3 =	vmul.f32 v60, v2  }
0xd8: {  	[tilespmem:s30+$0x7F30] =	vst v62;
	v2 =	vmul.f32 v61, v2  }
0xd9: {  	[tilespmem:s30+$0x7F60] =	vst v3  }
0xda: {  	s29 =	sadd.s32 $0x1, s29;
	[tilespmem:s30+$0x7F70] =	vst v2  }
0xdb: {  	s26 =	sadd.s32 $0x1, s26  }
0xdc: {  	p0 =	sne.s32 s26, $0x4F  }
.Ltmp2:
0xdd: {  	s28 =	sadd.s32 $0x2800, s28;
	(pc) =	sbr.rel @p0 .LBB2_4-.Ltmp2, $4  }
0xde: {  	[spmem:s3] =	stream.indirect.scatter.add.f32 [tilespmem:s20], [sflag:$0x2], $0x80, s28, s17, $0xb8;
	[tilespmem:$0x1F780] =	vst v63  }
0xdf: {  	_ =	swait.ge [sflag:s15], $0x4000  }
0xe0: {  	[sflag:s15] =	ssyncset.done $0x0  }
0xe1: {  	[sflag:s15] =	ssyncadd.s32 $0xFFFFC000  }
0xe2: {  	s25 =	sadd.s32 $0x1, s25  }
0xe3: {  	p0 =	sne.s32 s25, s14  }
.Ltmp3:
0xe4: {  	[bflag:$0x0] =	sbarrier.arrive $0xFFFF;
	(pc) =	sbr.rel @p0 .LBB2_1-.Ltmp3, $4  }
0xe5: {  	[hbm:s22], [sflag:s23] =	dma.local [spmem:s24], $0x2800  }
0xe6: {  	_ =	swait.ge [sflag:s15], $0x2800  }
0xe7: {  	[sflag:s15] =	ssyncset.done $0x0  }
0xe8: {  	[sflag:s15] =	ssyncadd.s32 $0xFFFFD800  }
0xe9: {  	_ =	sfence.sel $0x180000  }
0xea: {  	[bflag:$0x0] =	sbarrier.arrive $0xFFFF  }
0xeb: {  	p0 =	sne.s32 s2, $0x0;
	_ =	strace $0x90000047  }
0xec: {  	s0 =	sadd.s32 @!p0 $0x100000, s1;
	[bflag:$0x2] =	sbarrier.arrive $0xFFFF  }
0xed: {  	[sflag:s0] =	ssyncadd.tile.s32 @!p0 $0x1;
	_ =	shalt  }
.Lfunc_end2:
_tile_overlayer_lowered:
.L_overlay_start_2:
0xee: {  	(tag) =	ssettag $0x2  }
0xef: {  	s0 =	rddreg [dreg:$0x0];
	s2 =	stileid.u32  }
0xf0: {  	s1 =	rddreg [dreg:$0x1];
	p0 =	sne.s32 s2, $0x0  }
0xf1: {  	s3 =	rddreg [dreg:$0x2];
	[bflag:$0x3] =	sbarrier.arrive $0xFFFF;
	s2 =	simm.s32 @!p0 $0x1C02  }
0xf2: {  	[timem:s3], [sflag:s2] =	dma.local @!p0 [hbm:s0], s1  }
0xf3: {  	s0 =	simm.s32 @!p0 $0x2  }
0xf4: {  	_ =	swait.ge @!p0 [sflag:s0], s1  }
0xf5: {  	s1 =	ssub.s32 @!p0 $0x0, s1;
	[sflag:s0] =	ssyncset.done @!p0 $0x0  }
0xf6: {  	[sflag:s0] =	ssyncadd.s32 @!p0 s1  }
0xf7: {  	[bflag:$0x3] =	sbarrier.arrive $0xFFFF  }
0xf8: {  	_ =	shalt  }

// kernel: spmm_sc.7.cloned.1.call-start
scs
__scs_entry_jumppad:
0x0: {  	(pc) =	sbr.rel $0x88, $3  }
0x1: {  	(tag) =	ssettag $0x0;
	lr =	simm.s32 $0x1  }
0x2: {  	[smem:$0x3F9D] =	sst lr;
	_ =	strace $0xD0000000  }
0x3: {  	_ = 	snop  }
0x4: {  	_ = 	snop  }
0x5: {  	_ = 	snop  }
0x6: {  	_ = 	snop  }
0x7: {  	_ = 	snop  }
__scs_overlays_trampoline_lowered:
0x8: {  	[smem:$0x3FAC] =	sst s0  }
0x9: {  	[smem:$0x3FAD] =	sst s1  }
0xa: {  	[smem:$0x3FAE] =	sst s2  }
0xb: {  	[smem:$0x3FAF] =	sst s3  }
0xc: {  	[smem:$0x3FB0] =	sst s4  }
0xd: {  	[smem:$0x3FB1] =	sst s5  }
0xe: {  	[smem:$0x3FB2] =	sst s6  }
0xf: {  	[smem:$0x3FB3] =	sst s7  }
0x10: {  	[smem:$0x3FB4] =	sst s8  }
0x11: {  	[smem:$0x3FB5] =	sst s9;
	s0 =	simm.s32 @!p0 $0x0  }
0x12: {  	s1 =	sld [smem:$0x3F9B];
	s0 =	simm.s32 @p0 $0x1  }
0x13: {  	[smem:$0x3FB6] =	sst s0;
	s0 =	simm.s32 @!p1 $0x0  }
0x14: {  	s2 =	sld [smem:$0x3F9A];
	s0 =	simm.s32 @p1 $0x1  }
0x15: {  	[smem:$0x3FB7] =	sst s0;
	s0 =	simm.s32 @!p2 $0x0  }
0x16: {  	s3 =	sld [smem:$0x3FDB];
	s0 =	simm.s32 @p2 $0x1  }
0x17: {  	s4 =	simm.s32 $0x1BF5;
	[smem:$0x3FB9] =	sst s0  }
0x18: {  	s0 =	sld [smem:$0x3F9C];
	_ =	swait.ge [sflag:s4], $0x0  }
0x19: {  	s7 =	sld [smem:$0x3F9D]  }
0x1a: {  	s8 =	sadd.s32 $0xFFFFE003, lr  }
0x1b: {  	s9 =	sadd.s32 $0xFFFFFEF7, lr;
	s5 =	simm.s32 $0xFFFFFFFF;
	p2 =	slt.u32 s8, $0xFFFFF086  }
0x1c: {  	p1 =	slt.u32 s9, $0xF7A;
	s5 =	simm.s32 @!p2 $0x0  }
0x1d: {  	s5 =	simm.s32 @p1 $0x1;
	p0 =	seq.s32 s7, s2  }
0x1e: {  	s7 =	smul.u32 @!p0 $0xF7A, s2;
	p2 =	seq.s32 @!p0 s5, $0x0  }
0x1f: {  	s9 =	smul.u32 $0xF7A, s1;
	s8 =	simm.s32 @!p0 $0x1BF5;
	p2 =	por !p2, p0  }
0x20: {  	[sflag:s8] =	ssyncset.s32 @!p0 $0xFFFFF086;
	s6 =	sadd.s32 @!p0 s3, s7;
	s7 =	simm.s32 @!p0 $0x108  }
0x21: {  	s3 =	sadd.s32 s3, s9;
	s6 =	sadd.s32 @!p0 $0x88, s6;
	s7 =	simm.s32 @p2 $0x1082  }
0x22: {  	[simem:s7], [sflag:s8] =	dma.local @!p0 [hbm:s6], $0xF7A  }
0x23: {  	s9 =	sor.u32 $0xD0000000, s2;
	s6 =	simm.s32 $0x108;
	_ =	swait.ge @!p0 [sflag:s8], $0x0  }
0x24: {  	s3 =	sadd.s32 $0x88, s3;
	s6 =	simm.s32 @!p1 $0x1082;
	[sflag:s4] =	ssyncset.s32 $0xFFFFF086  }
0x25: {  	[simem:s6], [sflag:s4] =	dma.local [hbm:s3], $0xF7A  }
0x26: {  	[smem:$0x3F9D] =	sst s1;
	(tag) =	ssettag s2;
	_ =	strace s9  }
0x27: {  	s1 =	sld [smem:$0x3FAD]  }
0x28: {  	s2 =	sld [smem:$0x3FAE]  }
0x29: {  	s4 =	sld [smem:$0x3FB0]  }
0x2a: {  	p0 =	seq.s32 s5, $0x0;
	s5 =	sld [smem:$0x3FB1]  }
0x2b: {  	s6 =	sld [smem:$0x3FB2]  }
0x2c: {  	s7 =	sld [smem:$0x3FB3]  }
0x2d: {  	s3 =	simm.s32 $0x108;
	s8 =	sld [smem:$0x3FB4]  }
0x2e: {  	s3 =	simm.s32 @!p0 $0x1082;
	s9 =	sld [smem:$0x3FB5]  }
0x2f: {  	lr =	sadd.s32 s0, s3;
	s0 =	sld [smem:$0x3FAC]  }
0x30: {  	s3 =	sld [smem:$0x3FAF]  }
0x31: {  	[smem:$0x3FB8] =	sst s10  }
0x32: {  	s10 =	sld [smem:$0x3FB6];
	_ =	sdelay $0x3  }
0x33: {  	p0 =	seq.s32 s10, $0x1;
	s10 =	sld [smem:$0x3FB8];
	_ =	sdelay $0x3  }
0x34: {  	[smem:$0x3FB8] =	sst s10  }
0x35: {  	s10 =	sld [smem:$0x3FB7];
	_ =	sdelay $0x3  }
0x36: {  	p1 =	seq.s32 s10, $0x1;
	s10 =	sld [smem:$0x3FB8];
	_ =	sdelay $0x3  }
0x37: {  	[smem:$0x3FB8] =	sst s10  }
0x38: {  	s10 =	sld [smem:$0x3FB9]  }
0x39: {  	_ = 	snop;
	(pc) =	sbr.ind lr, $3  }
0x3a: {  	_ = 	snop  }
0x3b: {  	_ = 	snop  }
0x3c: {  	p2 =	seq.s32 s10, $0x1;
	s10 =	sld [smem:$0x3FB8]  }
0x3d: {  	_ =	shalt  }
0x3e: {  	_ =	shalt  }
0x3f: {  	_ =	shalt  }
0x40: {  	_ =	shalt  }
0x41: {  	_ =	shalt  }
0x42: {  	_ =	shalt  }
0x43: {  	_ =	shalt  }
0x44: {  	_ =	shalt  }
0x45: {  	_ =	shalt  }
0x46: {  	_ =	shalt  }
0x47: {  	_ =	shalt  }
0x48: {  	_ =	shalt  }
0x49: {  	_ =	shalt  }
0x4a: {  	_ =	shalt  }
0x4b: {  	_ =	shalt  }
0x4c: {  	_ =	shalt  }
0x4d: {  	_ =	shalt  }
0x4e: {  	_ =	shalt  }
0x4f: {  	_ =	shalt  }
0x50: {  	_ =	shalt  }
0x51: {  	_ =	shalt  }
0x52: {  	_ =	shalt  }
0x53: {  	_ =	shalt  }
0x54: {  	_ =	shalt  }
0x55: {  	_ =	shalt  }
0x56: {  	_ =	shalt  }
0x57: {  	_ =	shalt  }
0x58: {  	_ =	shalt  }
0x59: {  	_ =	shalt  }
0x5a: {  	_ =	shalt  }
0x5b: {  	_ =	shalt  }
0x5c: {  	_ =	shalt  }
0x5d: {  	_ =	shalt  }
0x5e: {  	_ =	shalt  }
0x5f: {  	_ =	shalt  }
0x60: {  	_ =	shalt  }
0x61: {  	_ =	shalt  }
0x62: {  	_ =	shalt  }
0x63: {  	_ =	shalt  }
0x64: {  	_ =	shalt  }
0x65: {  	_ =	shalt  }
0x66: {  	_ =	shalt  }
0x67: {  	_ =	shalt  }
0x68: {  	_ =	shalt  }
0x69: {  	_ =	shalt  }
0x6a: {  	_ =	shalt  }
0x6b: {  	_ =	shalt  }
0x6c: {  	_ =	shalt  }
0x6d: {  	_ =	shalt  }
0x6e: {  	_ =	shalt  }
0x6f: {  	_ =	shalt  }
0x70: {  	_ =	shalt  }
0x71: {  	_ =	shalt  }
0x72: {  	_ =	shalt  }
0x73: {  	_ =	shalt  }
0x74: {  	_ =	shalt  }
0x75: {  	_ =	shalt  }
0x76: {  	_ =	shalt  }
0x77: {  	_ =	shalt  }
0x78: {  	_ =	shalt  }
0x79: {  	_ =	shalt  }
0x7a: {  	_ =	shalt  }
0x7b: {  	_ =	shalt  }
0x7c: {  	_ =	shalt  }
0x7d: {  	_ =	shalt  }
0x7e: {  	_ =	shalt  }
0x7f: {  	_ =	shalt  }
0x80: {  	_ =	shalt  }
0x81: {  	_ =	shalt  }
0x82: {  	_ =	shalt  }
0x83: {  	_ =	shalt  }
0x84: {  	_ =	shalt  }
0x85: {  	_ =	shalt  }
0x86: {  	_ =	shalt  }
0x87: {  	_ =	shalt  }
.Lfunc_end0:
.L_simem_size_0:
called_computation.1_lowered:
.L_overlay_start_0:
0x88: {  	s2 =	sld [smem:$0x3FD9]  }
0x89: {  	s3 =	sld [smem:$0x3FFE];
	_ =	sdelay $0x1  }
0x8a: {  	s1 =	srdreg.scid  }
0x8b: {  	s0 =	sand.u32 $0x1, s1  }
0x8c: {  	s17 =	sshll.u32 s0, $0xA;
	s2 =	sadd.s32 s3, s2  }
0x8d: {  	s2 =	sadd.s32 s2, s17  }
0x8e: {  	[smem:$0x3FC4] =	sst s2  }
0x8f: {  	_ = 	snop  }
0x90: {  	s2 =	sld [smem:$0x3FD0];
	(tm) =	ssettm $0x1  }
0x91: {  	s18 =	sld [smem:$0x3FFB];
	_ =	sdelay $0x3  }
0x92: {  	_ =	strace s18  }
0x93: {  	s3 =	sld [smem:$0x3FFC];
	_ =	sdelay $0x3  }
0x94: {  	_ =	strace s3  }
0x95: {  	s3 =	sld [smem:$0x3FFD];
	_ =	sdelay $0x3  }
0x96: {  	_ =	strace s3  }
0x97: {  	_ =	strace $0x8FFFFFFF  }
0x98: {  	s19 =	sld [smem:$0x3FDB];
	_ =	sdelay $0x1  }
0x99: {  	s4 =	simm.s32 $_scs_section_size  }
0x9a: {  	s5 =	simm.s32 $_size__tile_overlayer_lowered;
	s6 =	simm.s32 $_tile_overlayer_lowered  }
0x9b: {  	s22 =	simm.s32 $0x1BFF;
	s21 =	sshll.u32 s6, $0x1;
	s3 =	sadd.s32 s4, s19  }
0x9c: {  	s7 =	simm.s32 $0x0;
	s20 =	sshll.u32 s5, $0x1;
	s5 =	sadd.s32 s21, s3  }
0x9d: {  	[timem:s7], [sflag:s22] =	dma.local [hbm:s5], s20  }
0x9e: {  	_ =	swait.ge [sflag:s22], s20  }
0x9f: {  	s4 =	ssub.s32 $0x0, s20;
	[sflag:s22] =	ssyncset.done $0x0  }
0xa0: {  	[sflag:s22] =	ssyncadd.s32 s4;
	_ =	sdelay $0x1  }
0xa1: {  	s23 =	simm.s32 $0x1B8B  }
0xa2: {  	_ =	swait.ge [sflag:s23], $0x1  }
0xa3: {  	[sflag:s23] =	ssyncset.done $0x0  }
0xa4: {  	s25 =	simm.s32 $0x1B8E;
	s24 =	sld [smem:$0x3FFE];
	[sflag:s23] =	ssyncadd.s32 $0xFFFFFFFF  }
0xa5: {  	s26 =	simm.s32 $execute0_lowered;
	[smem:$0x3FD2] =	sst s25  }
0xa6: {  	s5 =	sshll.u32 s26, $0x1;
	_ =	strace $0x80000049;
	[dreg:$0x1] =	wrdreg $0xFFFFFFFF  }
0xa7: {  	s28 =	simm.s32 $_size_execute0_lowered;
	s3 =	sadd.s32 s3, s5;
	[dreg:$0x0] =	wrdreg $0x0  }
0xa8: {  	s5 =	sshll.u32 s28, $0x1;
	[dreg:$0x2] =	wrdreg s3  }
0xa9: {  	[dreg:$0x3] =	wrdreg s5  }
0xaa: {  	[dreg:$0x4] =	wrdreg $0xC0  }
0xab: {  	_ =	task [dreg:s7], $0x5FFFF  }
0xac: {  	[dreg:$0x1] =	wrdreg $0xFFFFFFFF  }
0xad: {  	[dreg:$0x0] =	wrdreg $0x60  }
0xae: {  	[dreg:$0x2] =	wrdreg s2  }
0xaf: {  	[dreg:$0x3] =	wrdreg s24  }
0xb0: {  	[dreg:$0x4] =	wrdreg $0xB7800  }
0xb1: {  	[dreg:$0x5] =	wrdreg $0x9  }
0xb2: {  	_ =	task.clear_ibuf [dreg:s7], $0x6FFFF;
	_ =	strace $0x90000049  }
0xb3: {  	s29 =	simm.s32 $0x9;
	_ =	strace $0x8000004B  }
0xb4: {  	_ =	swait.ge [sflag:s29], $0x1  }
0xb5: {  	[sflag:s29] =	ssyncadd.s32 $0xFFFFFFFF  }
0xb6: {  	_ =	strace $0x9000004B  }
0xb7: {  	_ =	sfence  }
0xb8: {  	s30 =	sld [smem:$0x0];
	_ =	sdelay $0x2  }
0xb9: {  	s31 =	sshll.u32 s1, $0xD;
	s1 =	sshrl.u32 s1, $0x2  }
0xba: {  	s3 =	sand.u32 $0x4000, s31;
	s1 =	sadd.s32 s1, s30  }
0xbb: {  	s0 =	sor.u32 s3, s0;
	s1 =	sshll.u32 s1, $0x11  }
0xbc: {  	s0 =	sor.u32 s1, s0  }
0xbd: {  	s0 =	sadd.s32 $0x8F2B, s0  }
0xbe: {  	[sflag:s0] =	ssyncadd.remote.s32 $0x1  }
0xbf: {  	_ =	sfence.sel $0xFFFF  }
0xc0: {  	[dreg:$0x0] =	wrdreg $0xFFFFFFFF;
	(pc) =	sbr.abs _section_cstart, $3  }
0xc1: {  	[dreg:$0x1] =	wrdreg $0xFFFFFFFF  }
0xc2: {  	_ =	task.clear_ibuf [dreg:s7], $0x2FFFF;
	_ =	strace $0x9FFFFFFF  }
0xc3: {  	(tm) =	ssettm $0x7FFFFFFF  }
tec
execute0_lowered:
.L_overlay_start_1:
0x0: {  	(tag) =	ssettag $0x1  }
0x1: {  	s0 =	rddreg [dreg:$0x0]  }
0x2: {  	s1 =	srdreg.scid;
	s5 =	rddreg [dreg:$0x1]  }
0x3: {  	s3 =	rddreg [dreg:$0x2];
	s2 =	stileid.u32  }
0x4: {  	s16 =	simm.s32 $0x2800;
	s17 =	simm.s32 $0x80;
	s18 =	simm.s32 $0x400  }
0x5: {  	s19 =	simm.s32 $0x5000;
	s20 =	simm.s32 $0x7780;
	s21 =	simm.s32 $0x1  }
0x6: {  	s25 =	simm.s32 $0x0;
	s6 =	sand.u32 $0x1, s1;
	s11 =	smul.u32 $0x50000, s2  }
0x7: {  	s1 =	rddreg [dreg:$0x3];
	s10 =	sshll.u32 s2, $0x7;
	s23 =	smul.u32 $0x2800, s2  }
0x8: {  	s31 =	sshll.u32 s2, $0x6;
	s4 =	sshll.u32 s6, $0x4;
	s10 =	sand.u32 $0x380, s10  }
0x9: {  	s28 =	smul.u32 $0x28000, s6;
	s6 =	ssub.s32 $0x2, s6;
	s8 =	sor.u32 s2, s4  }
0xa: {  	s4 =	simm.s32 $0x0;
	s29 =	sshrl.u32 s6, $0x1;
	s30 =	sshrl.u32 s11, $0x2  }
0xb: {  	s7 =	smul.u32 $0x500, s8;
	s9 =	sshrl.u32 s8, $0x3;
	[smem:$0x7FF] =	sst s4  }
0xc: {  	s14 =	sadd.s32 s28, s5;
	s15 =	ssub.s32 s6, s29;
	s13 =	smul.u32 $0x4F, s8  }
0xd: {  	s9 =	smul.u32 $0x13C00, s9;
	_ =	strace $0x8000004A;
	s22 =	sadd.s32 $0x1E600, s14  }
0xe: {  	s14 =	smax.u32 s15, $0x1;
	s15 =	simm.s32 $0x2;
	s7 =	sadd.s32 s7, s5  }
0xf: {  	s13 =	sshrl.u32 s13, $0x5;
	s22 =	sadd.s32 s23, s22;
	s9 =	sor.u32 s10, s9  }
0x10: {  	s23 =	sor.u32 $0x1C02, s31;
	s6 =	sadd.s32 $0x14600, s7;
	s9 =	sshrl.u32 s9, $0x3  }
0x11: {  	s9 =	sadd.s32 s9, s5;
	s5 =	sadd.s32 $0xA600, s7;
	s7 =	sadd.s32 s30, s3  }
0x12: {  	s8 =	sadd.s32 $0x800, s9;
	s9 =	sadd.s32 $0x4000, s7;
	s10 =	sadd.s32 $0x8000, s7  }
0x13: {  	v0 =	vimm.f32 $0.0e+00;
	s11 =	sadd.s32 $0xC000, s7;
	s12 =	sadd.s32 $0x10000, s7;
	s24 =	sshrl.u32 s7, $0x3  }
.LBB2_1:
0x14: {  	[tilespmem:s4], [sflag:$0x2] =	stream.linear.gather [hbm4b:s5+s4], $0x2780, $0x38;
	[tilespmem:$0x1F780] =	vst v63  }
0x15: {  	_ =	swait.ge [sflag:s15], $0x2780  }
0x16: {  	[sflag:s15] =	ssyncset.done $0x0  }
0x17: {  	[sflag:s15] =	ssyncadd.s32 $0xFFFFD880  }
0x18: {  	[tilespmem:s16], [sflag:$0x2] =	stream.linear.gather [hbm4b:s6+s4], $0x2780, $0x38;
	[tilespmem:$0x1F780] =	vst v63  }
0x19: {  	_ =	swait.ge [sflag:s15], $0x2780  }
0x1a: {  	[sflag:s15] =	ssyncset.done $0x0  }
0x1b: {  	[sflag:s15] =	ssyncadd.s32 $0xFFFFD880  }
0x1c: {  	[tilespmem:s19], [sflag:$0x2] =	stream.strided.gather [hbm4b:s8+s17], $0x2780, s18, s17, $0x38;
	[tilespmem:$0x1F780] =	vst v63  }
0x1d: {  	_ =	swait.ge [sflag:s15], $0x2780  }
0x1e: {  	[sflag:s15] =	ssyncset.done $0x0  }
0x1f: {  	s26 =	simm.s32 $0x0;
	s28 =	simm.s32 $0x200;
	[sflag:s15] =	ssyncadd.s32 $0xFFFFD880  }
.LBB2_2:
0x20: {  	p0 =	sne.s32 s28, $0xFE00;
	[tilespmem:s26+$0x77F0] =	vst v0  }
0x21: {  	[tilespmem:s26+$0x7780] =	vst v0  }
0x22: {  	[tilespmem:s26+$0x7790] =	vst v0  }
.Ltmp0:
0x23: {  	[tilespmem:s26+$0x77A0] =	vst v0;
	(pc) =	sbr.rel @p0 .LBB2_2-.Ltmp0, $4  }
0x24: {  	[tilespmem:s26+$0x77B0] =	vst v0  }
0x25: {  	[tilespmem:s26+$0x77C0] =	vst v0  }
0x26: {  	[tilespmem:s26+$0x77D0] =	vst v0  }
0x27: {  	[tilespmem:s26+$0x77E0] =	vst v0;
	s26 =	sshra.s32 s28, $0x2;
	s28 =	sadd.s32 $0x200, s28  }
0x28: {  	[tilespmem:s26+$0x77F0] =	vst v0  }
0x29: {  	[tilespmem:s26+$0x7780] =	vst v0  }
0x2a: {  	[tilespmem:s26+$0x7790] =	vst v0  }
0x2b: {  	[tilespmem:s26+$0x77A0] =	vst v0  }
0x2c: {  	[tilespmem:s26+$0x77B0] =	vst v0  }
0x2d: {  	[tilespmem:s26+$0x77C0] =	vst v0  }
0x2e: {  	[tilespmem:s26+$0x77D0] =	vst v0  }
0x2f: {  	[tilespmem:s26+$0x77E0] =	vst v0  }
0x30: {  	[spmem:s7] =	stream.linear.scatter [tilespmem:s20], [sflag:$0x2], $0x4000, $0x38;
	[tilespmem:$0x1F780] =	vst v63  }
0x31: {  	_ =	swait.ge [sflag:s15], $0x4000  }
0x32: {  	[sflag:s15] =	ssyncset.done $0x0  }
0x33: {  	[sflag:s15] =	ssyncadd.s32 $0xFFFFC000  }
0x34: {  	[spmem:s9] =	stream.linear.scatter [tilespmem:s20], [sflag:$0x2], $0x4000, $0x38;
	[tilespmem:$0x1F780] =	vst v63  }
0x35: {  	_ =	swait.ge [sflag:s15], $0x4000  }
0x36: {  	[sflag:s15] =	ssyncset.done $0x0  }
0x37: {  	[sflag:s15] =	ssyncadd.s32 $0xFFFFC000  }
0x38: {  	[spmem:s10] =	stream.linear.scatter [tilespmem:s20], [sflag:$0x2], $0x4000, $0x38;
	[tilespmem:$0x1F780] =	vst v63  }
0x39: {  	_ =	swait.ge [sflag:s15], $0x4000  }
0x3a: {  	[sflag:s15] =	ssyncset.done $0x0  }
0x3b: {  	[sflag:s15] =	ssyncadd.s32 $0xFFFFC000  }
0x3c: {  	[spmem:s11] =	stream.linear.scatter [tilespmem:s20], [sflag:$0x2], $0x4000, $0x38;
	[tilespmem:$0x1F780] =	vst v63  }
0x3d: {  	_ =	swait.ge [sflag:s15], $0x4000  }
0x3e: {  	[sflag:s15] =	ssyncset.done $0x0  }
0x3f: {  	[sflag:s15] =	ssyncadd.s32 $0xFFFFC000  }
0x40: {  	[spmem:s12] =	stream.linear.scatter [tilespmem:s20], [sflag:$0x2], $0x4000, $0x38;
	[tilespmem:$0x1F780] =	vst v63  }
0x41: {  	_ =	swait.ge [sflag:s15], $0x4000  }
0x42: {  	[sflag:s15] =	ssyncset.done $0x0  }
0x43: {  	[sflag:s15] =	ssyncadd.s32 $0xFFFFC000  }
0x44: {  	s26 =	simm.s32 $0x0;
	[bflag:$0x0] =	sbarrier.arrive $0xFFFF  }
.LBB2_4:
0x45: {  	s28 =	sadd.s32 s13, s26  }
0x46: {  	s29 =	smulhi.u32 $0xCF6474A9, s28;
	_ =	sdelay $0x1  }
0x47: {  	s29 =	sshrl.u32 s29, $0x6  }
0x48: {  	s29 =	smul.u32 $0x4F, s29;
	_ =	sdelay $0x1  }
0x49: {  	s28 =	ssub.s32 s28, s29  }
0x4a: {  	s28 =	sshll.u32 s28, $0x7  }
0x4b: {  	[tilespmem:s20], [sflag:$0x1] =	stream.indirect.gather [hbm4b:s0+s17], $0x80, s28, s17, $0xb8;
	[tilespmem:$0x1F780] =	vst v63  }
0x4c: {  	s29 =	sadd.s32 $0x5000, s28  }
0x4d: {  	_ =	swait.ge [sflag:s21], $0x4000;
	v1 =	vmov s29  }
0x4e: {  	[sflag:s21] =	ssyncset.done $0x0  }
0x4f: {  	s29 =	simm.s32 $0x0;
	[sflag:s21] =	ssyncadd.s32 $0xFFFFC000  }
.LBB2_5:
0x50: {  	s30 =	sshll.u32 s29, $0x4  }
0x51: {  	s30 =	sand.u32 $0x3FFFFFF0, s30  }
0x52: {  	s31 =	sshll.u32 s29, $0xB;
	v2 =	vld.idx.msk [tilespmem:v1+s30+$0x0 ss:$0x1], $0xffff  }
0x53: {  	s30 =	sand.u32 $0x3FFFF800, s31  }
0x54: {  	v3 =	vld [tilespmem:s30+$0x7780]  }
0x55: {  	v4 =	vld [tilespmem:s30+$0x7790]  }
0x56: {  	v5 =	vld [tilespmem:s30+$0x77A0]  }
0x57: {  	v7 =	vld [tilespmem:s30+$0x77B0];
	v6 =	vbroadcast v2, $0x0  }
0x58: {  	v8 =	vld [tilespmem:s30+$0x77C0]  }
0x59: {  	v9 =	vld [tilespmem:s30+$0x77D0];
	v3 =	vmul.f32 v6, v3  }
0x5a: {  	v10 =	vld [tilespmem:s30+$0x77E0];
	v4 =	vmul.f32 v4, v6  }
0x5b: {  	v24 =	vld [tilespmem:s30+$0x77F0];
	[tilespmem:s30+$0x7780] =	vst v3;
	v3 =	vmul.f32 v5, v6  }
0x5c: {  	v26 =	vld [tilespmem:s30+$0x7800];
	v25 =	vmul.f32 v7, v6;
	[tilespmem:s30+$0x7790] =	vst v4  }
0x5d: {  	v27 =	vld [tilespmem:s30+$0x7810];
	[tilespmem:s30+$0x77A0] =	vst v3;
	v3 =	vmul.f32 v8, v6  }
0x5e: {  	v29 =	vld [tilespmem:s30+$0x7820];
	v28 =	vmul.f32 v9, v6;
	[tilespmem:s30+$0x77B0] =	vst v25  }
0x5f: {  	v11 =	vld [tilespmem:s30+$0x7830];
	v30 =	vbroadcast v2, $0x1;
	[tilespmem:s30+$0x77C0] =	vst v3;
	v3 =	vmul.f32 v10, v6  }
0x60: {  	v32 =	vld [tilespmem:s30+$0x7840];
	v31 =	vmul.f32 v24, v6;
	[tilespmem:s30+$0x77D0] =	vst v28  }
0x61: {  	v33 =	vld [tilespmem:s30+$0x7850];
	[tilespmem:s30+$0x77E0] =	vst v3;
	v3 =	vmul.f32 v26, v30  }
0x62: {  	v35 =	vld [tilespmem:s30+$0x7860];
	v34 =	vmul.f32 v27, v30;
	[tilespmem:s30+$0x77F0] =	vst v31  }
0x63: {  	v36 =	vld [tilespmem:s30+$0x7870];
	[tilespmem:s30+$0x7800] =	vst v3;
	v3 =	vmul.f32 v29, v30  }
0x64: {  	v38 =	vld [tilespmem:s30+$0x7880];
	v37 =	vmul.f32 v11, v30;
	[tilespmem:s30+$0x7810] =	vst v34  }
0x65: {  	v39 =	vld [tilespmem:s30+$0x7890];
	[tilespmem:s30+$0x7820] =	vst v3;
	v3 =	vmul.f32 v32, v30  }
0x66: {  	v41 =	vld [tilespmem:s30+$0x78A0];
	v40 =	vmul.f32 v33, v30;
	[tilespmem:s30+$0x7830] =	vst v37  }
0x67: {  	v43 =	vld [tilespmem:s30+$0x78B0];
	v42 =	vbroadcast v2, $0x2;
	[tilespmem:s30+$0x7840] =	vst v3;
	v3 =	vmul.f32 v35, v30  }
0x68: {  	v45 =	vld [tilespmem:s30+$0x78C0];
	v44 =	vmul.f32 v36, v30;
	[tilespmem:s30+$0x7850] =	vst v40  }
0x69: {  	v46 =	vld [tilespmem:s30+$0x78D0];
	[tilespmem:s30+$0x7860] =	vst v3;
	v3 =	vmul.f32 v38, v42  }
0x6a: {  	v48 =	vld [tilespmem:s30+$0x78E0];
	v47 =	vmul.f32 v39, v42;
	[tilespmem:s30+$0x7870] =	vst v44  }
0x6b: {  	v49 =	vld [tilespmem:s30+$0x78F0];
	[tilespmem:s30+$0x7880] =	vst v3;
	v3 =	vmul.f32 v41, v42  }
0x6c: {  	v51 =	vld [tilespmem:s30+$0x7900];
	v50 =	vmul.f32 v43, v42;
	[tilespmem:s30+$0x7890] =	vst v47  }
0x6d: {  	v52 =	vld [tilespmem:s30+$0x7910];
	[tilespmem:s30+$0x78A0] =	vst v3;
	v3 =	vmul.f32 v45, v42  }
0x6e: {  	v54 =	vld [tilespmem:s30+$0x7920];
	v53 =	vmul.f32 v46, v42;
	[tilespmem:s30+$0x78B0] =	vst v50  }
0x6f: {  	v56 =	vld [tilespmem:s30+$0x7930];
	v55 =	vbroadcast v2, $0x3;
	[tilespmem:s30+$0x78C0] =	vst v3;
	v3 =	vmul.f32 v48, v42  }
0x70: {  	v58 =	vld [tilespmem:s30+$0x7940];
	v57 =	vmul.f32 v49, v42;
	[tilespmem:s30+$0x78D0] =	vst v53  }
0x71: {  	v59 =	vld [tilespmem:s30+$0x7950];
	[tilespmem:s30+$0x78E0] =	vst v3;
	v3 =	vmul.f32 v51, v55  }
0x72: {  	v61 =	vld [tilespmem:s30+$0x7960];
	v60 =	vmul.f32 v52, v55;
	[tilespmem:s30+$0x78F0] =	vst v57  }
0x73: {  	v62 =	vld [tilespmem:s30+$0x7970];
	[tilespmem:s30+$0x7900] =	vst v3;
	v3 =	vmul.f32 v54, v55  }
0x74: {  	v12 =	vld [tilespmem:s30+$0x7980];
	v63 =	vmul.f32 v56, v55;
	[tilespmem:s30+$0x7910] =	vst v60  }
0x75: {  	v13 =	vld [tilespmem:s30+$0x7990];
	[tilespmem:s30+$0x7920] =	vst v3;
	v3 =	vmul.f32 v58, v55  }
0x76: {  	v15 =	vld [tilespmem:s30+$0x79A0];
	v14 =	vmul.f32 v59, v55;
	[tilespmem:s30+$0x7930] =	vst v63  }
0x77: {  	v17 =	vld [tilespmem:s30+$0x79B0];
	v16 =	vbroadcast v2, $0x4;
	[tilespmem:s30+$0x7940] =	vst v3;
	v3 =	vmul.f32 v61, v55  }
0x78: {  	v19 =	vld [tilespmem:s30+$0x79C0];
	v18 =	vmul.f32 v62, v55;
	[tilespmem:s30+$0x7950] =	vst v14  }
0x79: {  	v20 =	vld [tilespmem:s30+$0x79D0];
	[tilespmem:s30+$0x7960] =	vst v3;
	v3 =	vmul.f32 v12, v16  }
0x7a: {  	v22 =	vld [tilespmem:s30+$0x79E0];
	v21 =	vmul.f32 v13, v16;
	[tilespmem:s30+$0x7970] =	vst v18  }
0x7b: {  	v23 =	vld [tilespmem:s30+$0x79F0];
	[tilespmem:s30+$0x7980] =	vst v3;
	v3 =	vmul.f32 v15, v16  }
0x7c: {  	v24 =	vmul.f32 v17, v16;
	[tilespmem:s30+$0x7990] =	vst v21;
	v25 =	vld [tilespmem:s30+$0x7A00]  }
0x7d: {  	v33 =	vld [tilespmem:s30+$0x7A50];
	[tilespmem:s30+$0x79A0] =	vst v3;
	v3 =	vmul.f32 v19, v16  }
0x7e: {  	v27 =	vmul.f32 v20, v16;
	[tilespmem:s30+$0x79B0] =	vst v24;
	v28 =	vld [tilespmem:s30+$0x7A20]  }
0x7f: {  	v36 =	vld [tilespmem:s30+$0x7A70];
	v29 =	vbroadcast v2, $0x5;
	[tilespmem:s30+$0x79C0] =	vst v3;
	v3 =	vmul.f32 v22, v16  }
0x80: {  	[tilespmem:s30+$0x79D0] =	vst v27;
	v31 =	vmul.f32 v23, v16;
	v32 =	vld [tilespmem:s30+$0x7A40]  }
0x81: {  	v26 =	vld [tilespmem:s30+$0x7A10];
	[tilespmem:s30+$0x79E0] =	vst v3;
	v3 =	vmul.f32 v25, v29  }
0x82: {  	[tilespmem:s30+$0x79F0] =	vst v31;
	v40 =	vmul.f32 v33, v29;
	v35 =	vld [tilespmem:s30+$0x7A60]  }
0x83: {  	v30 =	vld [tilespmem:s30+$0x7A30];
	[tilespmem:s30+$0x7A00] =	vst v3;
	v3 =	vmul.f32 v28, v29  }
0x84: {  	v44 =	vmul.f32 v36, v29;
	[tilespmem:s30+$0x7A50] =	vst v40;
	v38 =	vld [tilespmem:s30+$0x7A80]  }
0x85: {  	v39 =	vld [tilespmem:s30+$0x7A90];
	[tilespmem:s30+$0x7A20] =	vst v3;
	v3 =	vmul.f32 v32, v29  }
0x86: {  	v34 =	vmul.f32 v26, v29;
	[tilespmem:s30+$0x7A70] =	vst v44;
	v41 =	vld [tilespmem:s30+$0x7AA0]  }
0x87: {  	v43 =	vld [tilespmem:s30+$0x7AB0];
	v42 =	vbroadcast v2, $0x6;
	[tilespmem:s30+$0x7A40] =	vst v3;
	v3 =	vmul.f32 v35, v29  }
0x88: {  	[tilespmem:s30+$0x7A10] =	vst v34;
	v37 =	vmul.f32 v30, v29;
	v45 =	vld [tilespmem:s30+$0x7AC0]  }
0x89: {  	v46 =	vld [tilespmem:s30+$0x7AD0];
	[tilespmem:s30+$0x7A60] =	vst v3;
	v3 =	vmul.f32 v38, v42  }
0x8a: {  	[tilespmem:s30+$0x7A30] =	vst v37;
	v48 =	vld [tilespmem:s30+$0x7AE0];
	v47 =	vmul.f32 v39, v42  }
0x8b: {  	v49 =	vld [tilespmem:s30+$0x7AF0];
	[tilespmem:s30+$0x7A80] =	vst v3;
	v3 =	vmul.f32 v41, v42  }
0x8c: {  	v50 =	vmul.f32 v43, v42;
	v51 =	vld [tilespmem:s30+$0x7B00];
	[tilespmem:s30+$0x7A90] =	vst v47  }
0x8d: {  	v52 =	vld [tilespmem:s30+$0x7B10];
	[tilespmem:s30+$0x7AA0] =	vst v3;
	v3 =	vmul.f32 v45, v42  }
0x8e: {  	v53 =	vmul.f32 v46, v42;
	[tilespmem:s30+$0x7AB0] =	vst v50;
	v54 =	vld [tilespmem:s30+$0x7B20]  }
0x8f: {  	v56 =	vld [tilespmem:s30+$0x7B30];
	v55 =	vbroadcast v2, $0x7;
	[tilespmem:s30+$0x7AC0] =	vst v3;
	v3 =	vmul.f32 v48, v42  }
0x90: {  	v57 =	vmul.f32 v49, v42;
	[tilespmem:s30+$0x7AD0] =	vst v53;
	v58 =	vld [tilespmem:s30+$0x7B40]  }
0x91: {  	v59 =	vld [tilespmem:s30+$0x7B50];
	[tilespmem:s30+$0x7AE0] =	vst v3;
	v3 =	vmul.f32 v51, v55  }
0x92: {  	[tilespmem:s30+$0x7AF0] =	vst v57;
	v61 =	vld [tilespmem:s30+$0x7B60];
	v60 =	vmul.f32 v52, v55  }
0x93: {  	v62 =	vld [tilespmem:s30+$0x7B70];
	[tilespmem:s30+$0x7B00] =	vst v3;
	v3 =	vmul.f32 v54, v55  }
0x94: {  	v63 =	vmul.f32 v56, v55;
	v12 =	vld [tilespmem:s30+$0x7B80];
	[tilespmem:s30+$0x7B10] =	vst v60  }
0x95: {  	v13 =	vld [tilespmem:s30+$0x7B90];
	[tilespmem:s30+$0x7B20] =	vst v3;
	v3 =	vmul.f32 v58, v55  }
0x96: {  	v14 =	vmul.f32 v59, v55;
	[tilespmem:s30+$0x7B30] =	vst v63;
	v15 =	vld [tilespmem:s30+$0x7BA0]  }
0x97: {  	v17 =	vld [tilespmem:s30+$0x7BB0];
	v16 =	vbroadcast v2, $0x8;
	[tilespmem:s30+$0x7B40] =	vst v3;
	v3 =	vmul.f32 v61, v55  }
0x98: {  	v18 =	vmul.f32 v62, v55;
	[tilespmem:s30+$0x7B50] =	vst v14;
	v19 =	vld [tilespmem:s30+$0x7BC0]  }
0x99: {  	v20 =	vld [tilespmem:s30+$0x7BD0];
	[tilespmem:s30+$0x7B60] =	vst v3;
	v3 =	vmul.f32 v12, v16  }
0x9a: {  	[tilespmem:s30+$0x7B70] =	vst v18;
	v22 =	vld [tilespmem:s30+$0x7BE0];
	v21 =	vmul.f32 v13, v16  }
0x9b: {  	v23 =	vld [tilespmem:s30+$0x7BF0];
	[tilespmem:s30+$0x7B80] =	vst v3;
	v3 =	vmul.f32 v15, v16  }
0x9c: {  	v24 =	vmul.f32 v17, v16;
	v25 =	vld [tilespmem:s30+$0x7C00];
	[tilespmem:s30+$0x7B90] =	vst v21  }
0x9d: {  	v26 =	vld [tilespmem:s30+$0x7C10];
	[tilespmem:s30+$0x7BA0] =	vst v3;
	v3 =	vmul.f32 v19, v16  }
0x9e: {  	v27 =	vmul.f32 v20, v16;
	[tilespmem:s30+$0x7BB0] =	vst v24;
	v28 =	vld [tilespmem:s30+$0x7C20]  }
0x9f: {  	v30 =	vld [tilespmem:s30+$0x7C30];
	v29 =	vbroadcast v2, $0x9;
	[tilespmem:s30+$0x7BC0] =	vst v3;
	v3 =	vmul.f32 v22, v16  }
0xa0: {  	v31 =	vmul.f32 v23, v16;
	[tilespmem:s30+$0x7BD0] =	vst v27;
	v32 =	vld [tilespmem:s30+$0x7C40]  }
0xa1: {  	v33 =	vld [tilespmem:s30+$0x7C50];
	[tilespmem:s30+$0x7BE0] =	vst v3;
	v3 =	vmul.f32 v25, v29  }
0xa2: {  	[tilespmem:s30+$0x7BF0] =	vst v31;
	v35 =	vld [tilespmem:s30+$0x7C60];
	v34 =	vmul.f32 v26, v29  }
0xa3: {  	v36 =	vld [tilespmem:s30+$0x7C70];
	[tilespmem:s30+$0x7C00] =	vst v3;
	v3 =	vmul.f32 v28, v29  }
0xa4: {  	v37 =	vmul.f32 v30, v29;
	v38 =	vld [tilespmem:s30+$0x7C80];
	[tilespmem:s30+$0x7C10] =	vst v34  }
0xa5: {  	v39 =	vld [tilespmem:s30+$0x7C90];
	[tilespmem:s30+$0x7C20] =	vst v3;
	v3 =	vmul.f32 v32, v29  }
0xa6: {  	v40 =	vmul.f32 v33, v29;
	[tilespmem:s30+$0x7C30] =	vst v37;
	v41 =	vld [tilespmem:s30+$0x7CA0]  }
0xa7: {  	v43 =	vld [tilespmem:s30+$0x7CB0];
	v42 =	vbroadcast v2, $0xA;
	[tilespmem:s30+$0x7C40] =	vst v3;
	v3 =	vmul.f32 v35, v29  }
0xa8: {  	v44 =	vmul.f32 v36, v29;
	[tilespmem:s30+$0x7C50] =	vst v40;
	v45 =	vld [tilespmem:s30+$0x7CC0]  }
0xa9: {  	v46 =	vld [tilespmem:s30+$0x7CD0];
	[tilespmem:s30+$0x7C60] =	vst v3;
	v3 =	vmul.f32 v38, v42  }
0xaa: {  	[tilespmem:s30+$0x7C70] =	vst v44;
	v48 =	vld [tilespmem:s30+$0x7CE0];
	v47 =	vmul.f32 v39, v42  }
0xab: {  	v49 =	vld [tilespmem:s30+$0x7CF0];
	[tilespmem:s30+$0x7C80] =	vst v3;
	v3 =	vmul.f32 v41, v42  }
0xac: {  	v50 =	vmul.f32 v43, v42;
	v51 =	vld [tilespmem:s30+$0x7D00];
	[tilespmem:s30+$0x7C90] =	vst v47  }
0xad: {  	v52 =	vld [tilespmem:s30+$0x7D10];
	[tilespmem:s30+$0x7CA0] =	vst v3;
	v3 =	vmul.f32 v45, v42  }
0xae: {  	v53 =	vmul.f32 v46, v42;
	[tilespmem:s30+$0x7CB0] =	vst v50;
	v54 =	vld [tilespmem:s30+$0x7D20]  }
0xaf: {  	v56 =	vld [tilespmem:s30+$0x7D30];
	v55 =	vbroadcast v2, $0xB;
	[tilespmem:s30+$0x7CC0] =	vst v3;
	v3 =	vmul.f32 v48, v42  }
0xb0: {  	v57 =	vmul.f32 v49, v42;
	[tilespmem:s30+$0x7CD0] =	vst v53;
	v58 =	vld [tilespmem:s30+$0x7D40]  }
0xb1: {  	v59 =	vld [tilespmem:s30+$0x7D50];
	[tilespmem:s30+$0x7CE0] =	vst v3;
	v3 =	vmul.f32 v51, v55  }
0xb2: {  	[tilespmem:s30+$0x7CF0] =	vst v57;
	v61 =	vld [tilespmem:s30+$0x7D60];
	v60 =	vmul.f32 v52, v55  }
0xb3: {  	v62 =	vld [tilespmem:s30+$0x7D70];
	[tilespmem:s30+$0x7D00] =	vst v3;
	v3 =	vmul.f32 v54, v55  }
0xb4: {  	v63 =	vmul.f32 v56, v55;
	v12 =	vld [tilespmem:s30+$0x7D80];
	[tilespmem:s30+$0x7D10] =	vst v60  }
0xb5: {  	v13 =	vld [tilespmem:s30+$0x7D90];
	[tilespmem:s30+$0x7D20] =	vst v3;
	v3 =	vmul.f32 v58, v55  }
0xb6: {  	v14 =	vmul.f32 v59, v55;
	[tilespmem:s30+$0x7D30] =	vst v63;
	v15 =	vld [tilespmem:s30+$0x7DA0]  }
0xb7: {  	v17 =	vld [tilespmem:s30+$0x7DB0];
	v16 =	vbroadcast v2, $0xC;
	[tilespmem:s30+$0x7D40] =	vst v3;
	v3 =	vmul.f32 v61, v55  }
0xb8: {  	v18 =	vmul.f32 v62, v55;
	[tilespmem:s30+$0x7D50] =	vst v14;
	v19 =	vld [tilespmem:s30+$0x7DC0]  }
0xb9: {  	v20 =	vld [tilespmem:s30+$0x7DD0];
	[tilespmem:s30+$0x7D60] =	vst v3;
	v3 =	vmul.f32 v12, v16  }
0xba: {  	[tilespmem:s30+$0x7D70] =	vst v18;
	v22 =	vld [tilespmem:s30+$0x7DE0];
	v21 =	vmul.f32 v13, v16  }
0xbb: {  	v23 =	vld [tilespmem:s30+$0x7DF0];
	[tilespmem:s30+$0x7D80] =	vst v3;
	v3 =	vmul.f32 v15, v16  }
0xbc: {  	v24 =	vmul.f32 v17, v16;
	v25 =	vld [tilespmem:s30+$0x7E00];
	[tilespmem:s30+$0x7D90] =	vst v21  }
0xbd: {  	v26 =	vld [tilespmem:s30+$0x7E10];
	[tilespmem:s30+$0x7DA0] =	vst v3;
	v3 =	vmul.f32 v19, v16  }
0xbe: {  	v27 =	vmul.f32 v20, v16;
	[tilespmem:s30+$0x7DB0] =	vst v24;
	v28 =	vld [tilespmem:s30+$0x7E20]  }
0xbf: {  	v30 =	vld [tilespmem:s30+$0x7E30];
	v29 =	vbroadcast v2, $0xD;
	[tilespmem:s30+$0x7DC0] =	vst v3;
	v3 =	vmul.f32 v22, v16  }
0xc0: {  	v31 =	vmul.f32 v23, v16;
	[tilespmem:s30+$0x7DD0] =	vst v27;
	v32 =	vld [tilespmem:s30+$0x7E40]  }
0xc1: {  	v33 =	vld [tilespmem:s30+$0x7E50];
	[tilespmem:s30+$0x7DE0] =	vst v3;
	v3 =	vmul.f32 v25, v29  }
0xc2: {  	[tilespmem:s30+$0x7DF0] =	vst v31;
	v35 =	vld [tilespmem:s30+$0x7E60];
	v34 =	vmul.f32 v26, v29  }
0xc3: {  	v36 =	vld [tilespmem:s30+$0x7E70];
	[tilespmem:s30+$0x7E00] =	vst v3;
	v3 =	vmul.f32 v28, v29  }
0xc4: {  	v37 =	vmul.f32 v30, v29;
	v38 =	vld [tilespmem:s30+$0x7E80];
	[tilespmem:s30+$0x7E10] =	vst v34  }
0xc5: {  	v39 =	vld [tilespmem:s30+$0x7E90];
	[tilespmem:s30+$0x7E20] =	vst v3;
	v3 =	vmul.f32 v32, v29  }
0xc6: {  	v40 =	vmul.f32 v33, v29;
	[tilespmem:s30+$0x7E30] =	vst v37;
	v41 =	vld [tilespmem:s30+$0x7EA0]  }
0xc7: {  	v43 =	vld [tilespmem:s30+$0x7EB0];
	v42 =	vbroadcast v2, $0xE;
	[tilespmem:s30+$0x7E40] =	vst v3;
	v3 =	vmul.f32 v35, v29  }
0xc8: {  	v44 =	vmul.f32 v36, v29;
	[tilespmem:s30+$0x7E50] =	vst v40;
	v45 =	vld [tilespmem:s30+$0x7EC0]  }
0xc9: {  	v46 =	vld [tilespmem:s30+$0x7ED0];
	[tilespmem:s30+$0x7E60] =	vst v3;
	v3 =	vmul.f32 v38, v42  }
0xca: {  	[tilespmem:s30+$0x7E70] =	vst v44;
	v48 =	vld [tilespmem:s30+$0x7EE0];
	v47 =	vmul.f32 v39, v42  }
0xcb: {  	v49 =	vld [tilespmem:s30+$0x7EF0];
	[tilespmem:s30+$0x7E80] =	vst v3;
	v3 =	vmul.f32 v41, v42  }
0xcc: {  	v50 =	vmul.f32 v43, v42;
	v51 =	vld [tilespmem:s30+$0x7F00];
	[tilespmem:s30+$0x7E90] =	vst v47  }
0xcd: {  	v52 =	vld [tilespmem:s30+$0x7F10];
	[tilespmem:s30+$0x7EA0] =	vst v3;
	v3 =	vmul.f32 v45, v42  }
0xce: {  	v53 =	vmul.f32 v46, v42;
	[tilespmem:s30+$0x7EB0] =	vst v50;
	v54 =	vld [tilespmem:s30+$0x7F20]  }
0xcf: {  	v2 =	vbroadcast v2, $0xF;
	v58 =	vld [tilespmem:s30+$0x7F50];
	[tilespmem:s30+$0x7EC0] =	vst v3;
	v3 =	vmul.f32 v48, v42  }
0xd0: {  	v57 =	vld [tilespmem:s30+$0x7F40];
	v56 =	vmul.f32 v49, v42;
	[tilespmem:s30+$0x7ED0] =	vst v53  }
0xd1: {  	v55 =	vld [tilespmem:s30+$0x7F30];
	[tilespmem:s30+$0x7EE0] =	vst v3;
	v3 =	vmul.f32 v51, v2  }
0xd2: {  	v60 =	vld [tilespmem:s30+$0x7F60];
	v59 =	vmul.f32 v52, v2;
	[tilespmem:s30+$0x7EF0] =	vst v56  }
0xd3: {  	v61 =	vld [tilespmem:s30+$0x7F70];
	[tilespmem:s30+$0x7F00] =	vst v3;
	v3 =	vmul.f32 v54, v2  }
0xd4: {  	[tilespmem:s30+$0x7F10] =	vst v59;
	v63 =	vmul.f32 v58, v2  }
0xd5: {  	p0 =	sne.s32 s29, $0x7;
	[tilespmem:s30+$0x7F20] =	vst v3;
	v3 =	vmul.f32 v57, v2  }
.Ltmp1:
0xd6: {  	v62 =	vmul.f32 v55, v2;
	[tilespmem:s30+$0x7F50] =	vst v63;
	(pc) =	sbr.rel @p0 .LBB2_5-.Ltmp1, $4  }
0xd7: {  	[tilespmem:s30+$0x7F40] =	vst v3;
	v3 =	vmul.f32 v60, v2  }
0xd8: {  	[tilespmem:s30+$0x7F30] =	vst v62;
	v2 =	vmul.f32 v61, v2  }
0xd9: {  	[tilespmem:s30+$0x7F60] =	vst v3  }
0xda: {  	s29 =	sadd.s32 $0x1, s29;
	[tilespmem:s30+$0x7F70] =	vst v2  }
0xdb: {  	s26 =	sadd.s32 $0x1, s26  }
0xdc: {  	p0 =	sne.s32 s26, $0x4F  }
.Ltmp2:
0xdd: {  	s28 =	sadd.s32 $0x2800, s28;
	(pc) =	sbr.rel @p0 .LBB2_4-.Ltmp2, $4  }
0xde: {  	[spmem:s3] =	stream.indirect.scatter.add.f32 [tilespmem:s20], [sflag:$0x2], $0x80, s28, s17, $0xb8;
	[tilespmem:$0x1F780] =	vst v63  }
0xdf: {  	_ =	swait.ge [sflag:s15], $0x4000  }
0xe0: {  	[sflag:s15] =	ssyncset.done $0x0  }
0xe1: {  	[sflag:s15] =	ssyncadd.s32 $0xFFFFC000  }
0xe2: {  	s25 =	sadd.s32 $0x1, s25  }
0xe3: {  	p0 =	sne.s32 s25, s14  }
.Ltmp3:
0xe4: {  	[bflag:$0x0] =	sbarrier.arrive $0xFFFF;
	(pc) =	sbr.rel @p0 .LBB2_1-.Ltmp3, $4  }
0xe5: {  	[hbm:s22], [sflag:s23] =	dma.local [spmem:s24], $0x2800  }
0xe6: {  	_ =	swait.ge [sflag:s15], $0x2800  }
0xe7: {  	[sflag:s15] =	ssyncset.done $0x0  }
0xe8: {  	[sflag:s15] =	ssyncadd.s32 $0xFFFFD800  }
0xe9: {  	_ =	sfence.sel $0x180000  }
0xea: {  	[bflag:$0x0] =	sbarrier.arrive $0xFFFF  }
0xeb: {  	p0 =	sne.s32 s2, $0x0;
	_ =	strace $0x9000004A  }
0xec: {  	s0 =	sadd.s32 @!p0 $0x100000, s1;
	[bflag:$0x2] =	sbarrier.arrive $0xFFFF  }
0xed: {  	[sflag:s0] =	ssyncadd.tile.s32 @!p0 $0x1;
	_ =	shalt  }
.Lfunc_end2:
_tile_overlayer_lowered:
.L_overlay_start_2:
0xee: {  	(tag) =	ssettag $0x2  }
0xef: {  	s0 =	rddreg [dreg:$0x0];
	s2 =	stileid.u32  }
0xf0: {  	s1 =	rddreg [dreg:$0x1];
	p0 =	sne.s32 s2, $0x0  }
0xf1: {  	s3 =	rddreg [dreg:$0x2];
	[bflag:$0x3] =	sbarrier.arrive $0xFFFF;
	s2 =	simm.s32 @!p0 $0x1C02  }
0xf2: {  	[timem:s3], [sflag:s2] =	dma.local @!p0 [hbm:s0], s1  }
0xf3: {  	s0 =	simm.s32 @!p0 $0x2  }
0xf4: {  	_ =	swait.ge @!p0 [sflag:s0], s1  }
0xf5: {  	s1 =	ssub.s32 @!p0 $0x0, s1;
	[sflag:s0] =	ssyncset.done @!p0 $0x0  }
0xf6: {  	[sflag:s0] =	ssyncadd.s32 @!p0 s1  }
0xf7: {  	[bflag:$0x3] =	sbarrier.arrive $0xFFFF  }
0xf8: {  	_ =	shalt  }

</sc_bundles>
